<compile_context>
chip_gen: v7x
topology: tpu7x:2x2x1
jax: 0.10.2.dev20260603
libtpu: 0.0.44.dev20260713+nightly
codegen_flags: <defaults>
</compile_context>

<pallas_src>
import functools

import jax
import jax.numpy as jnp
from jax import lax
from jax.experimental import pallas as pl
from jax.experimental.pallas import tpu as pltpu
from jax.experimental.pallas import tpu_sc as plsc

OUT_SZ = 256
IN_SZ = 1024
HALF = OUT_SZ // 2
BATCH = 32
N_TOTAL = BATCH * IN_SZ * IN_SZ
NBLK = N_TOTAL // 128
CHUNK = 64
NCHUNK = OUT_SZ // CHUNK
GROWS = 3 * CHUNK
NLANE = 16
NGRP = CHUNK // NLANE


def _sc_crop_gather(table, s0_arr):
    mesh = plsc.VectorSubcoreMesh(core_axis_name="c", subcore_axis_name="s")

    @functools.partial(
        pl.kernel,
        out_type=jax.ShapeDtypeStruct((BATCH * OUT_SZ, OUT_SZ), jnp.float32),
        mesh=mesh,
        compiler_params=pltpu.CompilerParams(
            use_tc_tiling_on_sc=True, needs_layout_passes=False),
        scratch_types=[
            pltpu.VMEM((NLANE,), jnp.int32),
            pltpu.VMEM((NCHUNK * GROWS,), jnp.int32),
            pltpu.VMEM((3, GROWS, 128), jnp.float32),
            pltpu.VMEM((2, CHUNK, OUT_SZ), jnp.float32),
            pltpu.SemaphoreType.DMA,
            pltpu.SemaphoreType.DMA,
            pltpu.SemaphoreType.DMA,
            pltpu.SemaphoreType.DMA,
            pltpu.SemaphoreType.DMA,
        ],
    )
    def k(table_hbm, s0_hbm, out_hbm,
          s0_v, idx_v, rows_v, outb_v, gsem0, gsem1, gsem2, osem0, osem1):
        w = lax.axis_index("s") * 2 + lax.axis_index("c")
        pltpu.sync_copy(s0_hbm.at[w], s0_v)
        lanes = lax.iota(jnp.int32, NLANE)
        s0 = s0_v[...]
        k0 = s0 >> 7
        base16 = (s0 & 127) + lanes

        def build_idx(cc):
            for i in range(3):
                for g in range(NGRP):
                    u = cc * CHUNK + g * NLANE
                    j = k0 + (8 * u + i) + lanes * 8
                    j = jnp.where(j >= NBLK, j - NBLK, j)
                    m = ((j >> 6) << 6) + ((j & 7) << 3) + ((j >> 3) & 7)
                    idx_v[pl.ds(cc * GROWS + i * CHUNK + g * NLANE, NLANE)] = m

        zero16 = jnp.zeros((NLANE,), jnp.int32)
        cbrel = [(base16 + kk * NLANE) >> 7 for kk in range(OUT_SZ // NLANE)]
        colw = [(base16 + kk * NLANE) & 127 for kk in range(OUT_SZ // NLANE)]
        qk = [(cbrel[kk] << 13) + colw[kk] for kk in range(OUT_SZ // NLANE)]
        gsems = (gsem0, gsem1, gsem2)
        osems = (osem0, osem1)

        def start_gather(cc):
            buf = rows_v.at[cc % 3]
            sem = gsems[cc % 3]
            return [
                pltpu.async_copy(
                    table_hbm.at[idx_v.at[pl.ds(cc * GROWS + i * CHUNK, CHUNK)]],
                    buf.at[pl.ds(i * CHUNK, CHUNK)], sem)
                for i in range(3)
            ]

        build_idx(0)
        gathers = {0: start_gather(0)}
        build_idx(1)
        gathers[1] = start_gather(1)
        outs = {}
        for cc in range(NCHUNK):
            if cc + 2 < NCHUNK:
                build_idx(cc + 2)
                gathers[cc + 2] = start_gather(cc + 2)
            for h in gathers.pop(cc):
                h.wait()
            if cc >= 2:
                outs.pop(cc - 2).wait()
            rbuf = rows_v.at[cc % 3]
            obuf = outb_v.at[cc % 2]

            def realign(u, _):
                u128 = u * 128
                vals = [
                    plsc.load_gather(rbuf, [zero16, qk[kk] + u128])
                    for kk in range(OUT_SZ // NLANE)
                ]
                for kk, v in enumerate(vals):
                    obuf[u, pl.ds(kk * NLANE, NLANE)] = v
                return 0

            lax.fori_loop(0, CHUNK, realign, 0)
            outs[cc] = pltpu.async_copy(
                obuf, out_hbm.at[pl.ds(w * OUT_SZ + cc * CHUNK, CHUNK)],
                osems[cc % 2])
        outs.pop(NCHUNK - 2).wait()
        outs.pop(NCHUNK - 1).wait()

    return k(table, s0_arr)


def kernel(inp_patch, label_loc):
    nbatch, nch, nr, nc = inp_patch.shape
    table = inp_patch.reshape(4096, 8, 8, 128)
    table = table.transpose(0, 2, 1, 3).reshape(NBLK, 128)

    frame_start = label_loc.astype(jnp.int32) - HALF
    b = jnp.arange(BATCH, dtype=jnp.int32)
    s0 = b * (IN_SZ * IN_SZ) + frame_start[:, 1] * IN_SZ + frame_start[:, 0]
    s0 = jnp.mod(s0, N_TOTAL).astype(jnp.int32)
    s0_arr = jnp.broadcast_to(s0[:, None], (BATCH, NLANE))

    out = _sc_crop_gather(table, s0_arr)
    out_patch = out.reshape(nbatch, nch, OUT_SZ, OUT_SZ)

    new_label = (label_loc - frame_start.astype(jnp.float32)) / OUT_SZ
    return out_patch, new_label.astype(jnp.float32)

# --- scband reference (transcript-rebuilt; emitter-appended) ---
"""Pipeline reference for scband-data-preproccessing-block-15779709845810 (READ-ONLY COPY).

The authoritative reference and input builder live on the scoring server;
editing this copy changes nothing except your own understanding.
"""

import jax, jax.numpy as jnp
import numpy as np

OUT_SZ = 256
IN_SZ = 1024
HALF = OUT_SZ // 2
BATCH = 32


def _sliced_indices():
    yi = jnp.arange(OUT_SZ, dtype=jnp.int32)
    xi = jnp.arange(OUT_SZ, dtype=jnp.int32)
    return (yi[:, None] * IN_SZ + xi[None, :]).reshape(1, OUT_SZ * OUT_SZ)


def setup_inputs(seed: int = 0):
    key = jax.random.key(seed)
    k1, k2 = jax.random.split(key)
    inp_patch = jax.random.normal(k1, (BATCH, 1, IN_SZ, IN_SZ), dtype=jnp.float32)
    # label_loc in [0, 896) keeps the crop window inside the flat buffer on the high side
    label_loc = jax.random.randint(k2, (BATCH, 2), 0, 896).astype(jnp.float32)
    return {"inp_patch": inp_patch, "label_loc": label_loc}


def reference(inp_patch, label_loc):
    nbatch, nch, nr, nc = inp_patch.shape
    sliced = _sliced_indices()
    # max_random_shift = 0 -> torch.randint(-0, 1, ...) is all zeros (deterministic)
    rnd_shift = jnp.zeros((nbatch, 2), dtype=jnp.float32)
    rnd_shift = rnd_shift + label_loc
    frame_start = rnd_shift.astype(jnp.int32) - HALF
    batch_index_offset = jnp.arange(0, nbatch * IN_SZ * IN_SZ, IN_SZ * IN_SZ, dtype=jnp.int32).reshape(nbatch, 1)
    frame_index_offset = (frame_start[:, 0] + IN_SZ * frame_start[:, 1]).reshape(nbatch, 1)
    frame_index_offset = frame_index_offset + batch_index_offset
    indices = (frame_index_offset + sliced).reshape(-1)
    flat = inp_patch.reshape(-1)
    n_total = flat.shape[0]
    # torch flat[negative] wraps from the end for idx in [-N, N); replicate exactly
    idx = jnp.where(indices < 0, indices + n_total, indices)
    out_patch = flat[idx].reshape(nbatch, nch, OUT_SZ, OUT_SZ)
    new_label = (label_loc - frame_start.astype(jnp.float32)) / OUT_SZ
    return out_patch, new_label.astype(jnp.float32)

if __name__ == "__main__":
    import jax
    _d = setup_inputs()
    print(jax.jit(kernel)(*tuple(_d.values())))

</pallas_src>

<mosaic_0001>
#map = affine_map<(d0, d1) -> (0, 0)>
module attributes {stable_mosaic.version = 14 : i64} {
  func.func @k(%arg0: i32, %arg1: i32, %arg2: memref<262144x128xf32, #tpu.memory_space<hbm>>, %arg3: memref<32x16xi32, #tpu.memory_space<hbm>>, %arg4: memref<8192x256xf32, #tpu.memory_space<hbm>>, %arg5: memref<16xi32, #tpu.memory_space<vmem>>, %arg6: memref<768xi32, #tpu.memory_space<vmem>>, %arg7: memref<3x192x128xf32, #tpu.memory_space<vmem>>, %arg8: memref<2x64x256xf32, #tpu.memory_space<vmem>>, %arg9: memref<!tpu.dma_semaphore, #tpu.memory_space<semaphore_mem>>, %arg10: memref<!tpu.dma_semaphore, #tpu.memory_space<semaphore_mem>>, %arg11: memref<!tpu.dma_semaphore, #tpu.memory_space<semaphore_mem>>, %arg12: memref<!tpu.dma_semaphore, #tpu.memory_space<semaphore_mem>>, %arg13: memref<!tpu.dma_semaphore, #tpu.memory_space<semaphore_mem>>) attributes {dimension_semantics = [#tpu.dimension_semantics<core_parallel>, #tpu.dimension_semantics<subcore_parallel>], iteration_bounds = array<i64: 2, 16>, scalar_prefetch = 0 : i64, scratch_operands = 9 : i64, tpu.core_type = #tpu.core_type<sc_vector_subcore>, window_params = [{transform_indices = #map}, {transform_indices = #map}, {transform_indices = #map}]} {
    %mul3A = arith.constant 2 : i32
    %mul3A_0 = arith.muli %arg1, %mul3A : i32
    %add3A = arith.addi %mul3A_0, %arg0 : i32
    "tpu.region"() ({
      %run_scoped3A = tpu.sem_alloc : memref<!tpu.dma_semaphore, #tpu.memory_space<semaphore_mem>>
      %dma_start3A_2452 = arith.constant 0 : i32
      %dma_start3A_2453 = tpu.memref_slice %arg3[%add3A, %dma_start3A_2452] : memref<32x16xi32, #tpu.memory_space<hbm>> -> memref<1x16xi32, #tpu.memory_space<hbm>>
      %dma_start3A_2454 = tpu.memref_squeeze %dma_start3A_2453 : memref<1x16xi32, #tpu.memory_space<hbm>> -> memref<16xi32, #tpu.memory_space<hbm>>
      %dma_start3A_2455 = arith.constant 0 : i32
      %dma_start3A_2456 = tpu.memref_slice %arg3[%add3A, %dma_start3A_2455] : memref<32x16xi32, #tpu.memory_space<hbm>> -> memref<1x16xi32, #tpu.memory_space<hbm>>
      %dma_start3A_2457 = tpu.memref_squeeze %dma_start3A_2456 : memref<1x16xi32, #tpu.memory_space<hbm>> -> memref<16xi32, #tpu.memory_space<hbm>>
      tpu.enqueue_dma source(%dma_start3A_2457 : memref<16xi32, #tpu.memory_space<hbm>>) target(%arg5 : memref<16xi32, #tpu.memory_space<vmem>>) target_semaphore(%run_scoped3A : memref<!tpu.dma_semaphore, #tpu.memory_space<semaphore_mem>>)
      %dma_wait3A_2458 = arith.constant 0 : i32
      %dma_wait3A_2459 = tpu.memref_slice %arg3[%add3A, %dma_wait3A_2458] : memref<32x16xi32, #tpu.memory_space<hbm>> -> memref<1x16xi32, #tpu.memory_space<hbm>>
      %dma_wait3A_2460 = tpu.memref_squeeze %dma_wait3A_2459 : memref<1x16xi32, #tpu.memory_space<hbm>> -> memref<16xi32, #tpu.memory_space<hbm>>
      %dma_wait3A_2461 = arith.constant 0 : i32
      %dma_wait3A_2462 = tpu.memref_slice %arg3[%add3A, %dma_wait3A_2461] : memref<32x16xi32, #tpu.memory_space<hbm>> -> memref<1x16xi32, #tpu.memory_space<hbm>>
      %dma_wait3A_2463 = tpu.memref_squeeze %dma_wait3A_2462 : memref<1x16xi32, #tpu.memory_space<hbm>> -> memref<16xi32, #tpu.memory_space<hbm>>
      tpu.wait_dma2 semaphore(%run_scoped3A : memref<!tpu.dma_semaphore, #tpu.memory_space<semaphore_mem>>) src(%dma_wait3A_2463 : memref<16xi32, #tpu.memory_space<hbm>>) dst(%arg5 : memref<16xi32, #tpu.memory_space<vmem>>)
      tpu.yield
    }) : () -> ()
    %iota3A = tpu.iota {dimensions = array<i32: 0>} : vector<16xi32>
    %get3A = arith.constant 0 : index
    %get3A_1 = tpu.vector_load %arg5[%get3A] {strides = array<i32>} : memref<16xi32, #tpu.memory_space<vmem>>, vector<16xi32>,
    %shift_right_arithmetic3A = arith.constant 7 : i32
    %shift_right_arithmetic3A_2 = vector.broadcast %shift_right_arithmetic3A : i32 to vector<16xi32>
    %shift_right_arithmetic3A_3 = arith.shrsi %get3A_1, %shift_right_arithmetic3A_2 : vector<16xi32>
    %and3A = arith.constant 127 : i32
    %and3A_4 = vector.broadcast %and3A : i32 to vector<16xi32>
    %and3A_5 = arith.andi %get3A_1, %and3A_4 : vector<16xi32>
    %add3A_6 = arith.addi %and3A_5, %iota3A : vector<16xi32>
    %broadcast_in_dim3A = arith.constant 0 : i32
    %broadcast_in_dim3A_7 = vector.broadcast %broadcast_in_dim3A : i32 to vector<16xi32>
    %add3A_8 = arith.constant 0 : i32
    %add3A_9 = vector.broadcast %add3A_8 : i32 to vector<16xi32>
    %add3A_10 = arith.addi %add3A_6, %add3A_9 : vector<16xi32>
    %shift_right_arithmetic3A_11 = arith.constant 7 : i32
    %shift_right_arithmetic3A_12 = vector.broadcast %shift_right_arithmetic3A_11 : i32 to vector<16xi32>
    %shift_right_arithmetic3A_13 = arith.shrsi %add3A_10, %shift_right_arithmetic3A_12 : vector<16xi32>
    %add3A_14 = arith.constant 16 : i32
    %add3A_15 = vector.broadcast %add3A_14 : i32 to vector<16xi32>
    %add3A_16 = arith.addi %add3A_6, %add3A_15 : vector<16xi32>
    %shift_right_arithmetic3A_17 = arith.constant 7 : i32
    %shift_right_arithmetic3A_18 = vector.broadcast %shift_right_arithmetic3A_17 : i32 to vector<16xi32>
    %shift_right_arithmetic3A_19 = arith.shrsi %add3A_16, %shift_right_arithmetic3A_18 : vector<16xi32>
    %add3A_20 = arith.constant 32 : i32
    %add3A_21 = vector.broadcast %add3A_20 : i32 to vector<16xi32>
    %add3A_22 = arith.addi %add3A_6, %add3A_21 : vector<16xi32>
    %shift_right_arithmetic3A_23 = arith.constant 7 : i32
    %shift_right_arithmetic3A_24 = vector.broadcast %shift_right_arithmetic3A_23 : i32 to vector<16xi32>
    %shift_right_arithmetic3A_25 = arith.shrsi %add3A_22, %shift_right_arithmetic3A_24 : vector<16xi32>
    %add3A_26 = arith.constant 48 : i32
    %add3A_27 = vector.broadcast %add3A_26 : i32 to vector<16xi32>
    %add3A_28 = arith.addi %add3A_6, %add3A_27 : vector<16xi32>
    %shift_right_arithmetic3A_29 = arith.constant 7 : i32
    %shift_right_arithmetic3A_30 = vector.broadcast %shift_right_arithmetic3A_29 : i32 to vector<16xi32>
    %shift_right_arithmetic3A_31 = arith.shrsi %add3A_28, %shift_right_arithmetic3A_30 : vector<16xi32>
    %add3A_32 = arith.constant 64 : i32
    %add3A_33 = vector.broadcast %add3A_32 : i32 to vector<16xi32>
    %add3A_34 = arith.addi %add3A_6, %add3A_33 : vector<16xi32>
    %shift_right_arithmetic3A_35 = arith.constant 7 : i32
    %shift_right_arithmetic3A_36 = vector.broadcast %shift_right_arithmetic3A_35 : i32 to vector<16xi32>
    %shift_right_arithmetic3A_37 = arith.shrsi %add3A_34, %shift_right_arithmetic3A_36 : vector<16xi32>
    %add3A_38 = arith.constant 80 : i32
    %add3A_39 = vector.broadcast %add3A_38 : i32 to vector<16xi32>
    %add3A_40 = arith.addi %add3A_6, %add3A_39 : vector<16xi32>
    %shift_right_arithmetic3A_41 = arith.constant 7 : i32
    %shift_right_arithmetic3A_42 = vector.broadcast %shift_right_arithmetic3A_41 : i32 to vector<16xi32>
    %shift_right_arithmetic3A_43 = arith.shrsi %add3A_40, %shift_right_arithmetic3A_42 : vector<16xi32>
    %add3A_44 = arith.constant 96 : i32
    %add3A_45 = vector.broadcast %add3A_44 : i32 to vector<16xi32>
    %add3A_46 = arith.addi %add3A_6, %add3A_45 : vector<16xi32>
    %shift_right_arithmetic3A_47 = arith.constant 7 : i32
    %shift_right_arithmetic3A_48 = vector.broadcast %shift_right_arithmetic3A_47 : i32 to vector<16xi32>
    %shift_right_arithmetic3A_49 = arith.shrsi %add3A_46, %shift_right_arithmetic3A_48 : vector<16xi32>
    %add3A_50 = arith.constant 112 : i32
    %add3A_51 = vector.broadcast %add3A_50 : i32 to vector<16xi32>
    %add3A_52 = arith.addi %add3A_6, %add3A_51 : vector<16xi32>
    %shift_right_arithmetic3A_53 = arith.constant 7 : i32
    %shift_right_arithmetic3A_54 = vector.broadcast %shift_right_arithmetic3A_53 : i32 to vector<16xi32>
    %shift_right_arithmetic3A_55 = arith.shrsi %add3A_52, %shift_right_arithmetic3A_54 : vector<16xi32>
    %add3A_56 = arith.constant 128 : i32
    %add3A_57 = vector.broadcast %add3A_56 : i32 to vector<16xi32>
    %add3A_58 = arith.addi %add3A_6, %add3A_57 : vector<16xi32>
    %shift_right_arithmetic3A_59 = arith.constant 7 : i32
    %shift_right_arithmetic3A_60 = vector.broadcast %shift_right_arithmetic3A_59 : i32 to vector<16xi32>
    %shift_right_arithmetic3A_61 = arith.shrsi %add3A_58, %shift_right_arithmetic3A_60 : vector<16xi32>
    %add3A_62 = arith.constant 144 : i32
    %add3A_63 = vector.broadcast %add3A_62 : i32 to vector<16xi32>
    %add3A_64 = arith.addi %add3A_6, %add3A_63 : vector<16xi32>
    %shift_right_arithmetic3A_65 = arith.constant 7 : i32
    %shift_right_arithmetic3A_66 = vector.broadcast %shift_right_arithmetic3A_65 : i32 to vector<16xi32>
    %shift_right_arithmetic3A_67 = arith.shrsi %add3A_64, %shift_right_arithmetic3A_66 : vector<16xi32>
    %add3A_68 = arith.constant 160 : i32
    %add3A_69 = vector.broadcast %add3A_68 : i32 to vector<16xi32>
    %add3A_70 = arith.addi %add3A_6, %add3A_69 : vector<16xi32>
    %shift_right_arithmetic3A_71 = arith.constant 7 : i32
    %shift_right_arithmetic3A_72 = vector.broadcast %shift_right_arithmetic3A_71 : i32 to vector<16xi32>
    %shift_right_arithmetic3A_73 = arith.shrsi %add3A_70, %shift_right_arithmetic3A_72 : vector<16xi32>
    %add3A_74 = arith.constant 176 : i32
    %add3A_75 = vector.broadcast %add3A_74 : i32 to vector<16xi32>
    %add3A_76 = arith.addi %add3A_6, %add3A_75 : vector<16xi32>
    %shift_right_arithmetic3A_77 = arith.constant 7 : i32
    %shift_right_arithmetic3A_78 = vector.broadcast %shift_right_arithmetic3A_77 : i32 to vector<16xi32>
    %shift_right_arithmetic3A_79 = arith.shrsi %add3A_76, %shift_right_arithmetic3A_78 : vector<16xi32>
    %add3A_80 = arith.constant 192 : i32
    %add3A_81 = vector.broadcast %add3A_80 : i32 to vector<16xi32>
    %add3A_82 = arith.addi %add3A_6, %add3A_81 : vector<16xi32>
    %shift_right_arithmetic3A_83 = arith.constant 7 : i32
    %shift_right_arithmetic3A_84 = vector.broadcast %shift_right_arithmetic3A_83 : i32 to vector<16xi32>
    %shift_right_arithmetic3A_85 = arith.shrsi %add3A_82, %shift_right_arithmetic3A_84 : vector<16xi32>
    %add3A_86 = arith.constant 208 : i32
    %add3A_87 = vector.broadcast %add3A_86 : i32 to vector<16xi32>
    %add3A_88 = arith.addi %add3A_6, %add3A_87 : vector<16xi32>
    %shift_right_arithmetic3A_89 = arith.constant 7 : i32
    %shift_right_arithmetic3A_90 = vector.broadcast %shift_right_arithmetic3A_89 : i32 to vector<16xi32>
    %shift_right_arithmetic3A_91 = arith.shrsi %add3A_88, %shift_right_arithmetic3A_90 : vector<16xi32>
    %add3A_92 = arith.constant 224 : i32
    %add3A_93 = vector.broadcast %add3A_92 : i32 to vector<16xi32>
    %add3A_94 = arith.addi %add3A_6, %add3A_93 : vector<16xi32>
    %shift_right_arithmetic3A_95 = arith.constant 7 : i32
    %shift_right_arithmetic3A_96 = vector.broadcast %shift_right_arithmetic3A_95 : i32 to vector<16xi32>
    %shift_right_arithmetic3A_97 = arith.shrsi %add3A_94, %shift_right_arithmetic3A_96 : vector<16xi32>
    %add3A_98 = arith.constant 240 : i32
    %add3A_99 = vector.broadcast %add3A_98 : i32 to vector<16xi32>
    %add3A_100 = arith.addi %add3A_6, %add3A_99 : vector<16xi32>
    %shift_right_arithmetic3A_101 = arith.constant 7 : i32
    %shift_right_arithmetic3A_102 = vector.broadcast %shift_right_arithmetic3A_101 : i32 to vector<16xi32>
    %shift_right_arithmetic3A_103 = arith.shrsi %add3A_100, %shift_right_arithmetic3A_102 : vector<16xi32>
    %add3A_104 = arith.constant 0 : i32
    %add3A_105 = vector.broadcast %add3A_104 : i32 to vector<16xi32>
    %add3A_106 = arith.addi %add3A_6, %add3A_105 : vector<16xi32>
    %and3A_107 = arith.constant 127 : i32
    %and3A_108 = vector.broadcast %and3A_107 : i32 to vector<16xi32>
    %and3A_109 = arith.andi %add3A_106, %and3A_108 : vector<16xi32>
    %add3A_110 = arith.constant 16 : i32
    %add3A_111 = vector.broadcast %add3A_110 : i32 to vector<16xi32>
    %add3A_112 = arith.addi %add3A_6, %add3A_111 : vector<16xi32>
    %and3A_113 = arith.constant 127 : i32
    %and3A_114 = vector.broadcast %and3A_113 : i32 to vector<16xi32>
    %and3A_115 = arith.andi %add3A_112, %and3A_114 : vector<16xi32>
    %add3A_116 = arith.constant 32 : i32
    %add3A_117 = vector.broadcast %add3A_116 : i32 to vector<16xi32>
    %add3A_118 = arith.addi %add3A_6, %add3A_117 : vector<16xi32>
    %and3A_119 = arith.constant 127 : i32
    %and3A_120 = vector.broadcast %and3A_119 : i32 to vector<16xi32>
    %and3A_121 = arith.andi %add3A_118, %and3A_120 : vector<16xi32>
    %add3A_122 = arith.constant 48 : i32
    %add3A_123 = vector.broadcast %add3A_122 : i32 to vector<16xi32>
    %add3A_124 = arith.addi %add3A_6, %add3A_123 : vector<16xi32>
    %and3A_125 = arith.constant 127 : i32
    %and3A_126 = vector.broadcast %and3A_125 : i32 to vector<16xi32>
    %and3A_127 = arith.andi %add3A_124, %and3A_126 : vector<16xi32>
    %add3A_128 = arith.constant 64 : i32
    %add3A_129 = vector.broadcast %add3A_128 : i32 to vector<16xi32>
    %add3A_130 = arith.addi %add3A_6, %add3A_129 : vector<16xi32>
    %and3A_131 = arith.constant 127 : i32
    %and3A_132 = vector.broadcast %and3A_131 : i32 to vector<16xi32>
    %and3A_133 = arith.andi %add3A_130, %and3A_132 : vector<16xi32>
    %add3A_134 = arith.constant 80 : i32
    %add3A_135 = vector.broadcast %add3A_134 : i32 to vector<16xi32>
    %add3A_136 = arith.addi %add3A_6, %add3A_135 : vector<16xi32>
    %and3A_137 = arith.constant 127 : i32
    %and3A_138 = vector.broadcast %and3A_137 : i32 to vector<16xi32>
    %and3A_139 = arith.andi %add3A_136, %and3A_138 : vector<16xi32>
    %add3A_140 = arith.constant 96 : i32
    %add3A_141 = vector.broadcast %add3A_140 : i32 to vector<16xi32>
    %add3A_142 = arith.addi %add3A_6, %add3A_141 : vector<16xi32>
    %and3A_143 = arith.constant 127 : i32
    %and3A_144 = vector.broadcast %and3A_143 : i32 to vector<16xi32>
    %and3A_145 = arith.andi %add3A_142, %and3A_144 : vector<16xi32>
    %add3A_146 = arith.constant 112 : i32
    %add3A_147 = vector.broadcast %add3A_146 : i32 to vector<16xi32>
    %add3A_148 = arith.addi %add3A_6, %add3A_147 : vector<16xi32>
    %and3A_149 = arith.constant 127 : i32
    %and3A_150 = vector.broadcast %and3A_149 : i32 to vector<16xi32>
    %and3A_151 = arith.andi %add3A_148, %and3A_150 : vector<16xi32>
    %add3A_152 = arith.constant 128 : i32
    %add3A_153 = vector.broadcast %add3A_152 : i32 to vector<16xi32>
    %add3A_154 = arith.addi %add3A_6, %add3A_153 : vector<16xi32>
    %and3A_155 = arith.constant 127 : i32
    %and3A_156 = vector.broadcast %and3A_155 : i32 to vector<16xi32>
    %and3A_157 = arith.andi %add3A_154, %and3A_156 : vector<16xi32>
    %add3A_158 = arith.constant 144 : i32
    %add3A_159 = vector.broadcast %add3A_158 : i32 to vector<16xi32>
    %add3A_160 = arith.addi %add3A_6, %add3A_159 : vector<16xi32>
    %and3A_161 = arith.constant 127 : i32
    %and3A_162 = vector.broadcast %and3A_161 : i32 to vector<16xi32>
    %and3A_163 = arith.andi %add3A_160, %and3A_162 : vector<16xi32>
    %add3A_164 = arith.constant 160 : i32
    %add3A_165 = vector.broadcast %add3A_164 : i32 to vector<16xi32>
    %add3A_166 = arith.addi %add3A_6, %add3A_165 : vector<16xi32>
    %and3A_167 = arith.constant 127 : i32
    %and3A_168 = vector.broadcast %and3A_167 : i32 to vector<16xi32>
    %and3A_169 = arith.andi %add3A_166, %and3A_168 : vector<16xi32>
    %add3A_170 = arith.constant 176 : i32
    %add3A_171 = vector.broadcast %add3A_170 : i32 to vector<16xi32>
    %add3A_172 = arith.addi %add3A_6, %add3A_171 : vector<16xi32>
    %and3A_173 = arith.constant 127 : i32
    %and3A_174 = vector.broadcast %and3A_173 : i32 to vector<16xi32>
    %and3A_175 = arith.andi %add3A_172, %and3A_174 : vector<16xi32>
    %add3A_176 = arith.constant 192 : i32
    %add3A_177 = vector.broadcast %add3A_176 : i32 to vector<16xi32>
    %add3A_178 = arith.addi %add3A_6, %add3A_177 : vector<16xi32>
    %and3A_179 = arith.constant 127 : i32
    %and3A_180 = vector.broadcast %and3A_179 : i32 to vector<16xi32>
    %and3A_181 = arith.andi %add3A_178, %and3A_180 : vector<16xi32>
    %add3A_182 = arith.constant 208 : i32
    %add3A_183 = vector.broadcast %add3A_182 : i32 to vector<16xi32>
    %add3A_184 = arith.addi %add3A_6, %add3A_183 : vector<16xi32>
    %and3A_185 = arith.constant 127 : i32
    %and3A_186 = vector.broadcast %and3A_185 : i32 to vector<16xi32>
    %and3A_187 = arith.andi %add3A_184, %and3A_186 : vector<16xi32>
    %add3A_188 = arith.constant 224 : i32
    %add3A_189 = vector.broadcast %add3A_188 : i32 to vector<16xi32>
    %add3A_190 = arith.addi %add3A_6, %add3A_189 : vector<16xi32>
    %and3A_191 = arith.constant 127 : i32
    %and3A_192 = vector.broadcast %and3A_191 : i32 to vector<16xi32>
    %and3A_193 = arith.andi %add3A_190, %and3A_192 : vector<16xi32>
    %add3A_194 = arith.constant 240 : i32
    %add3A_195 = vector.broadcast %add3A_194 : i32 to vector<16xi32>
    %add3A_196 = arith.addi %add3A_6, %add3A_195 : vector<16xi32>
    %and3A_197 = arith.constant 127 : i32
    %and3A_198 = vector.broadcast %and3A_197 : i32 to vector<16xi32>
    %and3A_199 = arith.andi %add3A_196, %and3A_198 : vector<16xi32>
    %shift_left3A = arith.constant 13 : i32
    %shift_left3A_200 = vector.broadcast %shift_left3A : i32 to vector<16xi32>
    %shift_left3A_201 = arith.shli %shift_right_arithmetic3A_13, %shift_left3A_200 : vector<16xi32>
    %add3A_202 = arith.addi %shift_left3A_201, %and3A_109 : vector<16xi32>
    %shift_left3A_203 = arith.constant 13 : i32
    %shift_left3A_204 = vector.broadcast %shift_left3A_203 : i32 to vector<16xi32>
    %shift_left3A_205 = arith.shli %shift_right_arithmetic3A_19, %shift_left3A_204 : vector<16xi32>
    %add3A_206 = arith.addi %shift_left3A_205, %and3A_115 : vector<16xi32>
    %shift_left3A_207 = arith.constant 13 : i32
    %shift_left3A_208 = vector.broadcast %shift_left3A_207 : i32 to vector<16xi32>
    %shift_left3A_209 = arith.shli %shift_right_arithmetic3A_25, %shift_left3A_208 : vector<16xi32>
    %add3A_210 = arith.addi %shift_left3A_209, %and3A_121 : vector<16xi32>
    %shift_left3A_211 = arith.constant 13 : i32
    %shift_left3A_212 = vector.broadcast %shift_left3A_211 : i32 to vector<16xi32>
    %shift_left3A_213 = arith.shli %shift_right_arithmetic3A_31, %shift_left3A_212 : vector<16xi32>
    %add3A_214 = arith.addi %shift_left3A_213, %and3A_127 : vector<16xi32>
    %shift_left3A_215 = arith.constant 13 : i32
    %shift_left3A_216 = vector.broadcast %shift_left3A_215 : i32 to vector<16xi32>
    %shift_left3A_217 = arith.shli %shift_right_arithmetic3A_37, %shift_left3A_216 : vector<16xi32>
    %add3A_218 = arith.addi %shift_left3A_217, %and3A_133 : vector<16xi32>
    %shift_left3A_219 = arith.constant 13 : i32
    %shift_left3A_220 = vector.broadcast %shift_left3A_219 : i32 to vector<16xi32>
    %shift_left3A_221 = arith.shli %shift_right_arithmetic3A_43, %shift_left3A_220 : vector<16xi32>
    %add3A_222 = arith.addi %shift_left3A_221, %and3A_139 : vector<16xi32>
    %shift_left3A_223 = arith.constant 13 : i32
    %shift_left3A_224 = vector.broadcast %shift_left3A_223 : i32 to vector<16xi32>
    %shift_left3A_225 = arith.shli %shift_right_arithmetic3A_49, %shift_left3A_224 : vector<16xi32>
    %add3A_226 = arith.addi %shift_left3A_225, %and3A_145 : vector<16xi32>
    %shift_left3A_227 = arith.constant 13 : i32
    %shift_left3A_228 = vector.broadcast %shift_left3A_227 : i32 to vector<16xi32>
    %shift_left3A_229 = arith.shli %shift_right_arithmetic3A_55, %shift_left3A_228 : vector<16xi32>
    %add3A_230 = arith.addi %shift_left3A_229, %and3A_151 : vector<16xi32>
    %shift_left3A_231 = arith.constant 13 : i32
    %shift_left3A_232 = vector.broadcast %shift_left3A_231 : i32 to vector<16xi32>
    %shift_left3A_233 = arith.shli %shift_right_arithmetic3A_61, %shift_left3A_232 : vector<16xi32>
    %add3A_234 = arith.addi %shift_left3A_233, %and3A_157 : vector<16xi32>
    %shift_left3A_235 = arith.constant 13 : i32
    %shift_left3A_236 = vector.broadcast %shift_left3A_235 : i32 to vector<16xi32>
    %shift_left3A_237 = arith.shli %shift_right_arithmetic3A_67, %shift_left3A_236 : vector<16xi32>
    %add3A_238 = arith.addi %shift_left3A_237, %and3A_163 : vector<16xi32>
    %shift_left3A_239 = arith.constant 13 : i32
    %shift_left3A_240 = vector.broadcast %shift_left3A_239 : i32 to vector<16xi32>
    %shift_left3A_241 = arith.shli %shift_right_arithmetic3A_73, %shift_left3A_240 : vector<16xi32>
    %add3A_242 = arith.addi %shift_left3A_241, %and3A_169 : vector<16xi32>
    %shift_left3A_243 = arith.constant 13 : i32
    %shift_left3A_244 = vector.broadcast %shift_left3A_243 : i32 to vector<16xi32>
    %shift_left3A_245 = arith.shli %shift_right_arithmetic3A_79, %shift_left3A_244 : vector<16xi32>
    %add3A_246 = arith.addi %shift_left3A_245, %and3A_175 : vector<16xi32>
    %shift_left3A_247 = arith.constant 13 : i32
    %shift_left3A_248 = vector.broadcast %shift_left3A_247 : i32 to vector<16xi32>
    %shift_left3A_249 = arith.shli %shift_right_arithmetic3A_85, %shift_left3A_248 : vector<16xi32>
    %add3A_250 = arith.addi %shift_left3A_249, %and3A_181 : vector<16xi32>
    %shift_left3A_251 = arith.constant 13 : i32
    %shift_left3A_252 = vector.broadcast %shift_left3A_251 : i32 to vector<16xi32>
    %shift_left3A_253 = arith.shli %shift_right_arithmetic3A_91, %shift_left3A_252 : vector<16xi32>
    %add3A_254 = arith.addi %shift_left3A_253, %and3A_187 : vector<16xi32>
    %shift_left3A_255 = arith.constant 13 : i32
    %shift_left3A_256 = vector.broadcast %shift_left3A_255 : i32 to vector<16xi32>
    %shift_left3A_257 = arith.shli %shift_right_arithmetic3A_97, %shift_left3A_256 : vector<16xi32>
    %add3A_258 = arith.addi %shift_left3A_257, %and3A_193 : vector<16xi32>
    %shift_left3A_259 = arith.constant 13 : i32
    %shift_left3A_260 = vector.broadcast %shift_left3A_259 : i32 to vector<16xi32>
    %shift_left3A_261 = arith.shli %shift_right_arithmetic3A_103, %shift_left3A_260 : vector<16xi32>
    %add3A_262 = arith.addi %shift_left3A_261, %and3A_199 : vector<16xi32>
    %add3A_263 = arith.constant 0 : i32
    %add3A_264 = vector.broadcast %add3A_263 : i32 to vector<16xi32>
    %add3A_265 = arith.addi %shift_right_arithmetic3A_3, %add3A_264 : vector<16xi32>
    %mul3A_266 = arith.constant 8 : i32
    %mul3A_267 = vector.broadcast %mul3A_266 : i32 to vector<16xi32>
    %mul3A_268 = arith.muli %iota3A, %mul3A_267 : vector<16xi32>
    %add3A_269 = arith.addi %add3A_265, %mul3A_268 : vector<16xi32>
    %ge3A = arith.constant 262144 : i32
    %ge3A_270 = vector.broadcast %ge3A : i32 to vector<16xi32>
    %ge3A_271 = arith.cmpi sge, %add3A_269, %ge3A_270 : vector<16xi32>
    %sub3A = arith.constant 262144 : i32
    %sub3A_272 = vector.broadcast %sub3A : i32 to vector<16xi32>
    %sub3A_273 = arith.subi %add3A_269, %sub3A_272 : vector<16xi32>
    %select_n3A = arith.select %ge3A_271, %sub3A_273, %add3A_269 : vector<16xi1>, vector<16xi32>
    %shift_right_arithmetic3A_274 = arith.constant 6 : i32
    %shift_right_arithmetic3A_275 = vector.broadcast %shift_right_arithmetic3A_274 : i32 to vector<16xi32>
    %shift_right_arithmetic3A_276 = arith.shrsi %select_n3A, %shift_right_arithmetic3A_275 : vector<16xi32>
    %shift_left3A_277 = arith.constant 6 : i32
    %shift_left3A_278 = vector.broadcast %shift_left3A_277 : i32 to vector<16xi32>
    %shift_left3A_279 = arith.shli %shift_right_arithmetic3A_276, %shift_left3A_278 : vector<16xi32>
    %and3A_280 = arith.constant 7 : i32
    %and3A_281 = vector.broadcast %and3A_280 : i32 to vector<16xi32>
    %and3A_282 = arith.andi %select_n3A, %and3A_281 : vector<16xi32>
    %shift_left3A_283 = arith.constant 3 : i32
    %shift_left3A_284 = vector.broadcast %shift_left3A_283 : i32 to vector<16xi32>
    %shift_left3A_285 = arith.shli %and3A_282, %shift_left3A_284 : vector<16xi32>
    %add3A_286 = arith.addi %shift_left3A_279, %shift_left3A_285 : vector<16xi32>
    %shift_right_arithmetic3A_287 = arith.constant 3 : i32
    %shift_right_arithmetic3A_288 = vector.broadcast %shift_right_arithmetic3A_287 : i32 to vector<16xi32>
    %shift_right_arithmetic3A_289 = arith.shrsi %select_n3A, %shift_right_arithmetic3A_288 : vector<16xi32>
    %and3A_290 = arith.constant 7 : i32
    %and3A_291 = vector.broadcast %and3A_290 : i32 to vector<16xi32>
    %and3A_292 = arith.andi %shift_right_arithmetic3A_289, %and3A_291 : vector<16xi32>
    %add3A_293 = arith.addi %add3A_286, %and3A_292 : vector<16xi32>
    %swap3A = arith.constant 0 : index
    %swap3A_294 = tpu.vector_load %arg6[%swap3A] {strides = array<i32>} : memref<768xi32, #tpu.memory_space<vmem>>, vector<16xi32>,
    tpu.vector_store %arg6[%swap3A], %add3A_293 {strides = array<i32>} : memref<768xi32, #tpu.memory_space<vmem>>, vector<16xi32>,
    %add3A_295 = arith.constant 128 : i32
    %add3A_296 = vector.broadcast %add3A_295 : i32 to vector<16xi32>
    %add3A_297 = arith.addi %shift_right_arithmetic3A_3, %add3A_296 : vector<16xi32>
    %mul3A_298 = arith.constant 8 : i32
    %mul3A_299 = vector.broadcast %mul3A_298 : i32 to vector<16xi32>
    %mul3A_300 = arith.muli %iota3A, %mul3A_299 : vector<16xi32>
    %add3A_301 = arith.addi %add3A_297, %mul3A_300 : vector<16xi32>
    %ge3A_302 = arith.constant 262144 : i32
    %ge3A_303 = vector.broadcast %ge3A_302 : i32 to vector<16xi32>
    %ge3A_304 = arith.cmpi sge, %add3A_301, %ge3A_303 : vector<16xi32>
    %sub3A_305 = arith.constant 262144 : i32
    %sub3A_306 = vector.broadcast %sub3A_305 : i32 to vector<16xi32>
    %sub3A_307 = arith.subi %add3A_301, %sub3A_306 : vector<16xi32>
    %select_n3A_308 = arith.select %ge3A_304, %sub3A_307, %add3A_301 : vector<16xi1>, vector<16xi32>
    %shift_right_arithmetic3A_309 = arith.constant 6 : i32
    %shift_right_arithmetic3A_310 = vector.broadcast %shift_right_arithmetic3A_309 : i32 to vector<16xi32>
    %shift_right_arithmetic3A_311 = arith.shrsi %select_n3A_308, %shift_right_arithmetic3A_310 : vector<16xi32>
    %shift_left3A_312 = arith.constant 6 : i32
    %shift_left3A_313 = vector.broadcast %shift_left3A_312 : i32 to vector<16xi32>
    %shift_left3A_314 = arith.shli %shift_right_arithmetic3A_311, %shift_left3A_313 : vector<16xi32>
    %and3A_315 = arith.constant 7 : i32
    %and3A_316 = vector.broadcast %and3A_315 : i32 to vector<16xi32>
    %and3A_317 = arith.andi %select_n3A_308, %and3A_316 : vector<16xi32>
    %shift_left3A_318 = arith.constant 3 : i32
    %shift_left3A_319 = vector.broadcast %shift_left3A_318 : i32 to vector<16xi32>
    %shift_left3A_320 = arith.shli %and3A_317, %shift_left3A_319 : vector<16xi32>
    %add3A_321 = arith.addi %shift_left3A_314, %shift_left3A_320 : vector<16xi32>
    %shift_right_arithmetic3A_322 = arith.constant 3 : i32
    %shift_right_arithmetic3A_323 = vector.broadcast %shift_right_arithmetic3A_322 : i32 to vector<16xi32>
    %shift_right_arithmetic3A_324 = arith.shrsi %select_n3A_308, %shift_right_arithmetic3A_323 : vector<16xi32>
    %and3A_325 = arith.constant 7 : i32
    %and3A_326 = vector.broadcast %and3A_325 : i32 to vector<16xi32>
    %and3A_327 = arith.andi %shift_right_arithmetic3A_324, %and3A_326 : vector<16xi32>
    %add3A_328 = arith.addi %add3A_321, %and3A_327 : vector<16xi32>
    %swap3A_329 = arith.constant 16 : index
    %swap3A_330 = tpu.vector_load %arg6[%swap3A_329] {strides = array<i32>} : memref<768xi32, #tpu.memory_space<vmem>>, vector<16xi32>,
    tpu.vector_store %arg6[%swap3A_329], %add3A_328 {strides = array<i32>} : memref<768xi32, #tpu.memory_space<vmem>>, vector<16xi32>,
    %add3A_331 = arith.constant 256 : i32
    %add3A_332 = vector.broadcast %add3A_331 : i32 to vector<16xi32>
    %add3A_333 = arith.addi %shift_right_arithmetic3A_3, %add3A_332 : vector<16xi32>
    %mul3A_334 = arith.constant 8 : i32
    %mul3A_335 = vector.broadcast %mul3A_334 : i32 to vector<16xi32>
    %mul3A_336 = arith.muli %iota3A, %mul3A_335 : vector<16xi32>
    %add3A_337 = arith.addi %add3A_333, %mul3A_336 : vector<16xi32>
    %ge3A_338 = arith.constant 262144 : i32
    %ge3A_339 = vector.broadcast %ge3A_338 : i32 to vector<16xi32>
    %ge3A_340 = arith.cmpi sge, %add3A_337, %ge3A_339 : vector<16xi32>
    %sub3A_341 = arith.constant 262144 : i32
    %sub3A_342 = vector.broadcast %sub3A_341 : i32 to vector<16xi32>
    %sub3A_343 = arith.subi %add3A_337, %sub3A_342 : vector<16xi32>
    %select_n3A_344 = arith.select %ge3A_340, %sub3A_343, %add3A_337 : vector<16xi1>, vector<16xi32>
    %shift_right_arithmetic3A_345 = arith.constant 6 : i32
    %shift_right_arithmetic3A_346 = vector.broadcast %shift_right_arithmetic3A_345 : i32 to vector<16xi32>
    %shift_right_arithmetic3A_347 = arith.shrsi %select_n3A_344, %shift_right_arithmetic3A_346 : vector<16xi32>
    %shift_left3A_348 = arith.constant 6 : i32
    %shift_left3A_349 = vector.broadcast %shift_left3A_348 : i32 to vector<16xi32>
    %shift_left3A_350 = arith.shli %shift_right_arithmetic3A_347, %shift_left3A_349 : vector<16xi32>
    %and3A_351 = arith.constant 7 : i32
    %and3A_352 = vector.broadcast %and3A_351 : i32 to vector<16xi32>
    %and3A_353 = arith.andi %select_n3A_344, %and3A_352 : vector<16xi32>
    %shift_left3A_354 = arith.constant 3 : i32
    %shift_left3A_355 = vector.broadcast %shift_left3A_354 : i32 to vector<16xi32>
    %shift_left3A_356 = arith.shli %and3A_353, %shift_left3A_355 : vector<16xi32>
    %add3A_357 = arith.addi %shift_left3A_350, %shift_left3A_356 : vector<16xi32>
    %shift_right_arithmetic3A_358 = arith.constant 3 : i32
    %shift_right_arithmetic3A_359 = vector.broadcast %shift_right_arithmetic3A_358 : i32 to vector<16xi32>
    %shift_right_arithmetic3A_360 = arith.shrsi %select_n3A_344, %shift_right_arithmetic3A_359 : vector<16xi32>
    %and3A_361 = arith.constant 7 : i32
    %and3A_362 = vector.broadcast %and3A_361 : i32 to vector<16xi32>
    %and3A_363 = arith.andi %shift_right_arithmetic3A_360, %and3A_362 : vector<16xi32>
    %add3A_364 = arith.addi %add3A_357, %and3A_363 : vector<16xi32>
    %swap3A_365 = arith.constant 32 : index
    %swap3A_366 = tpu.vector_load %arg6[%swap3A_365] {strides = array<i32>} : memref<768xi32, #tpu.memory_space<vmem>>, vector<16xi32>,
    tpu.vector_store %arg6[%swap3A_365], %add3A_364 {strides = array<i32>} : memref<768xi32, #tpu.memory_space<vmem>>, vector<16xi32>,
    %add3A_367 = arith.constant 384 : i32
    %add3A_368 = vector.broadcast %add3A_367 : i32 to vector<16xi32>
    %add3A_369 = arith.addi %shift_right_arithmetic3A_3, %add3A_368 : vector<16xi32>
    %mul3A_370 = arith.constant 8 : i32
    %mul3A_371 = vector.broadcast %mul3A_370 : i32 to vector<16xi32>
    %mul3A_372 = arith.muli %iota3A, %mul3A_371 : vector<16xi32>
    %add3A_373 = arith.addi %add3A_369, %mul3A_372 : vector<16xi32>
    %ge3A_374 = arith.constant 262144 : i32
    %ge3A_375 = vector.broadcast %ge3A_374 : i32 to vector<16xi32>
    %ge3A_376 = arith.cmpi sge, %add3A_373, %ge3A_375 : vector<16xi32>
    %sub3A_377 = arith.constant 262144 : i32
    %sub3A_378 = vector.broadcast %sub3A_377 : i32 to vector<16xi32>
    %sub3A_379 = arith.subi %add3A_373, %sub3A_378 : vector<16xi32>
    %select_n3A_380 = arith.select %ge3A_376, %sub3A_379, %add3A_373 : vector<16xi1>, vector<16xi32>
    %shift_right_arithmetic3A_381 = arith.constant 6 : i32
    %shift_right_arithmetic3A_382 = vector.broadcast %shift_right_arithmetic3A_381 : i32 to vector<16xi32>
    %shift_right_arithmetic3A_383 = arith.shrsi %select_n3A_380, %shift_right_arithmetic3A_382 : vector<16xi32>
    %shift_left3A_384 = arith.constant 6 : i32
    %shift_left3A_385 = vector.broadcast %shift_left3A_384 : i32 to vector<16xi32>
    %shift_left3A_386 = arith.shli %shift_right_arithmetic3A_383, %shift_left3A_385 : vector<16xi32>
    %and3A_387 = arith.constant 7 : i32
    %and3A_388 = vector.broadcast %and3A_387 : i32 to vector<16xi32>
    %and3A_389 = arith.andi %select_n3A_380, %and3A_388 : vector<16xi32>
    %shift_left3A_390 = arith.constant 3 : i32
    %shift_left3A_391 = vector.broadcast %shift_left3A_390 : i32 to vector<16xi32>
    %shift_left3A_392 = arith.shli %and3A_389, %shift_left3A_391 : vector<16xi32>
    %add3A_393 = arith.addi %shift_left3A_386, %shift_left3A_392 : vector<16xi32>
    %shift_right_arithmetic3A_394 = arith.constant 3 : i32
    %shift_right_arithmetic3A_395 = vector.broadcast %shift_right_arithmetic3A_394 : i32 to vector<16xi32>
    %shift_right_arithmetic3A_396 = arith.shrsi %select_n3A_380, %shift_right_arithmetic3A_395 : vector<16xi32>
    %and3A_397 = arith.constant 7 : i32
    %and3A_398 = vector.broadcast %and3A_397 : i32 to vector<16xi32>
    %and3A_399 = arith.andi %shift_right_arithmetic3A_396, %and3A_398 : vector<16xi32>
    %add3A_400 = arith.addi %add3A_393, %and3A_399 : vector<16xi32>
    %swap3A_401 = arith.constant 48 : index
    %swap3A_402 = tpu.vector_load %arg6[%swap3A_401] {strides = array<i32>} : memref<768xi32, #tpu.memory_space<vmem>>, vector<16xi32>,
    tpu.vector_store %arg6[%swap3A_401], %add3A_400 {strides = array<i32>} : memref<768xi32, #tpu.memory_space<vmem>>, vector<16xi32>,
    %add3A_403 = arith.constant 1 : i32
    %add3A_404 = vector.broadcast %add3A_403 : i32 to vector<16xi32>
    %add3A_405 = arith.addi %shift_right_arithmetic3A_3, %add3A_404 : vector<16xi32>
    %mul3A_406 = arith.constant 8 : i32
    %mul3A_407 = vector.broadcast %mul3A_406 : i32 to vector<16xi32>
    %mul3A_408 = arith.muli %iota3A, %mul3A_407 : vector<16xi32>
    %add3A_409 = arith.addi %add3A_405, %mul3A_408 : vector<16xi32>
    %ge3A_410 = arith.constant 262144 : i32
    %ge3A_411 = vector.broadcast %ge3A_410 : i32 to vector<16xi32>
    %ge3A_412 = arith.cmpi sge, %add3A_409, %ge3A_411 : vector<16xi32>
    %sub3A_413 = arith.constant 262144 : i32
    %sub3A_414 = vector.broadcast %sub3A_413 : i32 to vector<16xi32>
    %sub3A_415 = arith.subi %add3A_409, %sub3A_414 : vector<16xi32>
    %select_n3A_416 = arith.select %ge3A_412, %sub3A_415, %add3A_409 : vector<16xi1>, vector<16xi32>
    %shift_right_arithmetic3A_417 = arith.constant 6 : i32
    %shift_right_arithmetic3A_418 = vector.broadcast %shift_right_arithmetic3A_417 : i32 to vector<16xi32>
    %shift_right_arithmetic3A_419 = arith.shrsi %select_n3A_416, %shift_right_arithmetic3A_418 : vector<16xi32>
    %shift_left3A_420 = arith.constant 6 : i32
    %shift_left3A_421 = vector.broadcast %shift_left3A_420 : i32 to vector<16xi32>
    %shift_left3A_422 = arith.shli %shift_right_arithmetic3A_419, %shift_left3A_421 : vector<16xi32>
    %and3A_423 = arith.constant 7 : i32
    %and3A_424 = vector.broadcast %and3A_423 : i32 to vector<16xi32>
    %and3A_425 = arith.andi %select_n3A_416, %and3A_424 : vector<16xi32>
    %shift_left3A_426 = arith.constant 3 : i32
    %shift_left3A_427 = vector.broadcast %shift_left3A_426 : i32 to vector<16xi32>
    %shift_left3A_428 = arith.shli %and3A_425, %shift_left3A_427 : vector<16xi32>
    %add3A_429 = arith.addi %shift_left3A_422, %shift_left3A_428 : vector<16xi32>
    %shift_right_arithmetic3A_430 = arith.constant 3 : i32
    %shift_right_arithmetic3A_431 = vector.broadcast %shift_right_arithmetic3A_430 : i32 to vector<16xi32>
    %shift_right_arithmetic3A_432 = arith.shrsi %select_n3A_416, %shift_right_arithmetic3A_431 : vector<16xi32>
    %and3A_433 = arith.constant 7 : i32
    %and3A_434 = vector.broadcast %and3A_433 : i32 to vector<16xi32>
    %and3A_435 = arith.andi %shift_right_arithmetic3A_432, %and3A_434 : vector<16xi32>
    %add3A_436 = arith.addi %add3A_429, %and3A_435 : vector<16xi32>
    %swap3A_437 = arith.constant 64 : index
    %swap3A_438 = tpu.vector_load %arg6[%swap3A_437] {strides = array<i32>} : memref<768xi32, #tpu.memory_space<vmem>>, vector<16xi32>,
    tpu.vector_store %arg6[%swap3A_437], %add3A_436 {strides = array<i32>} : memref<768xi32, #tpu.memory_space<vmem>>, vector<16xi32>,
    %add3A_439 = arith.constant 129 : i32
    %add3A_440 = vector.broadcast %add3A_439 : i32 to vector<16xi32>
    %add3A_441 = arith.addi %shift_right_arithmetic3A_3, %add3A_440 : vector<16xi32>
    %mul3A_442 = arith.constant 8 : i32
    %mul3A_443 = vector.broadcast %mul3A_442 : i32 to vector<16xi32>
    %mul3A_444 = arith.muli %iota3A, %mul3A_443 : vector<16xi32>
    %add3A_445 = arith.addi %add3A_441, %mul3A_444 : vector<16xi32>
    %ge3A_446 = arith.constant 262144 : i32
    %ge3A_447 = vector.broadcast %ge3A_446 : i32 to vector<16xi32>
    %ge3A_448 = arith.cmpi sge, %add3A_445, %ge3A_447 : vector<16xi32>
    %sub3A_449 = arith.constant 262144 : i32
    %sub3A_450 = vector.broadcast %sub3A_449 : i32 to vector<16xi32>
    %sub3A_451 = arith.subi %add3A_445, %sub3A_450 : vector<16xi32>
    %select_n3A_452 = arith.select %ge3A_448, %sub3A_451, %add3A_445 : vector<16xi1>, vector<16xi32>
    %shift_right_arithmetic3A_453 = arith.constant 6 : i32
    %shift_right_arithmetic3A_454 = vector.broadcast %shift_right_arithmetic3A_453 : i32 to vector<16xi32>
    %shift_right_arithmetic3A_455 = arith.shrsi %select_n3A_452, %shift_right_arithmetic3A_454 : vector<16xi32>
    %shift_left3A_456 = arith.constant 6 : i32
    %shift_left3A_457 = vector.broadcast %shift_left3A_456 : i32 to vector<16xi32>
    %shift_left3A_458 = arith.shli %shift_right_arithmetic3A_455, %shift_left3A_457 : vector<16xi32>
    %and3A_459 = arith.constant 7 : i32
    %and3A_460 = vector.broadcast %and3A_459 : i32 to vector<16xi32>
    %and3A_461 = arith.andi %select_n3A_452, %and3A_460 : vector<16xi32>
    %shift_left3A_462 = arith.constant 3 : i32
    %shift_left3A_463 = vector.broadcast %shift_left3A_462 : i32 to vector<16xi32>
    %shift_left3A_464 = arith.shli %and3A_461, %shift_left3A_463 : vector<16xi32>
    %add3A_465 = arith.addi %shift_left3A_458, %shift_left3A_464 : vector<16xi32>
    %shift_right_arithmetic3A_466 = arith.constant 3 : i32
    %shift_right_arithmetic3A_467 = vector.broadcast %shift_right_arithmetic3A_466 : i32 to vector<16xi32>
    %shift_right_arithmetic3A_468 = arith.shrsi %select_n3A_452, %shift_right_arithmetic3A_467 : vector<16xi32>
    %and3A_469 = arith.constant 7 : i32
    %and3A_470 = vector.broadcast %and3A_469 : i32 to vector<16xi32>
    %and3A_471 = arith.andi %shift_right_arithmetic3A_468, %and3A_470 : vector<16xi32>
    %add3A_472 = arith.addi %add3A_465, %and3A_471 : vector<16xi32>
    %swap3A_473 = arith.constant 80 : index
    %swap3A_474 = tpu.vector_load %arg6[%swap3A_473] {strides = array<i32>} : memref<768xi32, #tpu.memory_space<vmem>>, vector<16xi32>,
    tpu.vector_store %arg6[%swap3A_473], %add3A_472 {strides = array<i32>} : memref<768xi32, #tpu.memory_space<vmem>>, vector<16xi32>,
    %add3A_475 = arith.constant 257 : i32
    %add3A_476 = vector.broadcast %add3A_475 : i32 to vector<16xi32>
    %add3A_477 = arith.addi %shift_right_arithmetic3A_3, %add3A_476 : vector<16xi32>
    %mul3A_478 = arith.constant 8 : i32
    %mul3A_479 = vector.broadcast %mul3A_478 : i32 to vector<16xi32>
    %mul3A_480 = arith.muli %iota3A, %mul3A_479 : vector<16xi32>
    %add3A_481 = arith.addi %add3A_477, %mul3A_480 : vector<16xi32>
    %ge3A_482 = arith.constant 262144 : i32
    %ge3A_483 = vector.broadcast %ge3A_482 : i32 to vector<16xi32>
    %ge3A_484 = arith.cmpi sge, %add3A_481, %ge3A_483 : vector<16xi32>
    %sub3A_485 = arith.constant 262144 : i32
    %sub3A_486 = vector.broadcast %sub3A_485 : i32 to vector<16xi32>
    %sub3A_487 = arith.subi %add3A_481, %sub3A_486 : vector<16xi32>
    %select_n3A_488 = arith.select %ge3A_484, %sub3A_487, %add3A_481 : vector<16xi1>, vector<16xi32>
    %shift_right_arithmetic3A_489 = arith.constant 6 : i32
    %shift_right_arithmetic3A_490 = vector.broadcast %shift_right_arithmetic3A_489 : i32 to vector<16xi32>
    %shift_right_arithmetic3A_491 = arith.shrsi %select_n3A_488, %shift_right_arithmetic3A_490 : vector<16xi32>
    %shift_left3A_492 = arith.constant 6 : i32
    %shift_left3A_493 = vector.broadcast %shift_left3A_492 : i32 to vector<16xi32>
    %shift_left3A_494 = arith.shli %shift_right_arithmetic3A_491, %shift_left3A_493 : vector<16xi32>
    %and3A_495 = arith.constant 7 : i32
    %and3A_496 = vector.broadcast %and3A_495 : i32 to vector<16xi32>
    %and3A_497 = arith.andi %select_n3A_488, %and3A_496 : vector<16xi32>
    %shift_left3A_498 = arith.constant 3 : i32
    %shift_left3A_499 = vector.broadcast %shift_left3A_498 : i32 to vector<16xi32>
    %shift_left3A_500 = arith.shli %and3A_497, %shift_left3A_499 : vector<16xi32>
    %add3A_501 = arith.addi %shift_left3A_494, %shift_left3A_500 : vector<16xi32>
    %shift_right_arithmetic3A_502 = arith.constant 3 : i32
    %shift_right_arithmetic3A_503 = vector.broadcast %shift_right_arithmetic3A_502 : i32 to vector<16xi32>
    %shift_right_arithmetic3A_504 = arith.shrsi %select_n3A_488, %shift_right_arithmetic3A_503 : vector<16xi32>
    %and3A_505 = arith.constant 7 : i32
    %and3A_506 = vector.broadcast %and3A_505 : i32 to vector<16xi32>
    %and3A_507 = arith.andi %shift_right_arithmetic3A_504, %and3A_506 : vector<16xi32>
    %add3A_508 = arith.addi %add3A_501, %and3A_507 : vector<16xi32>
    %swap3A_509 = arith.constant 96 : index
    %swap3A_510 = tpu.vector_load %arg6[%swap3A_509] {strides = array<i32>} : memref<768xi32, #tpu.memory_space<vmem>>, vector<16xi32>,
    tpu.vector_store %arg6[%swap3A_509], %add3A_508 {strides = array<i32>} : memref<768xi32, #tpu.memory_space<vmem>>, vector<16xi32>,
    %add3A_511 = arith.constant 385 : i32
    %add3A_512 = vector.broadcast %add3A_511 : i32 to vector<16xi32>
    %add3A_513 = arith.addi %shift_right_arithmetic3A_3, %add3A_512 : vector<16xi32>
    %mul3A_514 = arith.constant 8 : i32
    %mul3A_515 = vector.broadcast %mul3A_514 : i32 to vector<16xi32>
    %mul3A_516 = arith.muli %iota3A, %mul3A_515 : vector<16xi32>
    %add3A_517 = arith.addi %add3A_513, %mul3A_516 : vector<16xi32>
    %ge3A_518 = arith.constant 262144 : i32
    %ge3A_519 = vector.broadcast %ge3A_518 : i32 to vector<16xi32>
    %ge3A_520 = arith.cmpi sge, %add3A_517, %ge3A_519 : vector<16xi32>
    %sub3A_521 = arith.constant 262144 : i32
    %sub3A_522 = vector.broadcast %sub3A_521 : i32 to vector<16xi32>
    %sub3A_523 = arith.subi %add3A_517, %sub3A_522 : vector<16xi32>
    %select_n3A_524 = arith.select %ge3A_520, %sub3A_523, %add3A_517 : vector<16xi1>, vector<16xi32>
    %shift_right_arithmetic3A_525 = arith.constant 6 : i32
    %shift_right_arithmetic3A_526 = vector.broadcast %shift_right_arithmetic3A_525 : i32 to vector<16xi32>
    %shift_right_arithmetic3A_527 = arith.shrsi %select_n3A_524, %shift_right_arithmetic3A_526 : vector<16xi32>
    %shift_left3A_528 = arith.constant 6 : i32
    %shift_left3A_529 = vector.broadcast %shift_left3A_528 : i32 to vector<16xi32>
    %shift_left3A_530 = arith.shli %shift_right_arithmetic3A_527, %shift_left3A_529 : vector<16xi32>
    %and3A_531 = arith.constant 7 : i32
    %and3A_532 = vector.broadcast %and3A_531 : i32 to vector<16xi32>
    %and3A_533 = arith.andi %select_n3A_524, %and3A_532 : vector<16xi32>
    %shift_left3A_534 = arith.constant 3 : i32
    %shift_left3A_535 = vector.broadcast %shift_left3A_534 : i32 to vector<16xi32>
    %shift_left3A_536 = arith.shli %and3A_533, %shift_left3A_535 : vector<16xi32>
    %add3A_537 = arith.addi %shift_left3A_530, %shift_left3A_536 : vector<16xi32>
    %shift_right_arithmetic3A_538 = arith.constant 3 : i32
    %shift_right_arithmetic3A_539 = vector.broadcast %shift_right_arithmetic3A_538 : i32 to vector<16xi32>
    %shift_right_arithmetic3A_540 = arith.shrsi %select_n3A_524, %shift_right_arithmetic3A_539 : vector<16xi32>
    %and3A_541 = arith.constant 7 : i32
    %and3A_542 = vector.broadcast %and3A_541 : i32 to vector<16xi32>
    %and3A_543 = arith.andi %shift_right_arithmetic3A_540, %and3A_542 : vector<16xi32>
    %add3A_544 = arith.addi %add3A_537, %and3A_543 : vector<16xi32>
    %swap3A_545 = arith.constant 112 : index
    %swap3A_546 = tpu.vector_load %arg6[%swap3A_545] {strides = array<i32>} : memref<768xi32, #tpu.memory_space<vmem>>, vector<16xi32>,
    tpu.vector_store %arg6[%swap3A_545], %add3A_544 {strides = array<i32>} : memref<768xi32, #tpu.memory_space<vmem>>, vector<16xi32>,
    %add3A_547 = arith.constant 2 : i32
    %add3A_548 = vector.broadcast %add3A_547 : i32 to vector<16xi32>
    %add3A_549 = arith.addi %shift_right_arithmetic3A_3, %add3A_548 : vector<16xi32>
    %mul3A_550 = arith.constant 8 : i32
    %mul3A_551 = vector.broadcast %mul3A_550 : i32 to vector<16xi32>
    %mul3A_552 = arith.muli %iota3A, %mul3A_551 : vector<16xi32>
    %add3A_553 = arith.addi %add3A_549, %mul3A_552 : vector<16xi32>
    %ge3A_554 = arith.constant 262144 : i32
    %ge3A_555 = vector.broadcast %ge3A_554 : i32 to vector<16xi32>
    %ge3A_556 = arith.cmpi sge, %add3A_553, %ge3A_555 : vector<16xi32>
    %sub3A_557 = arith.constant 262144 : i32
    %sub3A_558 = vector.broadcast %sub3A_557 : i32 to vector<16xi32>
    %sub3A_559 = arith.subi %add3A_553, %sub3A_558 : vector<16xi32>
    %select_n3A_560 = arith.select %ge3A_556, %sub3A_559, %add3A_553 : vector<16xi1>, vector<16xi32>
    %shift_right_arithmetic3A_561 = arith.constant 6 : i32
    %shift_right_arithmetic3A_562 = vector.broadcast %shift_right_arithmetic3A_561 : i32 to vector<16xi32>
    %shift_right_arithmetic3A_563 = arith.shrsi %select_n3A_560, %shift_right_arithmetic3A_562 : vector<16xi32>
    %shift_left3A_564 = arith.constant 6 : i32
    %shift_left3A_565 = vector.broadcast %shift_left3A_564 : i32 to vector<16xi32>
    %shift_left3A_566 = arith.shli %shift_right_arithmetic3A_563, %shift_left3A_565 : vector<16xi32>
    %and3A_567 = arith.constant 7 : i32
    %and3A_568 = vector.broadcast %and3A_567 : i32 to vector<16xi32>
    %and3A_569 = arith.andi %select_n3A_560, %and3A_568 : vector<16xi32>
    %shift_left3A_570 = arith.constant 3 : i32
    %shift_left3A_571 = vector.broadcast %shift_left3A_570 : i32 to vector<16xi32>
    %shift_left3A_572 = arith.shli %and3A_569, %shift_left3A_571 : vector<16xi32>
    %add3A_573 = arith.addi %shift_left3A_566, %shift_left3A_572 : vector<16xi32>
    %shift_right_arithmetic3A_574 = arith.constant 3 : i32
    %shift_right_arithmetic3A_575 = vector.broadcast %shift_right_arithmetic3A_574 : i32 to vector<16xi32>
    %shift_right_arithmetic3A_576 = arith.shrsi %select_n3A_560, %shift_right_arithmetic3A_575 : vector<16xi32>
    %and3A_577 = arith.constant 7 : i32
    %and3A_578 = vector.broadcast %and3A_577 : i32 to vector<16xi32>
    %and3A_579 = arith.andi %shift_right_arithmetic3A_576, %and3A_578 : vector<16xi32>
    %add3A_580 = arith.addi %add3A_573, %and3A_579 : vector<16xi32>
    %swap3A_581 = arith.constant 128 : index
    %swap3A_582 = tpu.vector_load %arg6[%swap3A_581] {strides = array<i32>} : memref<768xi32, #tpu.memory_space<vmem>>, vector<16xi32>,
    tpu.vector_store %arg6[%swap3A_581], %add3A_580 {strides = array<i32>} : memref<768xi32, #tpu.memory_space<vmem>>, vector<16xi32>,
    %add3A_583 = arith.constant 130 : i32
    %add3A_584 = vector.broadcast %add3A_583 : i32 to vector<16xi32>
    %add3A_585 = arith.addi %shift_right_arithmetic3A_3, %add3A_584 : vector<16xi32>
    %mul3A_586 = arith.constant 8 : i32
    %mul3A_587 = vector.broadcast %mul3A_586 : i32 to vector<16xi32>
    %mul3A_588 = arith.muli %iota3A, %mul3A_587 : vector<16xi32>
    %add3A_589 = arith.addi %add3A_585, %mul3A_588 : vector<16xi32>
    %ge3A_590 = arith.constant 262144 : i32
    %ge3A_591 = vector.broadcast %ge3A_590 : i32 to vector<16xi32>
    %ge3A_592 = arith.cmpi sge, %add3A_589, %ge3A_591 : vector<16xi32>
    %sub3A_593 = arith.constant 262144 : i32
    %sub3A_594 = vector.broadcast %sub3A_593 : i32 to vector<16xi32>
    %sub3A_595 = arith.subi %add3A_589, %sub3A_594 : vector<16xi32>
    %select_n3A_596 = arith.select %ge3A_592, %sub3A_595, %add3A_589 : vector<16xi1>, vector<16xi32>
    %shift_right_arithmetic3A_597 = arith.constant 6 : i32
    %shift_right_arithmetic3A_598 = vector.broadcast %shift_right_arithmetic3A_597 : i32 to vector<16xi32>
    %shift_right_arithmetic3A_599 = arith.shrsi %select_n3A_596, %shift_right_arithmetic3A_598 : vector<16xi32>
    %shift_left3A_600 = arith.constant 6 : i32
    %shift_left3A_601 = vector.broadcast %shift_left3A_600 : i32 to vector<16xi32>
    %shift_left3A_602 = arith.shli %shift_right_arithmetic3A_599, %shift_left3A_601 : vector<16xi32>
    %and3A_603 = arith.constant 7 : i32
    %and3A_604 = vector.broadcast %and3A_603 : i32 to vector<16xi32>
    %and3A_605 = arith.andi %select_n3A_596, %and3A_604 : vector<16xi32>
    %shift_left3A_606 = arith.constant 3 : i32
    %shift_left3A_607 = vector.broadcast %shift_left3A_606 : i32 to vector<16xi32>
    %shift_left3A_608 = arith.shli %and3A_605, %shift_left3A_607 : vector<16xi32>
    %add3A_609 = arith.addi %shift_left3A_602, %shift_left3A_608 : vector<16xi32>
    %shift_right_arithmetic3A_610 = arith.constant 3 : i32
    %shift_right_arithmetic3A_611 = vector.broadcast %shift_right_arithmetic3A_610 : i32 to vector<16xi32>
    %shift_right_arithmetic3A_612 = arith.shrsi %select_n3A_596, %shift_right_arithmetic3A_611 : vector<16xi32>
    %and3A_613 = arith.constant 7 : i32
    %and3A_614 = vector.broadcast %and3A_613 : i32 to vector<16xi32>
    %and3A_615 = arith.andi %shift_right_arithmetic3A_612, %and3A_614 : vector<16xi32>
    %add3A_616 = arith.addi %add3A_609, %and3A_615 : vector<16xi32>
    %swap3A_617 = arith.constant 144 : index
    %swap3A_618 = tpu.vector_load %arg6[%swap3A_617] {strides = array<i32>} : memref<768xi32, #tpu.memory_space<vmem>>, vector<16xi32>,
    tpu.vector_store %arg6[%swap3A_617], %add3A_616 {strides = array<i32>} : memref<768xi32, #tpu.memory_space<vmem>>, vector<16xi32>,
    %add3A_619 = arith.constant 258 : i32
    %add3A_620 = vector.broadcast %add3A_619 : i32 to vector<16xi32>
    %add3A_621 = arith.addi %shift_right_arithmetic3A_3, %add3A_620 : vector<16xi32>
    %mul3A_622 = arith.constant 8 : i32
    %mul3A_623 = vector.broadcast %mul3A_622 : i32 to vector<16xi32>
    %mul3A_624 = arith.muli %iota3A, %mul3A_623 : vector<16xi32>
    %add3A_625 = arith.addi %add3A_621, %mul3A_624 : vector<16xi32>
    %ge3A_626 = arith.constant 262144 : i32
    %ge3A_627 = vector.broadcast %ge3A_626 : i32 to vector<16xi32>
    %ge3A_628 = arith.cmpi sge, %add3A_625, %ge3A_627 : vector<16xi32>
    %sub3A_629 = arith.constant 262144 : i32
    %sub3A_630 = vector.broadcast %sub3A_629 : i32 to vector<16xi32>
    %sub3A_631 = arith.subi %add3A_625, %sub3A_630 : vector<16xi32>
    %select_n3A_632 = arith.select %ge3A_628, %sub3A_631, %add3A_625 : vector<16xi1>, vector<16xi32>
    %shift_right_arithmetic3A_633 = arith.constant 6 : i32
    %shift_right_arithmetic3A_634 = vector.broadcast %shift_right_arithmetic3A_633 : i32 to vector<16xi32>
    %shift_right_arithmetic3A_635 = arith.shrsi %select_n3A_632, %shift_right_arithmetic3A_634 : vector<16xi32>
    %shift_left3A_636 = arith.constant 6 : i32
    %shift_left3A_637 = vector.broadcast %shift_left3A_636 : i32 to vector<16xi32>
    %shift_left3A_638 = arith.shli %shift_right_arithmetic3A_635, %shift_left3A_637 : vector<16xi32>
    %and3A_639 = arith.constant 7 : i32
    %and3A_640 = vector.broadcast %and3A_639 : i32 to vector<16xi32>
    %and3A_641 = arith.andi %select_n3A_632, %and3A_640 : vector<16xi32>
    %shift_left3A_642 = arith.constant 3 : i32
    %shift_left3A_643 = vector.broadcast %shift_left3A_642 : i32 to vector<16xi32>
    %shift_left3A_644 = arith.shli %and3A_641, %shift_left3A_643 : vector<16xi32>
    %add3A_645 = arith.addi %shift_left3A_638, %shift_left3A_644 : vector<16xi32>
    %shift_right_arithmetic3A_646 = arith.constant 3 : i32
    %shift_right_arithmetic3A_647 = vector.broadcast %shift_right_arithmetic3A_646 : i32 to vector<16xi32>
    %shift_right_arithmetic3A_648 = arith.shrsi %select_n3A_632, %shift_right_arithmetic3A_647 : vector<16xi32>
    %and3A_649 = arith.constant 7 : i32
    %and3A_650 = vector.broadcast %and3A_649 : i32 to vector<16xi32>
    %and3A_651 = arith.andi %shift_right_arithmetic3A_648, %and3A_650 : vector<16xi32>
    %add3A_652 = arith.addi %add3A_645, %and3A_651 : vector<16xi32>
    %swap3A_653 = arith.constant 160 : index
    %swap3A_654 = tpu.vector_load %arg6[%swap3A_653] {strides = array<i32>} : memref<768xi32, #tpu.memory_space<vmem>>, vector<16xi32>,
    tpu.vector_store %arg6[%swap3A_653], %add3A_652 {strides = array<i32>} : memref<768xi32, #tpu.memory_space<vmem>>, vector<16xi32>,
    %add3A_655 = arith.constant 386 : i32
    %add3A_656 = vector.broadcast %add3A_655 : i32 to vector<16xi32>
    %add3A_657 = arith.addi %shift_right_arithmetic3A_3, %add3A_656 : vector<16xi32>
    %mul3A_658 = arith.constant 8 : i32
    %mul3A_659 = vector.broadcast %mul3A_658 : i32 to vector<16xi32>
    %mul3A_660 = arith.muli %iota3A, %mul3A_659 : vector<16xi32>
    %add3A_661 = arith.addi %add3A_657, %mul3A_660 : vector<16xi32>
    %ge3A_662 = arith.constant 262144 : i32
    %ge3A_663 = vector.broadcast %ge3A_662 : i32 to vector<16xi32>
    %ge3A_664 = arith.cmpi sge, %add3A_661, %ge3A_663 : vector<16xi32>
    %sub3A_665 = arith.constant 262144 : i32
    %sub3A_666 = vector.broadcast %sub3A_665 : i32 to vector<16xi32>
    %sub3A_667 = arith.subi %add3A_661, %sub3A_666 : vector<16xi32>
    %select_n3A_668 = arith.select %ge3A_664, %sub3A_667, %add3A_661 : vector<16xi1>, vector<16xi32>
    %shift_right_arithmetic3A_669 = arith.constant 6 : i32
    %shift_right_arithmetic3A_670 = vector.broadcast %shift_right_arithmetic3A_669 : i32 to vector<16xi32>
    %shift_right_arithmetic3A_671 = arith.shrsi %select_n3A_668, %shift_right_arithmetic3A_670 : vector<16xi32>
    %shift_left3A_672 = arith.constant 6 : i32
    %shift_left3A_673 = vector.broadcast %shift_left3A_672 : i32 to vector<16xi32>
    %shift_left3A_674 = arith.shli %shift_right_arithmetic3A_671, %shift_left3A_673 : vector<16xi32>
    %and3A_675 = arith.constant 7 : i32
    %and3A_676 = vector.broadcast %and3A_675 : i32 to vector<16xi32>
    %and3A_677 = arith.andi %select_n3A_668, %and3A_676 : vector<16xi32>
    %shift_left3A_678 = arith.constant 3 : i32
    %shift_left3A_679 = vector.broadcast %shift_left3A_678 : i32 to vector<16xi32>
    %shift_left3A_680 = arith.shli %and3A_677, %shift_left3A_679 : vector<16xi32>
    %add3A_681 = arith.addi %shift_left3A_674, %shift_left3A_680 : vector<16xi32>
    %shift_right_arithmetic3A_682 = arith.constant 3 : i32
    %shift_right_arithmetic3A_683 = vector.broadcast %shift_right_arithmetic3A_682 : i32 to vector<16xi32>
    %shift_right_arithmetic3A_684 = arith.shrsi %select_n3A_668, %shift_right_arithmetic3A_683 : vector<16xi32>
    %and3A_685 = arith.constant 7 : i32
    %and3A_686 = vector.broadcast %and3A_685 : i32 to vector<16xi32>
    %and3A_687 = arith.andi %shift_right_arithmetic3A_684, %and3A_686 : vector<16xi32>
    %add3A_688 = arith.addi %add3A_681, %and3A_687 : vector<16xi32>
    %swap3A_689 = arith.constant 176 : index
    %swap3A_690 = tpu.vector_load %arg6[%swap3A_689] {strides = array<i32>} : memref<768xi32, #tpu.memory_space<vmem>>, vector<16xi32>,
    tpu.vector_store %arg6[%swap3A_689], %add3A_688 {strides = array<i32>} : memref<768xi32, #tpu.memory_space<vmem>>, vector<16xi32>,
    %dma_start3A = arith.constant 0 : i32
    %dma_start3A_691 = arith.constant 0 : i32
    %dma_start3A_692 = arith.constant 0 : i32
    %dma_start3A_693 = tpu.memref_slice %arg7[%dma_start3A, %dma_start3A_691, %dma_start3A_692] : memref<3x192x128xf32, #tpu.memory_space<vmem>> -> memref<1x192x128xf32, #tpu.memory_space<vmem>>
    %dma_start3A_694 = tpu.memref_squeeze %dma_start3A_693 : memref<1x192x128xf32, #tpu.memory_space<vmem>> -> memref<192x128xf32, #tpu.memory_space<vmem>>
    %dma_start3A_695 = arith.constant 0 : i32
    %dma_start3A_696 = arith.constant 0 : i32
    %dma_start3A_697 = tpu.memref_slice %dma_start3A_694[%dma_start3A_695, %dma_start3A_696] : memref<192x128xf32, #tpu.memory_space<vmem>> -> memref<64x128xf32, #tpu.memory_space<vmem>>
    %dma_start3A_698 = arith.constant 0 : i32
    %dma_start3A_699 = tpu.memref_slice %arg6[%dma_start3A_698] : memref<768xi32, #tpu.memory_space<vmem>> -> memref<64xi32, #tpu.memory_space<vmem>>
    %dma_start3A_700 = arith.constant 0 : i32
    %dma_start3A_701 = arith.constant 0 : i32
    %dma_start3A_702 = tpu.memref_slice %arg2[%dma_start3A_700, %dma_start3A_701] : memref<262144x128xf32, #tpu.memory_space<hbm>> -> memref<262144x128xf32, #tpu.memory_space<hbm>>
    tpu.enqueue_indirect_dma source(%dma_start3A_702 : memref<262144x128xf32, #tpu.memory_space<hbm>>) target(%dma_start3A_697 : memref<64x128xf32, #tpu.memory_space<vmem>>) offsets(%dma_start3A_699 : memref<64xi32, #tpu.memory_space<vmem>>) semaphore(%arg9 : memref<!tpu.dma_semaphore, #tpu.memory_space<semaphore_mem>>)
    %dma_start3A_703 = arith.constant 0 : i32
    %dma_start3A_704 = arith.constant 0 : i32
    %dma_start3A_705 = arith.constant 0 : i32
    %dma_start3A_706 = tpu.memref_slice %arg7[%dma_start3A_703, %dma_start3A_704, %dma_start3A_705] : memref<3x192x128xf32, #tpu.memory_space<vmem>> -> memref<1x192x128xf32, #tpu.memory_space<vmem>>
    %dma_start3A_707 = tpu.memref_squeeze %dma_start3A_706 : memref<1x192x128xf32, #tpu.memory_space<vmem>> -> memref<192x128xf32, #tpu.memory_space<vmem>>
    %dma_start3A_708 = arith.constant 64 : i32
    %dma_start3A_709 = arith.constant 0 : i32
    %dma_start3A_710 = tpu.memref_slice %dma_start3A_707[%dma_start3A_708, %dma_start3A_709] : memref<192x128xf32, #tpu.memory_space<vmem>> -> memref<64x128xf32, #tpu.memory_space<vmem>>
    %dma_start3A_711 = arith.constant 64 : i32
    %dma_start3A_712 = tpu.memref_slice %arg6[%dma_start3A_711] : memref<768xi32, #tpu.memory_space<vmem>> -> memref<64xi32, #tpu.memory_space<vmem>>
    %dma_start3A_713 = arith.constant 0 : i32
    %dma_start3A_714 = arith.constant 0 : i32
    %dma_start3A_715 = tpu.memref_slice %arg2[%dma_start3A_713, %dma_start3A_714] : memref<262144x128xf32, #tpu.memory_space<hbm>> -> memref<262144x128xf32, #tpu.memory_space<hbm>>
    tpu.enqueue_indirect_dma source(%dma_start3A_715 : memref<262144x128xf32, #tpu.memory_space<hbm>>) target(%dma_start3A_710 : memref<64x128xf32, #tpu.memory_space<vmem>>) offsets(%dma_start3A_712 : memref<64xi32, #tpu.memory_space<vmem>>) semaphore(%arg9 : memref<!tpu.dma_semaphore, #tpu.memory_space<semaphore_mem>>)
    %dma_start3A_716 = arith.constant 0 : i32
    %dma_start3A_717 = arith.constant 0 : i32
    %dma_start3A_718 = arith.constant 0 : i32
    %dma_start3A_719 = tpu.memref_slice %arg7[%dma_start3A_716, %dma_start3A_717, %dma_start3A_718] : memref<3x192x128xf32, #tpu.memory_space<vmem>> -> memref<1x192x128xf32, #tpu.memory_space<vmem>>
    %dma_start3A_720 = tpu.memref_squeeze %dma_start3A_719 : memref<1x192x128xf32, #tpu.memory_space<vmem>> -> memref<192x128xf32, #tpu.memory_space<vmem>>
    %dma_start3A_721 = arith.constant 128 : i32
    %dma_start3A_722 = arith.constant 0 : i32
    %dma_start3A_723 = tpu.memref_slice %dma_start3A_720[%dma_start3A_721, %dma_start3A_722] : memref<192x128xf32, #tpu.memory_space<vmem>> -> memref<64x128xf32, #tpu.memory_space<vmem>>
    %dma_start3A_724 = arith.constant 128 : i32
    %dma_start3A_725 = tpu.memref_slice %arg6[%dma_start3A_724] : memref<768xi32, #tpu.memory_space<vmem>> -> memref<64xi32, #tpu.memory_space<vmem>>
    %dma_start3A_726 = arith.constant 0 : i32
    %dma_start3A_727 = arith.constant 0 : i32
    %dma_start3A_728 = tpu.memref_slice %arg2[%dma_start3A_726, %dma_start3A_727] : memref<262144x128xf32, #tpu.memory_space<hbm>> -> memref<262144x128xf32, #tpu.memory_space<hbm>>
    tpu.enqueue_indirect_dma source(%dma_start3A_728 : memref<262144x128xf32, #tpu.memory_space<hbm>>) target(%dma_start3A_723 : memref<64x128xf32, #tpu.memory_space<vmem>>) offsets(%dma_start3A_725 : memref<64xi32, #tpu.memory_space<vmem>>) semaphore(%arg9 : memref<!tpu.dma_semaphore, #tpu.memory_space<semaphore_mem>>)
    %add3A_729 = arith.constant 512 : i32
    %add3A_730 = vector.broadcast %add3A_729 : i32 to vector<16xi32>
    %add3A_731 = arith.addi %shift_right_arithmetic3A_3, %add3A_730 : vector<16xi32>
    %mul3A_732 = arith.constant 8 : i32
    %mul3A_733 = vector.broadcast %mul3A_732 : i32 to vector<16xi32>
    %mul3A_734 = arith.muli %iota3A, %mul3A_733 : vector<16xi32>
    %add3A_735 = arith.addi %add3A_731, %mul3A_734 : vector<16xi32>
    %ge3A_736 = arith.constant 262144 : i32
    %ge3A_737 = vector.broadcast %ge3A_736 : i32 to vector<16xi32>
    %ge3A_738 = arith.cmpi sge, %add3A_735, %ge3A_737 : vector<16xi32>
    %sub3A_739 = arith.constant 262144 : i32
    %sub3A_740 = vector.broadcast %sub3A_739 : i32 to vector<16xi32>
    %sub3A_741 = arith.subi %add3A_735, %sub3A_740 : vector<16xi32>
    %select_n3A_742 = arith.select %ge3A_738, %sub3A_741, %add3A_735 : vector<16xi1>, vector<16xi32>
    %shift_right_arithmetic3A_743 = arith.constant 6 : i32
    %shift_right_arithmetic3A_744 = vector.broadcast %shift_right_arithmetic3A_743 : i32 to vector<16xi32>
    %shift_right_arithmetic3A_745 = arith.shrsi %select_n3A_742, %shift_right_arithmetic3A_744 : vector<16xi32>
    %shift_left3A_746 = arith.constant 6 : i32
    %shift_left3A_747 = vector.broadcast %shift_left3A_746 : i32 to vector<16xi32>
    %shift_left3A_748 = arith.shli %shift_right_arithmetic3A_745, %shift_left3A_747 : vector<16xi32>
    %and3A_749 = arith.constant 7 : i32
    %and3A_750 = vector.broadcast %and3A_749 : i32 to vector<16xi32>
    %and3A_751 = arith.andi %select_n3A_742, %and3A_750 : vector<16xi32>
    %shift_left3A_752 = arith.constant 3 : i32
    %shift_left3A_753 = vector.broadcast %shift_left3A_752 : i32 to vector<16xi32>
    %shift_left3A_754 = arith.shli %and3A_751, %shift_left3A_753 : vector<16xi32>
    %add3A_755 = arith.addi %shift_left3A_748, %shift_left3A_754 : vector<16xi32>
    %shift_right_arithmetic3A_756 = arith.constant 3 : i32
    %shift_right_arithmetic3A_757 = vector.broadcast %shift_right_arithmetic3A_756 : i32 to vector<16xi32>
    %shift_right_arithmetic3A_758 = arith.shrsi %select_n3A_742, %shift_right_arithmetic3A_757 : vector<16xi32>
    %and3A_759 = arith.constant 7 : i32
    %and3A_760 = vector.broadcast %and3A_759 : i32 to vector<16xi32>
    %and3A_761 = arith.andi %shift_right_arithmetic3A_758, %and3A_760 : vector<16xi32>
    %add3A_762 = arith.addi %add3A_755, %and3A_761 : vector<16xi32>
    %swap3A_763 = arith.constant 192 : index
    %swap3A_764 = tpu.vector_load %arg6[%swap3A_763] {strides = array<i32>} : memref<768xi32, #tpu.memory_space<vmem>>, vector<16xi32>,
    tpu.vector_store %arg6[%swap3A_763], %add3A_762 {strides = array<i32>} : memref<768xi32, #tpu.memory_space<vmem>>, vector<16xi32>,
    %add3A_765 = arith.constant 640 : i32
    %add3A_766 = vector.broadcast %add3A_765 : i32 to vector<16xi32>
    %add3A_767 = arith.addi %shift_right_arithmetic3A_3, %add3A_766 : vector<16xi32>
    %mul3A_768 = arith.constant 8 : i32
    %mul3A_769 = vector.broadcast %mul3A_768 : i32 to vector<16xi32>
    %mul3A_770 = arith.muli %iota3A, %mul3A_769 : vector<16xi32>
    %add3A_771 = arith.addi %add3A_767, %mul3A_770 : vector<16xi32>
    %ge3A_772 = arith.constant 262144 : i32
    %ge3A_773 = vector.broadcast %ge3A_772 : i32 to vector<16xi32>
    %ge3A_774 = arith.cmpi sge, %add3A_771, %ge3A_773 : vector<16xi32>
    %sub3A_775 = arith.constant 262144 : i32
    %sub3A_776 = vector.broadcast %sub3A_775 : i32 to vector<16xi32>
    %sub3A_777 = arith.subi %add3A_771, %sub3A_776 : vector<16xi32>
    %select_n3A_778 = arith.select %ge3A_774, %sub3A_777, %add3A_771 : vector<16xi1>, vector<16xi32>
    %shift_right_arithmetic3A_779 = arith.constant 6 : i32
    %shift_right_arithmetic3A_780 = vector.broadcast %shift_right_arithmetic3A_779 : i32 to vector<16xi32>
    %shift_right_arithmetic3A_781 = arith.shrsi %select_n3A_778, %shift_right_arithmetic3A_780 : vector<16xi32>
    %shift_left3A_782 = arith.constant 6 : i32
    %shift_left3A_783 = vector.broadcast %shift_left3A_782 : i32 to vector<16xi32>
    %shift_left3A_784 = arith.shli %shift_right_arithmetic3A_781, %shift_left3A_783 : vector<16xi32>
    %and3A_785 = arith.constant 7 : i32
    %and3A_786 = vector.broadcast %and3A_785 : i32 to vector<16xi32>
    %and3A_787 = arith.andi %select_n3A_778, %and3A_786 : vector<16xi32>
    %shift_left3A_788 = arith.constant 3 : i32
    %shift_left3A_789 = vector.broadcast %shift_left3A_788 : i32 to vector<16xi32>
    %shift_left3A_790 = arith.shli %and3A_787, %shift_left3A_789 : vector<16xi32>
    %add3A_791 = arith.addi %shift_left3A_784, %shift_left3A_790 : vector<16xi32>
    %shift_right_arithmetic3A_792 = arith.constant 3 : i32
    %shift_right_arithmetic3A_793 = vector.broadcast %shift_right_arithmetic3A_792 : i32 to vector<16xi32>
    %shift_right_arithmetic3A_794 = arith.shrsi %select_n3A_778, %shift_right_arithmetic3A_793 : vector<16xi32>
    %and3A_795 = arith.constant 7 : i32
    %and3A_796 = vector.broadcast %and3A_795 : i32 to vector<16xi32>
    %and3A_797 = arith.andi %shift_right_arithmetic3A_794, %and3A_796 : vector<16xi32>
    %add3A_798 = arith.addi %add3A_791, %and3A_797 : vector<16xi32>
    %swap3A_799 = arith.constant 208 : index
    %swap3A_800 = tpu.vector_load %arg6[%swap3A_799] {strides = array<i32>} : memref<768xi32, #tpu.memory_space<vmem>>, vector<16xi32>,
    tpu.vector_store %arg6[%swap3A_799], %add3A_798 {strides = array<i32>} : memref<768xi32, #tpu.memory_space<vmem>>, vector<16xi32>,
    %add3A_801 = arith.constant 768 : i32
    %add3A_802 = vector.broadcast %add3A_801 : i32 to vector<16xi32>
    %add3A_803 = arith.addi %shift_right_arithmetic3A_3, %add3A_802 : vector<16xi32>
    %mul3A_804 = arith.constant 8 : i32
    %mul3A_805 = vector.broadcast %mul3A_804 : i32 to vector<16xi32>
    %mul3A_806 = arith.muli %iota3A, %mul3A_805 : vector<16xi32>
    %add3A_807 = arith.addi %add3A_803, %mul3A_806 : vector<16xi32>
    %ge3A_808 = arith.constant 262144 : i32
    %ge3A_809 = vector.broadcast %ge3A_808 : i32 to vector<16xi32>
    %ge3A_810 = arith.cmpi sge, %add3A_807, %ge3A_809 : vector<16xi32>
    %sub3A_811 = arith.constant 262144 : i32
    %sub3A_812 = vector.broadcast %sub3A_811 : i32 to vector<16xi32>
    %sub3A_813 = arith.subi %add3A_807, %sub3A_812 : vector<16xi32>
    %select_n3A_814 = arith.select %ge3A_810, %sub3A_813, %add3A_807 : vector<16xi1>, vector<16xi32>
    %shift_right_arithmetic3A_815 = arith.constant 6 : i32
    %shift_right_arithmetic3A_816 = vector.broadcast %shift_right_arithmetic3A_815 : i32 to vector<16xi32>
    %shift_right_arithmetic3A_817 = arith.shrsi %select_n3A_814, %shift_right_arithmetic3A_816 : vector<16xi32>
    %shift_left3A_818 = arith.constant 6 : i32
    %shift_left3A_819 = vector.broadcast %shift_left3A_818 : i32 to vector<16xi32>
    %shift_left3A_820 = arith.shli %shift_right_arithmetic3A_817, %shift_left3A_819 : vector<16xi32>
    %and3A_821 = arith.constant 7 : i32
    %and3A_822 = vector.broadcast %and3A_821 : i32 to vector<16xi32>
    %and3A_823 = arith.andi %select_n3A_814, %and3A_822 : vector<16xi32>
    %shift_left3A_824 = arith.constant 3 : i32
    %shift_left3A_825 = vector.broadcast %shift_left3A_824 : i32 to vector<16xi32>
    %shift_left3A_826 = arith.shli %and3A_823, %shift_left3A_825 : vector<16xi32>
    %add3A_827 = arith.addi %shift_left3A_820, %shift_left3A_826 : vector<16xi32>
    %shift_right_arithmetic3A_828 = arith.constant 3 : i32
    %shift_right_arithmetic3A_829 = vector.broadcast %shift_right_arithmetic3A_828 : i32 to vector<16xi32>
    %shift_right_arithmetic3A_830 = arith.shrsi %select_n3A_814, %shift_right_arithmetic3A_829 : vector<16xi32>
    %and3A_831 = arith.constant 7 : i32
    %and3A_832 = vector.broadcast %and3A_831 : i32 to vector<16xi32>
    %and3A_833 = arith.andi %shift_right_arithmetic3A_830, %and3A_832 : vector<16xi32>
    %add3A_834 = arith.addi %add3A_827, %and3A_833 : vector<16xi32>
    %swap3A_835 = arith.constant 224 : index
    %swap3A_836 = tpu.vector_load %arg6[%swap3A_835] {strides = array<i32>} : memref<768xi32, #tpu.memory_space<vmem>>, vector<16xi32>,
    tpu.vector_store %arg6[%swap3A_835], %add3A_834 {strides = array<i32>} : memref<768xi32, #tpu.memory_space<vmem>>, vector<16xi32>,
    %add3A_837 = arith.constant 896 : i32
    %add3A_838 = vector.broadcast %add3A_837 : i32 to vector<16xi32>
    %add3A_839 = arith.addi %shift_right_arithmetic3A_3, %add3A_838 : vector<16xi32>
    %mul3A_840 = arith.constant 8 : i32
    %mul3A_841 = vector.broadcast %mul3A_840 : i32 to vector<16xi32>
    %mul3A_842 = arith.muli %iota3A, %mul3A_841 : vector<16xi32>
    %add3A_843 = arith.addi %add3A_839, %mul3A_842 : vector<16xi32>
    %ge3A_844 = arith.constant 262144 : i32
    %ge3A_845 = vector.broadcast %ge3A_844 : i32 to vector<16xi32>
    %ge3A_846 = arith.cmpi sge, %add3A_843, %ge3A_845 : vector<16xi32>
    %sub3A_847 = arith.constant 262144 : i32
    %sub3A_848 = vector.broadcast %sub3A_847 : i32 to vector<16xi32>
    %sub3A_849 = arith.subi %add3A_843, %sub3A_848 : vector<16xi32>
    %select_n3A_850 = arith.select %ge3A_846, %sub3A_849, %add3A_843 : vector<16xi1>, vector<16xi32>
    %shift_right_arithmetic3A_851 = arith.constant 6 : i32
    %shift_right_arithmetic3A_852 = vector.broadcast %shift_right_arithmetic3A_851 : i32 to vector<16xi32>
    %shift_right_arithmetic3A_853 = arith.shrsi %select_n3A_850, %shift_right_arithmetic3A_852 : vector<16xi32>
    %shift_left3A_854 = arith.constant 6 : i32
    %shift_left3A_855 = vector.broadcast %shift_left3A_854 : i32 to vector<16xi32>
    %shift_left3A_856 = arith.shli %shift_right_arithmetic3A_853, %shift_left3A_855 : vector<16xi32>
    %and3A_857 = arith.constant 7 : i32
    %and3A_858 = vector.broadcast %and3A_857 : i32 to vector<16xi32>
    %and3A_859 = arith.andi %select_n3A_850, %and3A_858 : vector<16xi32>
    %shift_left3A_860 = arith.constant 3 : i32
    %shift_left3A_861 = vector.broadcast %shift_left3A_860 : i32 to vector<16xi32>
    %shift_left3A_862 = arith.shli %and3A_859, %shift_left3A_861 : vector<16xi32>
    %add3A_863 = arith.addi %shift_left3A_856, %shift_left3A_862 : vector<16xi32>
    %shift_right_arithmetic3A_864 = arith.constant 3 : i32
    %shift_right_arithmetic3A_865 = vector.broadcast %shift_right_arithmetic3A_864 : i32 to vector<16xi32>
    %shift_right_arithmetic3A_866 = arith.shrsi %select_n3A_850, %shift_right_arithmetic3A_865 : vector<16xi32>
    %and3A_867 = arith.constant 7 : i32
    %and3A_868 = vector.broadcast %and3A_867 : i32 to vector<16xi32>
    %and3A_869 = arith.andi %shift_right_arithmetic3A_866, %and3A_868 : vector<16xi32>
    %add3A_870 = arith.addi %add3A_863, %and3A_869 : vector<16xi32>
    %swap3A_871 = arith.constant 240 : index
    %swap3A_872 = tpu.vector_load %arg6[%swap3A_871] {strides = array<i32>} : memref<768xi32, #tpu.memory_space<vmem>>, vector<16xi32>,
    tpu.vector_store %arg6[%swap3A_871], %add3A_870 {strides = array<i32>} : memref<768xi32, #tpu.memory_space<vmem>>, vector<16xi32>,
    %add3A_873 = arith.constant 513 : i32
    %add3A_874 = vector.broadcast %add3A_873 : i32 to vector<16xi32>
    %add3A_875 = arith.addi %shift_right_arithmetic3A_3, %add3A_874 : vector<16xi32>
    %mul3A_876 = arith.constant 8 : i32
    %mul3A_877 = vector.broadcast %mul3A_876 : i32 to vector<16xi32>
    %mul3A_878 = arith.muli %iota3A, %mul3A_877 : vector<16xi32>
    %add3A_879 = arith.addi %add3A_875, %mul3A_878 : vector<16xi32>
    %ge3A_880 = arith.constant 262144 : i32
    %ge3A_881 = vector.broadcast %ge3A_880 : i32 to vector<16xi32>
    %ge3A_882 = arith.cmpi sge, %add3A_879, %ge3A_881 : vector<16xi32>
    %sub3A_883 = arith.constant 262144 : i32
    %sub3A_884 = vector.broadcast %sub3A_883 : i32 to vector<16xi32>
    %sub3A_885 = arith.subi %add3A_879, %sub3A_884 : vector<16xi32>
    %select_n3A_886 = arith.select %ge3A_882, %sub3A_885, %add3A_879 : vector<16xi1>, vector<16xi32>
    %shift_right_arithmetic3A_887 = arith.constant 6 : i32
    %shift_right_arithmetic3A_888 = vector.broadcast %shift_right_arithmetic3A_887 : i32 to vector<16xi32>
    %shift_right_arithmetic3A_889 = arith.shrsi %select_n3A_886, %shift_right_arithmetic3A_888 : vector<16xi32>
    %shift_left3A_890 = arith.constant 6 : i32
    %shift_left3A_891 = vector.broadcast %shift_left3A_890 : i32 to vector<16xi32>
    %shift_left3A_892 = arith.shli %shift_right_arithmetic3A_889, %shift_left3A_891 : vector<16xi32>
    %and3A_893 = arith.constant 7 : i32
    %and3A_894 = vector.broadcast %and3A_893 : i32 to vector<16xi32>
    %and3A_895 = arith.andi %select_n3A_886, %and3A_894 : vector<16xi32>
    %shift_left3A_896 = arith.constant 3 : i32
    %shift_left3A_897 = vector.broadcast %shift_left3A_896 : i32 to vector<16xi32>
    %shift_left3A_898 = arith.shli %and3A_895, %shift_left3A_897 : vector<16xi32>
    %add3A_899 = arith.addi %shift_left3A_892, %shift_left3A_898 : vector<16xi32>
    %shift_right_arithmetic3A_900 = arith.constant 3 : i32
    %shift_right_arithmetic3A_901 = vector.broadcast %shift_right_arithmetic3A_900 : i32 to vector<16xi32>
    %shift_right_arithmetic3A_902 = arith.shrsi %select_n3A_886, %shift_right_arithmetic3A_901 : vector<16xi32>
    %and3A_903 = arith.constant 7 : i32
    %and3A_904 = vector.broadcast %and3A_903 : i32 to vector<16xi32>
    %and3A_905 = arith.andi %shift_right_arithmetic3A_902, %and3A_904 : vector<16xi32>
    %add3A_906 = arith.addi %add3A_899, %and3A_905 : vector<16xi32>
    %swap3A_907 = arith.constant 256 : index
    %swap3A_908 = tpu.vector_load %arg6[%swap3A_907] {strides = array<i32>} : memref<768xi32, #tpu.memory_space<vmem>>, vector<16xi32>,
    tpu.vector_store %arg6[%swap3A_907], %add3A_906 {strides = array<i32>} : memref<768xi32, #tpu.memory_space<vmem>>, vector<16xi32>,
    %add3A_909 = arith.constant 641 : i32
    %add3A_910 = vector.broadcast %add3A_909 : i32 to vector<16xi32>
    %add3A_911 = arith.addi %shift_right_arithmetic3A_3, %add3A_910 : vector<16xi32>
    %mul3A_912 = arith.constant 8 : i32
    %mul3A_913 = vector.broadcast %mul3A_912 : i32 to vector<16xi32>
    %mul3A_914 = arith.muli %iota3A, %mul3A_913 : vector<16xi32>
    %add3A_915 = arith.addi %add3A_911, %mul3A_914 : vector<16xi32>
    %ge3A_916 = arith.constant 262144 : i32
    %ge3A_917 = vector.broadcast %ge3A_916 : i32 to vector<16xi32>
    %ge3A_918 = arith.cmpi sge, %add3A_915, %ge3A_917 : vector<16xi32>
    %sub3A_919 = arith.constant 262144 : i32
    %sub3A_920 = vector.broadcast %sub3A_919 : i32 to vector<16xi32>
    %sub3A_921 = arith.subi %add3A_915, %sub3A_920 : vector<16xi32>
    %select_n3A_922 = arith.select %ge3A_918, %sub3A_921, %add3A_915 : vector<16xi1>, vector<16xi32>
    %shift_right_arithmetic3A_923 = arith.constant 6 : i32
    %shift_right_arithmetic3A_924 = vector.broadcast %shift_right_arithmetic3A_923 : i32 to vector<16xi32>
    %shift_right_arithmetic3A_925 = arith.shrsi %select_n3A_922, %shift_right_arithmetic3A_924 : vector<16xi32>
    %shift_left3A_926 = arith.constant 6 : i32
    %shift_left3A_927 = vector.broadcast %shift_left3A_926 : i32 to vector<16xi32>
    %shift_left3A_928 = arith.shli %shift_right_arithmetic3A_925, %shift_left3A_927 : vector<16xi32>
    %and3A_929 = arith.constant 7 : i32
    %and3A_930 = vector.broadcast %and3A_929 : i32 to vector<16xi32>
    %and3A_931 = arith.andi %select_n3A_922, %and3A_930 : vector<16xi32>
    %shift_left3A_932 = arith.constant 3 : i32
    %shift_left3A_933 = vector.broadcast %shift_left3A_932 : i32 to vector<16xi32>
    %shift_left3A_934 = arith.shli %and3A_931, %shift_left3A_933 : vector<16xi32>
    %add3A_935 = arith.addi %shift_left3A_928, %shift_left3A_934 : vector<16xi32>
    %shift_right_arithmetic3A_936 = arith.constant 3 : i32
    %shift_right_arithmetic3A_937 = vector.broadcast %shift_right_arithmetic3A_936 : i32 to vector<16xi32>
    %shift_right_arithmetic3A_938 = arith.shrsi %select_n3A_922, %shift_right_arithmetic3A_937 : vector<16xi32>
    %and3A_939 = arith.constant 7 : i32
    %and3A_940 = vector.broadcast %and3A_939 : i32 to vector<16xi32>
    %and3A_941 = arith.andi %shift_right_arithmetic3A_938, %and3A_940 : vector<16xi32>
    %add3A_942 = arith.addi %add3A_935, %and3A_941 : vector<16xi32>
    %swap3A_943 = arith.constant 272 : index
    %swap3A_944 = tpu.vector_load %arg6[%swap3A_943] {strides = array<i32>} : memref<768xi32, #tpu.memory_space<vmem>>, vector<16xi32>,
    tpu.vector_store %arg6[%swap3A_943], %add3A_942 {strides = array<i32>} : memref<768xi32, #tpu.memory_space<vmem>>, vector<16xi32>,
    %add3A_945 = arith.constant 769 : i32
    %add3A_946 = vector.broadcast %add3A_945 : i32 to vector<16xi32>
    %add3A_947 = arith.addi %shift_right_arithmetic3A_3, %add3A_946 : vector<16xi32>
    %mul3A_948 = arith.constant 8 : i32
    %mul3A_949 = vector.broadcast %mul3A_948 : i32 to vector<16xi32>
    %mul3A_950 = arith.muli %iota3A, %mul3A_949 : vector<16xi32>
    %add3A_951 = arith.addi %add3A_947, %mul3A_950 : vector<16xi32>
    %ge3A_952 = arith.constant 262144 : i32
    %ge3A_953 = vector.broadcast %ge3A_952 : i32 to vector<16xi32>
    %ge3A_954 = arith.cmpi sge, %add3A_951, %ge3A_953 : vector<16xi32>
    %sub3A_955 = arith.constant 262144 : i32
    %sub3A_956 = vector.broadcast %sub3A_955 : i32 to vector<16xi32>
    %sub3A_957 = arith.subi %add3A_951, %sub3A_956 : vector<16xi32>
    %select_n3A_958 = arith.select %ge3A_954, %sub3A_957, %add3A_951 : vector<16xi1>, vector<16xi32>
    %shift_right_arithmetic3A_959 = arith.constant 6 : i32
    %shift_right_arithmetic3A_960 = vector.broadcast %shift_right_arithmetic3A_959 : i32 to vector<16xi32>
    %shift_right_arithmetic3A_961 = arith.shrsi %select_n3A_958, %shift_right_arithmetic3A_960 : vector<16xi32>
    %shift_left3A_962 = arith.constant 6 : i32
    %shift_left3A_963 = vector.broadcast %shift_left3A_962 : i32 to vector<16xi32>
    %shift_left3A_964 = arith.shli %shift_right_arithmetic3A_961, %shift_left3A_963 : vector<16xi32>
    %and3A_965 = arith.constant 7 : i32
    %and3A_966 = vector.broadcast %and3A_965 : i32 to vector<16xi32>
    %and3A_967 = arith.andi %select_n3A_958, %and3A_966 : vector<16xi32>
    %shift_left3A_968 = arith.constant 3 : i32
    %shift_left3A_969 = vector.broadcast %shift_left3A_968 : i32 to vector<16xi32>
    %shift_left3A_970 = arith.shli %and3A_967, %shift_left3A_969 : vector<16xi32>
    %add3A_971 = arith.addi %shift_left3A_964, %shift_left3A_970 : vector<16xi32>
    %shift_right_arithmetic3A_972 = arith.constant 3 : i32
    %shift_right_arithmetic3A_973 = vector.broadcast %shift_right_arithmetic3A_972 : i32 to vector<16xi32>
    %shift_right_arithmetic3A_974 = arith.shrsi %select_n3A_958, %shift_right_arithmetic3A_973 : vector<16xi32>
    %and3A_975 = arith.constant 7 : i32
    %and3A_976 = vector.broadcast %and3A_975 : i32 to vector<16xi32>
    %and3A_977 = arith.andi %shift_right_arithmetic3A_974, %and3A_976 : vector<16xi32>
    %add3A_978 = arith.addi %add3A_971, %and3A_977 : vector<16xi32>
    %swap3A_979 = arith.constant 288 : index
    %swap3A_980 = tpu.vector_load %arg6[%swap3A_979] {strides = array<i32>} : memref<768xi32, #tpu.memory_space<vmem>>, vector<16xi32>,
    tpu.vector_store %arg6[%swap3A_979], %add3A_978 {strides = array<i32>} : memref<768xi32, #tpu.memory_space<vmem>>, vector<16xi32>,
    %add3A_981 = arith.constant 897 : i32
    %add3A_982 = vector.broadcast %add3A_981 : i32 to vector<16xi32>
    %add3A_983 = arith.addi %shift_right_arithmetic3A_3, %add3A_982 : vector<16xi32>
    %mul3A_984 = arith.constant 8 : i32
    %mul3A_985 = vector.broadcast %mul3A_984 : i32 to vector<16xi32>
    %mul3A_986 = arith.muli %iota3A, %mul3A_985 : vector<16xi32>
    %add3A_987 = arith.addi %add3A_983, %mul3A_986 : vector<16xi32>
    %ge3A_988 = arith.constant 262144 : i32
    %ge3A_989 = vector.broadcast %ge3A_988 : i32 to vector<16xi32>
    %ge3A_990 = arith.cmpi sge, %add3A_987, %ge3A_989 : vector<16xi32>
    %sub3A_991 = arith.constant 262144 : i32
    %sub3A_992 = vector.broadcast %sub3A_991 : i32 to vector<16xi32>
    %sub3A_993 = arith.subi %add3A_987, %sub3A_992 : vector<16xi32>
    %select_n3A_994 = arith.select %ge3A_990, %sub3A_993, %add3A_987 : vector<16xi1>, vector<16xi32>
    %shift_right_arithmetic3A_995 = arith.constant 6 : i32
    %shift_right_arithmetic3A_996 = vector.broadcast %shift_right_arithmetic3A_995 : i32 to vector<16xi32>
    %shift_right_arithmetic3A_997 = arith.shrsi %select_n3A_994, %shift_right_arithmetic3A_996 : vector<16xi32>
    %shift_left3A_998 = arith.constant 6 : i32
    %shift_left3A_999 = vector.broadcast %shift_left3A_998 : i32 to vector<16xi32>
    %shift_left3A_1000 = arith.shli %shift_right_arithmetic3A_997, %shift_left3A_999 : vector<16xi32>
    %and3A_1001 = arith.constant 7 : i32
    %and3A_1002 = vector.broadcast %and3A_1001 : i32 to vector<16xi32>
    %and3A_1003 = arith.andi %select_n3A_994, %and3A_1002 : vector<16xi32>
    %shift_left3A_1004 = arith.constant 3 : i32
    %shift_left3A_1005 = vector.broadcast %shift_left3A_1004 : i32 to vector<16xi32>
    %shift_left3A_1006 = arith.shli %and3A_1003, %shift_left3A_1005 : vector<16xi32>
    %add3A_1007 = arith.addi %shift_left3A_1000, %shift_left3A_1006 : vector<16xi32>
    %shift_right_arithmetic3A_1008 = arith.constant 3 : i32
    %shift_right_arithmetic3A_1009 = vector.broadcast %shift_right_arithmetic3A_1008 : i32 to vector<16xi32>
    %shift_right_arithmetic3A_1010 = arith.shrsi %select_n3A_994, %shift_right_arithmetic3A_1009 : vector<16xi32>
    %and3A_1011 = arith.constant 7 : i32
    %and3A_1012 = vector.broadcast %and3A_1011 : i32 to vector<16xi32>
    %and3A_1013 = arith.andi %shift_right_arithmetic3A_1010, %and3A_1012 : vector<16xi32>
    %add3A_1014 = arith.addi %add3A_1007, %and3A_1013 : vector<16xi32>
    %swap3A_1015 = arith.constant 304 : index
    %swap3A_1016 = tpu.vector_load %arg6[%swap3A_1015] {strides = array<i32>} : memref<768xi32, #tpu.memory_space<vmem>>, vector<16xi32>,
    tpu.vector_store %arg6[%swap3A_1015], %add3A_1014 {strides = array<i32>} : memref<768xi32, #tpu.memory_space<vmem>>, vector<16xi32>,
    %add3A_1017 = arith.constant 514 : i32
    %add3A_1018 = vector.broadcast %add3A_1017 : i32 to vector<16xi32>
    %add3A_1019 = arith.addi %shift_right_arithmetic3A_3, %add3A_1018 : vector<16xi32>
    %mul3A_1020 = arith.constant 8 : i32
    %mul3A_1021 = vector.broadcast %mul3A_1020 : i32 to vector<16xi32>
    %mul3A_1022 = arith.muli %iota3A, %mul3A_1021 : vector<16xi32>
    %add3A_1023 = arith.addi %add3A_1019, %mul3A_1022 : vector<16xi32>
    %ge3A_1024 = arith.constant 262144 : i32
    %ge3A_1025 = vector.broadcast %ge3A_1024 : i32 to vector<16xi32>
    %ge3A_1026 = arith.cmpi sge, %add3A_1023, %ge3A_1025 : vector<16xi32>
    %sub3A_1027 = arith.constant 262144 : i32
    %sub3A_1028 = vector.broadcast %sub3A_1027 : i32 to vector<16xi32>
    %sub3A_1029 = arith.subi %add3A_1023, %sub3A_1028 : vector<16xi32>
    %select_n3A_1030 = arith.select %ge3A_1026, %sub3A_1029, %add3A_1023 : vector<16xi1>, vector<16xi32>
    %shift_right_arithmetic3A_1031 = arith.constant 6 : i32
    %shift_right_arithmetic3A_1032 = vector.broadcast %shift_right_arithmetic3A_1031 : i32 to vector<16xi32>
    %shift_right_arithmetic3A_1033 = arith.shrsi %select_n3A_1030, %shift_right_arithmetic3A_1032 : vector<16xi32>
    %shift_left3A_1034 = arith.constant 6 : i32
    %shift_left3A_1035 = vector.broadcast %shift_left3A_1034 : i32 to vector<16xi32>
    %shift_left3A_1036 = arith.shli %shift_right_arithmetic3A_1033, %shift_left3A_1035 : vector<16xi32>
    %and3A_1037 = arith.constant 7 : i32
    %and3A_1038 = vector.broadcast %and3A_1037 : i32 to vector<16xi32>
    %and3A_1039 = arith.andi %select_n3A_1030, %and3A_1038 : vector<16xi32>
    %shift_left3A_1040 = arith.constant 3 : i32
    %shift_left3A_1041 = vector.broadcast %shift_left3A_1040 : i32 to vector<16xi32>
    %shift_left3A_1042 = arith.shli %and3A_1039, %shift_left3A_1041 : vector<16xi32>
    %add3A_1043 = arith.addi %shift_left3A_1036, %shift_left3A_1042 : vector<16xi32>
    %shift_right_arithmetic3A_1044 = arith.constant 3 : i32
    %shift_right_arithmetic3A_1045 = vector.broadcast %shift_right_arithmetic3A_1044 : i32 to vector<16xi32>
    %shift_right_arithmetic3A_1046 = arith.shrsi %select_n3A_1030, %shift_right_arithmetic3A_1045 : vector<16xi32>
    %and3A_1047 = arith.constant 7 : i32
    %and3A_1048 = vector.broadcast %and3A_1047 : i32 to vector<16xi32>
    %and3A_1049 = arith.andi %shift_right_arithmetic3A_1046, %and3A_1048 : vector<16xi32>
    %add3A_1050 = arith.addi %add3A_1043, %and3A_1049 : vector<16xi32>
    %swap3A_1051 = arith.constant 320 : index
    %swap3A_1052 = tpu.vector_load %arg6[%swap3A_1051] {strides = array<i32>} : memref<768xi32, #tpu.memory_space<vmem>>, vector<16xi32>,
    tpu.vector_store %arg6[%swap3A_1051], %add3A_1050 {strides = array<i32>} : memref<768xi32, #tpu.memory_space<vmem>>, vector<16xi32>,
    %add3A_1053 = arith.constant 642 : i32
    %add3A_1054 = vector.broadcast %add3A_1053 : i32 to vector<16xi32>
    %add3A_1055 = arith.addi %shift_right_arithmetic3A_3, %add3A_1054 : vector<16xi32>
    %mul3A_1056 = arith.constant 8 : i32
    %mul3A_1057 = vector.broadcast %mul3A_1056 : i32 to vector<16xi32>
    %mul3A_1058 = arith.muli %iota3A, %mul3A_1057 : vector<16xi32>
    %add3A_1059 = arith.addi %add3A_1055, %mul3A_1058 : vector<16xi32>
    %ge3A_1060 = arith.constant 262144 : i32
    %ge3A_1061 = vector.broadcast %ge3A_1060 : i32 to vector<16xi32>
    %ge3A_1062 = arith.cmpi sge, %add3A_1059, %ge3A_1061 : vector<16xi32>
    %sub3A_1063 = arith.constant 262144 : i32
    %sub3A_1064 = vector.broadcast %sub3A_1063 : i32 to vector<16xi32>
    %sub3A_1065 = arith.subi %add3A_1059, %sub3A_1064 : vector<16xi32>
    %select_n3A_1066 = arith.select %ge3A_1062, %sub3A_1065, %add3A_1059 : vector<16xi1>, vector<16xi32>
    %shift_right_arithmetic3A_1067 = arith.constant 6 : i32
    %shift_right_arithmetic3A_1068 = vector.broadcast %shift_right_arithmetic3A_1067 : i32 to vector<16xi32>
    %shift_right_arithmetic3A_1069 = arith.shrsi %select_n3A_1066, %shift_right_arithmetic3A_1068 : vector<16xi32>
    %shift_left3A_1070 = arith.constant 6 : i32
    %shift_left3A_1071 = vector.broadcast %shift_left3A_1070 : i32 to vector<16xi32>
    %shift_left3A_1072 = arith.shli %shift_right_arithmetic3A_1069, %shift_left3A_1071 : vector<16xi32>
    %and3A_1073 = arith.constant 7 : i32
    %and3A_1074 = vector.broadcast %and3A_1073 : i32 to vector<16xi32>
    %and3A_1075 = arith.andi %select_n3A_1066, %and3A_1074 : vector<16xi32>
    %shift_left3A_1076 = arith.constant 3 : i32
    %shift_left3A_1077 = vector.broadcast %shift_left3A_1076 : i32 to vector<16xi32>
    %shift_left3A_1078 = arith.shli %and3A_1075, %shift_left3A_1077 : vector<16xi32>
    %add3A_1079 = arith.addi %shift_left3A_1072, %shift_left3A_1078 : vector<16xi32>
    %shift_right_arithmetic3A_1080 = arith.constant 3 : i32
    %shift_right_arithmetic3A_1081 = vector.broadcast %shift_right_arithmetic3A_1080 : i32 to vector<16xi32>
    %shift_right_arithmetic3A_1082 = arith.shrsi %select_n3A_1066, %shift_right_arithmetic3A_1081 : vector<16xi32>
    %and3A_1083 = arith.constant 7 : i32
    %and3A_1084 = vector.broadcast %and3A_1083 : i32 to vector<16xi32>
    %and3A_1085 = arith.andi %shift_right_arithmetic3A_1082, %and3A_1084 : vector<16xi32>
    %add3A_1086 = arith.addi %add3A_1079, %and3A_1085 : vector<16xi32>
    %swap3A_1087 = arith.constant 336 : index
    %swap3A_1088 = tpu.vector_load %arg6[%swap3A_1087] {strides = array<i32>} : memref<768xi32, #tpu.memory_space<vmem>>, vector<16xi32>,
    tpu.vector_store %arg6[%swap3A_1087], %add3A_1086 {strides = array<i32>} : memref<768xi32, #tpu.memory_space<vmem>>, vector<16xi32>,
    %add3A_1089 = arith.constant 770 : i32
    %add3A_1090 = vector.broadcast %add3A_1089 : i32 to vector<16xi32>
    %add3A_1091 = arith.addi %shift_right_arithmetic3A_3, %add3A_1090 : vector<16xi32>
    %mul3A_1092 = arith.constant 8 : i32
    %mul3A_1093 = vector.broadcast %mul3A_1092 : i32 to vector<16xi32>
    %mul3A_1094 = arith.muli %iota3A, %mul3A_1093 : vector<16xi32>
    %add3A_1095 = arith.addi %add3A_1091, %mul3A_1094 : vector<16xi32>
    %ge3A_1096 = arith.constant 262144 : i32
    %ge3A_1097 = vector.broadcast %ge3A_1096 : i32 to vector<16xi32>
    %ge3A_1098 = arith.cmpi sge, %add3A_1095, %ge3A_1097 : vector<16xi32>
    %sub3A_1099 = arith.constant 262144 : i32
    %sub3A_1100 = vector.broadcast %sub3A_1099 : i32 to vector<16xi32>
    %sub3A_1101 = arith.subi %add3A_1095, %sub3A_1100 : vector<16xi32>
    %select_n3A_1102 = arith.select %ge3A_1098, %sub3A_1101, %add3A_1095 : vector<16xi1>, vector<16xi32>
    %shift_right_arithmetic3A_1103 = arith.constant 6 : i32
    %shift_right_arithmetic3A_1104 = vector.broadcast %shift_right_arithmetic3A_1103 : i32 to vector<16xi32>
    %shift_right_arithmetic3A_1105 = arith.shrsi %select_n3A_1102, %shift_right_arithmetic3A_1104 : vector<16xi32>
    %shift_left3A_1106 = arith.constant 6 : i32
    %shift_left3A_1107 = vector.broadcast %shift_left3A_1106 : i32 to vector<16xi32>
    %shift_left3A_1108 = arith.shli %shift_right_arithmetic3A_1105, %shift_left3A_1107 : vector<16xi32>
    %and3A_1109 = arith.constant 7 : i32
    %and3A_1110 = vector.broadcast %and3A_1109 : i32 to vector<16xi32>
    %and3A_1111 = arith.andi %select_n3A_1102, %and3A_1110 : vector<16xi32>
    %shift_left3A_1112 = arith.constant 3 : i32
    %shift_left3A_1113 = vector.broadcast %shift_left3A_1112 : i32 to vector<16xi32>
    %shift_left3A_1114 = arith.shli %and3A_1111, %shift_left3A_1113 : vector<16xi32>
    %add3A_1115 = arith.addi %shift_left3A_1108, %shift_left3A_1114 : vector<16xi32>
    %shift_right_arithmetic3A_1116 = arith.constant 3 : i32
    %shift_right_arithmetic3A_1117 = vector.broadcast %shift_right_arithmetic3A_1116 : i32 to vector<16xi32>
    %shift_right_arithmetic3A_1118 = arith.shrsi %select_n3A_1102, %shift_right_arithmetic3A_1117 : vector<16xi32>
    %and3A_1119 = arith.constant 7 : i32
    %and3A_1120 = vector.broadcast %and3A_1119 : i32 to vector<16xi32>
    %and3A_1121 = arith.andi %shift_right_arithmetic3A_1118, %and3A_1120 : vector<16xi32>
    %add3A_1122 = arith.addi %add3A_1115, %and3A_1121 : vector<16xi32>
    %swap3A_1123 = arith.constant 352 : index
    %swap3A_1124 = tpu.vector_load %arg6[%swap3A_1123] {strides = array<i32>} : memref<768xi32, #tpu.memory_space<vmem>>, vector<16xi32>,
    tpu.vector_store %arg6[%swap3A_1123], %add3A_1122 {strides = array<i32>} : memref<768xi32, #tpu.memory_space<vmem>>, vector<16xi32>,
    %add3A_1125 = arith.constant 898 : i32
    %add3A_1126 = vector.broadcast %add3A_1125 : i32 to vector<16xi32>
    %add3A_1127 = arith.addi %shift_right_arithmetic3A_3, %add3A_1126 : vector<16xi32>
    %mul3A_1128 = arith.constant 8 : i32
    %mul3A_1129 = vector.broadcast %mul3A_1128 : i32 to vector<16xi32>
    %mul3A_1130 = arith.muli %iota3A, %mul3A_1129 : vector<16xi32>
    %add3A_1131 = arith.addi %add3A_1127, %mul3A_1130 : vector<16xi32>
    %ge3A_1132 = arith.constant 262144 : i32
    %ge3A_1133 = vector.broadcast %ge3A_1132 : i32 to vector<16xi32>
    %ge3A_1134 = arith.cmpi sge, %add3A_1131, %ge3A_1133 : vector<16xi32>
    %sub3A_1135 = arith.constant 262144 : i32
    %sub3A_1136 = vector.broadcast %sub3A_1135 : i32 to vector<16xi32>
    %sub3A_1137 = arith.subi %add3A_1131, %sub3A_1136 : vector<16xi32>
    %select_n3A_1138 = arith.select %ge3A_1134, %sub3A_1137, %add3A_1131 : vector<16xi1>, vector<16xi32>
    %shift_right_arithmetic3A_1139 = arith.constant 6 : i32
    %shift_right_arithmetic3A_1140 = vector.broadcast %shift_right_arithmetic3A_1139 : i32 to vector<16xi32>
    %shift_right_arithmetic3A_1141 = arith.shrsi %select_n3A_1138, %shift_right_arithmetic3A_1140 : vector<16xi32>
    %shift_left3A_1142 = arith.constant 6 : i32
    %shift_left3A_1143 = vector.broadcast %shift_left3A_1142 : i32 to vector<16xi32>
    %shift_left3A_1144 = arith.shli %shift_right_arithmetic3A_1141, %shift_left3A_1143 : vector<16xi32>
    %and3A_1145 = arith.constant 7 : i32
    %and3A_1146 = vector.broadcast %and3A_1145 : i32 to vector<16xi32>
    %and3A_1147 = arith.andi %select_n3A_1138, %and3A_1146 : vector<16xi32>
    %shift_left3A_1148 = arith.constant 3 : i32
    %shift_left3A_1149 = vector.broadcast %shift_left3A_1148 : i32 to vector<16xi32>
    %shift_left3A_1150 = arith.shli %and3A_1147, %shift_left3A_1149 : vector<16xi32>
    %add3A_1151 = arith.addi %shift_left3A_1144, %shift_left3A_1150 : vector<16xi32>
    %shift_right_arithmetic3A_1152 = arith.constant 3 : i32
    %shift_right_arithmetic3A_1153 = vector.broadcast %shift_right_arithmetic3A_1152 : i32 to vector<16xi32>
    %shift_right_arithmetic3A_1154 = arith.shrsi %select_n3A_1138, %shift_right_arithmetic3A_1153 : vector<16xi32>
    %and3A_1155 = arith.constant 7 : i32
    %and3A_1156 = vector.broadcast %and3A_1155 : i32 to vector<16xi32>
    %and3A_1157 = arith.andi %shift_right_arithmetic3A_1154, %and3A_1156 : vector<16xi32>
    %add3A_1158 = arith.addi %add3A_1151, %and3A_1157 : vector<16xi32>
    %swap3A_1159 = arith.constant 368 : index
    %swap3A_1160 = tpu.vector_load %arg6[%swap3A_1159] {strides = array<i32>} : memref<768xi32, #tpu.memory_space<vmem>>, vector<16xi32>,
    tpu.vector_store %arg6[%swap3A_1159], %add3A_1158 {strides = array<i32>} : memref<768xi32, #tpu.memory_space<vmem>>, vector<16xi32>,
    %dma_start3A_1161 = arith.constant 1 : i32
    %dma_start3A_1162 = arith.constant 0 : i32
    %dma_start3A_1163 = arith.constant 0 : i32
    %dma_start3A_1164 = tpu.memref_slice %arg7[%dma_start3A_1161, %dma_start3A_1162, %dma_start3A_1163] : memref<3x192x128xf32, #tpu.memory_space<vmem>> -> memref<1x192x128xf32, #tpu.memory_space<vmem>>
    %dma_start3A_1165 = tpu.memref_squeeze %dma_start3A_1164 : memref<1x192x128xf32, #tpu.memory_space<vmem>> -> memref<192x128xf32, #tpu.memory_space<vmem>>
    %dma_start3A_1166 = arith.constant 0 : i32
    %dma_start3A_1167 = arith.constant 0 : i32
    %dma_start3A_1168 = tpu.memref_slice %dma_start3A_1165[%dma_start3A_1166, %dma_start3A_1167] : memref<192x128xf32, #tpu.memory_space<vmem>> -> memref<64x128xf32, #tpu.memory_space<vmem>>
    %dma_start3A_1169 = arith.constant 192 : i32
    %dma_start3A_1170 = tpu.memref_slice %arg6[%dma_start3A_1169] : memref<768xi32, #tpu.memory_space<vmem>> -> memref<64xi32, #tpu.memory_space<vmem>>
    %dma_start3A_1171 = arith.constant 0 : i32
    %dma_start3A_1172 = arith.constant 0 : i32
    %dma_start3A_1173 = tpu.memref_slice %arg2[%dma_start3A_1171, %dma_start3A_1172] : memref<262144x128xf32, #tpu.memory_space<hbm>> -> memref<262144x128xf32, #tpu.memory_space<hbm>>
    tpu.enqueue_indirect_dma source(%dma_start3A_1173 : memref<262144x128xf32, #tpu.memory_space<hbm>>) target(%dma_start3A_1168 : memref<64x128xf32, #tpu.memory_space<vmem>>) offsets(%dma_start3A_1170 : memref<64xi32, #tpu.memory_space<vmem>>) semaphore(%arg10 : memref<!tpu.dma_semaphore, #tpu.memory_space<semaphore_mem>>)
    %dma_start3A_1174 = arith.constant 1 : i32
    %dma_start3A_1175 = arith.constant 0 : i32
    %dma_start3A_1176 = arith.constant 0 : i32
    %dma_start3A_1177 = tpu.memref_slice %arg7[%dma_start3A_1174, %dma_start3A_1175, %dma_start3A_1176] : memref<3x192x128xf32, #tpu.memory_space<vmem>> -> memref<1x192x128xf32, #tpu.memory_space<vmem>>
    %dma_start3A_1178 = tpu.memref_squeeze %dma_start3A_1177 : memref<1x192x128xf32, #tpu.memory_space<vmem>> -> memref<192x128xf32, #tpu.memory_space<vmem>>
    %dma_start3A_1179 = arith.constant 64 : i32
    %dma_start3A_1180 = arith.constant 0 : i32
    %dma_start3A_1181 = tpu.memref_slice %dma_start3A_1178[%dma_start3A_1179, %dma_start3A_1180] : memref<192x128xf32, #tpu.memory_space<vmem>> -> memref<64x128xf32, #tpu.memory_space<vmem>>
    %dma_start3A_1182 = arith.constant 256 : i32
    %dma_start3A_1183 = tpu.memref_slice %arg6[%dma_start3A_1182] : memref<768xi32, #tpu.memory_space<vmem>> -> memref<64xi32, #tpu.memory_space<vmem>>
    %dma_start3A_1184 = arith.constant 0 : i32
    %dma_start3A_1185 = arith.constant 0 : i32
    %dma_start3A_1186 = tpu.memref_slice %arg2[%dma_start3A_1184, %dma_start3A_1185] : memref<262144x128xf32, #tpu.memory_space<hbm>> -> memref<262144x128xf32, #tpu.memory_space<hbm>>
    tpu.enqueue_indirect_dma source(%dma_start3A_1186 : memref<262144x128xf32, #tpu.memory_space<hbm>>) target(%dma_start3A_1181 : memref<64x128xf32, #tpu.memory_space<vmem>>) offsets(%dma_start3A_1183 : memref<64xi32, #tpu.memory_space<vmem>>) semaphore(%arg10 : memref<!tpu.dma_semaphore, #tpu.memory_space<semaphore_mem>>)
    %dma_start3A_1187 = arith.constant 1 : i32
    %dma_start3A_1188 = arith.constant 0 : i32
    %dma_start3A_1189 = arith.constant 0 : i32
    %dma_start3A_1190 = tpu.memref_slice %arg7[%dma_start3A_1187, %dma_start3A_1188, %dma_start3A_1189] : memref<3x192x128xf32, #tpu.memory_space<vmem>> -> memref<1x192x128xf32, #tpu.memory_space<vmem>>
    %dma_start3A_1191 = tpu.memref_squeeze %dma_start3A_1190 : memref<1x192x128xf32, #tpu.memory_space<vmem>> -> memref<192x128xf32, #tpu.memory_space<vmem>>
    %dma_start3A_1192 = arith.constant 128 : i32
    %dma_start3A_1193 = arith.constant 0 : i32
    %dma_start3A_1194 = tpu.memref_slice %dma_start3A_1191[%dma_start3A_1192, %dma_start3A_1193] : memref<192x128xf32, #tpu.memory_space<vmem>> -> memref<64x128xf32, #tpu.memory_space<vmem>>
    %dma_start3A_1195 = arith.constant 320 : i32
    %dma_start3A_1196 = tpu.memref_slice %arg6[%dma_start3A_1195] : memref<768xi32, #tpu.memory_space<vmem>> -> memref<64xi32, #tpu.memory_space<vmem>>
    %dma_start3A_1197 = arith.constant 0 : i32
    %dma_start3A_1198 = arith.constant 0 : i32
    %dma_start3A_1199 = tpu.memref_slice %arg2[%dma_start3A_1197, %dma_start3A_1198] : memref<262144x128xf32, #tpu.memory_space<hbm>> -> memref<262144x128xf32, #tpu.memory_space<hbm>>
    tpu.enqueue_indirect_dma source(%dma_start3A_1199 : memref<262144x128xf32, #tpu.memory_space<hbm>>) target(%dma_start3A_1194 : memref<64x128xf32, #tpu.memory_space<vmem>>) offsets(%dma_start3A_1196 : memref<64xi32, #tpu.memory_space<vmem>>) semaphore(%arg10 : memref<!tpu.dma_semaphore, #tpu.memory_space<semaphore_mem>>)
    %add3A_1200 = arith.constant 1024 : i32
    %add3A_1201 = vector.broadcast %add3A_1200 : i32 to vector<16xi32>
    %add3A_1202 = arith.addi %shift_right_arithmetic3A_3, %add3A_1201 : vector<16xi32>
    %mul3A_1203 = arith.constant 8 : i32
    %mul3A_1204 = vector.broadcast %mul3A_1203 : i32 to vector<16xi32>
    %mul3A_1205 = arith.muli %iota3A, %mul3A_1204 : vector<16xi32>
    %add3A_1206 = arith.addi %add3A_1202, %mul3A_1205 : vector<16xi32>
    %ge3A_1207 = arith.constant 262144 : i32
    %ge3A_1208 = vector.broadcast %ge3A_1207 : i32 to vector<16xi32>
    %ge3A_1209 = arith.cmpi sge, %add3A_1206, %ge3A_1208 : vector<16xi32>
    %sub3A_1210 = arith.constant 262144 : i32
    %sub3A_1211 = vector.broadcast %sub3A_1210 : i32 to vector<16xi32>
    %sub3A_1212 = arith.subi %add3A_1206, %sub3A_1211 : vector<16xi32>
    %select_n3A_1213 = arith.select %ge3A_1209, %sub3A_1212, %add3A_1206 : vector<16xi1>, vector<16xi32>
    %shift_right_arithmetic3A_1214 = arith.constant 6 : i32
    %shift_right_arithmetic3A_1215 = vector.broadcast %shift_right_arithmetic3A_1214 : i32 to vector<16xi32>
    %shift_right_arithmetic3A_1216 = arith.shrsi %select_n3A_1213, %shift_right_arithmetic3A_1215 : vector<16xi32>
    %shift_left3A_1217 = arith.constant 6 : i32
    %shift_left3A_1218 = vector.broadcast %shift_left3A_1217 : i32 to vector<16xi32>
    %shift_left3A_1219 = arith.shli %shift_right_arithmetic3A_1216, %shift_left3A_1218 : vector<16xi32>
    %and3A_1220 = arith.constant 7 : i32
    %and3A_1221 = vector.broadcast %and3A_1220 : i32 to vector<16xi32>
    %and3A_1222 = arith.andi %select_n3A_1213, %and3A_1221 : vector<16xi32>
    %shift_left3A_1223 = arith.constant 3 : i32
    %shift_left3A_1224 = vector.broadcast %shift_left3A_1223 : i32 to vector<16xi32>
    %shift_left3A_1225 = arith.shli %and3A_1222, %shift_left3A_1224 : vector<16xi32>
    %add3A_1226 = arith.addi %shift_left3A_1219, %shift_left3A_1225 : vector<16xi32>
    %shift_right_arithmetic3A_1227 = arith.constant 3 : i32
    %shift_right_arithmetic3A_1228 = vector.broadcast %shift_right_arithmetic3A_1227 : i32 to vector<16xi32>
    %shift_right_arithmetic3A_1229 = arith.shrsi %select_n3A_1213, %shift_right_arithmetic3A_1228 : vector<16xi32>
    %and3A_1230 = arith.constant 7 : i32
    %and3A_1231 = vector.broadcast %and3A_1230 : i32 to vector<16xi32>
    %and3A_1232 = arith.andi %shift_right_arithmetic3A_1229, %and3A_1231 : vector<16xi32>
    %add3A_1233 = arith.addi %add3A_1226, %and3A_1232 : vector<16xi32>
    %swap3A_1234 = arith.constant 384 : index
    %swap3A_1235 = tpu.vector_load %arg6[%swap3A_1234] {strides = array<i32>} : memref<768xi32, #tpu.memory_space<vmem>>, vector<16xi32>,
    tpu.vector_store %arg6[%swap3A_1234], %add3A_1233 {strides = array<i32>} : memref<768xi32, #tpu.memory_space<vmem>>, vector<16xi32>,
    %add3A_1236 = arith.constant 1152 : i32
    %add3A_1237 = vector.broadcast %add3A_1236 : i32 to vector<16xi32>
    %add3A_1238 = arith.addi %shift_right_arithmetic3A_3, %add3A_1237 : vector<16xi32>
    %mul3A_1239 = arith.constant 8 : i32
    %mul3A_1240 = vector.broadcast %mul3A_1239 : i32 to vector<16xi32>
    %mul3A_1241 = arith.muli %iota3A, %mul3A_1240 : vector<16xi32>
    %add3A_1242 = arith.addi %add3A_1238, %mul3A_1241 : vector<16xi32>
    %ge3A_1243 = arith.constant 262144 : i32
    %ge3A_1244 = vector.broadcast %ge3A_1243 : i32 to vector<16xi32>
    %ge3A_1245 = arith.cmpi sge, %add3A_1242, %ge3A_1244 : vector<16xi32>
    %sub3A_1246 = arith.constant 262144 : i32
    %sub3A_1247 = vector.broadcast %sub3A_1246 : i32 to vector<16xi32>
    %sub3A_1248 = arith.subi %add3A_1242, %sub3A_1247 : vector<16xi32>
    %select_n3A_1249 = arith.select %ge3A_1245, %sub3A_1248, %add3A_1242 : vector<16xi1>, vector<16xi32>
    %shift_right_arithmetic3A_1250 = arith.constant 6 : i32
    %shift_right_arithmetic3A_1251 = vector.broadcast %shift_right_arithmetic3A_1250 : i32 to vector<16xi32>
    %shift_right_arithmetic3A_1252 = arith.shrsi %select_n3A_1249, %shift_right_arithmetic3A_1251 : vector<16xi32>
    %shift_left3A_1253 = arith.constant 6 : i32
    %shift_left3A_1254 = vector.broadcast %shift_left3A_1253 : i32 to vector<16xi32>
    %shift_left3A_1255 = arith.shli %shift_right_arithmetic3A_1252, %shift_left3A_1254 : vector<16xi32>
    %and3A_1256 = arith.constant 7 : i32
    %and3A_1257 = vector.broadcast %and3A_1256 : i32 to vector<16xi32>
    %and3A_1258 = arith.andi %select_n3A_1249, %and3A_1257 : vector<16xi32>
    %shift_left3A_1259 = arith.constant 3 : i32
    %shift_left3A_1260 = vector.broadcast %shift_left3A_1259 : i32 to vector<16xi32>
    %shift_left3A_1261 = arith.shli %and3A_1258, %shift_left3A_1260 : vector<16xi32>
    %add3A_1262 = arith.addi %shift_left3A_1255, %shift_left3A_1261 : vector<16xi32>
    %shift_right_arithmetic3A_1263 = arith.constant 3 : i32
    %shift_right_arithmetic3A_1264 = vector.broadcast %shift_right_arithmetic3A_1263 : i32 to vector<16xi32>
    %shift_right_arithmetic3A_1265 = arith.shrsi %select_n3A_1249, %shift_right_arithmetic3A_1264 : vector<16xi32>
    %and3A_1266 = arith.constant 7 : i32
    %and3A_1267 = vector.broadcast %and3A_1266 : i32 to vector<16xi32>
    %and3A_1268 = arith.andi %shift_right_arithmetic3A_1265, %and3A_1267 : vector<16xi32>
    %add3A_1269 = arith.addi %add3A_1262, %and3A_1268 : vector<16xi32>
    %swap3A_1270 = arith.constant 400 : index
    %swap3A_1271 = tpu.vector_load %arg6[%swap3A_1270] {strides = array<i32>} : memref<768xi32, #tpu.memory_space<vmem>>, vector<16xi32>,
    tpu.vector_store %arg6[%swap3A_1270], %add3A_1269 {strides = array<i32>} : memref<768xi32, #tpu.memory_space<vmem>>, vector<16xi32>,
    %add3A_1272 = arith.constant 1280 : i32
    %add3A_1273 = vector.broadcast %add3A_1272 : i32 to vector<16xi32>
    %add3A_1274 = arith.addi %shift_right_arithmetic3A_3, %add3A_1273 : vector<16xi32>
    %mul3A_1275 = arith.constant 8 : i32
    %mul3A_1276 = vector.broadcast %mul3A_1275 : i32 to vector<16xi32>
    %mul3A_1277 = arith.muli %iota3A, %mul3A_1276 : vector<16xi32>
    %add3A_1278 = arith.addi %add3A_1274, %mul3A_1277 : vector<16xi32>
    %ge3A_1279 = arith.constant 262144 : i32
    %ge3A_1280 = vector.broadcast %ge3A_1279 : i32 to vector<16xi32>
    %ge3A_1281 = arith.cmpi sge, %add3A_1278, %ge3A_1280 : vector<16xi32>
    %sub3A_1282 = arith.constant 262144 : i32
    %sub3A_1283 = vector.broadcast %sub3A_1282 : i32 to vector<16xi32>
    %sub3A_1284 = arith.subi %add3A_1278, %sub3A_1283 : vector<16xi32>
    %select_n3A_1285 = arith.select %ge3A_1281, %sub3A_1284, %add3A_1278 : vector<16xi1>, vector<16xi32>
    %shift_right_arithmetic3A_1286 = arith.constant 6 : i32
    %shift_right_arithmetic3A_1287 = vector.broadcast %shift_right_arithmetic3A_1286 : i32 to vector<16xi32>
    %shift_right_arithmetic3A_1288 = arith.shrsi %select_n3A_1285, %shift_right_arithmetic3A_1287 : vector<16xi32>
    %shift_left3A_1289 = arith.constant 6 : i32
    %shift_left3A_1290 = vector.broadcast %shift_left3A_1289 : i32 to vector<16xi32>
    %shift_left3A_1291 = arith.shli %shift_right_arithmetic3A_1288, %shift_left3A_1290 : vector<16xi32>
    %and3A_1292 = arith.constant 7 : i32
    %and3A_1293 = vector.broadcast %and3A_1292 : i32 to vector<16xi32>
    %and3A_1294 = arith.andi %select_n3A_1285, %and3A_1293 : vector<16xi32>
    %shift_left3A_1295 = arith.constant 3 : i32
    %shift_left3A_1296 = vector.broadcast %shift_left3A_1295 : i32 to vector<16xi32>
    %shift_left3A_1297 = arith.shli %and3A_1294, %shift_left3A_1296 : vector<16xi32>
    %add3A_1298 = arith.addi %shift_left3A_1291, %shift_left3A_1297 : vector<16xi32>
    %shift_right_arithmetic3A_1299 = arith.constant 3 : i32
    %shift_right_arithmetic3A_1300 = vector.broadcast %shift_right_arithmetic3A_1299 : i32 to vector<16xi32>
    %shift_right_arithmetic3A_1301 = arith.shrsi %select_n3A_1285, %shift_right_arithmetic3A_1300 : vector<16xi32>
    %and3A_1302 = arith.constant 7 : i32
    %and3A_1303 = vector.broadcast %and3A_1302 : i32 to vector<16xi32>
    %and3A_1304 = arith.andi %shift_right_arithmetic3A_1301, %and3A_1303 : vector<16xi32>
    %add3A_1305 = arith.addi %add3A_1298, %and3A_1304 : vector<16xi32>
    %swap3A_1306 = arith.constant 416 : index
    %swap3A_1307 = tpu.vector_load %arg6[%swap3A_1306] {strides = array<i32>} : memref<768xi32, #tpu.memory_space<vmem>>, vector<16xi32>,
    tpu.vector_store %arg6[%swap3A_1306], %add3A_1305 {strides = array<i32>} : memref<768xi32, #tpu.memory_space<vmem>>, vector<16xi32>,
    %add3A_1308 = arith.constant 1408 : i32
    %add3A_1309 = vector.broadcast %add3A_1308 : i32 to vector<16xi32>
    %add3A_1310 = arith.addi %shift_right_arithmetic3A_3, %add3A_1309 : vector<16xi32>
    %mul3A_1311 = arith.constant 8 : i32
    %mul3A_1312 = vector.broadcast %mul3A_1311 : i32 to vector<16xi32>
    %mul3A_1313 = arith.muli %iota3A, %mul3A_1312 : vector<16xi32>
    %add3A_1314 = arith.addi %add3A_1310, %mul3A_1313 : vector<16xi32>
    %ge3A_1315 = arith.constant 262144 : i32
    %ge3A_1316 = vector.broadcast %ge3A_1315 : i32 to vector<16xi32>
    %ge3A_1317 = arith.cmpi sge, %add3A_1314, %ge3A_1316 : vector<16xi32>
    %sub3A_1318 = arith.constant 262144 : i32
    %sub3A_1319 = vector.broadcast %sub3A_1318 : i32 to vector<16xi32>
    %sub3A_1320 = arith.subi %add3A_1314, %sub3A_1319 : vector<16xi32>
    %select_n3A_1321 = arith.select %ge3A_1317, %sub3A_1320, %add3A_1314 : vector<16xi1>, vector<16xi32>
    %shift_right_arithmetic3A_1322 = arith.constant 6 : i32
    %shift_right_arithmetic3A_1323 = vector.broadcast %shift_right_arithmetic3A_1322 : i32 to vector<16xi32>
    %shift_right_arithmetic3A_1324 = arith.shrsi %select_n3A_1321, %shift_right_arithmetic3A_1323 : vector<16xi32>
    %shift_left3A_1325 = arith.constant 6 : i32
    %shift_left3A_1326 = vector.broadcast %shift_left3A_1325 : i32 to vector<16xi32>
    %shift_left3A_1327 = arith.shli %shift_right_arithmetic3A_1324, %shift_left3A_1326 : vector<16xi32>
    %and3A_1328 = arith.constant 7 : i32
    %and3A_1329 = vector.broadcast %and3A_1328 : i32 to vector<16xi32>
    %and3A_1330 = arith.andi %select_n3A_1321, %and3A_1329 : vector<16xi32>
    %shift_left3A_1331 = arith.constant 3 : i32
    %shift_left3A_1332 = vector.broadcast %shift_left3A_1331 : i32 to vector<16xi32>
    %shift_left3A_1333 = arith.shli %and3A_1330, %shift_left3A_1332 : vector<16xi32>
    %add3A_1334 = arith.addi %shift_left3A_1327, %shift_left3A_1333 : vector<16xi32>
    %shift_right_arithmetic3A_1335 = arith.constant 3 : i32
    %shift_right_arithmetic3A_1336 = vector.broadcast %shift_right_arithmetic3A_1335 : i32 to vector<16xi32>
    %shift_right_arithmetic3A_1337 = arith.shrsi %select_n3A_1321, %shift_right_arithmetic3A_1336 : vector<16xi32>
    %and3A_1338 = arith.constant 7 : i32
    %and3A_1339 = vector.broadcast %and3A_1338 : i32 to vector<16xi32>
    %and3A_1340 = arith.andi %shift_right_arithmetic3A_1337, %and3A_1339 : vector<16xi32>
    %add3A_1341 = arith.addi %add3A_1334, %and3A_1340 : vector<16xi32>
    %swap3A_1342 = arith.constant 432 : index
    %swap3A_1343 = tpu.vector_load %arg6[%swap3A_1342] {strides = array<i32>} : memref<768xi32, #tpu.memory_space<vmem>>, vector<16xi32>,
    tpu.vector_store %arg6[%swap3A_1342], %add3A_1341 {strides = array<i32>} : memref<768xi32, #tpu.memory_space<vmem>>, vector<16xi32>,
    %add3A_1344 = arith.constant 1025 : i32
    %add3A_1345 = vector.broadcast %add3A_1344 : i32 to vector<16xi32>
    %add3A_1346 = arith.addi %shift_right_arithmetic3A_3, %add3A_1345 : vector<16xi32>
    %mul3A_1347 = arith.constant 8 : i32
    %mul3A_1348 = vector.broadcast %mul3A_1347 : i32 to vector<16xi32>
    %mul3A_1349 = arith.muli %iota3A, %mul3A_1348 : vector<16xi32>
    %add3A_1350 = arith.addi %add3A_1346, %mul3A_1349 : vector<16xi32>
    %ge3A_1351 = arith.constant 262144 : i32
    %ge3A_1352 = vector.broadcast %ge3A_1351 : i32 to vector<16xi32>
    %ge3A_1353 = arith.cmpi sge, %add3A_1350, %ge3A_1352 : vector<16xi32>
    %sub3A_1354 = arith.constant 262144 : i32
    %sub3A_1355 = vector.broadcast %sub3A_1354 : i32 to vector<16xi32>
    %sub3A_1356 = arith.subi %add3A_1350, %sub3A_1355 : vector<16xi32>
    %select_n3A_1357 = arith.select %ge3A_1353, %sub3A_1356, %add3A_1350 : vector<16xi1>, vector<16xi32>
    %shift_right_arithmetic3A_1358 = arith.constant 6 : i32
    %shift_right_arithmetic3A_1359 = vector.broadcast %shift_right_arithmetic3A_1358 : i32 to vector<16xi32>
    %shift_right_arithmetic3A_1360 = arith.shrsi %select_n3A_1357, %shift_right_arithmetic3A_1359 : vector<16xi32>
    %shift_left3A_1361 = arith.constant 6 : i32
    %shift_left3A_1362 = vector.broadcast %shift_left3A_1361 : i32 to vector<16xi32>
    %shift_left3A_1363 = arith.shli %shift_right_arithmetic3A_1360, %shift_left3A_1362 : vector<16xi32>
    %and3A_1364 = arith.constant 7 : i32
    %and3A_1365 = vector.broadcast %and3A_1364 : i32 to vector<16xi32>
    %and3A_1366 = arith.andi %select_n3A_1357, %and3A_1365 : vector<16xi32>
    %shift_left3A_1367 = arith.constant 3 : i32
    %shift_left3A_1368 = vector.broadcast %shift_left3A_1367 : i32 to vector<16xi32>
    %shift_left3A_1369 = arith.shli %and3A_1366, %shift_left3A_1368 : vector<16xi32>
    %add3A_1370 = arith.addi %shift_left3A_1363, %shift_left3A_1369 : vector<16xi32>
    %shift_right_arithmetic3A_1371 = arith.constant 3 : i32
    %shift_right_arithmetic3A_1372 = vector.broadcast %shift_right_arithmetic3A_1371 : i32 to vector<16xi32>
    %shift_right_arithmetic3A_1373 = arith.shrsi %select_n3A_1357, %shift_right_arithmetic3A_1372 : vector<16xi32>
    %and3A_1374 = arith.constant 7 : i32
    %and3A_1375 = vector.broadcast %and3A_1374 : i32 to vector<16xi32>
    %and3A_1376 = arith.andi %shift_right_arithmetic3A_1373, %and3A_1375 : vector<16xi32>
    %add3A_1377 = arith.addi %add3A_1370, %and3A_1376 : vector<16xi32>
    %swap3A_1378 = arith.constant 448 : index
    %swap3A_1379 = tpu.vector_load %arg6[%swap3A_1378] {strides = array<i32>} : memref<768xi32, #tpu.memory_space<vmem>>, vector<16xi32>,
    tpu.vector_store %arg6[%swap3A_1378], %add3A_1377 {strides = array<i32>} : memref<768xi32, #tpu.memory_space<vmem>>, vector<16xi32>,
    %add3A_1380 = arith.constant 1153 : i32
    %add3A_1381 = vector.broadcast %add3A_1380 : i32 to vector<16xi32>
    %add3A_1382 = arith.addi %shift_right_arithmetic3A_3, %add3A_1381 : vector<16xi32>
    %mul3A_1383 = arith.constant 8 : i32
    %mul3A_1384 = vector.broadcast %mul3A_1383 : i32 to vector<16xi32>
    %mul3A_1385 = arith.muli %iota3A, %mul3A_1384 : vector<16xi32>
    %add3A_1386 = arith.addi %add3A_1382, %mul3A_1385 : vector<16xi32>
    %ge3A_1387 = arith.constant 262144 : i32
    %ge3A_1388 = vector.broadcast %ge3A_1387 : i32 to vector<16xi32>
    %ge3A_1389 = arith.cmpi sge, %add3A_1386, %ge3A_1388 : vector<16xi32>
    %sub3A_1390 = arith.constant 262144 : i32
    %sub3A_1391 = vector.broadcast %sub3A_1390 : i32 to vector<16xi32>
    %sub3A_1392 = arith.subi %add3A_1386, %sub3A_1391 : vector<16xi32>
    %select_n3A_1393 = arith.select %ge3A_1389, %sub3A_1392, %add3A_1386 : vector<16xi1>, vector<16xi32>
    %shift_right_arithmetic3A_1394 = arith.constant 6 : i32
    %shift_right_arithmetic3A_1395 = vector.broadcast %shift_right_arithmetic3A_1394 : i32 to vector<16xi32>
    %shift_right_arithmetic3A_1396 = arith.shrsi %select_n3A_1393, %shift_right_arithmetic3A_1395 : vector<16xi32>
    %shift_left3A_1397 = arith.constant 6 : i32
    %shift_left3A_1398 = vector.broadcast %shift_left3A_1397 : i32 to vector<16xi32>
    %shift_left3A_1399 = arith.shli %shift_right_arithmetic3A_1396, %shift_left3A_1398 : vector<16xi32>
    %and3A_1400 = arith.constant 7 : i32
    %and3A_1401 = vector.broadcast %and3A_1400 : i32 to vector<16xi32>
    %and3A_1402 = arith.andi %select_n3A_1393, %and3A_1401 : vector<16xi32>
    %shift_left3A_1403 = arith.constant 3 : i32
    %shift_left3A_1404 = vector.broadcast %shift_left3A_1403 : i32 to vector<16xi32>
    %shift_left3A_1405 = arith.shli %and3A_1402, %shift_left3A_1404 : vector<16xi32>
    %add3A_1406 = arith.addi %shift_left3A_1399, %shift_left3A_1405 : vector<16xi32>
    %shift_right_arithmetic3A_1407 = arith.constant 3 : i32
    %shift_right_arithmetic3A_1408 = vector.broadcast %shift_right_arithmetic3A_1407 : i32 to vector<16xi32>
    %shift_right_arithmetic3A_1409 = arith.shrsi %select_n3A_1393, %shift_right_arithmetic3A_1408 : vector<16xi32>
    %and3A_1410 = arith.constant 7 : i32
    %and3A_1411 = vector.broadcast %and3A_1410 : i32 to vector<16xi32>
    %and3A_1412 = arith.andi %shift_right_arithmetic3A_1409, %and3A_1411 : vector<16xi32>
    %add3A_1413 = arith.addi %add3A_1406, %and3A_1412 : vector<16xi32>
    %swap3A_1414 = arith.constant 464 : index
    %swap3A_1415 = tpu.vector_load %arg6[%swap3A_1414] {strides = array<i32>} : memref<768xi32, #tpu.memory_space<vmem>>, vector<16xi32>,
    tpu.vector_store %arg6[%swap3A_1414], %add3A_1413 {strides = array<i32>} : memref<768xi32, #tpu.memory_space<vmem>>, vector<16xi32>,
    %add3A_1416 = arith.constant 1281 : i32
    %add3A_1417 = vector.broadcast %add3A_1416 : i32 to vector<16xi32>
    %add3A_1418 = arith.addi %shift_right_arithmetic3A_3, %add3A_1417 : vector<16xi32>
    %mul3A_1419 = arith.constant 8 : i32
    %mul3A_1420 = vector.broadcast %mul3A_1419 : i32 to vector<16xi32>
    %mul3A_1421 = arith.muli %iota3A, %mul3A_1420 : vector<16xi32>
    %add3A_1422 = arith.addi %add3A_1418, %mul3A_1421 : vector<16xi32>
    %ge3A_1423 = arith.constant 262144 : i32
    %ge3A_1424 = vector.broadcast %ge3A_1423 : i32 to vector<16xi32>
    %ge3A_1425 = arith.cmpi sge, %add3A_1422, %ge3A_1424 : vector<16xi32>
    %sub3A_1426 = arith.constant 262144 : i32
    %sub3A_1427 = vector.broadcast %sub3A_1426 : i32 to vector<16xi32>
    %sub3A_1428 = arith.subi %add3A_1422, %sub3A_1427 : vector<16xi32>
    %select_n3A_1429 = arith.select %ge3A_1425, %sub3A_1428, %add3A_1422 : vector<16xi1>, vector<16xi32>
    %shift_right_arithmetic3A_1430 = arith.constant 6 : i32
    %shift_right_arithmetic3A_1431 = vector.broadcast %shift_right_arithmetic3A_1430 : i32 to vector<16xi32>
    %shift_right_arithmetic3A_1432 = arith.shrsi %select_n3A_1429, %shift_right_arithmetic3A_1431 : vector<16xi32>
    %shift_left3A_1433 = arith.constant 6 : i32
    %shift_left3A_1434 = vector.broadcast %shift_left3A_1433 : i32 to vector<16xi32>
    %shift_left3A_1435 = arith.shli %shift_right_arithmetic3A_1432, %shift_left3A_1434 : vector<16xi32>
    %and3A_1436 = arith.constant 7 : i32
    %and3A_1437 = vector.broadcast %and3A_1436 : i32 to vector<16xi32>
    %and3A_1438 = arith.andi %select_n3A_1429, %and3A_1437 : vector<16xi32>
    %shift_left3A_1439 = arith.constant 3 : i32
    %shift_left3A_1440 = vector.broadcast %shift_left3A_1439 : i32 to vector<16xi32>
    %shift_left3A_1441 = arith.shli %and3A_1438, %shift_left3A_1440 : vector<16xi32>
    %add3A_1442 = arith.addi %shift_left3A_1435, %shift_left3A_1441 : vector<16xi32>
    %shift_right_arithmetic3A_1443 = arith.constant 3 : i32
    %shift_right_arithmetic3A_1444 = vector.broadcast %shift_right_arithmetic3A_1443 : i32 to vector<16xi32>
    %shift_right_arithmetic3A_1445 = arith.shrsi %select_n3A_1429, %shift_right_arithmetic3A_1444 : vector<16xi32>
    %and3A_1446 = arith.constant 7 : i32
    %and3A_1447 = vector.broadcast %and3A_1446 : i32 to vector<16xi32>
    %and3A_1448 = arith.andi %shift_right_arithmetic3A_1445, %and3A_1447 : vector<16xi32>
    %add3A_1449 = arith.addi %add3A_1442, %and3A_1448 : vector<16xi32>
    %swap3A_1450 = arith.constant 480 : index
    %swap3A_1451 = tpu.vector_load %arg6[%swap3A_1450] {strides = array<i32>} : memref<768xi32, #tpu.memory_space<vmem>>, vector<16xi32>,
    tpu.vector_store %arg6[%swap3A_1450], %add3A_1449 {strides = array<i32>} : memref<768xi32, #tpu.memory_space<vmem>>, vector<16xi32>,
    %add3A_1452 = arith.constant 1409 : i32
    %add3A_1453 = vector.broadcast %add3A_1452 : i32 to vector<16xi32>
    %add3A_1454 = arith.addi %shift_right_arithmetic3A_3, %add3A_1453 : vector<16xi32>
    %mul3A_1455 = arith.constant 8 : i32
    %mul3A_1456 = vector.broadcast %mul3A_1455 : i32 to vector<16xi32>
    %mul3A_1457 = arith.muli %iota3A, %mul3A_1456 : vector<16xi32>
    %add3A_1458 = arith.addi %add3A_1454, %mul3A_1457 : vector<16xi32>
    %ge3A_1459 = arith.constant 262144 : i32
    %ge3A_1460 = vector.broadcast %ge3A_1459 : i32 to vector<16xi32>
    %ge3A_1461 = arith.cmpi sge, %add3A_1458, %ge3A_1460 : vector<16xi32>
    %sub3A_1462 = arith.constant 262144 : i32
    %sub3A_1463 = vector.broadcast %sub3A_1462 : i32 to vector<16xi32>
    %sub3A_1464 = arith.subi %add3A_1458, %sub3A_1463 : vector<16xi32>
    %select_n3A_1465 = arith.select %ge3A_1461, %sub3A_1464, %add3A_1458 : vector<16xi1>, vector<16xi32>
    %shift_right_arithmetic3A_1466 = arith.constant 6 : i32
    %shift_right_arithmetic3A_1467 = vector.broadcast %shift_right_arithmetic3A_1466 : i32 to vector<16xi32>
    %shift_right_arithmetic3A_1468 = arith.shrsi %select_n3A_1465, %shift_right_arithmetic3A_1467 : vector<16xi32>
    %shift_left3A_1469 = arith.constant 6 : i32
    %shift_left3A_1470 = vector.broadcast %shift_left3A_1469 : i32 to vector<16xi32>
    %shift_left3A_1471 = arith.shli %shift_right_arithmetic3A_1468, %shift_left3A_1470 : vector<16xi32>
    %and3A_1472 = arith.constant 7 : i32
    %and3A_1473 = vector.broadcast %and3A_1472 : i32 to vector<16xi32>
    %and3A_1474 = arith.andi %select_n3A_1465, %and3A_1473 : vector<16xi32>
    %shift_left3A_1475 = arith.constant 3 : i32
    %shift_left3A_1476 = vector.broadcast %shift_left3A_1475 : i32 to vector<16xi32>
    %shift_left3A_1477 = arith.shli %and3A_1474, %shift_left3A_1476 : vector<16xi32>
    %add3A_1478 = arith.addi %shift_left3A_1471, %shift_left3A_1477 : vector<16xi32>
    %shift_right_arithmetic3A_1479 = arith.constant 3 : i32
    %shift_right_arithmetic3A_1480 = vector.broadcast %shift_right_arithmetic3A_1479 : i32 to vector<16xi32>
    %shift_right_arithmetic3A_1481 = arith.shrsi %select_n3A_1465, %shift_right_arithmetic3A_1480 : vector<16xi32>
    %and3A_1482 = arith.constant 7 : i32
    %and3A_1483 = vector.broadcast %and3A_1482 : i32 to vector<16xi32>
    %and3A_1484 = arith.andi %shift_right_arithmetic3A_1481, %and3A_1483 : vector<16xi32>
    %add3A_1485 = arith.addi %add3A_1478, %and3A_1484 : vector<16xi32>
    %swap3A_1486 = arith.constant 496 : index
    %swap3A_1487 = tpu.vector_load %arg6[%swap3A_1486] {strides = array<i32>} : memref<768xi32, #tpu.memory_space<vmem>>, vector<16xi32>,
    tpu.vector_store %arg6[%swap3A_1486], %add3A_1485 {strides = array<i32>} : memref<768xi32, #tpu.memory_space<vmem>>, vector<16xi32>,
    %add3A_1488 = arith.constant 1026 : i32
    %add3A_1489 = vector.broadcast %add3A_1488 : i32 to vector<16xi32>
    %add3A_1490 = arith.addi %shift_right_arithmetic3A_3, %add3A_1489 : vector<16xi32>
    %mul3A_1491 = arith.constant 8 : i32
    %mul3A_1492 = vector.broadcast %mul3A_1491 : i32 to vector<16xi32>
    %mul3A_1493 = arith.muli %iota3A, %mul3A_1492 : vector<16xi32>
    %add3A_1494 = arith.addi %add3A_1490, %mul3A_1493 : vector<16xi32>
    %ge3A_1495 = arith.constant 262144 : i32
    %ge3A_1496 = vector.broadcast %ge3A_1495 : i32 to vector<16xi32>
    %ge3A_1497 = arith.cmpi sge, %add3A_1494, %ge3A_1496 : vector<16xi32>
    %sub3A_1498 = arith.constant 262144 : i32
    %sub3A_1499 = vector.broadcast %sub3A_1498 : i32 to vector<16xi32>
    %sub3A_1500 = arith.subi %add3A_1494, %sub3A_1499 : vector<16xi32>
    %select_n3A_1501 = arith.select %ge3A_1497, %sub3A_1500, %add3A_1494 : vector<16xi1>, vector<16xi32>
    %shift_right_arithmetic3A_1502 = arith.constant 6 : i32
    %shift_right_arithmetic3A_1503 = vector.broadcast %shift_right_arithmetic3A_1502 : i32 to vector<16xi32>
    %shift_right_arithmetic3A_1504 = arith.shrsi %select_n3A_1501, %shift_right_arithmetic3A_1503 : vector<16xi32>
    %shift_left3A_1505 = arith.constant 6 : i32
    %shift_left3A_1506 = vector.broadcast %shift_left3A_1505 : i32 to vector<16xi32>
    %shift_left3A_1507 = arith.shli %shift_right_arithmetic3A_1504, %shift_left3A_1506 : vector<16xi32>
    %and3A_1508 = arith.constant 7 : i32
    %and3A_1509 = vector.broadcast %and3A_1508 : i32 to vector<16xi32>
    %and3A_1510 = arith.andi %select_n3A_1501, %and3A_1509 : vector<16xi32>
    %shift_left3A_1511 = arith.constant 3 : i32
    %shift_left3A_1512 = vector.broadcast %shift_left3A_1511 : i32 to vector<16xi32>
    %shift_left3A_1513 = arith.shli %and3A_1510, %shift_left3A_1512 : vector<16xi32>
    %add3A_1514 = arith.addi %shift_left3A_1507, %shift_left3A_1513 : vector<16xi32>
    %shift_right_arithmetic3A_1515 = arith.constant 3 : i32
    %shift_right_arithmetic3A_1516 = vector.broadcast %shift_right_arithmetic3A_1515 : i32 to vector<16xi32>
    %shift_right_arithmetic3A_1517 = arith.shrsi %select_n3A_1501, %shift_right_arithmetic3A_1516 : vector<16xi32>
    %and3A_1518 = arith.constant 7 : i32
    %and3A_1519 = vector.broadcast %and3A_1518 : i32 to vector<16xi32>
    %and3A_1520 = arith.andi %shift_right_arithmetic3A_1517, %and3A_1519 : vector<16xi32>
    %add3A_1521 = arith.addi %add3A_1514, %and3A_1520 : vector<16xi32>
    %swap3A_1522 = arith.constant 512 : index
    %swap3A_1523 = tpu.vector_load %arg6[%swap3A_1522] {strides = array<i32>} : memref<768xi32, #tpu.memory_space<vmem>>, vector<16xi32>,
    tpu.vector_store %arg6[%swap3A_1522], %add3A_1521 {strides = array<i32>} : memref<768xi32, #tpu.memory_space<vmem>>, vector<16xi32>,
    %add3A_1524 = arith.constant 1154 : i32
    %add3A_1525 = vector.broadcast %add3A_1524 : i32 to vector<16xi32>
    %add3A_1526 = arith.addi %shift_right_arithmetic3A_3, %add3A_1525 : vector<16xi32>
    %mul3A_1527 = arith.constant 8 : i32
    %mul3A_1528 = vector.broadcast %mul3A_1527 : i32 to vector<16xi32>
    %mul3A_1529 = arith.muli %iota3A, %mul3A_1528 : vector<16xi32>
    %add3A_1530 = arith.addi %add3A_1526, %mul3A_1529 : vector<16xi32>
    %ge3A_1531 = arith.constant 262144 : i32
    %ge3A_1532 = vector.broadcast %ge3A_1531 : i32 to vector<16xi32>
    %ge3A_1533 = arith.cmpi sge, %add3A_1530, %ge3A_1532 : vector<16xi32>
    %sub3A_1534 = arith.constant 262144 : i32
    %sub3A_1535 = vector.broadcast %sub3A_1534 : i32 to vector<16xi32>
    %sub3A_1536 = arith.subi %add3A_1530, %sub3A_1535 : vector<16xi32>
    %select_n3A_1537 = arith.select %ge3A_1533, %sub3A_1536, %add3A_1530 : vector<16xi1>, vector<16xi32>
    %shift_right_arithmetic3A_1538 = arith.constant 6 : i32
    %shift_right_arithmetic3A_1539 = vector.broadcast %shift_right_arithmetic3A_1538 : i32 to vector<16xi32>
    %shift_right_arithmetic3A_1540 = arith.shrsi %select_n3A_1537, %shift_right_arithmetic3A_1539 : vector<16xi32>
    %shift_left3A_1541 = arith.constant 6 : i32
    %shift_left3A_1542 = vector.broadcast %shift_left3A_1541 : i32 to vector<16xi32>
    %shift_left3A_1543 = arith.shli %shift_right_arithmetic3A_1540, %shift_left3A_1542 : vector<16xi32>
    %and3A_1544 = arith.constant 7 : i32
    %and3A_1545 = vector.broadcast %and3A_1544 : i32 to vector<16xi32>
    %and3A_1546 = arith.andi %select_n3A_1537, %and3A_1545 : vector<16xi32>
    %shift_left3A_1547 = arith.constant 3 : i32
    %shift_left3A_1548 = vector.broadcast %shift_left3A_1547 : i32 to vector<16xi32>
    %shift_left3A_1549 = arith.shli %and3A_1546, %shift_left3A_1548 : vector<16xi32>
    %add3A_1550 = arith.addi %shift_left3A_1543, %shift_left3A_1549 : vector<16xi32>
    %shift_right_arithmetic3A_1551 = arith.constant 3 : i32
    %shift_right_arithmetic3A_1552 = vector.broadcast %shift_right_arithmetic3A_1551 : i32 to vector<16xi32>
    %shift_right_arithmetic3A_1553 = arith.shrsi %select_n3A_1537, %shift_right_arithmetic3A_1552 : vector<16xi32>
    %and3A_1554 = arith.constant 7 : i32
    %and3A_1555 = vector.broadcast %and3A_1554 : i32 to vector<16xi32>
    %and3A_1556 = arith.andi %shift_right_arithmetic3A_1553, %and3A_1555 : vector<16xi32>
    %add3A_1557 = arith.addi %add3A_1550, %and3A_1556 : vector<16xi32>
    %swap3A_1558 = arith.constant 528 : index
    %swap3A_1559 = tpu.vector_load %arg6[%swap3A_1558] {strides = array<i32>} : memref<768xi32, #tpu.memory_space<vmem>>, vector<16xi32>,
    tpu.vector_store %arg6[%swap3A_1558], %add3A_1557 {strides = array<i32>} : memref<768xi32, #tpu.memory_space<vmem>>, vector<16xi32>,
    %add3A_1560 = arith.constant 1282 : i32
    %add3A_1561 = vector.broadcast %add3A_1560 : i32 to vector<16xi32>
    %add3A_1562 = arith.addi %shift_right_arithmetic3A_3, %add3A_1561 : vector<16xi32>
    %mul3A_1563 = arith.constant 8 : i32
    %mul3A_1564 = vector.broadcast %mul3A_1563 : i32 to vector<16xi32>
    %mul3A_1565 = arith.muli %iota3A, %mul3A_1564 : vector<16xi32>
    %add3A_1566 = arith.addi %add3A_1562, %mul3A_1565 : vector<16xi32>
    %ge3A_1567 = arith.constant 262144 : i32
    %ge3A_1568 = vector.broadcast %ge3A_1567 : i32 to vector<16xi32>
    %ge3A_1569 = arith.cmpi sge, %add3A_1566, %ge3A_1568 : vector<16xi32>
    %sub3A_1570 = arith.constant 262144 : i32
    %sub3A_1571 = vector.broadcast %sub3A_1570 : i32 to vector<16xi32>
    %sub3A_1572 = arith.subi %add3A_1566, %sub3A_1571 : vector<16xi32>
    %select_n3A_1573 = arith.select %ge3A_1569, %sub3A_1572, %add3A_1566 : vector<16xi1>, vector<16xi32>
    %shift_right_arithmetic3A_1574 = arith.constant 6 : i32
    %shift_right_arithmetic3A_1575 = vector.broadcast %shift_right_arithmetic3A_1574 : i32 to vector<16xi32>
    %shift_right_arithmetic3A_1576 = arith.shrsi %select_n3A_1573, %shift_right_arithmetic3A_1575 : vector<16xi32>
    %shift_left3A_1577 = arith.constant 6 : i32
    %shift_left3A_1578 = vector.broadcast %shift_left3A_1577 : i32 to vector<16xi32>
    %shift_left3A_1579 = arith.shli %shift_right_arithmetic3A_1576, %shift_left3A_1578 : vector<16xi32>
    %and3A_1580 = arith.constant 7 : i32
    %and3A_1581 = vector.broadcast %and3A_1580 : i32 to vector<16xi32>
    %and3A_1582 = arith.andi %select_n3A_1573, %and3A_1581 : vector<16xi32>
    %shift_left3A_1583 = arith.constant 3 : i32
    %shift_left3A_1584 = vector.broadcast %shift_left3A_1583 : i32 to vector<16xi32>
    %shift_left3A_1585 = arith.shli %and3A_1582, %shift_left3A_1584 : vector<16xi32>
    %add3A_1586 = arith.addi %shift_left3A_1579, %shift_left3A_1585 : vector<16xi32>
    %shift_right_arithmetic3A_1587 = arith.constant 3 : i32
    %shift_right_arithmetic3A_1588 = vector.broadcast %shift_right_arithmetic3A_1587 : i32 to vector<16xi32>
    %shift_right_arithmetic3A_1589 = arith.shrsi %select_n3A_1573, %shift_right_arithmetic3A_1588 : vector<16xi32>
    %and3A_1590 = arith.constant 7 : i32
    %and3A_1591 = vector.broadcast %and3A_1590 : i32 to vector<16xi32>
    %and3A_1592 = arith.andi %shift_right_arithmetic3A_1589, %and3A_1591 : vector<16xi32>
    %add3A_1593 = arith.addi %add3A_1586, %and3A_1592 : vector<16xi32>
    %swap3A_1594 = arith.constant 544 : index
    %swap3A_1595 = tpu.vector_load %arg6[%swap3A_1594] {strides = array<i32>} : memref<768xi32, #tpu.memory_space<vmem>>, vector<16xi32>,
    tpu.vector_store %arg6[%swap3A_1594], %add3A_1593 {strides = array<i32>} : memref<768xi32, #tpu.memory_space<vmem>>, vector<16xi32>,
    %add3A_1596 = arith.constant 1410 : i32
    %add3A_1597 = vector.broadcast %add3A_1596 : i32 to vector<16xi32>
    %add3A_1598 = arith.addi %shift_right_arithmetic3A_3, %add3A_1597 : vector<16xi32>
    %mul3A_1599 = arith.constant 8 : i32
    %mul3A_1600 = vector.broadcast %mul3A_1599 : i32 to vector<16xi32>
    %mul3A_1601 = arith.muli %iota3A, %mul3A_1600 : vector<16xi32>
    %add3A_1602 = arith.addi %add3A_1598, %mul3A_1601 : vector<16xi32>
    %ge3A_1603 = arith.constant 262144 : i32
    %ge3A_1604 = vector.broadcast %ge3A_1603 : i32 to vector<16xi32>
    %ge3A_1605 = arith.cmpi sge, %add3A_1602, %ge3A_1604 : vector<16xi32>
    %sub3A_1606 = arith.constant 262144 : i32
    %sub3A_1607 = vector.broadcast %sub3A_1606 : i32 to vector<16xi32>
    %sub3A_1608 = arith.subi %add3A_1602, %sub3A_1607 : vector<16xi32>
    %select_n3A_1609 = arith.select %ge3A_1605, %sub3A_1608, %add3A_1602 : vector<16xi1>, vector<16xi32>
    %shift_right_arithmetic3A_1610 = arith.constant 6 : i32
    %shift_right_arithmetic3A_1611 = vector.broadcast %shift_right_arithmetic3A_1610 : i32 to vector<16xi32>
    %shift_right_arithmetic3A_1612 = arith.shrsi %select_n3A_1609, %shift_right_arithmetic3A_1611 : vector<16xi32>
    %shift_left3A_1613 = arith.constant 6 : i32
    %shift_left3A_1614 = vector.broadcast %shift_left3A_1613 : i32 to vector<16xi32>
    %shift_left3A_1615 = arith.shli %shift_right_arithmetic3A_1612, %shift_left3A_1614 : vector<16xi32>
    %and3A_1616 = arith.constant 7 : i32
    %and3A_1617 = vector.broadcast %and3A_1616 : i32 to vector<16xi32>
    %and3A_1618 = arith.andi %select_n3A_1609, %and3A_1617 : vector<16xi32>
    %shift_left3A_1619 = arith.constant 3 : i32
    %shift_left3A_1620 = vector.broadcast %shift_left3A_1619 : i32 to vector<16xi32>
    %shift_left3A_1621 = arith.shli %and3A_1618, %shift_left3A_1620 : vector<16xi32>
    %add3A_1622 = arith.addi %shift_left3A_1615, %shift_left3A_1621 : vector<16xi32>
    %shift_right_arithmetic3A_1623 = arith.constant 3 : i32
    %shift_right_arithmetic3A_1624 = vector.broadcast %shift_right_arithmetic3A_1623 : i32 to vector<16xi32>
    %shift_right_arithmetic3A_1625 = arith.shrsi %select_n3A_1609, %shift_right_arithmetic3A_1624 : vector<16xi32>
    %and3A_1626 = arith.constant 7 : i32
    %and3A_1627 = vector.broadcast %and3A_1626 : i32 to vector<16xi32>
    %and3A_1628 = arith.andi %shift_right_arithmetic3A_1625, %and3A_1627 : vector<16xi32>
    %add3A_1629 = arith.addi %add3A_1622, %and3A_1628 : vector<16xi32>
    %swap3A_1630 = arith.constant 560 : index
    %swap3A_1631 = tpu.vector_load %arg6[%swap3A_1630] {strides = array<i32>} : memref<768xi32, #tpu.memory_space<vmem>>, vector<16xi32>,
    tpu.vector_store %arg6[%swap3A_1630], %add3A_1629 {strides = array<i32>} : memref<768xi32, #tpu.memory_space<vmem>>, vector<16xi32>,
    %dma_start3A_1632 = arith.constant 2 : i32
    %dma_start3A_1633 = arith.constant 0 : i32
    %dma_start3A_1634 = arith.constant 0 : i32
    %dma_start3A_1635 = tpu.memref_slice %arg7[%dma_start3A_1632, %dma_start3A_1633, %dma_start3A_1634] : memref<3x192x128xf32, #tpu.memory_space<vmem>> -> memref<1x192x128xf32, #tpu.memory_space<vmem>>
    %dma_start3A_1636 = tpu.memref_squeeze %dma_start3A_1635 : memref<1x192x128xf32, #tpu.memory_space<vmem>> -> memref<192x128xf32, #tpu.memory_space<vmem>>
    %dma_start3A_1637 = arith.constant 0 : i32
    %dma_start3A_1638 = arith.constant 0 : i32
    %dma_start3A_1639 = tpu.memref_slice %dma_start3A_1636[%dma_start3A_1637, %dma_start3A_1638] : memref<192x128xf32, #tpu.memory_space<vmem>> -> memref<64x128xf32, #tpu.memory_space<vmem>>
    %dma_start3A_1640 = arith.constant 384 : i32
    %dma_start3A_1641 = tpu.memref_slice %arg6[%dma_start3A_1640] : memref<768xi32, #tpu.memory_space<vmem>> -> memref<64xi32, #tpu.memory_space<vmem>>
    %dma_start3A_1642 = arith.constant 0 : i32
    %dma_start3A_1643 = arith.constant 0 : i32
    %dma_start3A_1644 = tpu.memref_slice %arg2[%dma_start3A_1642, %dma_start3A_1643] : memref<262144x128xf32, #tpu.memory_space<hbm>> -> memref<262144x128xf32, #tpu.memory_space<hbm>>
    tpu.enqueue_indirect_dma source(%dma_start3A_1644 : memref<262144x128xf32, #tpu.memory_space<hbm>>) target(%dma_start3A_1639 : memref<64x128xf32, #tpu.memory_space<vmem>>) offsets(%dma_start3A_1641 : memref<64xi32, #tpu.memory_space<vmem>>) semaphore(%arg11 : memref<!tpu.dma_semaphore, #tpu.memory_space<semaphore_mem>>)
    %dma_start3A_1645 = arith.constant 2 : i32
    %dma_start3A_1646 = arith.constant 0 : i32
    %dma_start3A_1647 = arith.constant 0 : i32
    %dma_start3A_1648 = tpu.memref_slice %arg7[%dma_start3A_1645, %dma_start3A_1646, %dma_start3A_1647] : memref<3x192x128xf32, #tpu.memory_space<vmem>> -> memref<1x192x128xf32, #tpu.memory_space<vmem>>
    %dma_start3A_1649 = tpu.memref_squeeze %dma_start3A_1648 : memref<1x192x128xf32, #tpu.memory_space<vmem>> -> memref<192x128xf32, #tpu.memory_space<vmem>>
    %dma_start3A_1650 = arith.constant 64 : i32
    %dma_start3A_1651 = arith.constant 0 : i32
    %dma_start3A_1652 = tpu.memref_slice %dma_start3A_1649[%dma_start3A_1650, %dma_start3A_1651] : memref<192x128xf32, #tpu.memory_space<vmem>> -> memref<64x128xf32, #tpu.memory_space<vmem>>
    %dma_start3A_1653 = arith.constant 448 : i32
    %dma_start3A_1654 = tpu.memref_slice %arg6[%dma_start3A_1653] : memref<768xi32, #tpu.memory_space<vmem>> -> memref<64xi32, #tpu.memory_space<vmem>>
    %dma_start3A_1655 = arith.constant 0 : i32
    %dma_start3A_1656 = arith.constant 0 : i32
    %dma_start3A_1657 = tpu.memref_slice %arg2[%dma_start3A_1655, %dma_start3A_1656] : memref<262144x128xf32, #tpu.memory_space<hbm>> -> memref<262144x128xf32, #tpu.memory_space<hbm>>
    tpu.enqueue_indirect_dma source(%dma_start3A_1657 : memref<262144x128xf32, #tpu.memory_space<hbm>>) target(%dma_start3A_1652 : memref<64x128xf32, #tpu.memory_space<vmem>>) offsets(%dma_start3A_1654 : memref<64xi32, #tpu.memory_space<vmem>>) semaphore(%arg11 : memref<!tpu.dma_semaphore, #tpu.memory_space<semaphore_mem>>)
    %dma_start3A_1658 = arith.constant 2 : i32
    %dma_start3A_1659 = arith.constant 0 : i32
    %dma_start3A_1660 = arith.constant 0 : i32
    %dma_start3A_1661 = tpu.memref_slice %arg7[%dma_start3A_1658, %dma_start3A_1659, %dma_start3A_1660] : memref<3x192x128xf32, #tpu.memory_space<vmem>> -> memref<1x192x128xf32, #tpu.memory_space<vmem>>
    %dma_start3A_1662 = tpu.memref_squeeze %dma_start3A_1661 : memref<1x192x128xf32, #tpu.memory_space<vmem>> -> memref<192x128xf32, #tpu.memory_space<vmem>>
    %dma_start3A_1663 = arith.constant 128 : i32
    %dma_start3A_1664 = arith.constant 0 : i32
    %dma_start3A_1665 = tpu.memref_slice %dma_start3A_1662[%dma_start3A_1663, %dma_start3A_1664] : memref<192x128xf32, #tpu.memory_space<vmem>> -> memref<64x128xf32, #tpu.memory_space<vmem>>
    %dma_start3A_1666 = arith.constant 512 : i32
    %dma_start3A_1667 = tpu.memref_slice %arg6[%dma_start3A_1666] : memref<768xi32, #tpu.memory_space<vmem>> -> memref<64xi32, #tpu.memory_space<vmem>>
    %dma_start3A_1668 = arith.constant 0 : i32
    %dma_start3A_1669 = arith.constant 0 : i32
    %dma_start3A_1670 = tpu.memref_slice %arg2[%dma_start3A_1668, %dma_start3A_1669] : memref<262144x128xf32, #tpu.memory_space<hbm>> -> memref<262144x128xf32, #tpu.memory_space<hbm>>
    tpu.enqueue_indirect_dma source(%dma_start3A_1670 : memref<262144x128xf32, #tpu.memory_space<hbm>>) target(%dma_start3A_1665 : memref<64x128xf32, #tpu.memory_space<vmem>>) offsets(%dma_start3A_1667 : memref<64xi32, #tpu.memory_space<vmem>>) semaphore(%arg11 : memref<!tpu.dma_semaphore, #tpu.memory_space<semaphore_mem>>)
    %dma_wait3A = arith.constant 0 : i32
    %dma_wait3A_1671 = arith.constant 0 : i32
    %dma_wait3A_1672 = arith.constant 0 : i32
    %dma_wait3A_1673 = tpu.memref_slice %arg7[%dma_wait3A, %dma_wait3A_1671, %dma_wait3A_1672] : memref<3x192x128xf32, #tpu.memory_space<vmem>> -> memref<1x192x128xf32, #tpu.memory_space<vmem>>
    %dma_wait3A_1674 = tpu.memref_squeeze %dma_wait3A_1673 : memref<1x192x128xf32, #tpu.memory_space<vmem>> -> memref<192x128xf32, #tpu.memory_space<vmem>>
    %dma_wait3A_1675 = arith.constant 0 : i32
    %dma_wait3A_1676 = arith.constant 0 : i32
    %dma_wait3A_1677 = tpu.memref_slice %dma_wait3A_1674[%dma_wait3A_1675, %dma_wait3A_1676] : memref<192x128xf32, #tpu.memory_space<vmem>> -> memref<64x128xf32, #tpu.memory_space<vmem>>
    %dma_wait3A_1678 = arith.constant 0 : i32
    %dma_wait3A_1679 = tpu.memref_slice %arg6[%dma_wait3A_1678] : memref<768xi32, #tpu.memory_space<vmem>> -> memref<64xi32, #tpu.memory_space<vmem>>
    %dma_wait3A_1680 = arith.constant 0 : i32
    %dma_wait3A_1681 = arith.constant 0 : i32
    %dma_wait3A_1682 = tpu.memref_slice %arg2[%dma_wait3A_1680, %dma_wait3A_1681] : memref<262144x128xf32, #tpu.memory_space<hbm>> -> memref<262144x128xf32, #tpu.memory_space<hbm>>
    tpu.wait_indirect_dma semaphore(%arg9 : memref<!tpu.dma_semaphore, #tpu.memory_space<semaphore_mem>>) src(%dma_wait3A_1682 : memref<262144x128xf32, #tpu.memory_space<hbm>>) dst(%dma_wait3A_1677 : memref<64x128xf32, #tpu.memory_space<vmem>>)
    %dma_wait3A_1683 = arith.constant 0 : i32
    %dma_wait3A_1684 = arith.constant 0 : i32
    %dma_wait3A_1685 = arith.constant 0 : i32
    %dma_wait3A_1686 = tpu.memref_slice %arg7[%dma_wait3A_1683, %dma_wait3A_1684, %dma_wait3A_1685] : memref<3x192x128xf32, #tpu.memory_space<vmem>> -> memref<1x192x128xf32, #tpu.memory_space<vmem>>
    %dma_wait3A_1687 = tpu.memref_squeeze %dma_wait3A_1686 : memref<1x192x128xf32, #tpu.memory_space<vmem>> -> memref<192x128xf32, #tpu.memory_space<vmem>>
    %dma_wait3A_1688 = arith.constant 64 : i32
    %dma_wait3A_1689 = arith.constant 0 : i32
    %dma_wait3A_1690 = tpu.memref_slice %dma_wait3A_1687[%dma_wait3A_1688, %dma_wait3A_1689] : memref<192x128xf32, #tpu.memory_space<vmem>> -> memref<64x128xf32, #tpu.memory_space<vmem>>
    %dma_wait3A_1691 = arith.constant 64 : i32
    %dma_wait3A_1692 = tpu.memref_slice %arg6[%dma_wait3A_1691] : memref<768xi32, #tpu.memory_space<vmem>> -> memref<64xi32, #tpu.memory_space<vmem>>
    %dma_wait3A_1693 = arith.constant 0 : i32
    %dma_wait3A_1694 = arith.constant 0 : i32
    %dma_wait3A_1695 = tpu.memref_slice %arg2[%dma_wait3A_1693, %dma_wait3A_1694] : memref<262144x128xf32, #tpu.memory_space<hbm>> -> memref<262144x128xf32, #tpu.memory_space<hbm>>
    tpu.wait_indirect_dma semaphore(%arg9 : memref<!tpu.dma_semaphore, #tpu.memory_space<semaphore_mem>>) src(%dma_wait3A_1695 : memref<262144x128xf32, #tpu.memory_space<hbm>>) dst(%dma_wait3A_1690 : memref<64x128xf32, #tpu.memory_space<vmem>>)
    %dma_wait3A_1696 = arith.constant 0 : i32
    %dma_wait3A_1697 = arith.constant 0 : i32
    %dma_wait3A_1698 = arith.constant 0 : i32
    %dma_wait3A_1699 = tpu.memref_slice %arg7[%dma_wait3A_1696, %dma_wait3A_1697, %dma_wait3A_1698] : memref<3x192x128xf32, #tpu.memory_space<vmem>> -> memref<1x192x128xf32, #tpu.memory_space<vmem>>
    %dma_wait3A_1700 = tpu.memref_squeeze %dma_wait3A_1699 : memref<1x192x128xf32, #tpu.memory_space<vmem>> -> memref<192x128xf32, #tpu.memory_space<vmem>>
    %dma_wait3A_1701 = arith.constant 128 : i32
    %dma_wait3A_1702 = arith.constant 0 : i32
    %dma_wait3A_1703 = tpu.memref_slice %dma_wait3A_1700[%dma_wait3A_1701, %dma_wait3A_1702] : memref<192x128xf32, #tpu.memory_space<vmem>> -> memref<64x128xf32, #tpu.memory_space<vmem>>
    %dma_wait3A_1704 = arith.constant 128 : i32
    %dma_wait3A_1705 = tpu.memref_slice %arg6[%dma_wait3A_1704] : memref<768xi32, #tpu.memory_space<vmem>> -> memref<64xi32, #tpu.memory_space<vmem>>
    %dma_wait3A_1706 = arith.constant 0 : i32
    %dma_wait3A_1707 = arith.constant 0 : i32
    %dma_wait3A_1708 = tpu.memref_slice %arg2[%dma_wait3A_1706, %dma_wait3A_1707] : memref<262144x128xf32, #tpu.memory_space<hbm>> -> memref<262144x128xf32, #tpu.memory_space<hbm>>
    tpu.wait_indirect_dma semaphore(%arg9 : memref<!tpu.dma_semaphore, #tpu.memory_space<semaphore_mem>>) src(%dma_wait3A_1708 : memref<262144x128xf32, #tpu.memory_space<hbm>>) dst(%dma_wait3A_1703 : memref<64x128xf32, #tpu.memory_space<vmem>>)
    %scan3A = arith.constant 0 : i32
    %scan3A_1709 = arith.constant 0 : i32
    %scan3A_1710 = arith.constant 0 : i32
    %scan3A_1711 = arith.constant 0 : i32
    %scan3A_1712 = arith.constant 64 : i32
    %scan3A_1713 = arith.addi %scan3A_1711, %scan3A_1712 : i32
    %scan3A_1714 = arith.constant 1 : i32
    %scan3A_1715 = scf.for %scan3A_2452 = %scan3A_1711 to %scan3A_1713 step %scan3A_1714 iter_args(%scan3A_2453 = %scan3A_1710) -> (i32)  : i32 {
      %mul3A_2454 = arith.constant 128 : i32
      %mul3A_2455 = arith.muli %scan3A_2452, %mul3A_2454 : i32
      %add3A_2456 = vector.broadcast %mul3A_2455 : i32 to vector<16xi32>
      %add3A_2457 = arith.addi %add3A_202, %add3A_2456 : vector<16xi32>
      %gather3A = arith.constant 0 : i32
      %gather3A_2458 = arith.constant 0 : i32
      %gather3A_2459 = tpu.memref_slice %arg7[%scan3A, %gather3A, %gather3A_2458] : memref<3x192x128xf32, #tpu.memory_space<vmem>> -> memref<1x192x128xf32, #tpu.memory_space<vmem>>
      %gather3A_2460 = tpu.memref_squeeze %gather3A_2459 : memref<1x192x128xf32, #tpu.memory_space<vmem>> -> memref<192x128xf32, #tpu.memory_space<vmem>>
      %gather3A_2461 = tpu.vector_load_idx %gather3A_2460[%broadcast_in_dim3A_7, %add3A_2457] : memref<192x128xf32, #tpu.memory_space<vmem>>[vector<16xi32>, vector<16xi32>], vector<16xf32>,
      %add3A_2462 = vector.broadcast %mul3A_2455 : i32 to vector<16xi32>
      %add3A_2463 = arith.addi %add3A_206, %add3A_2462 : vector<16xi32>
      %gather3A_2464 = arith.constant 0 : i32
      %gather3A_2465 = arith.constant 0 : i32
      %gather3A_2466 = tpu.memref_slice %arg7[%scan3A, %gather3A_2464, %gather3A_2465] : memref<3x192x128xf32, #tpu.memory_space<vmem>> -> memref<1x192x128xf32, #tpu.memory_space<vmem>>
      %gather3A_2467 = tpu.memref_squeeze %gather3A_2466 : memref<1x192x128xf32, #tpu.memory_space<vmem>> -> memref<192x128xf32, #tpu.memory_space<vmem>>
      %gather3A_2468 = tpu.vector_load_idx %gather3A_2467[%broadcast_in_dim3A_7, %add3A_2463] : memref<192x128xf32, #tpu.memory_space<vmem>>[vector<16xi32>, vector<16xi32>], vector<16xf32>,
      %add3A_2469 = vector.broadcast %mul3A_2455 : i32 to vector<16xi32>
      %add3A_2470 = arith.addi %add3A_210, %add3A_2469 : vector<16xi32>
      %gather3A_2471 = arith.constant 0 : i32
      %gather3A_2472 = arith.constant 0 : i32
      %gather3A_2473 = tpu.memref_slice %arg7[%scan3A, %gather3A_2471, %gather3A_2472] : memref<3x192x128xf32, #tpu.memory_space<vmem>> -> memref<1x192x128xf32, #tpu.memory_space<vmem>>
      %gather3A_2474 = tpu.memref_squeeze %gather3A_2473 : memref<1x192x128xf32, #tpu.memory_space<vmem>> -> memref<192x128xf32, #tpu.memory_space<vmem>>
      %gather3A_2475 = tpu.vector_load_idx %gather3A_2474[%broadcast_in_dim3A_7, %add3A_2470] : memref<192x128xf32, #tpu.memory_space<vmem>>[vector<16xi32>, vector<16xi32>], vector<16xf32>,
      %add3A_2476 = vector.broadcast %mul3A_2455 : i32 to vector<16xi32>
      %add3A_2477 = arith.addi %add3A_214, %add3A_2476 : vector<16xi32>
      %gather3A_2478 = arith.constant 0 : i32
      %gather3A_2479 = arith.constant 0 : i32
      %gather3A_2480 = tpu.memref_slice %arg7[%scan3A, %gather3A_2478, %gather3A_2479] : memref<3x192x128xf32, #tpu.memory_space<vmem>> -> memref<1x192x128xf32, #tpu.memory_space<vmem>>
      %gather3A_2481 = tpu.memref_squeeze %gather3A_2480 : memref<1x192x128xf32, #tpu.memory_space<vmem>> -> memref<192x128xf32, #tpu.memory_space<vmem>>
      %gather3A_2482 = tpu.vector_load_idx %gather3A_2481[%broadcast_in_dim3A_7, %add3A_2477] : memref<192x128xf32, #tpu.memory_space<vmem>>[vector<16xi32>, vector<16xi32>], vector<16xf32>,
      %add3A_2483 = vector.broadcast %mul3A_2455 : i32 to vector<16xi32>
      %add3A_2484 = arith.addi %add3A_218, %add3A_2483 : vector<16xi32>
      %gather3A_2485 = arith.constant 0 : i32
      %gather3A_2486 = arith.constant 0 : i32
      %gather3A_2487 = tpu.memref_slice %arg7[%scan3A, %gather3A_2485, %gather3A_2486] : memref<3x192x128xf32, #tpu.memory_space<vmem>> -> memref<1x192x128xf32, #tpu.memory_space<vmem>>
      %gather3A_2488 = tpu.memref_squeeze %gather3A_2487 : memref<1x192x128xf32, #tpu.memory_space<vmem>> -> memref<192x128xf32, #tpu.memory_space<vmem>>
      %gather3A_2489 = tpu.vector_load_idx %gather3A_2488[%broadcast_in_dim3A_7, %add3A_2484] : memref<192x128xf32, #tpu.memory_space<vmem>>[vector<16xi32>, vector<16xi32>], vector<16xf32>,
      %add3A_2490 = vector.broadcast %mul3A_2455 : i32 to vector<16xi32>
      %add3A_2491 = arith.addi %add3A_222, %add3A_2490 : vector<16xi32>
      %gather3A_2492 = arith.constant 0 : i32
      %gather3A_2493 = arith.constant 0 : i32
      %gather3A_2494 = tpu.memref_slice %arg7[%scan3A, %gather3A_2492, %gather3A_2493] : memref<3x192x128xf32, #tpu.memory_space<vmem>> -> memref<1x192x128xf32, #tpu.memory_space<vmem>>
      %gather3A_2495 = tpu.memref_squeeze %gather3A_2494 : memref<1x192x128xf32, #tpu.memory_space<vmem>> -> memref<192x128xf32, #tpu.memory_space<vmem>>
      %gather3A_2496 = tpu.vector_load_idx %gather3A_2495[%broadcast_in_dim3A_7, %add3A_2491] : memref<192x128xf32, #tpu.memory_space<vmem>>[vector<16xi32>, vector<16xi32>], vector<16xf32>,
      %add3A_2497 = vector.broadcast %mul3A_2455 : i32 to vector<16xi32>
      %add3A_2498 = arith.addi %add3A_226, %add3A_2497 : vector<16xi32>
      %gather3A_2499 = arith.constant 0 : i32
      %gather3A_2500 = arith.constant 0 : i32
      %gather3A_2501 = tpu.memref_slice %arg7[%scan3A, %gather3A_2499, %gather3A_2500] : memref<3x192x128xf32, #tpu.memory_space<vmem>> -> memref<1x192x128xf32, #tpu.memory_space<vmem>>
      %gather3A_2502 = tpu.memref_squeeze %gather3A_2501 : memref<1x192x128xf32, #tpu.memory_space<vmem>> -> memref<192x128xf32, #tpu.memory_space<vmem>>
      %gather3A_2503 = tpu.vector_load_idx %gather3A_2502[%broadcast_in_dim3A_7, %add3A_2498] : memref<192x128xf32, #tpu.memory_space<vmem>>[vector<16xi32>, vector<16xi32>], vector<16xf32>,
      %add3A_2504 = vector.broadcast %mul3A_2455 : i32 to vector<16xi32>
      %add3A_2505 = arith.addi %add3A_230, %add3A_2504 : vector<16xi32>
      %gather3A_2506 = arith.constant 0 : i32
      %gather3A_2507 = arith.constant 0 : i32
      %gather3A_2508 = tpu.memref_slice %arg7[%scan3A, %gather3A_2506, %gather3A_2507] : memref<3x192x128xf32, #tpu.memory_space<vmem>> -> memref<1x192x128xf32, #tpu.memory_space<vmem>>
      %gather3A_2509 = tpu.memref_squeeze %gather3A_2508 : memref<1x192x128xf32, #tpu.memory_space<vmem>> -> memref<192x128xf32, #tpu.memory_space<vmem>>
      %gather3A_2510 = tpu.vector_load_idx %gather3A_2509[%broadcast_in_dim3A_7, %add3A_2505] : memref<192x128xf32, #tpu.memory_space<vmem>>[vector<16xi32>, vector<16xi32>], vector<16xf32>,
      %add3A_2511 = vector.broadcast %mul3A_2455 : i32 to vector<16xi32>
      %add3A_2512 = arith.addi %add3A_234, %add3A_2511 : vector<16xi32>
      %gather3A_2513 = arith.constant 0 : i32
      %gather3A_2514 = arith.constant 0 : i32
      %gather3A_2515 = tpu.memref_slice %arg7[%scan3A, %gather3A_2513, %gather3A_2514] : memref<3x192x128xf32, #tpu.memory_space<vmem>> -> memref<1x192x128xf32, #tpu.memory_space<vmem>>
      %gather3A_2516 = tpu.memref_squeeze %gather3A_2515 : memref<1x192x128xf32, #tpu.memory_space<vmem>> -> memref<192x128xf32, #tpu.memory_space<vmem>>
      %gather3A_2517 = tpu.vector_load_idx %gather3A_2516[%broadcast_in_dim3A_7, %add3A_2512] : memref<192x128xf32, #tpu.memory_space<vmem>>[vector<16xi32>, vector<16xi32>], vector<16xf32>,
      %add3A_2518 = vector.broadcast %mul3A_2455 : i32 to vector<16xi32>
      %add3A_2519 = arith.addi %add3A_238, %add3A_2518 : vector<16xi32>
      %gather3A_2520 = arith.constant 0 : i32
      %gather3A_2521 = arith.constant 0 : i32
      %gather3A_2522 = tpu.memref_slice %arg7[%scan3A, %gather3A_2520, %gather3A_2521] : memref<3x192x128xf32, #tpu.memory_space<vmem>> -> memref<1x192x128xf32, #tpu.memory_space<vmem>>
      %gather3A_2523 = tpu.memref_squeeze %gather3A_2522 : memref<1x192x128xf32, #tpu.memory_space<vmem>> -> memref<192x128xf32, #tpu.memory_space<vmem>>
      %gather3A_2524 = tpu.vector_load_idx %gather3A_2523[%broadcast_in_dim3A_7, %add3A_2519] : memref<192x128xf32, #tpu.memory_space<vmem>>[vector<16xi32>, vector<16xi32>], vector<16xf32>,
      %add3A_2525 = vector.broadcast %mul3A_2455 : i32 to vector<16xi32>
      %add3A_2526 = arith.addi %add3A_242, %add3A_2525 : vector<16xi32>
      %gather3A_2527 = arith.constant 0 : i32
      %gather3A_2528 = arith.constant 0 : i32
      %gather3A_2529 = tpu.memref_slice %arg7[%scan3A, %gather3A_2527, %gather3A_2528] : memref<3x192x128xf32, #tpu.memory_space<vmem>> -> memref<1x192x128xf32, #tpu.memory_space<vmem>>
      %gather3A_2530 = tpu.memref_squeeze %gather3A_2529 : memref<1x192x128xf32, #tpu.memory_space<vmem>> -> memref<192x128xf32, #tpu.memory_space<vmem>>
      %gather3A_2531 = tpu.vector_load_idx %gather3A_2530[%broadcast_in_dim3A_7, %add3A_2526] : memref<192x128xf32, #tpu.memory_space<vmem>>[vector<16xi32>, vector<16xi32>], vector<16xf32>,
      %add3A_2532 = vector.broadcast %mul3A_2455 : i32 to vector<16xi32>
      %add3A_2533 = arith.addi %add3A_246, %add3A_2532 : vector<16xi32>
      %gather3A_2534 = arith.constant 0 : i32
      %gather3A_2535 = arith.constant 0 : i32
      %gather3A_2536 = tpu.memref_slice %arg7[%scan3A, %gather3A_2534, %gather3A_2535] : memref<3x192x128xf32, #tpu.memory_space<vmem>> -> memref<1x192x128xf32, #tpu.memory_space<vmem>>
      %gather3A_2537 = tpu.memref_squeeze %gather3A_2536 : memref<1x192x128xf32, #tpu.memory_space<vmem>> -> memref<192x128xf32, #tpu.memory_space<vmem>>
      %gather3A_2538 = tpu.vector_load_idx %gather3A_2537[%broadcast_in_dim3A_7, %add3A_2533] : memref<192x128xf32, #tpu.memory_space<vmem>>[vector<16xi32>, vector<16xi32>], vector<16xf32>,
      %add3A_2539 = vector.broadcast %mul3A_2455 : i32 to vector<16xi32>
      %add3A_2540 = arith.addi %add3A_250, %add3A_2539 : vector<16xi32>
      %gather3A_2541 = arith.constant 0 : i32
      %gather3A_2542 = arith.constant 0 : i32
      %gather3A_2543 = tpu.memref_slice %arg7[%scan3A, %gather3A_2541, %gather3A_2542] : memref<3x192x128xf32, #tpu.memory_space<vmem>> -> memref<1x192x128xf32, #tpu.memory_space<vmem>>
      %gather3A_2544 = tpu.memref_squeeze %gather3A_2543 : memref<1x192x128xf32, #tpu.memory_space<vmem>> -> memref<192x128xf32, #tpu.memory_space<vmem>>
      %gather3A_2545 = tpu.vector_load_idx %gather3A_2544[%broadcast_in_dim3A_7, %add3A_2540] : memref<192x128xf32, #tpu.memory_space<vmem>>[vector<16xi32>, vector<16xi32>], vector<16xf32>,
      %add3A_2546 = vector.broadcast %mul3A_2455 : i32 to vector<16xi32>
      %add3A_2547 = arith.addi %add3A_254, %add3A_2546 : vector<16xi32>
      %gather3A_2548 = arith.constant 0 : i32
      %gather3A_2549 = arith.constant 0 : i32
      %gather3A_2550 = tpu.memref_slice %arg7[%scan3A, %gather3A_2548, %gather3A_2549] : memref<3x192x128xf32, #tpu.memory_space<vmem>> -> memref<1x192x128xf32, #tpu.memory_space<vmem>>
      %gather3A_2551 = tpu.memref_squeeze %gather3A_2550 : memref<1x192x128xf32, #tpu.memory_space<vmem>> -> memref<192x128xf32, #tpu.memory_space<vmem>>
      %gather3A_2552 = tpu.vector_load_idx %gather3A_2551[%broadcast_in_dim3A_7, %add3A_2547] : memref<192x128xf32, #tpu.memory_space<vmem>>[vector<16xi32>, vector<16xi32>], vector<16xf32>,
      %add3A_2553 = vector.broadcast %mul3A_2455 : i32 to vector<16xi32>
      %add3A_2554 = arith.addi %add3A_258, %add3A_2553 : vector<16xi32>
      %gather3A_2555 = arith.constant 0 : i32
      %gather3A_2556 = arith.constant 0 : i32
      %gather3A_2557 = tpu.memref_slice %arg7[%scan3A, %gather3A_2555, %gather3A_2556] : memref<3x192x128xf32, #tpu.memory_space<vmem>> -> memref<1x192x128xf32, #tpu.memory_space<vmem>>
      %gather3A_2558 = tpu.memref_squeeze %gather3A_2557 : memref<1x192x128xf32, #tpu.memory_space<vmem>> -> memref<192x128xf32, #tpu.memory_space<vmem>>
      %gather3A_2559 = tpu.vector_load_idx %gather3A_2558[%broadcast_in_dim3A_7, %add3A_2554] : memref<192x128xf32, #tpu.memory_space<vmem>>[vector<16xi32>, vector<16xi32>], vector<16xf32>,
      %add3A_2560 = vector.broadcast %mul3A_2455 : i32 to vector<16xi32>
      %add3A_2561 = arith.addi %add3A_262, %add3A_2560 : vector<16xi32>
      %gather3A_2562 = arith.constant 0 : i32
      %gather3A_2563 = arith.constant 0 : i32
      %gather3A_2564 = tpu.memref_slice %arg7[%scan3A, %gather3A_2562, %gather3A_2563] : memref<3x192x128xf32, #tpu.memory_space<vmem>> -> memref<1x192x128xf32, #tpu.memory_space<vmem>>
      %gather3A_2565 = tpu.memref_squeeze %gather3A_2564 : memref<1x192x128xf32, #tpu.memory_space<vmem>> -> memref<192x128xf32, #tpu.memory_space<vmem>>
      %gather3A_2566 = tpu.vector_load_idx %gather3A_2565[%broadcast_in_dim3A_7, %add3A_2561] : memref<192x128xf32, #tpu.memory_space<vmem>>[vector<16xi32>, vector<16xi32>], vector<16xf32>,
      %swap3A_2567 = arith.constant 0 : i32
      %swap3A_2568 = arith.constant 0 : i32
      %swap3A_2569 = tpu.memref_slice %arg8[%scan3A_1709, %swap3A_2567, %swap3A_2568] : memref<2x64x256xf32, #tpu.memory_space<vmem>> -> memref<1x64x256xf32, #tpu.memory_space<vmem>>
      %swap3A_2570 = tpu.memref_squeeze %swap3A_2569 : memref<1x64x256xf32, #tpu.memory_space<vmem>> -> memref<64x256xf32, #tpu.memory_space<vmem>>
      %swap3A_2571 = arith.index_cast %scan3A_2452 : i32 to index
      %swap3A_2572 = arith.constant 0 : index
      %swap3A_2573 = tpu.vector_load %swap3A_2570[%swap3A_2571, %swap3A_2572] {strides = array<i32>} : memref<64x256xf32, #tpu.memory_space<vmem>>, vector<16xf32>,
      tpu.vector_store %swap3A_2570[%swap3A_2571, %swap3A_2572], %gather3A_2461 {strides = array<i32>} : memref<64x256xf32, #tpu.memory_space<vmem>>, vector<16xf32>,
      %swap3A_2574 = arith.constant 0 : i32
      %swap3A_2575 = arith.constant 0 : i32
      %swap3A_2576 = tpu.memref_slice %arg8[%scan3A_1709, %swap3A_2574, %swap3A_2575] : memref<2x64x256xf32, #tpu.memory_space<vmem>> -> memref<1x64x256xf32, #tpu.memory_space<vmem>>
      %swap3A_2577 = tpu.memref_squeeze %swap3A_2576 : memref<1x64x256xf32, #tpu.memory_space<vmem>> -> memref<64x256xf32, #tpu.memory_space<vmem>>
      %swap3A_2578 = arith.index_cast %scan3A_2452 : i32 to index
      %swap3A_2579 = arith.constant 16 : index
      %swap3A_2580 = tpu.vector_load %swap3A_2577[%swap3A_2578, %swap3A_2579] {strides = array<i32>} : memref<64x256xf32, #tpu.memory_space<vmem>>, vector<16xf32>,
      tpu.vector_store %swap3A_2577[%swap3A_2578, %swap3A_2579], %gather3A_2468 {strides = array<i32>} : memref<64x256xf32, #tpu.memory_space<vmem>>, vector<16xf32>,
      %swap3A_2581 = arith.constant 0 : i32
      %swap3A_2582 = arith.constant 0 : i32
      %swap3A_2583 = tpu.memref_slice %arg8[%scan3A_1709, %swap3A_2581, %swap3A_2582] : memref<2x64x256xf32, #tpu.memory_space<vmem>> -> memref<1x64x256xf32, #tpu.memory_space<vmem>>
      %swap3A_2584 = tpu.memref_squeeze %swap3A_2583 : memref<1x64x256xf32, #tpu.memory_space<vmem>> -> memref<64x256xf32, #tpu.memory_space<vmem>>
      %swap3A_2585 = arith.index_cast %scan3A_2452 : i32 to index
      %swap3A_2586 = arith.constant 32 : index
      %swap3A_2587 = tpu.vector_load %swap3A_2584[%swap3A_2585, %swap3A_2586] {strides = array<i32>} : memref<64x256xf32, #tpu.memory_space<vmem>>, vector<16xf32>,
      tpu.vector_store %swap3A_2584[%swap3A_2585, %swap3A_2586], %gather3A_2475 {strides = array<i32>} : memref<64x256xf32, #tpu.memory_space<vmem>>, vector<16xf32>,
      %swap3A_2588 = arith.constant 0 : i32
      %swap3A_2589 = arith.constant 0 : i32
      %swap3A_2590 = tpu.memref_slice %arg8[%scan3A_1709, %swap3A_2588, %swap3A_2589] : memref<2x64x256xf32, #tpu.memory_space<vmem>> -> memref<1x64x256xf32, #tpu.memory_space<vmem>>
      %swap3A_2591 = tpu.memref_squeeze %swap3A_2590 : memref<1x64x256xf32, #tpu.memory_space<vmem>> -> memref<64x256xf32, #tpu.memory_space<vmem>>
      %swap3A_2592 = arith.index_cast %scan3A_2452 : i32 to index
      %swap3A_2593 = arith.constant 48 : index
      %swap3A_2594 = tpu.vector_load %swap3A_2591[%swap3A_2592, %swap3A_2593] {strides = array<i32>} : memref<64x256xf32, #tpu.memory_space<vmem>>, vector<16xf32>,
      tpu.vector_store %swap3A_2591[%swap3A_2592, %swap3A_2593], %gather3A_2482 {strides = array<i32>} : memref<64x256xf32, #tpu.memory_space<vmem>>, vector<16xf32>,
      %swap3A_2595 = arith.constant 0 : i32
      %swap3A_2596 = arith.constant 0 : i32
      %swap3A_2597 = tpu.memref_slice %arg8[%scan3A_1709, %swap3A_2595, %swap3A_2596] : memref<2x64x256xf32, #tpu.memory_space<vmem>> -> memref<1x64x256xf32, #tpu.memory_space<vmem>>
      %swap3A_2598 = tpu.memref_squeeze %swap3A_2597 : memref<1x64x256xf32, #tpu.memory_space<vmem>> -> memref<64x256xf32, #tpu.memory_space<vmem>>
      %swap3A_2599 = arith.index_cast %scan3A_2452 : i32 to index
      %swap3A_2600 = arith.constant 64 : index
      %swap3A_2601 = tpu.vector_load %swap3A_2598[%swap3A_2599, %swap3A_2600] {strides = array<i32>} : memref<64x256xf32, #tpu.memory_space<vmem>>, vector<16xf32>,
      tpu.vector_store %swap3A_2598[%swap3A_2599, %swap3A_2600], %gather3A_2489 {strides = array<i32>} : memref<64x256xf32, #tpu.memory_space<vmem>>, vector<16xf32>,
      %swap3A_2602 = arith.constant 0 : i32
      %swap3A_2603 = arith.constant 0 : i32
      %swap3A_2604 = tpu.memref_slice %arg8[%scan3A_1709, %swap3A_2602, %swap3A_2603] : memref<2x64x256xf32, #tpu.memory_space<vmem>> -> memref<1x64x256xf32, #tpu.memory_space<vmem>>
      %swap3A_2605 = tpu.memref_squeeze %swap3A_2604 : memref<1x64x256xf32, #tpu.memory_space<vmem>> -> memref<64x256xf32, #tpu.memory_space<vmem>>
      %swap3A_2606 = arith.index_cast %scan3A_2452 : i32 to index
      %swap3A_2607 = arith.constant 80 : index
      %swap3A_2608 = tpu.vector_load %swap3A_2605[%swap3A_2606, %swap3A_2607] {strides = array<i32>} : memref<64x256xf32, #tpu.memory_space<vmem>>, vector<16xf32>,
      tpu.vector_store %swap3A_2605[%swap3A_2606, %swap3A_2607], %gather3A_2496 {strides = array<i32>} : memref<64x256xf32, #tpu.memory_space<vmem>>, vector<16xf32>,
      %swap3A_2609 = arith.constant 0 : i32
      %swap3A_2610 = arith.constant 0 : i32
      %swap3A_2611 = tpu.memref_slice %arg8[%scan3A_1709, %swap3A_2609, %swap3A_2610] : memref<2x64x256xf32, #tpu.memory_space<vmem>> -> memref<1x64x256xf32, #tpu.memory_space<vmem>>
      %swap3A_2612 = tpu.memref_squeeze %swap3A_2611 : memref<1x64x256xf32, #tpu.memory_space<vmem>> -> memref<64x256xf32, #tpu.memory_space<vmem>>
      %swap3A_2613 = arith.index_cast %scan3A_2452 : i32 to index
      %swap3A_2614 = arith.constant 96 : index
      %swap3A_2615 = tpu.vector_load %swap3A_2612[%swap3A_2613, %swap3A_2614] {strides = array<i32>} : memref<64x256xf32, #tpu.memory_space<vmem>>, vector<16xf32>,
      tpu.vector_store %swap3A_2612[%swap3A_2613, %swap3A_2614], %gather3A_2503 {strides = array<i32>} : memref<64x256xf32, #tpu.memory_space<vmem>>, vector<16xf32>,
      %swap3A_2616 = arith.constant 0 : i32
      %swap3A_2617 = arith.constant 0 : i32
      %swap3A_2618 = tpu.memref_slice %arg8[%scan3A_1709, %swap3A_2616, %swap3A_2617] : memref<2x64x256xf32, #tpu.memory_space<vmem>> -> memref<1x64x256xf32, #tpu.memory_space<vmem>>
      %swap3A_2619 = tpu.memref_squeeze %swap3A_2618 : memref<1x64x256xf32, #tpu.memory_space<vmem>> -> memref<64x256xf32, #tpu.memory_space<vmem>>
      %swap3A_2620 = arith.index_cast %scan3A_2452 : i32 to index
      %swap3A_2621 = arith.constant 112 : index
      %swap3A_2622 = tpu.vector_load %swap3A_2619[%swap3A_2620, %swap3A_2621] {strides = array<i32>} : memref<64x256xf32, #tpu.memory_space<vmem>>, vector<16xf32>,
      tpu.vector_store %swap3A_2619[%swap3A_2620, %swap3A_2621], %gather3A_2510 {strides = array<i32>} : memref<64x256xf32, #tpu.memory_space<vmem>>, vector<16xf32>,
      %swap3A_2623 = arith.constant 0 : i32
      %swap3A_2624 = arith.constant 0 : i32
      %swap3A_2625 = tpu.memref_slice %arg8[%scan3A_1709, %swap3A_2623, %swap3A_2624] : memref<2x64x256xf32, #tpu.memory_space<vmem>> -> memref<1x64x256xf32, #tpu.memory_space<vmem>>
      %swap3A_2626 = tpu.memref_squeeze %swap3A_2625 : memref<1x64x256xf32, #tpu.memory_space<vmem>> -> memref<64x256xf32, #tpu.memory_space<vmem>>
      %swap3A_2627 = arith.index_cast %scan3A_2452 : i32 to index
      %swap3A_2628 = arith.constant 128 : index
      %swap3A_2629 = tpu.vector_load %swap3A_2626[%swap3A_2627, %swap3A_2628] {strides = array<i32>} : memref<64x256xf32, #tpu.memory_space<vmem>>, vector<16xf32>,
      tpu.vector_store %swap3A_2626[%swap3A_2627, %swap3A_2628], %gather3A_2517 {strides = array<i32>} : memref<64x256xf32, #tpu.memory_space<vmem>>, vector<16xf32>,
      %swap3A_2630 = arith.constant 0 : i32
      %swap3A_2631 = arith.constant 0 : i32
      %swap3A_2632 = tpu.memref_slice %arg8[%scan3A_1709, %swap3A_2630, %swap3A_2631] : memref<2x64x256xf32, #tpu.memory_space<vmem>> -> memref<1x64x256xf32, #tpu.memory_space<vmem>>
      %swap3A_2633 = tpu.memref_squeeze %swap3A_2632 : memref<1x64x256xf32, #tpu.memory_space<vmem>> -> memref<64x256xf32, #tpu.memory_space<vmem>>
      %swap3A_2634 = arith.index_cast %scan3A_2452 : i32 to index
      %swap3A_2635 = arith.constant 144 : index
      %swap3A_2636 = tpu.vector_load %swap3A_2633[%swap3A_2634, %swap3A_2635] {strides = array<i32>} : memref<64x256xf32, #tpu.memory_space<vmem>>, vector<16xf32>,
      tpu.vector_store %swap3A_2633[%swap3A_2634, %swap3A_2635], %gather3A_2524 {strides = array<i32>} : memref<64x256xf32, #tpu.memory_space<vmem>>, vector<16xf32>,
      %swap3A_2637 = arith.constant 0 : i32
      %swap3A_2638 = arith.constant 0 : i32
      %swap3A_2639 = tpu.memref_slice %arg8[%scan3A_1709, %swap3A_2637, %swap3A_2638] : memref<2x64x256xf32, #tpu.memory_space<vmem>> -> memref<1x64x256xf32, #tpu.memory_space<vmem>>
      %swap3A_2640 = tpu.memref_squeeze %swap3A_2639 : memref<1x64x256xf32, #tpu.memory_space<vmem>> -> memref<64x256xf32, #tpu.memory_space<vmem>>
      %swap3A_2641 = arith.index_cast %scan3A_2452 : i32 to index
      %swap3A_2642 = arith.constant 160 : index
      %swap3A_2643 = tpu.vector_load %swap3A_2640[%swap3A_2641, %swap3A_2642] {strides = array<i32>} : memref<64x256xf32, #tpu.memory_space<vmem>>, vector<16xf32>,
      tpu.vector_store %swap3A_2640[%swap3A_2641, %swap3A_2642], %gather3A_2531 {strides = array<i32>} : memref<64x256xf32, #tpu.memory_space<vmem>>, vector<16xf32>,
      %swap3A_2644 = arith.constant 0 : i32
      %swap3A_2645 = arith.constant 0 : i32
      %swap3A_2646 = tpu.memref_slice %arg8[%scan3A_1709, %swap3A_2644, %swap3A_2645] : memref<2x64x256xf32, #tpu.memory_space<vmem>> -> memref<1x64x256xf32, #tpu.memory_space<vmem>>
      %swap3A_2647 = tpu.memref_squeeze %swap3A_2646 : memref<1x64x256xf32, #tpu.memory_space<vmem>> -> memref<64x256xf32, #tpu.memory_space<vmem>>
      %swap3A_2648 = arith.index_cast %scan3A_2452 : i32 to index
      %swap3A_2649 = arith.constant 176 : index
      %swap3A_2650 = tpu.vector_load %swap3A_2647[%swap3A_2648, %swap3A_2649] {strides = array<i32>} : memref<64x256xf32, #tpu.memory_space<vmem>>, vector<16xf32>,
      tpu.vector_store %swap3A_2647[%swap3A_2648, %swap3A_2649], %gather3A_2538 {strides = array<i32>} : memref<64x256xf32, #tpu.memory_space<vmem>>, vector<16xf32>,
      %swap3A_2651 = arith.constant 0 : i32
      %swap3A_2652 = arith.constant 0 : i32
      %swap3A_2653 = tpu.memref_slice %arg8[%scan3A_1709, %swap3A_2651, %swap3A_2652] : memref<2x64x256xf32, #tpu.memory_space<vmem>> -> memref<1x64x256xf32, #tpu.memory_space<vmem>>
      %swap3A_2654 = tpu.memref_squeeze %swap3A_2653 : memref<1x64x256xf32, #tpu.memory_space<vmem>> -> memref<64x256xf32, #tpu.memory_space<vmem>>
      %swap3A_2655 = arith.index_cast %scan3A_2452 : i32 to index
      %swap3A_2656 = arith.constant 192 : index
      %swap3A_2657 = tpu.vector_load %swap3A_2654[%swap3A_2655, %swap3A_2656] {strides = array<i32>} : memref<64x256xf32, #tpu.memory_space<vmem>>, vector<16xf32>,
      tpu.vector_store %swap3A_2654[%swap3A_2655, %swap3A_2656], %gather3A_2545 {strides = array<i32>} : memref<64x256xf32, #tpu.memory_space<vmem>>, vector<16xf32>,
      %swap3A_2658 = arith.constant 0 : i32
      %swap3A_2659 = arith.constant 0 : i32
      %swap3A_2660 = tpu.memref_slice %arg8[%scan3A_1709, %swap3A_2658, %swap3A_2659] : memref<2x64x256xf32, #tpu.memory_space<vmem>> -> memref<1x64x256xf32, #tpu.memory_space<vmem>>
      %swap3A_2661 = tpu.memref_squeeze %swap3A_2660 : memref<1x64x256xf32, #tpu.memory_space<vmem>> -> memref<64x256xf32, #tpu.memory_space<vmem>>
      %swap3A_2662 = arith.index_cast %scan3A_2452 : i32 to index
      %swap3A_2663 = arith.constant 208 : index
      %swap3A_2664 = tpu.vector_load %swap3A_2661[%swap3A_2662, %swap3A_2663] {strides = array<i32>} : memref<64x256xf32, #tpu.memory_space<vmem>>, vector<16xf32>,
      tpu.vector_store %swap3A_2661[%swap3A_2662, %swap3A_2663], %gather3A_2552 {strides = array<i32>} : memref<64x256xf32, #tpu.memory_space<vmem>>, vector<16xf32>,
      %swap3A_2665 = arith.constant 0 : i32
      %swap3A_2666 = arith.constant 0 : i32
      %swap3A_2667 = tpu.memref_slice %arg8[%scan3A_1709, %swap3A_2665, %swap3A_2666] : memref<2x64x256xf32, #tpu.memory_space<vmem>> -> memref<1x64x256xf32, #tpu.memory_space<vmem>>
      %swap3A_2668 = tpu.memref_squeeze %swap3A_2667 : memref<1x64x256xf32, #tpu.memory_space<vmem>> -> memref<64x256xf32, #tpu.memory_space<vmem>>
      %swap3A_2669 = arith.index_cast %scan3A_2452 : i32 to index
      %swap3A_2670 = arith.constant 224 : index
      %swap3A_2671 = tpu.vector_load %swap3A_2668[%swap3A_2669, %swap3A_2670] {strides = array<i32>} : memref<64x256xf32, #tpu.memory_space<vmem>>, vector<16xf32>,
      tpu.vector_store %swap3A_2668[%swap3A_2669, %swap3A_2670], %gather3A_2559 {strides = array<i32>} : memref<64x256xf32, #tpu.memory_space<vmem>>, vector<16xf32>,
      %swap3A_2672 = arith.constant 0 : i32
      %swap3A_2673 = arith.constant 0 : i32
      %swap3A_2674 = tpu.memref_slice %arg8[%scan3A_1709, %swap3A_2672, %swap3A_2673] : memref<2x64x256xf32, #tpu.memory_space<vmem>> -> memref<1x64x256xf32, #tpu.memory_space<vmem>>
      %swap3A_2675 = tpu.memref_squeeze %swap3A_2674 : memref<1x64x256xf32, #tpu.memory_space<vmem>> -> memref<64x256xf32, #tpu.memory_space<vmem>>
      %swap3A_2676 = arith.index_cast %scan3A_2452 : i32 to index
      %swap3A_2677 = arith.constant 240 : index
      %swap3A_2678 = tpu.vector_load %swap3A_2675[%swap3A_2676, %swap3A_2677] {strides = array<i32>} : memref<64x256xf32, #tpu.memory_space<vmem>>, vector<16xf32>,
      tpu.vector_store %swap3A_2675[%swap3A_2676, %swap3A_2677], %gather3A_2566 {strides = array<i32>} : memref<64x256xf32, #tpu.memory_space<vmem>>, vector<16xf32>,
      %scan3A_2679 = arith.constant 0 : i32
      scf.yield %scan3A_2679 : i32
    }
    %scan3A_1716 = arith.constant 64 : i32
    %mul3A_1717 = arith.constant 256 : i32
    %mul3A_1718 = arith.muli %add3A, %mul3A_1717 : i32
    %add3A_1719 = arith.constant 0 : i32
    %add3A_1720 = arith.addi %mul3A_1718, %add3A_1719 : i32
    %dma_start3A_1721 = arith.constant 0 : i32
    %dma_start3A_1722 = arith.constant 0 : i32
    %dma_start3A_1723 = arith.constant 0 : i32
    %dma_start3A_1724 = tpu.memref_slice %arg8[%dma_start3A_1721, %dma_start3A_1722, %dma_start3A_1723] : memref<2x64x256xf32, #tpu.memory_space<vmem>> -> memref<1x64x256xf32, #tpu.memory_space<vmem>>
    %dma_start3A_1725 = tpu.memref_squeeze %dma_start3A_1724 : memref<1x64x256xf32, #tpu.memory_space<vmem>> -> memref<64x256xf32, #tpu.memory_space<vmem>>
    %dma_start3A_1726 = arith.constant 0 : i32
    %dma_start3A_1727 = tpu.memref_slice %arg4[%add3A_1720, %dma_start3A_1726] : memref<8192x256xf32, #tpu.memory_space<hbm>> -> memref<64x256xf32, #tpu.memory_space<hbm>>
    %dma_start3A_1728 = arith.constant 0 : i32
    %dma_start3A_1729 = tpu.memref_slice %arg4[%add3A_1720, %dma_start3A_1728] : memref<8192x256xf32, #tpu.memory_space<hbm>> -> memref<64x256xf32, #tpu.memory_space<hbm>>
    %dma_start3A_1730 = arith.constant 0 : i32
    %dma_start3A_1731 = arith.constant 0 : i32
    %dma_start3A_1732 = tpu.memref_slice %arg8[%dma_start3A_1721, %dma_start3A_1730, %dma_start3A_1731] : memref<2x64x256xf32, #tpu.memory_space<vmem>> -> memref<1x64x256xf32, #tpu.memory_space<vmem>>
    %dma_start3A_1733 = tpu.memref_squeeze %dma_start3A_1732 : memref<1x64x256xf32, #tpu.memory_space<vmem>> -> memref<64x256xf32, #tpu.memory_space<vmem>>
    tpu.enqueue_dma source(%dma_start3A_1733 : memref<64x256xf32, #tpu.memory_space<vmem>>) target(%dma_start3A_1729 : memref<64x256xf32, #tpu.memory_space<hbm>>) target_semaphore(%arg12 : memref<!tpu.dma_semaphore, #tpu.memory_space<semaphore_mem>>)
    %add3A_1734 = arith.constant 1536 : i32
    %add3A_1735 = vector.broadcast %add3A_1734 : i32 to vector<16xi32>
    %add3A_1736 = arith.addi %shift_right_arithmetic3A_3, %add3A_1735 : vector<16xi32>
    %mul3A_1737 = arith.constant 8 : i32
    %mul3A_1738 = vector.broadcast %mul3A_1737 : i32 to vector<16xi32>
    %mul3A_1739 = arith.muli %iota3A, %mul3A_1738 : vector<16xi32>
    %add3A_1740 = arith.addi %add3A_1736, %mul3A_1739 : vector<16xi32>
    %ge3A_1741 = arith.constant 262144 : i32
    %ge3A_1742 = vector.broadcast %ge3A_1741 : i32 to vector<16xi32>
    %ge3A_1743 = arith.cmpi sge, %add3A_1740, %ge3A_1742 : vector<16xi32>
    %sub3A_1744 = arith.constant 262144 : i32
    %sub3A_1745 = vector.broadcast %sub3A_1744 : i32 to vector<16xi32>
    %sub3A_1746 = arith.subi %add3A_1740, %sub3A_1745 : vector<16xi32>
    %select_n3A_1747 = arith.select %ge3A_1743, %sub3A_1746, %add3A_1740 : vector<16xi1>, vector<16xi32>
    %shift_right_arithmetic3A_1748 = arith.constant 6 : i32
    %shift_right_arithmetic3A_1749 = vector.broadcast %shift_right_arithmetic3A_1748 : i32 to vector<16xi32>
    %shift_right_arithmetic3A_1750 = arith.shrsi %select_n3A_1747, %shift_right_arithmetic3A_1749 : vector<16xi32>
    %shift_left3A_1751 = arith.constant 6 : i32
    %shift_left3A_1752 = vector.broadcast %shift_left3A_1751 : i32 to vector<16xi32>
    %shift_left3A_1753 = arith.shli %shift_right_arithmetic3A_1750, %shift_left3A_1752 : vector<16xi32>
    %and3A_1754 = arith.constant 7 : i32
    %and3A_1755 = vector.broadcast %and3A_1754 : i32 to vector<16xi32>
    %and3A_1756 = arith.andi %select_n3A_1747, %and3A_1755 : vector<16xi32>
    %shift_left3A_1757 = arith.constant 3 : i32
    %shift_left3A_1758 = vector.broadcast %shift_left3A_1757 : i32 to vector<16xi32>
    %shift_left3A_1759 = arith.shli %and3A_1756, %shift_left3A_1758 : vector<16xi32>
    %add3A_1760 = arith.addi %shift_left3A_1753, %shift_left3A_1759 : vector<16xi32>
    %shift_right_arithmetic3A_1761 = arith.constant 3 : i32
    %shift_right_arithmetic3A_1762 = vector.broadcast %shift_right_arithmetic3A_1761 : i32 to vector<16xi32>
    %shift_right_arithmetic3A_1763 = arith.shrsi %select_n3A_1747, %shift_right_arithmetic3A_1762 : vector<16xi32>
    %and3A_1764 = arith.constant 7 : i32
    %and3A_1765 = vector.broadcast %and3A_1764 : i32 to vector<16xi32>
    %and3A_1766 = arith.andi %shift_right_arithmetic3A_1763, %and3A_1765 : vector<16xi32>
    %add3A_1767 = arith.addi %add3A_1760, %and3A_1766 : vector<16xi32>
    %swap3A_1768 = arith.constant 576 : index
    %swap3A_1769 = tpu.vector_load %arg6[%swap3A_1768] {strides = array<i32>} : memref<768xi32, #tpu.memory_space<vmem>>, vector<16xi32>,
    tpu.vector_store %arg6[%swap3A_1768], %add3A_1767 {strides = array<i32>} : memref<768xi32, #tpu.memory_space<vmem>>, vector<16xi32>,
    %add3A_1770 = arith.constant 1664 : i32
    %add3A_1771 = vector.broadcast %add3A_1770 : i32 to vector<16xi32>
    %add3A_1772 = arith.addi %shift_right_arithmetic3A_3, %add3A_1771 : vector<16xi32>
    %mul3A_1773 = arith.constant 8 : i32
    %mul3A_1774 = vector.broadcast %mul3A_1773 : i32 to vector<16xi32>
    %mul3A_1775 = arith.muli %iota3A, %mul3A_1774 : vector<16xi32>
    %add3A_1776 = arith.addi %add3A_1772, %mul3A_1775 : vector<16xi32>
    %ge3A_1777 = arith.constant 262144 : i32
    %ge3A_1778 = vector.broadcast %ge3A_1777 : i32 to vector<16xi32>
    %ge3A_1779 = arith.cmpi sge, %add3A_1776, %ge3A_1778 : vector<16xi32>
    %sub3A_1780 = arith.constant 262144 : i32
    %sub3A_1781 = vector.broadcast %sub3A_1780 : i32 to vector<16xi32>
    %sub3A_1782 = arith.subi %add3A_1776, %sub3A_1781 : vector<16xi32>
    %select_n3A_1783 = arith.select %ge3A_1779, %sub3A_1782, %add3A_1776 : vector<16xi1>, vector<16xi32>
    %shift_right_arithmetic3A_1784 = arith.constant 6 : i32
    %shift_right_arithmetic3A_1785 = vector.broadcast %shift_right_arithmetic3A_1784 : i32 to vector<16xi32>
    %shift_right_arithmetic3A_1786 = arith.shrsi %select_n3A_1783, %shift_right_arithmetic3A_1785 : vector<16xi32>
    %shift_left3A_1787 = arith.constant 6 : i32
    %shift_left3A_1788 = vector.broadcast %shift_left3A_1787 : i32 to vector<16xi32>
    %shift_left3A_1789 = arith.shli %shift_right_arithmetic3A_1786, %shift_left3A_1788 : vector<16xi32>
    %and3A_1790 = arith.constant 7 : i32
    %and3A_1791 = vector.broadcast %and3A_1790 : i32 to vector<16xi32>
    %and3A_1792 = arith.andi %select_n3A_1783, %and3A_1791 : vector<16xi32>
    %shift_left3A_1793 = arith.constant 3 : i32
    %shift_left3A_1794 = vector.broadcast %shift_left3A_1793 : i32 to vector<16xi32>
    %shift_left3A_1795 = arith.shli %and3A_1792, %shift_left3A_1794 : vector<16xi32>
    %add3A_1796 = arith.addi %shift_left3A_1789, %shift_left3A_1795 : vector<16xi32>
    %shift_right_arithmetic3A_1797 = arith.constant 3 : i32
    %shift_right_arithmetic3A_1798 = vector.broadcast %shift_right_arithmetic3A_1797 : i32 to vector<16xi32>
    %shift_right_arithmetic3A_1799 = arith.shrsi %select_n3A_1783, %shift_right_arithmetic3A_1798 : vector<16xi32>
    %and3A_1800 = arith.constant 7 : i32
    %and3A_1801 = vector.broadcast %and3A_1800 : i32 to vector<16xi32>
    %and3A_1802 = arith.andi %shift_right_arithmetic3A_1799, %and3A_1801 : vector<16xi32>
    %add3A_1803 = arith.addi %add3A_1796, %and3A_1802 : vector<16xi32>
    %swap3A_1804 = arith.constant 592 : index
    %swap3A_1805 = tpu.vector_load %arg6[%swap3A_1804] {strides = array<i32>} : memref<768xi32, #tpu.memory_space<vmem>>, vector<16xi32>,
    tpu.vector_store %arg6[%swap3A_1804], %add3A_1803 {strides = array<i32>} : memref<768xi32, #tpu.memory_space<vmem>>, vector<16xi32>,
    %add3A_1806 = arith.constant 1792 : i32
    %add3A_1807 = vector.broadcast %add3A_1806 : i32 to vector<16xi32>
    %add3A_1808 = arith.addi %shift_right_arithmetic3A_3, %add3A_1807 : vector<16xi32>
    %mul3A_1809 = arith.constant 8 : i32
    %mul3A_1810 = vector.broadcast %mul3A_1809 : i32 to vector<16xi32>
    %mul3A_1811 = arith.muli %iota3A, %mul3A_1810 : vector<16xi32>
    %add3A_1812 = arith.addi %add3A_1808, %mul3A_1811 : vector<16xi32>
    %ge3A_1813 = arith.constant 262144 : i32
    %ge3A_1814 = vector.broadcast %ge3A_1813 : i32 to vector<16xi32>
    %ge3A_1815 = arith.cmpi sge, %add3A_1812, %ge3A_1814 : vector<16xi32>
    %sub3A_1816 = arith.constant 262144 : i32
    %sub3A_1817 = vector.broadcast %sub3A_1816 : i32 to vector<16xi32>
    %sub3A_1818 = arith.subi %add3A_1812, %sub3A_1817 : vector<16xi32>
    %select_n3A_1819 = arith.select %ge3A_1815, %sub3A_1818, %add3A_1812 : vector<16xi1>, vector<16xi32>
    %shift_right_arithmetic3A_1820 = arith.constant 6 : i32
    %shift_right_arithmetic3A_1821 = vector.broadcast %shift_right_arithmetic3A_1820 : i32 to vector<16xi32>
    %shift_right_arithmetic3A_1822 = arith.shrsi %select_n3A_1819, %shift_right_arithmetic3A_1821 : vector<16xi32>
    %shift_left3A_1823 = arith.constant 6 : i32
    %shift_left3A_1824 = vector.broadcast %shift_left3A_1823 : i32 to vector<16xi32>
    %shift_left3A_1825 = arith.shli %shift_right_arithmetic3A_1822, %shift_left3A_1824 : vector<16xi32>
    %and3A_1826 = arith.constant 7 : i32
    %and3A_1827 = vector.broadcast %and3A_1826 : i32 to vector<16xi32>
    %and3A_1828 = arith.andi %select_n3A_1819, %and3A_1827 : vector<16xi32>
    %shift_left3A_1829 = arith.constant 3 : i32
    %shift_left3A_1830 = vector.broadcast %shift_left3A_1829 : i32 to vector<16xi32>
    %shift_left3A_1831 = arith.shli %and3A_1828, %shift_left3A_1830 : vector<16xi32>
    %add3A_1832 = arith.addi %shift_left3A_1825, %shift_left3A_1831 : vector<16xi32>
    %shift_right_arithmetic3A_1833 = arith.constant 3 : i32
    %shift_right_arithmetic3A_1834 = vector.broadcast %shift_right_arithmetic3A_1833 : i32 to vector<16xi32>
    %shift_right_arithmetic3A_1835 = arith.shrsi %select_n3A_1819, %shift_right_arithmetic3A_1834 : vector<16xi32>
    %and3A_1836 = arith.constant 7 : i32
    %and3A_1837 = vector.broadcast %and3A_1836 : i32 to vector<16xi32>
    %and3A_1838 = arith.andi %shift_right_arithmetic3A_1835, %and3A_1837 : vector<16xi32>
    %add3A_1839 = arith.addi %add3A_1832, %and3A_1838 : vector<16xi32>
    %swap3A_1840 = arith.constant 608 : index
    %swap3A_1841 = tpu.vector_load %arg6[%swap3A_1840] {strides = array<i32>} : memref<768xi32, #tpu.memory_space<vmem>>, vector<16xi32>,
    tpu.vector_store %arg6[%swap3A_1840], %add3A_1839 {strides = array<i32>} : memref<768xi32, #tpu.memory_space<vmem>>, vector<16xi32>,
    %add3A_1842 = arith.constant 1920 : i32
    %add3A_1843 = vector.broadcast %add3A_1842 : i32 to vector<16xi32>
    %add3A_1844 = arith.addi %shift_right_arithmetic3A_3, %add3A_1843 : vector<16xi32>
    %mul3A_1845 = arith.constant 8 : i32
    %mul3A_1846 = vector.broadcast %mul3A_1845 : i32 to vector<16xi32>
    %mul3A_1847 = arith.muli %iota3A, %mul3A_1846 : vector<16xi32>
    %add3A_1848 = arith.addi %add3A_1844, %mul3A_1847 : vector<16xi32>
    %ge3A_1849 = arith.constant 262144 : i32
    %ge3A_1850 = vector.broadcast %ge3A_1849 : i32 to vector<16xi32>
    %ge3A_1851 = arith.cmpi sge, %add3A_1848, %ge3A_1850 : vector<16xi32>
    %sub3A_1852 = arith.constant 262144 : i32
    %sub3A_1853 = vector.broadcast %sub3A_1852 : i32 to vector<16xi32>
    %sub3A_1854 = arith.subi %add3A_1848, %sub3A_1853 : vector<16xi32>
    %select_n3A_1855 = arith.select %ge3A_1851, %sub3A_1854, %add3A_1848 : vector<16xi1>, vector<16xi32>
    %shift_right_arithmetic3A_1856 = arith.constant 6 : i32
    %shift_right_arithmetic3A_1857 = vector.broadcast %shift_right_arithmetic3A_1856 : i32 to vector<16xi32>
    %shift_right_arithmetic3A_1858 = arith.shrsi %select_n3A_1855, %shift_right_arithmetic3A_1857 : vector<16xi32>
    %shift_left3A_1859 = arith.constant 6 : i32
    %shift_left3A_1860 = vector.broadcast %shift_left3A_1859 : i32 to vector<16xi32>
    %shift_left3A_1861 = arith.shli %shift_right_arithmetic3A_1858, %shift_left3A_1860 : vector<16xi32>
    %and3A_1862 = arith.constant 7 : i32
    %and3A_1863 = vector.broadcast %and3A_1862 : i32 to vector<16xi32>
    %and3A_1864 = arith.andi %select_n3A_1855, %and3A_1863 : vector<16xi32>
    %shift_left3A_1865 = arith.constant 3 : i32
    %shift_left3A_1866 = vector.broadcast %shift_left3A_1865 : i32 to vector<16xi32>
    %shift_left3A_1867 = arith.shli %and3A_1864, %shift_left3A_1866 : vector<16xi32>
    %add3A_1868 = arith.addi %shift_left3A_1861, %shift_left3A_1867 : vector<16xi32>
    %shift_right_arithmetic3A_1869 = arith.constant 3 : i32
    %shift_right_arithmetic3A_1870 = vector.broadcast %shift_right_arithmetic3A_1869 : i32 to vector<16xi32>
    %shift_right_arithmetic3A_1871 = arith.shrsi %select_n3A_1855, %shift_right_arithmetic3A_1870 : vector<16xi32>
    %and3A_1872 = arith.constant 7 : i32
    %and3A_1873 = vector.broadcast %and3A_1872 : i32 to vector<16xi32>
    %and3A_1874 = arith.andi %shift_right_arithmetic3A_1871, %and3A_1873 : vector<16xi32>
    %add3A_1875 = arith.addi %add3A_1868, %and3A_1874 : vector<16xi32>
    %swap3A_1876 = arith.constant 624 : index
    %swap3A_1877 = tpu.vector_load %arg6[%swap3A_1876] {strides = array<i32>} : memref<768xi32, #tpu.memory_space<vmem>>, vector<16xi32>,
    tpu.vector_store %arg6[%swap3A_1876], %add3A_1875 {strides = array<i32>} : memref<768xi32, #tpu.memory_space<vmem>>, vector<16xi32>,
    %add3A_1878 = arith.constant 1537 : i32
    %add3A_1879 = vector.broadcast %add3A_1878 : i32 to vector<16xi32>
    %add3A_1880 = arith.addi %shift_right_arithmetic3A_3, %add3A_1879 : vector<16xi32>
    %mul3A_1881 = arith.constant 8 : i32
    %mul3A_1882 = vector.broadcast %mul3A_1881 : i32 to vector<16xi32>
    %mul3A_1883 = arith.muli %iota3A, %mul3A_1882 : vector<16xi32>
    %add3A_1884 = arith.addi %add3A_1880, %mul3A_1883 : vector<16xi32>
    %ge3A_1885 = arith.constant 262144 : i32
    %ge3A_1886 = vector.broadcast %ge3A_1885 : i32 to vector<16xi32>
    %ge3A_1887 = arith.cmpi sge, %add3A_1884, %ge3A_1886 : vector<16xi32>
    %sub3A_1888 = arith.constant 262144 : i32
    %sub3A_1889 = vector.broadcast %sub3A_1888 : i32 to vector<16xi32>
    %sub3A_1890 = arith.subi %add3A_1884, %sub3A_1889 : vector<16xi32>
    %select_n3A_1891 = arith.select %ge3A_1887, %sub3A_1890, %add3A_1884 : vector<16xi1>, vector<16xi32>
    %shift_right_arithmetic3A_1892 = arith.constant 6 : i32
    %shift_right_arithmetic3A_1893 = vector.broadcast %shift_right_arithmetic3A_1892 : i32 to vector<16xi32>
    %shift_right_arithmetic3A_1894 = arith.shrsi %select_n3A_1891, %shift_right_arithmetic3A_1893 : vector<16xi32>
    %shift_left3A_1895 = arith.constant 6 : i32
    %shift_left3A_1896 = vector.broadcast %shift_left3A_1895 : i32 to vector<16xi32>
    %shift_left3A_1897 = arith.shli %shift_right_arithmetic3A_1894, %shift_left3A_1896 : vector<16xi32>
    %and3A_1898 = arith.constant 7 : i32
    %and3A_1899 = vector.broadcast %and3A_1898 : i32 to vector<16xi32>
    %and3A_1900 = arith.andi %select_n3A_1891, %and3A_1899 : vector<16xi32>
    %shift_left3A_1901 = arith.constant 3 : i32
    %shift_left3A_1902 = vector.broadcast %shift_left3A_1901 : i32 to vector<16xi32>
    %shift_left3A_1903 = arith.shli %and3A_1900, %shift_left3A_1902 : vector<16xi32>
    %add3A_1904 = arith.addi %shift_left3A_1897, %shift_left3A_1903 : vector<16xi32>
    %shift_right_arithmetic3A_1905 = arith.constant 3 : i32
    %shift_right_arithmetic3A_1906 = vector.broadcast %shift_right_arithmetic3A_1905 : i32 to vector<16xi32>
    %shift_right_arithmetic3A_1907 = arith.shrsi %select_n3A_1891, %shift_right_arithmetic3A_1906 : vector<16xi32>
    %and3A_1908 = arith.constant 7 : i32
    %and3A_1909 = vector.broadcast %and3A_1908 : i32 to vector<16xi32>
    %and3A_1910 = arith.andi %shift_right_arithmetic3A_1907, %and3A_1909 : vector<16xi32>
    %add3A_1911 = arith.addi %add3A_1904, %and3A_1910 : vector<16xi32>
    %swap3A_1912 = arith.constant 640 : index
    %swap3A_1913 = tpu.vector_load %arg6[%swap3A_1912] {strides = array<i32>} : memref<768xi32, #tpu.memory_space<vmem>>, vector<16xi32>,
    tpu.vector_store %arg6[%swap3A_1912], %add3A_1911 {strides = array<i32>} : memref<768xi32, #tpu.memory_space<vmem>>, vector<16xi32>,
    %add3A_1914 = arith.constant 1665 : i32
    %add3A_1915 = vector.broadcast %add3A_1914 : i32 to vector<16xi32>
    %add3A_1916 = arith.addi %shift_right_arithmetic3A_3, %add3A_1915 : vector<16xi32>
    %mul3A_1917 = arith.constant 8 : i32
    %mul3A_1918 = vector.broadcast %mul3A_1917 : i32 to vector<16xi32>
    %mul3A_1919 = arith.muli %iota3A, %mul3A_1918 : vector<16xi32>
    %add3A_1920 = arith.addi %add3A_1916, %mul3A_1919 : vector<16xi32>
    %ge3A_1921 = arith.constant 262144 : i32
    %ge3A_1922 = vector.broadcast %ge3A_1921 : i32 to vector<16xi32>
    %ge3A_1923 = arith.cmpi sge, %add3A_1920, %ge3A_1922 : vector<16xi32>
    %sub3A_1924 = arith.constant 262144 : i32
    %sub3A_1925 = vector.broadcast %sub3A_1924 : i32 to vector<16xi32>
    %sub3A_1926 = arith.subi %add3A_1920, %sub3A_1925 : vector<16xi32>
    %select_n3A_1927 = arith.select %ge3A_1923, %sub3A_1926, %add3A_1920 : vector<16xi1>, vector<16xi32>
    %shift_right_arithmetic3A_1928 = arith.constant 6 : i32
    %shift_right_arithmetic3A_1929 = vector.broadcast %shift_right_arithmetic3A_1928 : i32 to vector<16xi32>
    %shift_right_arithmetic3A_1930 = arith.shrsi %select_n3A_1927, %shift_right_arithmetic3A_1929 : vector<16xi32>
    %shift_left3A_1931 = arith.constant 6 : i32
    %shift_left3A_1932 = vector.broadcast %shift_left3A_1931 : i32 to vector<16xi32>
    %shift_left3A_1933 = arith.shli %shift_right_arithmetic3A_1930, %shift_left3A_1932 : vector<16xi32>
    %and3A_1934 = arith.constant 7 : i32
    %and3A_1935 = vector.broadcast %and3A_1934 : i32 to vector<16xi32>
    %and3A_1936 = arith.andi %select_n3A_1927, %and3A_1935 : vector<16xi32>
    %shift_left3A_1937 = arith.constant 3 : i32
    %shift_left3A_1938 = vector.broadcast %shift_left3A_1937 : i32 to vector<16xi32>
    %shift_left3A_1939 = arith.shli %and3A_1936, %shift_left3A_1938 : vector<16xi32>
    %add3A_1940 = arith.addi %shift_left3A_1933, %shift_left3A_1939 : vector<16xi32>
    %shift_right_arithmetic3A_1941 = arith.constant 3 : i32
    %shift_right_arithmetic3A_1942 = vector.broadcast %shift_right_arithmetic3A_1941 : i32 to vector<16xi32>
    %shift_right_arithmetic3A_1943 = arith.shrsi %select_n3A_1927, %shift_right_arithmetic3A_1942 : vector<16xi32>
    %and3A_1944 = arith.constant 7 : i32
    %and3A_1945 = vector.broadcast %and3A_1944 : i32 to vector<16xi32>
    %and3A_1946 = arith.andi %shift_right_arithmetic3A_1943, %and3A_1945 : vector<16xi32>
    %add3A_1947 = arith.addi %add3A_1940, %and3A_1946 : vector<16xi32>
    %swap3A_1948 = arith.constant 656 : index
    %swap3A_1949 = tpu.vector_load %arg6[%swap3A_1948] {strides = array<i32>} : memref<768xi32, #tpu.memory_space<vmem>>, vector<16xi32>,
    tpu.vector_store %arg6[%swap3A_1948], %add3A_1947 {strides = array<i32>} : memref<768xi32, #tpu.memory_space<vmem>>, vector<16xi32>,
    %add3A_1950 = arith.constant 1793 : i32
    %add3A_1951 = vector.broadcast %add3A_1950 : i32 to vector<16xi32>
    %add3A_1952 = arith.addi %shift_right_arithmetic3A_3, %add3A_1951 : vector<16xi32>
    %mul3A_1953 = arith.constant 8 : i32
    %mul3A_1954 = vector.broadcast %mul3A_1953 : i32 to vector<16xi32>
    %mul3A_1955 = arith.muli %iota3A, %mul3A_1954 : vector<16xi32>
    %add3A_1956 = arith.addi %add3A_1952, %mul3A_1955 : vector<16xi32>
    %ge3A_1957 = arith.constant 262144 : i32
    %ge3A_1958 = vector.broadcast %ge3A_1957 : i32 to vector<16xi32>
    %ge3A_1959 = arith.cmpi sge, %add3A_1956, %ge3A_1958 : vector<16xi32>
    %sub3A_1960 = arith.constant 262144 : i32
    %sub3A_1961 = vector.broadcast %sub3A_1960 : i32 to vector<16xi32>
    %sub3A_1962 = arith.subi %add3A_1956, %sub3A_1961 : vector<16xi32>
    %select_n3A_1963 = arith.select %ge3A_1959, %sub3A_1962, %add3A_1956 : vector<16xi1>, vector<16xi32>
    %shift_right_arithmetic3A_1964 = arith.constant 6 : i32
    %shift_right_arithmetic3A_1965 = vector.broadcast %shift_right_arithmetic3A_1964 : i32 to vector<16xi32>
    %shift_right_arithmetic3A_1966 = arith.shrsi %select_n3A_1963, %shift_right_arithmetic3A_1965 : vector<16xi32>
    %shift_left3A_1967 = arith.constant 6 : i32
    %shift_left3A_1968 = vector.broadcast %shift_left3A_1967 : i32 to vector<16xi32>
    %shift_left3A_1969 = arith.shli %shift_right_arithmetic3A_1966, %shift_left3A_1968 : vector<16xi32>
    %and3A_1970 = arith.constant 7 : i32
    %and3A_1971 = vector.broadcast %and3A_1970 : i32 to vector<16xi32>
    %and3A_1972 = arith.andi %select_n3A_1963, %and3A_1971 : vector<16xi32>
    %shift_left3A_1973 = arith.constant 3 : i32
    %shift_left3A_1974 = vector.broadcast %shift_left3A_1973 : i32 to vector<16xi32>
    %shift_left3A_1975 = arith.shli %and3A_1972, %shift_left3A_1974 : vector<16xi32>
    %add3A_1976 = arith.addi %shift_left3A_1969, %shift_left3A_1975 : vector<16xi32>
    %shift_right_arithmetic3A_1977 = arith.constant 3 : i32
    %shift_right_arithmetic3A_1978 = vector.broadcast %shift_right_arithmetic3A_1977 : i32 to vector<16xi32>
    %shift_right_arithmetic3A_1979 = arith.shrsi %select_n3A_1963, %shift_right_arithmetic3A_1978 : vector<16xi32>
    %and3A_1980 = arith.constant 7 : i32
    %and3A_1981 = vector.broadcast %and3A_1980 : i32 to vector<16xi32>
    %and3A_1982 = arith.andi %shift_right_arithmetic3A_1979, %and3A_1981 : vector<16xi32>
    %add3A_1983 = arith.addi %add3A_1976, %and3A_1982 : vector<16xi32>
    %swap3A_1984 = arith.constant 672 : index
    %swap3A_1985 = tpu.vector_load %arg6[%swap3A_1984] {strides = array<i32>} : memref<768xi32, #tpu.memory_space<vmem>>, vector<16xi32>,
    tpu.vector_store %arg6[%swap3A_1984], %add3A_1983 {strides = array<i32>} : memref<768xi32, #tpu.memory_space<vmem>>, vector<16xi32>,
    %add3A_1986 = arith.constant 1921 : i32
    %add3A_1987 = vector.broadcast %add3A_1986 : i32 to vector<16xi32>
    %add3A_1988 = arith.addi %shift_right_arithmetic3A_3, %add3A_1987 : vector<16xi32>
    %mul3A_1989 = arith.constant 8 : i32
    %mul3A_1990 = vector.broadcast %mul3A_1989 : i32 to vector<16xi32>
    %mul3A_1991 = arith.muli %iota3A, %mul3A_1990 : vector<16xi32>
    %add3A_1992 = arith.addi %add3A_1988, %mul3A_1991 : vector<16xi32>
    %ge3A_1993 = arith.constant 262144 : i32
    %ge3A_1994 = vector.broadcast %ge3A_1993 : i32 to vector<16xi32>
    %ge3A_1995 = arith.cmpi sge, %add3A_1992, %ge3A_1994 : vector<16xi32>
    %sub3A_1996 = arith.constant 262144 : i32
    %sub3A_1997 = vector.broadcast %sub3A_1996 : i32 to vector<16xi32>
    %sub3A_1998 = arith.subi %add3A_1992, %sub3A_1997 : vector<16xi32>
    %select_n3A_1999 = arith.select %ge3A_1995, %sub3A_1998, %add3A_1992 : vector<16xi1>, vector<16xi32>
    %shift_right_arithmetic3A_2000 = arith.constant 6 : i32
    %shift_right_arithmetic3A_2001 = vector.broadcast %shift_right_arithmetic3A_2000 : i32 to vector<16xi32>
    %shift_right_arithmetic3A_2002 = arith.shrsi %select_n3A_1999, %shift_right_arithmetic3A_2001 : vector<16xi32>
    %shift_left3A_2003 = arith.constant 6 : i32
    %shift_left3A_2004 = vector.broadcast %shift_left3A_2003 : i32 to vector<16xi32>
    %shift_left3A_2005 = arith.shli %shift_right_arithmetic3A_2002, %shift_left3A_2004 : vector<16xi32>
    %and3A_2006 = arith.constant 7 : i32
    %and3A_2007 = vector.broadcast %and3A_2006 : i32 to vector<16xi32>
    %and3A_2008 = arith.andi %select_n3A_1999, %and3A_2007 : vector<16xi32>
    %shift_left3A_2009 = arith.constant 3 : i32
    %shift_left3A_2010 = vector.broadcast %shift_left3A_2009 : i32 to vector<16xi32>
    %shift_left3A_2011 = arith.shli %and3A_2008, %shift_left3A_2010 : vector<16xi32>
    %add3A_2012 = arith.addi %shift_left3A_2005, %shift_left3A_2011 : vector<16xi32>
    %shift_right_arithmetic3A_2013 = arith.constant 3 : i32
    %shift_right_arithmetic3A_2014 = vector.broadcast %shift_right_arithmetic3A_2013 : i32 to vector<16xi32>
    %shift_right_arithmetic3A_2015 = arith.shrsi %select_n3A_1999, %shift_right_arithmetic3A_2014 : vector<16xi32>
    %and3A_2016 = arith.constant 7 : i32
    %and3A_2017 = vector.broadcast %and3A_2016 : i32 to vector<16xi32>
    %and3A_2018 = arith.andi %shift_right_arithmetic3A_2015, %and3A_2017 : vector<16xi32>
    %add3A_2019 = arith.addi %add3A_2012, %and3A_2018 : vector<16xi32>
    %swap3A_2020 = arith.constant 688 : index
    %swap3A_2021 = tpu.vector_load %arg6[%swap3A_2020] {strides = array<i32>} : memref<768xi32, #tpu.memory_space<vmem>>, vector<16xi32>,
    tpu.vector_store %arg6[%swap3A_2020], %add3A_2019 {strides = array<i32>} : memref<768xi32, #tpu.memory_space<vmem>>, vector<16xi32>,
    %add3A_2022 = arith.constant 1538 : i32
    %add3A_2023 = vector.broadcast %add3A_2022 : i32 to vector<16xi32>
    %add3A_2024 = arith.addi %shift_right_arithmetic3A_3, %add3A_2023 : vector<16xi32>
    %mul3A_2025 = arith.constant 8 : i32
    %mul3A_2026 = vector.broadcast %mul3A_2025 : i32 to vector<16xi32>
    %mul3A_2027 = arith.muli %iota3A, %mul3A_2026 : vector<16xi32>
    %add3A_2028 = arith.addi %add3A_2024, %mul3A_2027 : vector<16xi32>
    %ge3A_2029 = arith.constant 262144 : i32
    %ge3A_2030 = vector.broadcast %ge3A_2029 : i32 to vector<16xi32>
    %ge3A_2031 = arith.cmpi sge, %add3A_2028, %ge3A_2030 : vector<16xi32>
    %sub3A_2032 = arith.constant 262144 : i32
    %sub3A_2033 = vector.broadcast %sub3A_2032 : i32 to vector<16xi32>
    %sub3A_2034 = arith.subi %add3A_2028, %sub3A_2033 : vector<16xi32>
    %select_n3A_2035 = arith.select %ge3A_2031, %sub3A_2034, %add3A_2028 : vector<16xi1>, vector<16xi32>
    %shift_right_arithmetic3A_2036 = arith.constant 6 : i32
    %shift_right_arithmetic3A_2037 = vector.broadcast %shift_right_arithmetic3A_2036 : i32 to vector<16xi32>
    %shift_right_arithmetic3A_2038 = arith.shrsi %select_n3A_2035, %shift_right_arithmetic3A_2037 : vector<16xi32>
    %shift_left3A_2039 = arith.constant 6 : i32
    %shift_left3A_2040 = vector.broadcast %shift_left3A_2039 : i32 to vector<16xi32>
    %shift_left3A_2041 = arith.shli %shift_right_arithmetic3A_2038, %shift_left3A_2040 : vector<16xi32>
    %and3A_2042 = arith.constant 7 : i32
    %and3A_2043 = vector.broadcast %and3A_2042 : i32 to vector<16xi32>
    %and3A_2044 = arith.andi %select_n3A_2035, %and3A_2043 : vector<16xi32>
    %shift_left3A_2045 = arith.constant 3 : i32
    %shift_left3A_2046 = vector.broadcast %shift_left3A_2045 : i32 to vector<16xi32>
    %shift_left3A_2047 = arith.shli %and3A_2044, %shift_left3A_2046 : vector<16xi32>
    %add3A_2048 = arith.addi %shift_left3A_2041, %shift_left3A_2047 : vector<16xi32>
    %shift_right_arithmetic3A_2049 = arith.constant 3 : i32
    %shift_right_arithmetic3A_2050 = vector.broadcast %shift_right_arithmetic3A_2049 : i32 to vector<16xi32>
    %shift_right_arithmetic3A_2051 = arith.shrsi %select_n3A_2035, %shift_right_arithmetic3A_2050 : vector<16xi32>
    %and3A_2052 = arith.constant 7 : i32
    %and3A_2053 = vector.broadcast %and3A_2052 : i32 to vector<16xi32>
    %and3A_2054 = arith.andi %shift_right_arithmetic3A_2051, %and3A_2053 : vector<16xi32>
    %add3A_2055 = arith.addi %add3A_2048, %and3A_2054 : vector<16xi32>
    %swap3A_2056 = arith.constant 704 : index
    %swap3A_2057 = tpu.vector_load %arg6[%swap3A_2056] {strides = array<i32>} : memref<768xi32, #tpu.memory_space<vmem>>, vector<16xi32>,
    tpu.vector_store %arg6[%swap3A_2056], %add3A_2055 {strides = array<i32>} : memref<768xi32, #tpu.memory_space<vmem>>, vector<16xi32>,
    %add3A_2058 = arith.constant 1666 : i32
    %add3A_2059 = vector.broadcast %add3A_2058 : i32 to vector<16xi32>
    %add3A_2060 = arith.addi %shift_right_arithmetic3A_3, %add3A_2059 : vector<16xi32>
    %mul3A_2061 = arith.constant 8 : i32
    %mul3A_2062 = vector.broadcast %mul3A_2061 : i32 to vector<16xi32>
    %mul3A_2063 = arith.muli %iota3A, %mul3A_2062 : vector<16xi32>
    %add3A_2064 = arith.addi %add3A_2060, %mul3A_2063 : vector<16xi32>
    %ge3A_2065 = arith.constant 262144 : i32
    %ge3A_2066 = vector.broadcast %ge3A_2065 : i32 to vector<16xi32>
    %ge3A_2067 = arith.cmpi sge, %add3A_2064, %ge3A_2066 : vector<16xi32>
    %sub3A_2068 = arith.constant 262144 : i32
    %sub3A_2069 = vector.broadcast %sub3A_2068 : i32 to vector<16xi32>
    %sub3A_2070 = arith.subi %add3A_2064, %sub3A_2069 : vector<16xi32>
    %select_n3A_2071 = arith.select %ge3A_2067, %sub3A_2070, %add3A_2064 : vector<16xi1>, vector<16xi32>
    %shift_right_arithmetic3A_2072 = arith.constant 6 : i32
    %shift_right_arithmetic3A_2073 = vector.broadcast %shift_right_arithmetic3A_2072 : i32 to vector<16xi32>
    %shift_right_arithmetic3A_2074 = arith.shrsi %select_n3A_2071, %shift_right_arithmetic3A_2073 : vector<16xi32>
    %shift_left3A_2075 = arith.constant 6 : i32
    %shift_left3A_2076 = vector.broadcast %shift_left3A_2075 : i32 to vector<16xi32>
    %shift_left3A_2077 = arith.shli %shift_right_arithmetic3A_2074, %shift_left3A_2076 : vector<16xi32>
    %and3A_2078 = arith.constant 7 : i32
    %and3A_2079 = vector.broadcast %and3A_2078 : i32 to vector<16xi32>
    %and3A_2080 = arith.andi %select_n3A_2071, %and3A_2079 : vector<16xi32>
    %shift_left3A_2081 = arith.constant 3 : i32
    %shift_left3A_2082 = vector.broadcast %shift_left3A_2081 : i32 to vector<16xi32>
    %shift_left3A_2083 = arith.shli %and3A_2080, %shift_left3A_2082 : vector<16xi32>
    %add3A_2084 = arith.addi %shift_left3A_2077, %shift_left3A_2083 : vector<16xi32>
    %shift_right_arithmetic3A_2085 = arith.constant 3 : i32
    %shift_right_arithmetic3A_2086 = vector.broadcast %shift_right_arithmetic3A_2085 : i32 to vector<16xi32>
    %shift_right_arithmetic3A_2087 = arith.shrsi %select_n3A_2071, %shift_right_arithmetic3A_2086 : vector<16xi32>
    %and3A_2088 = arith.constant 7 : i32
    %and3A_2089 = vector.broadcast %and3A_2088 : i32 to vector<16xi32>
    %and3A_2090 = arith.andi %shift_right_arithmetic3A_2087, %and3A_2089 : vector<16xi32>
    %add3A_2091 = arith.addi %add3A_2084, %and3A_2090 : vector<16xi32>
    %swap3A_2092 = arith.constant 720 : index
    %swap3A_2093 = tpu.vector_load %arg6[%swap3A_2092] {strides = array<i32>} : memref<768xi32, #tpu.memory_space<vmem>>, vector<16xi32>,
    tpu.vector_store %arg6[%swap3A_2092], %add3A_2091 {strides = array<i32>} : memref<768xi32, #tpu.memory_space<vmem>>, vector<16xi32>,
    %add3A_2094 = arith.constant 1794 : i32
    %add3A_2095 = vector.broadcast %add3A_2094 : i32 to vector<16xi32>
    %add3A_2096 = arith.addi %shift_right_arithmetic3A_3, %add3A_2095 : vector<16xi32>
    %mul3A_2097 = arith.constant 8 : i32
    %mul3A_2098 = vector.broadcast %mul3A_2097 : i32 to vector<16xi32>
    %mul3A_2099 = arith.muli %iota3A, %mul3A_2098 : vector<16xi32>
    %add3A_2100 = arith.addi %add3A_2096, %mul3A_2099 : vector<16xi32>
    %ge3A_2101 = arith.constant 262144 : i32
    %ge3A_2102 = vector.broadcast %ge3A_2101 : i32 to vector<16xi32>
    %ge3A_2103 = arith.cmpi sge, %add3A_2100, %ge3A_2102 : vector<16xi32>
    %sub3A_2104 = arith.constant 262144 : i32
    %sub3A_2105 = vector.broadcast %sub3A_2104 : i32 to vector<16xi32>
    %sub3A_2106 = arith.subi %add3A_2100, %sub3A_2105 : vector<16xi32>
    %select_n3A_2107 = arith.select %ge3A_2103, %sub3A_2106, %add3A_2100 : vector<16xi1>, vector<16xi32>
    %shift_right_arithmetic3A_2108 = arith.constant 6 : i32
    %shift_right_arithmetic3A_2109 = vector.broadcast %shift_right_arithmetic3A_2108 : i32 to vector<16xi32>
    %shift_right_arithmetic3A_2110 = arith.shrsi %select_n3A_2107, %shift_right_arithmetic3A_2109 : vector<16xi32>
    %shift_left3A_2111 = arith.constant 6 : i32
    %shift_left3A_2112 = vector.broadcast %shift_left3A_2111 : i32 to vector<16xi32>
    %shift_left3A_2113 = arith.shli %shift_right_arithmetic3A_2110, %shift_left3A_2112 : vector<16xi32>
    %and3A_2114 = arith.constant 7 : i32
    %and3A_2115 = vector.broadcast %and3A_2114 : i32 to vector<16xi32>
    %and3A_2116 = arith.andi %select_n3A_2107, %and3A_2115 : vector<16xi32>
    %shift_left3A_2117 = arith.constant 3 : i32
    %shift_left3A_2118 = vector.broadcast %shift_left3A_2117 : i32 to vector<16xi32>
    %shift_left3A_2119 = arith.shli %and3A_2116, %shift_left3A_2118 : vector<16xi32>
    %add3A_2120 = arith.addi %shift_left3A_2113, %shift_left3A_2119 : vector<16xi32>
    %shift_right_arithmetic3A_2121 = arith.constant 3 : i32
    %shift_right_arithmetic3A_2122 = vector.broadcast %shift_right_arithmetic3A_2121 : i32 to vector<16xi32>
    %shift_right_arithmetic3A_2123 = arith.shrsi %select_n3A_2107, %shift_right_arithmetic3A_2122 : vector<16xi32>
    %and3A_2124 = arith.constant 7 : i32
    %and3A_2125 = vector.broadcast %and3A_2124 : i32 to vector<16xi32>
    %and3A_2126 = arith.andi %shift_right_arithmetic3A_2123, %and3A_2125 : vector<16xi32>
    %add3A_2127 = arith.addi %add3A_2120, %and3A_2126 : vector<16xi32>
    %swap3A_2128 = arith.constant 736 : index
    %swap3A_2129 = tpu.vector_load %arg6[%swap3A_2128] {strides = array<i32>} : memref<768xi32, #tpu.memory_space<vmem>>, vector<16xi32>,
    tpu.vector_store %arg6[%swap3A_2128], %add3A_2127 {strides = array<i32>} : memref<768xi32, #tpu.memory_space<vmem>>, vector<16xi32>,
    %add3A_2130 = arith.constant 1922 : i32
    %add3A_2131 = vector.broadcast %add3A_2130 : i32 to vector<16xi32>
    %add3A_2132 = arith.addi %shift_right_arithmetic3A_3, %add3A_2131 : vector<16xi32>
    %mul3A_2133 = arith.constant 8 : i32
    %mul3A_2134 = vector.broadcast %mul3A_2133 : i32 to vector<16xi32>
    %mul3A_2135 = arith.muli %iota3A, %mul3A_2134 : vector<16xi32>
    %add3A_2136 = arith.addi %add3A_2132, %mul3A_2135 : vector<16xi32>
    %ge3A_2137 = arith.constant 262144 : i32
    %ge3A_2138 = vector.broadcast %ge3A_2137 : i32 to vector<16xi32>
    %ge3A_2139 = arith.cmpi sge, %add3A_2136, %ge3A_2138 : vector<16xi32>
    %sub3A_2140 = arith.constant 262144 : i32
    %sub3A_2141 = vector.broadcast %sub3A_2140 : i32 to vector<16xi32>
    %sub3A_2142 = arith.subi %add3A_2136, %sub3A_2141 : vector<16xi32>
    %select_n3A_2143 = arith.select %ge3A_2139, %sub3A_2142, %add3A_2136 : vector<16xi1>, vector<16xi32>
    %shift_right_arithmetic3A_2144 = arith.constant 6 : i32
    %shift_right_arithmetic3A_2145 = vector.broadcast %shift_right_arithmetic3A_2144 : i32 to vector<16xi32>
    %shift_right_arithmetic3A_2146 = arith.shrsi %select_n3A_2143, %shift_right_arithmetic3A_2145 : vector<16xi32>
    %shift_left3A_2147 = arith.constant 6 : i32
    %shift_left3A_2148 = vector.broadcast %shift_left3A_2147 : i32 to vector<16xi32>
    %shift_left3A_2149 = arith.shli %shift_right_arithmetic3A_2146, %shift_left3A_2148 : vector<16xi32>
    %and3A_2150 = arith.constant 7 : i32
    %and3A_2151 = vector.broadcast %and3A_2150 : i32 to vector<16xi32>
    %and3A_2152 = arith.andi %select_n3A_2143, %and3A_2151 : vector<16xi32>
    %shift_left3A_2153 = arith.constant 3 : i32
    %shift_left3A_2154 = vector.broadcast %shift_left3A_2153 : i32 to vector<16xi32>
    %shift_left3A_2155 = arith.shli %and3A_2152, %shift_left3A_2154 : vector<16xi32>
    %add3A_2156 = arith.addi %shift_left3A_2149, %shift_left3A_2155 : vector<16xi32>
    %shift_right_arithmetic3A_2157 = arith.constant 3 : i32
    %shift_right_arithmetic3A_2158 = vector.broadcast %shift_right_arithmetic3A_2157 : i32 to vector<16xi32>
    %shift_right_arithmetic3A_2159 = arith.shrsi %select_n3A_2143, %shift_right_arithmetic3A_2158 : vector<16xi32>
    %and3A_2160 = arith.constant 7 : i32
    %and3A_2161 = vector.broadcast %and3A_2160 : i32 to vector<16xi32>
    %and3A_2162 = arith.andi %shift_right_arithmetic3A_2159, %and3A_2161 : vector<16xi32>
    %add3A_2163 = arith.addi %add3A_2156, %and3A_2162 : vector<16xi32>
    %swap3A_2164 = arith.constant 752 : index
    %swap3A_2165 = tpu.vector_load %arg6[%swap3A_2164] {strides = array<i32>} : memref<768xi32, #tpu.memory_space<vmem>>, vector<16xi32>,
    tpu.vector_store %arg6[%swap3A_2164], %add3A_2163 {strides = array<i32>} : memref<768xi32, #tpu.memory_space<vmem>>, vector<16xi32>,
    %dma_start3A_2166 = arith.constant 0 : i32
    %dma_start3A_2167 = arith.constant 0 : i32
    %dma_start3A_2168 = arith.constant 0 : i32
    %dma_start3A_2169 = tpu.memref_slice %arg7[%dma_start3A_2166, %dma_start3A_2167, %dma_start3A_2168] : memref<3x192x128xf32, #tpu.memory_space<vmem>> -> memref<1x192x128xf32, #tpu.memory_space<vmem>>
    %dma_start3A_2170 = tpu.memref_squeeze %dma_start3A_2169 : memref<1x192x128xf32, #tpu.memory_space<vmem>> -> memref<192x128xf32, #tpu.memory_space<vmem>>
    %dma_start3A_2171 = arith.constant 0 : i32
    %dma_start3A_2172 = arith.constant 0 : i32
    %dma_start3A_2173 = tpu.memref_slice %dma_start3A_2170[%dma_start3A_2171, %dma_start3A_2172] : memref<192x128xf32, #tpu.memory_space<vmem>> -> memref<64x128xf32, #tpu.memory_space<vmem>>
    %dma_start3A_2174 = arith.constant 576 : i32
    %dma_start3A_2175 = tpu.memref_slice %arg6[%dma_start3A_2174] : memref<768xi32, #tpu.memory_space<vmem>> -> memref<64xi32, #tpu.memory_space<vmem>>
    %dma_start3A_2176 = arith.constant 0 : i32
    %dma_start3A_2177 = arith.constant 0 : i32
    %dma_start3A_2178 = tpu.memref_slice %arg2[%dma_start3A_2176, %dma_start3A_2177] : memref<262144x128xf32, #tpu.memory_space<hbm>> -> memref<262144x128xf32, #tpu.memory_space<hbm>>
    tpu.enqueue_indirect_dma source(%dma_start3A_2178 : memref<262144x128xf32, #tpu.memory_space<hbm>>) target(%dma_start3A_2173 : memref<64x128xf32, #tpu.memory_space<vmem>>) offsets(%dma_start3A_2175 : memref<64xi32, #tpu.memory_space<vmem>>) semaphore(%arg9 : memref<!tpu.dma_semaphore, #tpu.memory_space<semaphore_mem>>)
    %dma_start3A_2179 = arith.constant 0 : i32
    %dma_start3A_2180 = arith.constant 0 : i32
    %dma_start3A_2181 = arith.constant 0 : i32
    %dma_start3A_2182 = tpu.memref_slice %arg7[%dma_start3A_2179, %dma_start3A_2180, %dma_start3A_2181] : memref<3x192x128xf32, #tpu.memory_space<vmem>> -> memref<1x192x128xf32, #tpu.memory_space<vmem>>
    %dma_start3A_2183 = tpu.memref_squeeze %dma_start3A_2182 : memref<1x192x128xf32, #tpu.memory_space<vmem>> -> memref<192x128xf32, #tpu.memory_space<vmem>>
    %dma_start3A_2184 = arith.constant 64 : i32
    %dma_start3A_2185 = arith.constant 0 : i32
    %dma_start3A_2186 = tpu.memref_slice %dma_start3A_2183[%dma_start3A_2184, %dma_start3A_2185] : memref<192x128xf32, #tpu.memory_space<vmem>> -> memref<64x128xf32, #tpu.memory_space<vmem>>
    %dma_start3A_2187 = arith.constant 640 : i32
    %dma_start3A_2188 = tpu.memref_slice %arg6[%dma_start3A_2187] : memref<768xi32, #tpu.memory_space<vmem>> -> memref<64xi32, #tpu.memory_space<vmem>>
    %dma_start3A_2189 = arith.constant 0 : i32
    %dma_start3A_2190 = arith.constant 0 : i32
    %dma_start3A_2191 = tpu.memref_slice %arg2[%dma_start3A_2189, %dma_start3A_2190] : memref<262144x128xf32, #tpu.memory_space<hbm>> -> memref<262144x128xf32, #tpu.memory_space<hbm>>
    tpu.enqueue_indirect_dma source(%dma_start3A_2191 : memref<262144x128xf32, #tpu.memory_space<hbm>>) target(%dma_start3A_2186 : memref<64x128xf32, #tpu.memory_space<vmem>>) offsets(%dma_start3A_2188 : memref<64xi32, #tpu.memory_space<vmem>>) semaphore(%arg9 : memref<!tpu.dma_semaphore, #tpu.memory_space<semaphore_mem>>)
    %dma_start3A_2192 = arith.constant 0 : i32
    %dma_start3A_2193 = arith.constant 0 : i32
    %dma_start3A_2194 = arith.constant 0 : i32
    %dma_start3A_2195 = tpu.memref_slice %arg7[%dma_start3A_2192, %dma_start3A_2193, %dma_start3A_2194] : memref<3x192x128xf32, #tpu.memory_space<vmem>> -> memref<1x192x128xf32, #tpu.memory_space<vmem>>
    %dma_start3A_2196 = tpu.memref_squeeze %dma_start3A_2195 : memref<1x192x128xf32, #tpu.memory_space<vmem>> -> memref<192x128xf32, #tpu.memory_space<vmem>>
    %dma_start3A_2197 = arith.constant 128 : i32
    %dma_start3A_2198 = arith.constant 0 : i32
    %dma_start3A_2199 = tpu.memref_slice %dma_start3A_2196[%dma_start3A_2197, %dma_start3A_2198] : memref<192x128xf32, #tpu.memory_space<vmem>> -> memref<64x128xf32, #tpu.memory_space<vmem>>
    %dma_start3A_2200 = arith.constant 704 : i32
    %dma_start3A_2201 = tpu.memref_slice %arg6[%dma_start3A_2200] : memref<768xi32, #tpu.memory_space<vmem>> -> memref<64xi32, #tpu.memory_space<vmem>>
    %dma_start3A_2202 = arith.constant 0 : i32
    %dma_start3A_2203 = arith.constant 0 : i32
    %dma_start3A_2204 = tpu.memref_slice %arg2[%dma_start3A_2202, %dma_start3A_2203] : memref<262144x128xf32, #tpu.memory_space<hbm>> -> memref<262144x128xf32, #tpu.memory_space<hbm>>
    tpu.enqueue_indirect_dma source(%dma_start3A_2204 : memref<262144x128xf32, #tpu.memory_space<hbm>>) target(%dma_start3A_2199 : memref<64x128xf32, #tpu.memory_space<vmem>>) offsets(%dma_start3A_2201 : memref<64xi32, #tpu.memory_space<vmem>>) semaphore(%arg9 : memref<!tpu.dma_semaphore, #tpu.memory_space<semaphore_mem>>)
    %dma_wait3A_2205 = arith.constant 1 : i32
    %dma_wait3A_2206 = arith.constant 0 : i32
    %dma_wait3A_2207 = arith.constant 0 : i32
    %dma_wait3A_2208 = tpu.memref_slice %arg7[%dma_wait3A_2205, %dma_wait3A_2206, %dma_wait3A_2207] : memref<3x192x128xf32, #tpu.memory_space<vmem>> -> memref<1x192x128xf32, #tpu.memory_space<vmem>>
    %dma_wait3A_2209 = tpu.memref_squeeze %dma_wait3A_2208 : memref<1x192x128xf32, #tpu.memory_space<vmem>> -> memref<192x128xf32, #tpu.memory_space<vmem>>
    %dma_wait3A_2210 = arith.constant 0 : i32
    %dma_wait3A_2211 = arith.constant 0 : i32
    %dma_wait3A_2212 = tpu.memref_slice %dma_wait3A_2209[%dma_wait3A_2210, %dma_wait3A_2211] : memref<192x128xf32, #tpu.memory_space<vmem>> -> memref<64x128xf32, #tpu.memory_space<vmem>>
    %dma_wait3A_2213 = arith.constant 192 : i32
    %dma_wait3A_2214 = tpu.memref_slice %arg6[%dma_wait3A_2213] : memref<768xi32, #tpu.memory_space<vmem>> -> memref<64xi32, #tpu.memory_space<vmem>>
    %dma_wait3A_2215 = arith.constant 0 : i32
    %dma_wait3A_2216 = arith.constant 0 : i32
    %dma_wait3A_2217 = tpu.memref_slice %arg2[%dma_wait3A_2215, %dma_wait3A_2216] : memref<262144x128xf32, #tpu.memory_space<hbm>> -> memref<262144x128xf32, #tpu.memory_space<hbm>>
    tpu.wait_indirect_dma semaphore(%arg10 : memref<!tpu.dma_semaphore, #tpu.memory_space<semaphore_mem>>) src(%dma_wait3A_2217 : memref<262144x128xf32, #tpu.memory_space<hbm>>) dst(%dma_wait3A_2212 : memref<64x128xf32, #tpu.memory_space<vmem>>)
    %dma_wait3A_2218 = arith.constant 1 : i32
    %dma_wait3A_2219 = arith.constant 0 : i32
    %dma_wait3A_2220 = arith.constant 0 : i32
    %dma_wait3A_2221 = tpu.memref_slice %arg7[%dma_wait3A_2218, %dma_wait3A_2219, %dma_wait3A_2220] : memref<3x192x128xf32, #tpu.memory_space<vmem>> -> memref<1x192x128xf32, #tpu.memory_space<vmem>>
    %dma_wait3A_2222 = tpu.memref_squeeze %dma_wait3A_2221 : memref<1x192x128xf32, #tpu.memory_space<vmem>> -> memref<192x128xf32, #tpu.memory_space<vmem>>
    %dma_wait3A_2223 = arith.constant 64 : i32
    %dma_wait3A_2224 = arith.constant 0 : i32
    %dma_wait3A_2225 = tpu.memref_slice %dma_wait3A_2222[%dma_wait3A_2223, %dma_wait3A_2224] : memref<192x128xf32, #tpu.memory_space<vmem>> -> memref<64x128xf32, #tpu.memory_space<vmem>>
    %dma_wait3A_2226 = arith.constant 256 : i32
    %dma_wait3A_2227 = tpu.memref_slice %arg6[%dma_wait3A_2226] : memref<768xi32, #tpu.memory_space<vmem>> -> memref<64xi32, #tpu.memory_space<vmem>>
    %dma_wait3A_2228 = arith.constant 0 : i32
    %dma_wait3A_2229 = arith.constant 0 : i32
    %dma_wait3A_2230 = tpu.memref_slice %arg2[%dma_wait3A_2228, %dma_wait3A_2229] : memref<262144x128xf32, #tpu.memory_space<hbm>> -> memref<262144x128xf32, #tpu.memory_space<hbm>>
    tpu.wait_indirect_dma semaphore(%arg10 : memref<!tpu.dma_semaphore, #tpu.memory_space<semaphore_mem>>) src(%dma_wait3A_2230 : memref<262144x128xf32, #tpu.memory_space<hbm>>) dst(%dma_wait3A_2225 : memref<64x128xf32, #tpu.memory_space<vmem>>)
    %dma_wait3A_2231 = arith.constant 1 : i32
    %dma_wait3A_2232 = arith.constant 0 : i32
    %dma_wait3A_2233 = arith.constant 0 : i32
    %dma_wait3A_2234 = tpu.memref_slice %arg7[%dma_wait3A_2231, %dma_wait3A_2232, %dma_wait3A_2233] : memref<3x192x128xf32, #tpu.memory_space<vmem>> -> memref<1x192x128xf32, #tpu.memory_space<vmem>>
    %dma_wait3A_2235 = tpu.memref_squeeze %dma_wait3A_2234 : memref<1x192x128xf32, #tpu.memory_space<vmem>> -> memref<192x128xf32, #tpu.memory_space<vmem>>
    %dma_wait3A_2236 = arith.constant 128 : i32
    %dma_wait3A_2237 = arith.constant 0 : i32
    %dma_wait3A_2238 = tpu.memref_slice %dma_wait3A_2235[%dma_wait3A_2236, %dma_wait3A_2237] : memref<192x128xf32, #tpu.memory_space<vmem>> -> memref<64x128xf32, #tpu.memory_space<vmem>>
    %dma_wait3A_2239 = arith.constant 320 : i32
    %dma_wait3A_2240 = tpu.memref_slice %arg6[%dma_wait3A_2239] : memref<768xi32, #tpu.memory_space<vmem>> -> memref<64xi32, #tpu.memory_space<vmem>>
    %dma_wait3A_2241 = arith.constant 0 : i32
    %dma_wait3A_2242 = arith.constant 0 : i32
    %dma_wait3A_2243 = tpu.memref_slice %arg2[%dma_wait3A_2241, %dma_wait3A_2242] : memref<262144x128xf32, #tpu.memory_space<hbm>> -> memref<262144x128xf32, #tpu.memory_space<hbm>>
    tpu.wait_indirect_dma semaphore(%arg10 : memref<!tpu.dma_semaphore, #tpu.memory_space<semaphore_mem>>) src(%dma_wait3A_2243 : memref<262144x128xf32, #tpu.memory_space<hbm>>) dst(%dma_wait3A_2238 : memref<64x128xf32, #tpu.memory_space<vmem>>)
    %scan3A_2244 = arith.constant 1 : i32
    %scan3A_2245 = arith.constant 1 : i32
    %scan3A_2246 = arith.constant 0 : i32
    %scan3A_2247 = arith.constant 0 : i32
    %scan3A_2248 = arith.constant 64 : i32
    %scan3A_2249 = arith.addi %scan3A_2247, %scan3A_2248 : i32
    %scan3A_2250 = arith.constant 1 : i32
    %scan3A_2251 = scf.for %scan3A_2452 = %scan3A_2247 to %scan3A_2249 step %scan3A_2250 iter_args(%scan3A_2453 = %scan3A_2246) -> (i32)  : i32 {
      %mul3A_2454 = arith.constant 128 : i32
      %mul3A_2455 = arith.muli %scan3A_2452, %mul3A_2454 : i32
      %add3A_2456 = vector.broadcast %mul3A_2455 : i32 to vector<16xi32>
      %add3A_2457 = arith.addi %add3A_202, %add3A_2456 : vector<16xi32>
      %gather3A = arith.constant 0 : i32
      %gather3A_2458 = arith.constant 0 : i32
      %gather3A_2459 = tpu.memref_slice %arg7[%scan3A_2244, %gather3A, %gather3A_2458] : memref<3x192x128xf32, #tpu.memory_space<vmem>> -> memref<1x192x128xf32, #tpu.memory_space<vmem>>
      %gather3A_2460 = tpu.memref_squeeze %gather3A_2459 : memref<1x192x128xf32, #tpu.memory_space<vmem>> -> memref<192x128xf32, #tpu.memory_space<vmem>>
      %gather3A_2461 = tpu.vector_load_idx %gather3A_2460[%broadcast_in_dim3A_7, %add3A_2457] : memref<192x128xf32, #tpu.memory_space<vmem>>[vector<16xi32>, vector<16xi32>], vector<16xf32>,
      %add3A_2462 = vector.broadcast %mul3A_2455 : i32 to vector<16xi32>
      %add3A_2463 = arith.addi %add3A_206, %add3A_2462 : vector<16xi32>
      %gather3A_2464 = arith.constant 0 : i32
      %gather3A_2465 = arith.constant 0 : i32
      %gather3A_2466 = tpu.memref_slice %arg7[%scan3A_2244, %gather3A_2464, %gather3A_2465] : memref<3x192x128xf32, #tpu.memory_space<vmem>> -> memref<1x192x128xf32, #tpu.memory_space<vmem>>
      %gather3A_2467 = tpu.memref_squeeze %gather3A_2466 : memref<1x192x128xf32, #tpu.memory_space<vmem>> -> memref<192x128xf32, #tpu.memory_space<vmem>>
      %gather3A_2468 = tpu.vector_load_idx %gather3A_2467[%broadcast_in_dim3A_7, %add3A_2463] : memref<192x128xf32, #tpu.memory_space<vmem>>[vector<16xi32>, vector<16xi32>], vector<16xf32>,
      %add3A_2469 = vector.broadcast %mul3A_2455 : i32 to vector<16xi32>
      %add3A_2470 = arith.addi %add3A_210, %add3A_2469 : vector<16xi32>
      %gather3A_2471 = arith.constant 0 : i32
      %gather3A_2472 = arith.constant 0 : i32
      %gather3A_2473 = tpu.memref_slice %arg7[%scan3A_2244, %gather3A_2471, %gather3A_2472] : memref<3x192x128xf32, #tpu.memory_space<vmem>> -> memref<1x192x128xf32, #tpu.memory_space<vmem>>
      %gather3A_2474 = tpu.memref_squeeze %gather3A_2473 : memref<1x192x128xf32, #tpu.memory_space<vmem>> -> memref<192x128xf32, #tpu.memory_space<vmem>>
      %gather3A_2475 = tpu.vector_load_idx %gather3A_2474[%broadcast_in_dim3A_7, %add3A_2470] : memref<192x128xf32, #tpu.memory_space<vmem>>[vector<16xi32>, vector<16xi32>], vector<16xf32>,
      %add3A_2476 = vector.broadcast %mul3A_2455 : i32 to vector<16xi32>
      %add3A_2477 = arith.addi %add3A_214, %add3A_2476 : vector<16xi32>
      %gather3A_2478 = arith.constant 0 : i32
      %gather3A_2479 = arith.constant 0 : i32
      %gather3A_2480 = tpu.memref_slice %arg7[%scan3A_2244, %gather3A_2478, %gather3A_2479] : memref<3x192x128xf32, #tpu.memory_space<vmem>> -> memref<1x192x128xf32, #tpu.memory_space<vmem>>
      %gather3A_2481 = tpu.memref_squeeze %gather3A_2480 : memref<1x192x128xf32, #tpu.memory_space<vmem>> -> memref<192x128xf32, #tpu.memory_space<vmem>>
      %gather3A_2482 = tpu.vector_load_idx %gather3A_2481[%broadcast_in_dim3A_7, %add3A_2477] : memref<192x128xf32, #tpu.memory_space<vmem>>[vector<16xi32>, vector<16xi32>], vector<16xf32>,
      %add3A_2483 = vector.broadcast %mul3A_2455 : i32 to vector<16xi32>
      %add3A_2484 = arith.addi %add3A_218, %add3A_2483 : vector<16xi32>
      %gather3A_2485 = arith.constant 0 : i32
      %gather3A_2486 = arith.constant 0 : i32
      %gather3A_2487 = tpu.memref_slice %arg7[%scan3A_2244, %gather3A_2485, %gather3A_2486] : memref<3x192x128xf32, #tpu.memory_space<vmem>> -> memref<1x192x128xf32, #tpu.memory_space<vmem>>
      %gather3A_2488 = tpu.memref_squeeze %gather3A_2487 : memref<1x192x128xf32, #tpu.memory_space<vmem>> -> memref<192x128xf32, #tpu.memory_space<vmem>>
      %gather3A_2489 = tpu.vector_load_idx %gather3A_2488[%broadcast_in_dim3A_7, %add3A_2484] : memref<192x128xf32, #tpu.memory_space<vmem>>[vector<16xi32>, vector<16xi32>], vector<16xf32>,
      %add3A_2490 = vector.broadcast %mul3A_2455 : i32 to vector<16xi32>
      %add3A_2491 = arith.addi %add3A_222, %add3A_2490 : vector<16xi32>
      %gather3A_2492 = arith.constant 0 : i32
      %gather3A_2493 = arith.constant 0 : i32
      %gather3A_2494 = tpu.memref_slice %arg7[%scan3A_2244, %gather3A_2492, %gather3A_2493] : memref<3x192x128xf32, #tpu.memory_space<vmem>> -> memref<1x192x128xf32, #tpu.memory_space<vmem>>
      %gather3A_2495 = tpu.memref_squeeze %gather3A_2494 : memref<1x192x128xf32, #tpu.memory_space<vmem>> -> memref<192x128xf32, #tpu.memory_space<vmem>>
      %gather3A_2496 = tpu.vector_load_idx %gather3A_2495[%broadcast_in_dim3A_7, %add3A_2491] : memref<192x128xf32, #tpu.memory_space<vmem>>[vector<16xi32>, vector<16xi32>], vector<16xf32>,
      %add3A_2497 = vector.broadcast %mul3A_2455 : i32 to vector<16xi32>
      %add3A_2498 = arith.addi %add3A_226, %add3A_2497 : vector<16xi32>
      %gather3A_2499 = arith.constant 0 : i32
      %gather3A_2500 = arith.constant 0 : i32
      %gather3A_2501 = tpu.memref_slice %arg7[%scan3A_2244, %gather3A_2499, %gather3A_2500] : memref<3x192x128xf32, #tpu.memory_space<vmem>> -> memref<1x192x128xf32, #tpu.memory_space<vmem>>
      %gather3A_2502 = tpu.memref_squeeze %gather3A_2501 : memref<1x192x128xf32, #tpu.memory_space<vmem>> -> memref<192x128xf32, #tpu.memory_space<vmem>>
      %gather3A_2503 = tpu.vector_load_idx %gather3A_2502[%broadcast_in_dim3A_7, %add3A_2498] : memref<192x128xf32, #tpu.memory_space<vmem>>[vector<16xi32>, vector<16xi32>], vector<16xf32>,
      %add3A_2504 = vector.broadcast %mul3A_2455 : i32 to vector<16xi32>
      %add3A_2505 = arith.addi %add3A_230, %add3A_2504 : vector<16xi32>
      %gather3A_2506 = arith.constant 0 : i32
      %gather3A_2507 = arith.constant 0 : i32
      %gather3A_2508 = tpu.memref_slice %arg7[%scan3A_2244, %gather3A_2506, %gather3A_2507] : memref<3x192x128xf32, #tpu.memory_space<vmem>> -> memref<1x192x128xf32, #tpu.memory_space<vmem>>
      %gather3A_2509 = tpu.memref_squeeze %gather3A_2508 : memref<1x192x128xf32, #tpu.memory_space<vmem>> -> memref<192x128xf32, #tpu.memory_space<vmem>>
      %gather3A_2510 = tpu.vector_load_idx %gather3A_2509[%broadcast_in_dim3A_7, %add3A_2505] : memref<192x128xf32, #tpu.memory_space<vmem>>[vector<16xi32>, vector<16xi32>], vector<16xf32>,
      %add3A_2511 = vector.broadcast %mul3A_2455 : i32 to vector<16xi32>
      %add3A_2512 = arith.addi %add3A_234, %add3A_2511 : vector<16xi32>
      %gather3A_2513 = arith.constant 0 : i32
      %gather3A_2514 = arith.constant 0 : i32
      %gather3A_2515 = tpu.memref_slice %arg7[%scan3A_2244, %gather3A_2513, %gather3A_2514] : memref<3x192x128xf32, #tpu.memory_space<vmem>> -> memref<1x192x128xf32, #tpu.memory_space<vmem>>
      %gather3A_2516 = tpu.memref_squeeze %gather3A_2515 : memref<1x192x128xf32, #tpu.memory_space<vmem>> -> memref<192x128xf32, #tpu.memory_space<vmem>>
      %gather3A_2517 = tpu.vector_load_idx %gather3A_2516[%broadcast_in_dim3A_7, %add3A_2512] : memref<192x128xf32, #tpu.memory_space<vmem>>[vector<16xi32>, vector<16xi32>], vector<16xf32>,
      %add3A_2518 = vector.broadcast %mul3A_2455 : i32 to vector<16xi32>
      %add3A_2519 = arith.addi %add3A_238, %add3A_2518 : vector<16xi32>
      %gather3A_2520 = arith.constant 0 : i32
      %gather3A_2521 = arith.constant 0 : i32
      %gather3A_2522 = tpu.memref_slice %arg7[%scan3A_2244, %gather3A_2520, %gather3A_2521] : memref<3x192x128xf32, #tpu.memory_space<vmem>> -> memref<1x192x128xf32, #tpu.memory_space<vmem>>
      %gather3A_2523 = tpu.memref_squeeze %gather3A_2522 : memref<1x192x128xf32, #tpu.memory_space<vmem>> -> memref<192x128xf32, #tpu.memory_space<vmem>>
      %gather3A_2524 = tpu.vector_load_idx %gather3A_2523[%broadcast_in_dim3A_7, %add3A_2519] : memref<192x128xf32, #tpu.memory_space<vmem>>[vector<16xi32>, vector<16xi32>], vector<16xf32>,
      %add3A_2525 = vector.broadcast %mul3A_2455 : i32 to vector<16xi32>
      %add3A_2526 = arith.addi %add3A_242, %add3A_2525 : vector<16xi32>
      %gather3A_2527 = arith.constant 0 : i32
      %gather3A_2528 = arith.constant 0 : i32
      %gather3A_2529 = tpu.memref_slice %arg7[%scan3A_2244, %gather3A_2527, %gather3A_2528] : memref<3x192x128xf32, #tpu.memory_space<vmem>> -> memref<1x192x128xf32, #tpu.memory_space<vmem>>
      %gather3A_2530 = tpu.memref_squeeze %gather3A_2529 : memref<1x192x128xf32, #tpu.memory_space<vmem>> -> memref<192x128xf32, #tpu.memory_space<vmem>>
      %gather3A_2531 = tpu.vector_load_idx %gather3A_2530[%broadcast_in_dim3A_7, %add3A_2526] : memref<192x128xf32, #tpu.memory_space<vmem>>[vector<16xi32>, vector<16xi32>], vector<16xf32>,
      %add3A_2532 = vector.broadcast %mul3A_2455 : i32 to vector<16xi32>
      %add3A_2533 = arith.addi %add3A_246, %add3A_2532 : vector<16xi32>
      %gather3A_2534 = arith.constant 0 : i32
      %gather3A_2535 = arith.constant 0 : i32
      %gather3A_2536 = tpu.memref_slice %arg7[%scan3A_2244, %gather3A_2534, %gather3A_2535] : memref<3x192x128xf32, #tpu.memory_space<vmem>> -> memref<1x192x128xf32, #tpu.memory_space<vmem>>
      %gather3A_2537 = tpu.memref_squeeze %gather3A_2536 : memref<1x192x128xf32, #tpu.memory_space<vmem>> -> memref<192x128xf32, #tpu.memory_space<vmem>>
      %gather3A_2538 = tpu.vector_load_idx %gather3A_2537[%broadcast_in_dim3A_7, %add3A_2533] : memref<192x128xf32, #tpu.memory_space<vmem>>[vector<16xi32>, vector<16xi32>], vector<16xf32>,
      %add3A_2539 = vector.broadcast %mul3A_2455 : i32 to vector<16xi32>
      %add3A_2540 = arith.addi %add3A_250, %add3A_2539 : vector<16xi32>
      %gather3A_2541 = arith.constant 0 : i32
      %gather3A_2542 = arith.constant 0 : i32
      %gather3A_2543 = tpu.memref_slice %arg7[%scan3A_2244, %gather3A_2541, %gather3A_2542] : memref<3x192x128xf32, #tpu.memory_space<vmem>> -> memref<1x192x128xf32, #tpu.memory_space<vmem>>
      %gather3A_2544 = tpu.memref_squeeze %gather3A_2543 : memref<1x192x128xf32, #tpu.memory_space<vmem>> -> memref<192x128xf32, #tpu.memory_space<vmem>>
      %gather3A_2545 = tpu.vector_load_idx %gather3A_2544[%broadcast_in_dim3A_7, %add3A_2540] : memref<192x128xf32, #tpu.memory_space<vmem>>[vector<16xi32>, vector<16xi32>], vector<16xf32>,
      %add3A_2546 = vector.broadcast %mul3A_2455 : i32 to vector<16xi32>
      %add3A_2547 = arith.addi %add3A_254, %add3A_2546 : vector<16xi32>
      %gather3A_2548 = arith.constant 0 : i32
      %gather3A_2549 = arith.constant 0 : i32
      %gather3A_2550 = tpu.memref_slice %arg7[%scan3A_2244, %gather3A_2548, %gather3A_2549] : memref<3x192x128xf32, #tpu.memory_space<vmem>> -> memref<1x192x128xf32, #tpu.memory_space<vmem>>
      %gather3A_2551 = tpu.memref_squeeze %gather3A_2550 : memref<1x192x128xf32, #tpu.memory_space<vmem>> -> memref<192x128xf32, #tpu.memory_space<vmem>>
      %gather3A_2552 = tpu.vector_load_idx %gather3A_2551[%broadcast_in_dim3A_7, %add3A_2547] : memref<192x128xf32, #tpu.memory_space<vmem>>[vector<16xi32>, vector<16xi32>], vector<16xf32>,
      %add3A_2553 = vector.broadcast %mul3A_2455 : i32 to vector<16xi32>
      %add3A_2554 = arith.addi %add3A_258, %add3A_2553 : vector<16xi32>
      %gather3A_2555 = arith.constant 0 : i32
      %gather3A_2556 = arith.constant 0 : i32
      %gather3A_2557 = tpu.memref_slice %arg7[%scan3A_2244, %gather3A_2555, %gather3A_2556] : memref<3x192x128xf32, #tpu.memory_space<vmem>> -> memref<1x192x128xf32, #tpu.memory_space<vmem>>
      %gather3A_2558 = tpu.memref_squeeze %gather3A_2557 : memref<1x192x128xf32, #tpu.memory_space<vmem>> -> memref<192x128xf32, #tpu.memory_space<vmem>>
      %gather3A_2559 = tpu.vector_load_idx %gather3A_2558[%broadcast_in_dim3A_7, %add3A_2554] : memref<192x128xf32, #tpu.memory_space<vmem>>[vector<16xi32>, vector<16xi32>], vector<16xf32>,
      %add3A_2560 = vector.broadcast %mul3A_2455 : i32 to vector<16xi32>
      %add3A_2561 = arith.addi %add3A_262, %add3A_2560 : vector<16xi32>
      %gather3A_2562 = arith.constant 0 : i32
      %gather3A_2563 = arith.constant 0 : i32
      %gather3A_2564 = tpu.memref_slice %arg7[%scan3A_2244, %gather3A_2562, %gather3A_2563] : memref<3x192x128xf32, #tpu.memory_space<vmem>> -> memref<1x192x128xf32, #tpu.memory_space<vmem>>
      %gather3A_2565 = tpu.memref_squeeze %gather3A_2564 : memref<1x192x128xf32, #tpu.memory_space<vmem>> -> memref<192x128xf32, #tpu.memory_space<vmem>>
      %gather3A_2566 = tpu.vector_load_idx %gather3A_2565[%broadcast_in_dim3A_7, %add3A_2561] : memref<192x128xf32, #tpu.memory_space<vmem>>[vector<16xi32>, vector<16xi32>], vector<16xf32>,
      %swap3A_2567 = arith.constant 0 : i32
      %swap3A_2568 = arith.constant 0 : i32
      %swap3A_2569 = tpu.memref_slice %arg8[%scan3A_2245, %swap3A_2567, %swap3A_2568] : memref<2x64x256xf32, #tpu.memory_space<vmem>> -> memref<1x64x256xf32, #tpu.memory_space<vmem>>
      %swap3A_2570 = tpu.memref_squeeze %swap3A_2569 : memref<1x64x256xf32, #tpu.memory_space<vmem>> -> memref<64x256xf32, #tpu.memory_space<vmem>>
      %swap3A_2571 = arith.index_cast %scan3A_2452 : i32 to index
      %swap3A_2572 = arith.constant 0 : index
      %swap3A_2573 = tpu.vector_load %swap3A_2570[%swap3A_2571, %swap3A_2572] {strides = array<i32>} : memref<64x256xf32, #tpu.memory_space<vmem>>, vector<16xf32>,
      tpu.vector_store %swap3A_2570[%swap3A_2571, %swap3A_2572], %gather3A_2461 {strides = array<i32>} : memref<64x256xf32, #tpu.memory_space<vmem>>, vector<16xf32>,
      %swap3A_2574 = arith.constant 0 : i32
      %swap3A_2575 = arith.constant 0 : i32
      %swap3A_2576 = tpu.memref_slice %arg8[%scan3A_2245, %swap3A_2574, %swap3A_2575] : memref<2x64x256xf32, #tpu.memory_space<vmem>> -> memref<1x64x256xf32, #tpu.memory_space<vmem>>
      %swap3A_2577 = tpu.memref_squeeze %swap3A_2576 : memref<1x64x256xf32, #tpu.memory_space<vmem>> -> memref<64x256xf32, #tpu.memory_space<vmem>>
      %swap3A_2578 = arith.index_cast %scan3A_2452 : i32 to index
      %swap3A_2579 = arith.constant 16 : index
      %swap3A_2580 = tpu.vector_load %swap3A_2577[%swap3A_2578, %swap3A_2579] {strides = array<i32>} : memref<64x256xf32, #tpu.memory_space<vmem>>, vector<16xf32>,
      tpu.vector_store %swap3A_2577[%swap3A_2578, %swap3A_2579], %gather3A_2468 {strides = array<i32>} : memref<64x256xf32, #tpu.memory_space<vmem>>, vector<16xf32>,
      %swap3A_2581 = arith.constant 0 : i32
      %swap3A_2582 = arith.constant 0 : i32
      %swap3A_2583 = tpu.memref_slice %arg8[%scan3A_2245, %swap3A_2581, %swap3A_2582] : memref<2x64x256xf32, #tpu.memory_space<vmem>> -> memref<1x64x256xf32, #tpu.memory_space<vmem>>
      %swap3A_2584 = tpu.memref_squeeze %swap3A_2583 : memref<1x64x256xf32, #tpu.memory_space<vmem>> -> memref<64x256xf32, #tpu.memory_space<vmem>>
      %swap3A_2585 = arith.index_cast %scan3A_2452 : i32 to index
      %swap3A_2586 = arith.constant 32 : index
      %swap3A_2587 = tpu.vector_load %swap3A_2584[%swap3A_2585, %swap3A_2586] {strides = array<i32>} : memref<64x256xf32, #tpu.memory_space<vmem>>, vector<16xf32>,
      tpu.vector_store %swap3A_2584[%swap3A_2585, %swap3A_2586], %gather3A_2475 {strides = array<i32>} : memref<64x256xf32, #tpu.memory_space<vmem>>, vector<16xf32>,
      %swap3A_2588 = arith.constant 0 : i32
      %swap3A_2589 = arith.constant 0 : i32
      %swap3A_2590 = tpu.memref_slice %arg8[%scan3A_2245, %swap3A_2588, %swap3A_2589] : memref<2x64x256xf32, #tpu.memory_space<vmem>> -> memref<1x64x256xf32, #tpu.memory_space<vmem>>
      %swap3A_2591 = tpu.memref_squeeze %swap3A_2590 : memref<1x64x256xf32, #tpu.memory_space<vmem>> -> memref<64x256xf32, #tpu.memory_space<vmem>>
      %swap3A_2592 = arith.index_cast %scan3A_2452 : i32 to index
      %swap3A_2593 = arith.constant 48 : index
      %swap3A_2594 = tpu.vector_load %swap3A_2591[%swap3A_2592, %swap3A_2593] {strides = array<i32>} : memref<64x256xf32, #tpu.memory_space<vmem>>, vector<16xf32>,
      tpu.vector_store %swap3A_2591[%swap3A_2592, %swap3A_2593], %gather3A_2482 {strides = array<i32>} : memref<64x256xf32, #tpu.memory_space<vmem>>, vector<16xf32>,
      %swap3A_2595 = arith.constant 0 : i32
      %swap3A_2596 = arith.constant 0 : i32
      %swap3A_2597 = tpu.memref_slice %arg8[%scan3A_2245, %swap3A_2595, %swap3A_2596] : memref<2x64x256xf32, #tpu.memory_space<vmem>> -> memref<1x64x256xf32, #tpu.memory_space<vmem>>
      %swap3A_2598 = tpu.memref_squeeze %swap3A_2597 : memref<1x64x256xf32, #tpu.memory_space<vmem>> -> memref<64x256xf32, #tpu.memory_space<vmem>>
      %swap3A_2599 = arith.index_cast %scan3A_2452 : i32 to index
      %swap3A_2600 = arith.constant 64 : index
      %swap3A_2601 = tpu.vector_load %swap3A_2598[%swap3A_2599, %swap3A_2600] {strides = array<i32>} : memref<64x256xf32, #tpu.memory_space<vmem>>, vector<16xf32>,
      tpu.vector_store %swap3A_2598[%swap3A_2599, %swap3A_2600], %gather3A_2489 {strides = array<i32>} : memref<64x256xf32, #tpu.memory_space<vmem>>, vector<16xf32>,
      %swap3A_2602 = arith.constant 0 : i32
      %swap3A_2603 = arith.constant 0 : i32
      %swap3A_2604 = tpu.memref_slice %arg8[%scan3A_2245, %swap3A_2602, %swap3A_2603] : memref<2x64x256xf32, #tpu.memory_space<vmem>> -> memref<1x64x256xf32, #tpu.memory_space<vmem>>
      %swap3A_2605 = tpu.memref_squeeze %swap3A_2604 : memref<1x64x256xf32, #tpu.memory_space<vmem>> -> memref<64x256xf32, #tpu.memory_space<vmem>>
      %swap3A_2606 = arith.index_cast %scan3A_2452 : i32 to index
      %swap3A_2607 = arith.constant 80 : index
      %swap3A_2608 = tpu.vector_load %swap3A_2605[%swap3A_2606, %swap3A_2607] {strides = array<i32>} : memref<64x256xf32, #tpu.memory_space<vmem>>, vector<16xf32>,
      tpu.vector_store %swap3A_2605[%swap3A_2606, %swap3A_2607], %gather3A_2496 {strides = array<i32>} : memref<64x256xf32, #tpu.memory_space<vmem>>, vector<16xf32>,
      %swap3A_2609 = arith.constant 0 : i32
      %swap3A_2610 = arith.constant 0 : i32
      %swap3A_2611 = tpu.memref_slice %arg8[%scan3A_2245, %swap3A_2609, %swap3A_2610] : memref<2x64x256xf32, #tpu.memory_space<vmem>> -> memref<1x64x256xf32, #tpu.memory_space<vmem>>
      %swap3A_2612 = tpu.memref_squeeze %swap3A_2611 : memref<1x64x256xf32, #tpu.memory_space<vmem>> -> memref<64x256xf32, #tpu.memory_space<vmem>>
      %swap3A_2613 = arith.index_cast %scan3A_2452 : i32 to index
      %swap3A_2614 = arith.constant 96 : index
      %swap3A_2615 = tpu.vector_load %swap3A_2612[%swap3A_2613, %swap3A_2614] {strides = array<i32>} : memref<64x256xf32, #tpu.memory_space<vmem>>, vector<16xf32>,
      tpu.vector_store %swap3A_2612[%swap3A_2613, %swap3A_2614], %gather3A_2503 {strides = array<i32>} : memref<64x256xf32, #tpu.memory_space<vmem>>, vector<16xf32>,
      %swap3A_2616 = arith.constant 0 : i32
      %swap3A_2617 = arith.constant 0 : i32
      %swap3A_2618 = tpu.memref_slice %arg8[%scan3A_2245, %swap3A_2616, %swap3A_2617] : memref<2x64x256xf32, #tpu.memory_space<vmem>> -> memref<1x64x256xf32, #tpu.memory_space<vmem>>
      %swap3A_2619 = tpu.memref_squeeze %swap3A_2618 : memref<1x64x256xf32, #tpu.memory_space<vmem>> -> memref<64x256xf32, #tpu.memory_space<vmem>>
      %swap3A_2620 = arith.index_cast %scan3A_2452 : i32 to index
      %swap3A_2621 = arith.constant 112 : index
      %swap3A_2622 = tpu.vector_load %swap3A_2619[%swap3A_2620, %swap3A_2621] {strides = array<i32>} : memref<64x256xf32, #tpu.memory_space<vmem>>, vector<16xf32>,
      tpu.vector_store %swap3A_2619[%swap3A_2620, %swap3A_2621], %gather3A_2510 {strides = array<i32>} : memref<64x256xf32, #tpu.memory_space<vmem>>, vector<16xf32>,
      %swap3A_2623 = arith.constant 0 : i32
      %swap3A_2624 = arith.constant 0 : i32
      %swap3A_2625 = tpu.memref_slice %arg8[%scan3A_2245, %swap3A_2623, %swap3A_2624] : memref<2x64x256xf32, #tpu.memory_space<vmem>> -> memref<1x64x256xf32, #tpu.memory_space<vmem>>
      %swap3A_2626 = tpu.memref_squeeze %swap3A_2625 : memref<1x64x256xf32, #tpu.memory_space<vmem>> -> memref<64x256xf32, #tpu.memory_space<vmem>>
      %swap3A_2627 = arith.index_cast %scan3A_2452 : i32 to index
      %swap3A_2628 = arith.constant 128 : index
      %swap3A_2629 = tpu.vector_load %swap3A_2626[%swap3A_2627, %swap3A_2628] {strides = array<i32>} : memref<64x256xf32, #tpu.memory_space<vmem>>, vector<16xf32>,
      tpu.vector_store %swap3A_2626[%swap3A_2627, %swap3A_2628], %gather3A_2517 {strides = array<i32>} : memref<64x256xf32, #tpu.memory_space<vmem>>, vector<16xf32>,
      %swap3A_2630 = arith.constant 0 : i32
      %swap3A_2631 = arith.constant 0 : i32
      %swap3A_2632 = tpu.memref_slice %arg8[%scan3A_2245, %swap3A_2630, %swap3A_2631] : memref<2x64x256xf32, #tpu.memory_space<vmem>> -> memref<1x64x256xf32, #tpu.memory_space<vmem>>
      %swap3A_2633 = tpu.memref_squeeze %swap3A_2632 : memref<1x64x256xf32, #tpu.memory_space<vmem>> -> memref<64x256xf32, #tpu.memory_space<vmem>>
      %swap3A_2634 = arith.index_cast %scan3A_2452 : i32 to index
      %swap3A_2635 = arith.constant 144 : index
      %swap3A_2636 = tpu.vector_load %swap3A_2633[%swap3A_2634, %swap3A_2635] {strides = array<i32>} : memref<64x256xf32, #tpu.memory_space<vmem>>, vector<16xf32>,
      tpu.vector_store %swap3A_2633[%swap3A_2634, %swap3A_2635], %gather3A_2524 {strides = array<i32>} : memref<64x256xf32, #tpu.memory_space<vmem>>, vector<16xf32>,
      %swap3A_2637 = arith.constant 0 : i32
      %swap3A_2638 = arith.constant 0 : i32
      %swap3A_2639 = tpu.memref_slice %arg8[%scan3A_2245, %swap3A_2637, %swap3A_2638] : memref<2x64x256xf32, #tpu.memory_space<vmem>> -> memref<1x64x256xf32, #tpu.memory_space<vmem>>
      %swap3A_2640 = tpu.memref_squeeze %swap3A_2639 : memref<1x64x256xf32, #tpu.memory_space<vmem>> -> memref<64x256xf32, #tpu.memory_space<vmem>>
      %swap3A_2641 = arith.index_cast %scan3A_2452 : i32 to index
      %swap3A_2642 = arith.constant 160 : index
      %swap3A_2643 = tpu.vector_load %swap3A_2640[%swap3A_2641, %swap3A_2642] {strides = array<i32>} : memref<64x256xf32, #tpu.memory_space<vmem>>, vector<16xf32>,
      tpu.vector_store %swap3A_2640[%swap3A_2641, %swap3A_2642], %gather3A_2531 {strides = array<i32>} : memref<64x256xf32, #tpu.memory_space<vmem>>, vector<16xf32>,
      %swap3A_2644 = arith.constant 0 : i32
      %swap3A_2645 = arith.constant 0 : i32
      %swap3A_2646 = tpu.memref_slice %arg8[%scan3A_2245, %swap3A_2644, %swap3A_2645] : memref<2x64x256xf32, #tpu.memory_space<vmem>> -> memref<1x64x256xf32, #tpu.memory_space<vmem>>
      %swap3A_2647 = tpu.memref_squeeze %swap3A_2646 : memref<1x64x256xf32, #tpu.memory_space<vmem>> -> memref<64x256xf32, #tpu.memory_space<vmem>>
      %swap3A_2648 = arith.index_cast %scan3A_2452 : i32 to index
      %swap3A_2649 = arith.constant 176 : index
      %swap3A_2650 = tpu.vector_load %swap3A_2647[%swap3A_2648, %swap3A_2649] {strides = array<i32>} : memref<64x256xf32, #tpu.memory_space<vmem>>, vector<16xf32>,
      tpu.vector_store %swap3A_2647[%swap3A_2648, %swap3A_2649], %gather3A_2538 {strides = array<i32>} : memref<64x256xf32, #tpu.memory_space<vmem>>, vector<16xf32>,
      %swap3A_2651 = arith.constant 0 : i32
      %swap3A_2652 = arith.constant 0 : i32
      %swap3A_2653 = tpu.memref_slice %arg8[%scan3A_2245, %swap3A_2651, %swap3A_2652] : memref<2x64x256xf32, #tpu.memory_space<vmem>> -> memref<1x64x256xf32, #tpu.memory_space<vmem>>
      %swap3A_2654 = tpu.memref_squeeze %swap3A_2653 : memref<1x64x256xf32, #tpu.memory_space<vmem>> -> memref<64x256xf32, #tpu.memory_space<vmem>>
      %swap3A_2655 = arith.index_cast %scan3A_2452 : i32 to index
      %swap3A_2656 = arith.constant 192 : index
      %swap3A_2657 = tpu.vector_load %swap3A_2654[%swap3A_2655, %swap3A_2656] {strides = array<i32>} : memref<64x256xf32, #tpu.memory_space<vmem>>, vector<16xf32>,
      tpu.vector_store %swap3A_2654[%swap3A_2655, %swap3A_2656], %gather3A_2545 {strides = array<i32>} : memref<64x256xf32, #tpu.memory_space<vmem>>, vector<16xf32>,
      %swap3A_2658 = arith.constant 0 : i32
      %swap3A_2659 = arith.constant 0 : i32
      %swap3A_2660 = tpu.memref_slice %arg8[%scan3A_2245, %swap3A_2658, %swap3A_2659] : memref<2x64x256xf32, #tpu.memory_space<vmem>> -> memref<1x64x256xf32, #tpu.memory_space<vmem>>
      %swap3A_2661 = tpu.memref_squeeze %swap3A_2660 : memref<1x64x256xf32, #tpu.memory_space<vmem>> -> memref<64x256xf32, #tpu.memory_space<vmem>>
      %swap3A_2662 = arith.index_cast %scan3A_2452 : i32 to index
      %swap3A_2663 = arith.constant 208 : index
      %swap3A_2664 = tpu.vector_load %swap3A_2661[%swap3A_2662, %swap3A_2663] {strides = array<i32>} : memref<64x256xf32, #tpu.memory_space<vmem>>, vector<16xf32>,
      tpu.vector_store %swap3A_2661[%swap3A_2662, %swap3A_2663], %gather3A_2552 {strides = array<i32>} : memref<64x256xf32, #tpu.memory_space<vmem>>, vector<16xf32>,
      %swap3A_2665 = arith.constant 0 : i32
      %swap3A_2666 = arith.constant 0 : i32
      %swap3A_2667 = tpu.memref_slice %arg8[%scan3A_2245, %swap3A_2665, %swap3A_2666] : memref<2x64x256xf32, #tpu.memory_space<vmem>> -> memref<1x64x256xf32, #tpu.memory_space<vmem>>
      %swap3A_2668 = tpu.memref_squeeze %swap3A_2667 : memref<1x64x256xf32, #tpu.memory_space<vmem>> -> memref<64x256xf32, #tpu.memory_space<vmem>>
      %swap3A_2669 = arith.index_cast %scan3A_2452 : i32 to index
      %swap3A_2670 = arith.constant 224 : index
      %swap3A_2671 = tpu.vector_load %swap3A_2668[%swap3A_2669, %swap3A_2670] {strides = array<i32>} : memref<64x256xf32, #tpu.memory_space<vmem>>, vector<16xf32>,
      tpu.vector_store %swap3A_2668[%swap3A_2669, %swap3A_2670], %gather3A_2559 {strides = array<i32>} : memref<64x256xf32, #tpu.memory_space<vmem>>, vector<16xf32>,
      %swap3A_2672 = arith.constant 0 : i32
      %swap3A_2673 = arith.constant 0 : i32
      %swap3A_2674 = tpu.memref_slice %arg8[%scan3A_2245, %swap3A_2672, %swap3A_2673] : memref<2x64x256xf32, #tpu.memory_space<vmem>> -> memref<1x64x256xf32, #tpu.memory_space<vmem>>
      %swap3A_2675 = tpu.memref_squeeze %swap3A_2674 : memref<1x64x256xf32, #tpu.memory_space<vmem>> -> memref<64x256xf32, #tpu.memory_space<vmem>>
      %swap3A_2676 = arith.index_cast %scan3A_2452 : i32 to index
      %swap3A_2677 = arith.constant 240 : index
      %swap3A_2678 = tpu.vector_load %swap3A_2675[%swap3A_2676, %swap3A_2677] {strides = array<i32>} : memref<64x256xf32, #tpu.memory_space<vmem>>, vector<16xf32>,
      tpu.vector_store %swap3A_2675[%swap3A_2676, %swap3A_2677], %gather3A_2566 {strides = array<i32>} : memref<64x256xf32, #tpu.memory_space<vmem>>, vector<16xf32>,
      %scan3A_2679 = arith.constant 0 : i32
      scf.yield %scan3A_2679 : i32
    }
    %scan3A_2252 = arith.constant 64 : i32
    %mul3A_2253 = arith.constant 256 : i32
    %mul3A_2254 = arith.muli %add3A, %mul3A_2253 : i32
    %add3A_2255 = arith.constant 64 : i32
    %add3A_2256 = arith.addi %mul3A_2254, %add3A_2255 : i32
    %dma_start3A_2257 = arith.constant 1 : i32
    %dma_start3A_2258 = arith.constant 0 : i32
    %dma_start3A_2259 = arith.constant 0 : i32
    %dma_start3A_2260 = tpu.memref_slice %arg8[%dma_start3A_2257, %dma_start3A_2258, %dma_start3A_2259] : memref<2x64x256xf32, #tpu.memory_space<vmem>> -> memref<1x64x256xf32, #tpu.memory_space<vmem>>
    %dma_start3A_2261 = tpu.memref_squeeze %dma_start3A_2260 : memref<1x64x256xf32, #tpu.memory_space<vmem>> -> memref<64x256xf32, #tpu.memory_space<vmem>>
    %dma_start3A_2262 = arith.constant 0 : i32
    %dma_start3A_2263 = tpu.memref_slice %arg4[%add3A_2256, %dma_start3A_2262] : memref<8192x256xf32, #tpu.memory_space<hbm>> -> memref<64x256xf32, #tpu.memory_space<hbm>>
    %dma_start3A_2264 = arith.constant 0 : i32
    %dma_start3A_2265 = tpu.memref_slice %arg4[%add3A_2256, %dma_start3A_2264] : memref<8192x256xf32, #tpu.memory_space<hbm>> -> memref<64x256xf32, #tpu.memory_space<hbm>>
    %dma_start3A_2266 = arith.constant 0 : i32
    %dma_start3A_2267 = arith.constant 0 : i32
    %dma_start3A_2268 = tpu.memref_slice %arg8[%dma_start3A_2257, %dma_start3A_2266, %dma_start3A_2267] : memref<2x64x256xf32, #tpu.memory_space<vmem>> -> memref<1x64x256xf32, #tpu.memory_space<vmem>>
    %dma_start3A_2269 = tpu.memref_squeeze %dma_start3A_2268 : memref<1x64x256xf32, #tpu.memory_space<vmem>> -> memref<64x256xf32, #tpu.memory_space<vmem>>
    tpu.enqueue_dma source(%dma_start3A_2269 : memref<64x256xf32, #tpu.memory_space<vmem>>) target(%dma_start3A_2265 : memref<64x256xf32, #tpu.memory_space<hbm>>) target_semaphore(%arg13 : memref<!tpu.dma_semaphore, #tpu.memory_space<semaphore_mem>>)
    %dma_wait3A_2270 = arith.constant 2 : i32
    %dma_wait3A_2271 = arith.constant 0 : i32
    %dma_wait3A_2272 = arith.constant 0 : i32
    %dma_wait3A_2273 = tpu.memref_slice %arg7[%dma_wait3A_2270, %dma_wait3A_2271, %dma_wait3A_2272] : memref<3x192x128xf32, #tpu.memory_space<vmem>> -> memref<1x192x128xf32, #tpu.memory_space<vmem>>
    %dma_wait3A_2274 = tpu.memref_squeeze %dma_wait3A_2273 : memref<1x192x128xf32, #tpu.memory_space<vmem>> -> memref<192x128xf32, #tpu.memory_space<vmem>>
    %dma_wait3A_2275 = arith.constant 0 : i32
    %dma_wait3A_2276 = arith.constant 0 : i32
    %dma_wait3A_2277 = tpu.memref_slice %dma_wait3A_2274[%dma_wait3A_2275, %dma_wait3A_2276] : memref<192x128xf32, #tpu.memory_space<vmem>> -> memref<64x128xf32, #tpu.memory_space<vmem>>
    %dma_wait3A_2278 = arith.constant 384 : i32
    %dma_wait3A_2279 = tpu.memref_slice %arg6[%dma_wait3A_2278] : memref<768xi32, #tpu.memory_space<vmem>> -> memref<64xi32, #tpu.memory_space<vmem>>
    %dma_wait3A_2280 = arith.constant 0 : i32
    %dma_wait3A_2281 = arith.constant 0 : i32
    %dma_wait3A_2282 = tpu.memref_slice %arg2[%dma_wait3A_2280, %dma_wait3A_2281] : memref<262144x128xf32, #tpu.memory_space<hbm>> -> memref<262144x128xf32, #tpu.memory_space<hbm>>
    tpu.wait_indirect_dma semaphore(%arg11 : memref<!tpu.dma_semaphore, #tpu.memory_space<semaphore_mem>>) src(%dma_wait3A_2282 : memref<262144x128xf32, #tpu.memory_space<hbm>>) dst(%dma_wait3A_2277 : memref<64x128xf32, #tpu.memory_space<vmem>>)
    %dma_wait3A_2283 = arith.constant 2 : i32
    %dma_wait3A_2284 = arith.constant 0 : i32
    %dma_wait3A_2285 = arith.constant 0 : i32
    %dma_wait3A_2286 = tpu.memref_slice %arg7[%dma_wait3A_2283, %dma_wait3A_2284, %dma_wait3A_2285] : memref<3x192x128xf32, #tpu.memory_space<vmem>> -> memref<1x192x128xf32, #tpu.memory_space<vmem>>
    %dma_wait3A_2287 = tpu.memref_squeeze %dma_wait3A_2286 : memref<1x192x128xf32, #tpu.memory_space<vmem>> -> memref<192x128xf32, #tpu.memory_space<vmem>>
    %dma_wait3A_2288 = arith.constant 64 : i32
    %dma_wait3A_2289 = arith.constant 0 : i32
    %dma_wait3A_2290 = tpu.memref_slice %dma_wait3A_2287[%dma_wait3A_2288, %dma_wait3A_2289] : memref<192x128xf32, #tpu.memory_space<vmem>> -> memref<64x128xf32, #tpu.memory_space<vmem>>
    %dma_wait3A_2291 = arith.constant 448 : i32
    %dma_wait3A_2292 = tpu.memref_slice %arg6[%dma_wait3A_2291] : memref<768xi32, #tpu.memory_space<vmem>> -> memref<64xi32, #tpu.memory_space<vmem>>
    %dma_wait3A_2293 = arith.constant 0 : i32
    %dma_wait3A_2294 = arith.constant 0 : i32
    %dma_wait3A_2295 = tpu.memref_slice %arg2[%dma_wait3A_2293, %dma_wait3A_2294] : memref<262144x128xf32, #tpu.memory_space<hbm>> -> memref<262144x128xf32, #tpu.memory_space<hbm>>
    tpu.wait_indirect_dma semaphore(%arg11 : memref<!tpu.dma_semaphore, #tpu.memory_space<semaphore_mem>>) src(%dma_wait3A_2295 : memref<262144x128xf32, #tpu.memory_space<hbm>>) dst(%dma_wait3A_2290 : memref<64x128xf32, #tpu.memory_space<vmem>>)
    %dma_wait3A_2296 = arith.constant 2 : i32
    %dma_wait3A_2297 = arith.constant 0 : i32
    %dma_wait3A_2298 = arith.constant 0 : i32
    %dma_wait3A_2299 = tpu.memref_slice %arg7[%dma_wait3A_2296, %dma_wait3A_2297, %dma_wait3A_2298] : memref<3x192x128xf32, #tpu.memory_space<vmem>> -> memref<1x192x128xf32, #tpu.memory_space<vmem>>
    %dma_wait3A_2300 = tpu.memref_squeeze %dma_wait3A_2299 : memref<1x192x128xf32, #tpu.memory_space<vmem>> -> memref<192x128xf32, #tpu.memory_space<vmem>>
    %dma_wait3A_2301 = arith.constant 128 : i32
    %dma_wait3A_2302 = arith.constant 0 : i32
    %dma_wait3A_2303 = tpu.memref_slice %dma_wait3A_2300[%dma_wait3A_2301, %dma_wait3A_2302] : memref<192x128xf32, #tpu.memory_space<vmem>> -> memref<64x128xf32, #tpu.memory_space<vmem>>
    %dma_wait3A_2304 = arith.constant 512 : i32
    %dma_wait3A_2305 = tpu.memref_slice %arg6[%dma_wait3A_2304] : memref<768xi32, #tpu.memory_space<vmem>> -> memref<64xi32, #tpu.memory_space<vmem>>
    %dma_wait3A_2306 = arith.constant 0 : i32
    %dma_wait3A_2307 = arith.constant 0 : i32
    %dma_wait3A_2308 = tpu.memref_slice %arg2[%dma_wait3A_2306, %dma_wait3A_2307] : memref<262144x128xf32, #tpu.memory_space<hbm>> -> memref<262144x128xf32, #tpu.memory_space<hbm>>
    tpu.wait_indirect_dma semaphore(%arg11 : memref<!tpu.dma_semaphore, #tpu.memory_space<semaphore_mem>>) src(%dma_wait3A_2308 : memref<262144x128xf32, #tpu.memory_space<hbm>>) dst(%dma_wait3A_2303 : memref<64x128xf32, #tpu.memory_space<vmem>>)
    %dma_wait3A_2309 = arith.constant 0 : i32
    %dma_wait3A_2310 = arith.constant 0 : i32
    %dma_wait3A_2311 = arith.constant 0 : i32
    %dma_wait3A_2312 = tpu.memref_slice %arg8[%dma_wait3A_2309, %dma_wait3A_2310, %dma_wait3A_2311] : memref<2x64x256xf32, #tpu.memory_space<vmem>> -> memref<1x64x256xf32, #tpu.memory_space<vmem>>
    %dma_wait3A_2313 = tpu.memref_squeeze %dma_wait3A_2312 : memref<1x64x256xf32, #tpu.memory_space<vmem>> -> memref<64x256xf32, #tpu.memory_space<vmem>>
    %dma_wait3A_2314 = arith.constant 0 : i32
    %dma_wait3A_2315 = tpu.memref_slice %arg4[%add3A_1720, %dma_wait3A_2314] : memref<8192x256xf32, #tpu.memory_space<hbm>> -> memref<64x256xf32, #tpu.memory_space<hbm>>
    %dma_wait3A_2316 = arith.constant 0 : i32
    %dma_wait3A_2317 = tpu.memref_slice %arg4[%add3A_1720, %dma_wait3A_2316] : memref<8192x256xf32, #tpu.memory_space<hbm>> -> memref<64x256xf32, #tpu.memory_space<hbm>>
    %dma_wait3A_2318 = arith.constant 0 : i32
    %dma_wait3A_2319 = arith.constant 0 : i32
    %dma_wait3A_2320 = tpu.memref_slice %arg8[%dma_wait3A_2309, %dma_wait3A_2318, %dma_wait3A_2319] : memref<2x64x256xf32, #tpu.memory_space<vmem>> -> memref<1x64x256xf32, #tpu.memory_space<vmem>>
    %dma_wait3A_2321 = tpu.memref_squeeze %dma_wait3A_2320 : memref<1x64x256xf32, #tpu.memory_space<vmem>> -> memref<64x256xf32, #tpu.memory_space<vmem>>
    tpu.wait_dma2 semaphore(%arg12 : memref<!tpu.dma_semaphore, #tpu.memory_space<semaphore_mem>>) src(%dma_wait3A_2321 : memref<64x256xf32, #tpu.memory_space<vmem>>) dst(%dma_wait3A_2317 : memref<64x256xf32, #tpu.memory_space<hbm>>)
    %scan3A_2322 = arith.constant 2 : i32
    %scan3A_2323 = arith.constant 0 : i32
    %scan3A_2324 = arith.constant 0 : i32
    %scan3A_2325 = arith.constant 0 : i32
    %scan3A_2326 = arith.constant 64 : i32
    %scan3A_2327 = arith.addi %scan3A_2325, %scan3A_2326 : i32
    %scan3A_2328 = arith.constant 1 : i32
    %scan3A_2329 = scf.for %scan3A_2452 = %scan3A_2325 to %scan3A_2327 step %scan3A_2328 iter_args(%scan3A_2453 = %scan3A_2324) -> (i32)  : i32 {
      %mul3A_2454 = arith.constant 128 : i32
      %mul3A_2455 = arith.muli %scan3A_2452, %mul3A_2454 : i32
      %add3A_2456 = vector.broadcast %mul3A_2455 : i32 to vector<16xi32>
      %add3A_2457 = arith.addi %add3A_202, %add3A_2456 : vector<16xi32>
      %gather3A = arith.constant 0 : i32
      %gather3A_2458 = arith.constant 0 : i32
      %gather3A_2459 = tpu.memref_slice %arg7[%scan3A_2322, %gather3A, %gather3A_2458] : memref<3x192x128xf32, #tpu.memory_space<vmem>> -> memref<1x192x128xf32, #tpu.memory_space<vmem>>
      %gather3A_2460 = tpu.memref_squeeze %gather3A_2459 : memref<1x192x128xf32, #tpu.memory_space<vmem>> -> memref<192x128xf32, #tpu.memory_space<vmem>>
      %gather3A_2461 = tpu.vector_load_idx %gather3A_2460[%broadcast_in_dim3A_7, %add3A_2457] : memref<192x128xf32, #tpu.memory_space<vmem>>[vector<16xi32>, vector<16xi32>], vector<16xf32>,
      %add3A_2462 = vector.broadcast %mul3A_2455 : i32 to vector<16xi32>
      %add3A_2463 = arith.addi %add3A_206, %add3A_2462 : vector<16xi32>
      %gather3A_2464 = arith.constant 0 : i32
      %gather3A_2465 = arith.constant 0 : i32
      %gather3A_2466 = tpu.memref_slice %arg7[%scan3A_2322, %gather3A_2464, %gather3A_2465] : memref<3x192x128xf32, #tpu.memory_space<vmem>> -> memref<1x192x128xf32, #tpu.memory_space<vmem>>
      %gather3A_2467 = tpu.memref_squeeze %gather3A_2466 : memref<1x192x128xf32, #tpu.memory_space<vmem>> -> memref<192x128xf32, #tpu.memory_space<vmem>>
      %gather3A_2468 = tpu.vector_load_idx %gather3A_2467[%broadcast_in_dim3A_7, %add3A_2463] : memref<192x128xf32, #tpu.memory_space<vmem>>[vector<16xi32>, vector<16xi32>], vector<16xf32>,
      %add3A_2469 = vector.broadcast %mul3A_2455 : i32 to vector<16xi32>
      %add3A_2470 = arith.addi %add3A_210, %add3A_2469 : vector<16xi32>
      %gather3A_2471 = arith.constant 0 : i32
      %gather3A_2472 = arith.constant 0 : i32
      %gather3A_2473 = tpu.memref_slice %arg7[%scan3A_2322, %gather3A_2471, %gather3A_2472] : memref<3x192x128xf32, #tpu.memory_space<vmem>> -> memref<1x192x128xf32, #tpu.memory_space<vmem>>
      %gather3A_2474 = tpu.memref_squeeze %gather3A_2473 : memref<1x192x128xf32, #tpu.memory_space<vmem>> -> memref<192x128xf32, #tpu.memory_space<vmem>>
      %gather3A_2475 = tpu.vector_load_idx %gather3A_2474[%broadcast_in_dim3A_7, %add3A_2470] : memref<192x128xf32, #tpu.memory_space<vmem>>[vector<16xi32>, vector<16xi32>], vector<16xf32>,
      %add3A_2476 = vector.broadcast %mul3A_2455 : i32 to vector<16xi32>
      %add3A_2477 = arith.addi %add3A_214, %add3A_2476 : vector<16xi32>
      %gather3A_2478 = arith.constant 0 : i32
      %gather3A_2479 = arith.constant 0 : i32
      %gather3A_2480 = tpu.memref_slice %arg7[%scan3A_2322, %gather3A_2478, %gather3A_2479] : memref<3x192x128xf32, #tpu.memory_space<vmem>> -> memref<1x192x128xf32, #tpu.memory_space<vmem>>
      %gather3A_2481 = tpu.memref_squeeze %gather3A_2480 : memref<1x192x128xf32, #tpu.memory_space<vmem>> -> memref<192x128xf32, #tpu.memory_space<vmem>>
      %gather3A_2482 = tpu.vector_load_idx %gather3A_2481[%broadcast_in_dim3A_7, %add3A_2477] : memref<192x128xf32, #tpu.memory_space<vmem>>[vector<16xi32>, vector<16xi32>], vector<16xf32>,
      %add3A_2483 = vector.broadcast %mul3A_2455 : i32 to vector<16xi32>
      %add3A_2484 = arith.addi %add3A_218, %add3A_2483 : vector<16xi32>
      %gather3A_2485 = arith.constant 0 : i32
      %gather3A_2486 = arith.constant 0 : i32
      %gather3A_2487 = tpu.memref_slice %arg7[%scan3A_2322, %gather3A_2485, %gather3A_2486] : memref<3x192x128xf32, #tpu.memory_space<vmem>> -> memref<1x192x128xf32, #tpu.memory_space<vmem>>
      %gather3A_2488 = tpu.memref_squeeze %gather3A_2487 : memref<1x192x128xf32, #tpu.memory_space<vmem>> -> memref<192x128xf32, #tpu.memory_space<vmem>>
      %gather3A_2489 = tpu.vector_load_idx %gather3A_2488[%broadcast_in_dim3A_7, %add3A_2484] : memref<192x128xf32, #tpu.memory_space<vmem>>[vector<16xi32>, vector<16xi32>], vector<16xf32>,
      %add3A_2490 = vector.broadcast %mul3A_2455 : i32 to vector<16xi32>
      %add3A_2491 = arith.addi %add3A_222, %add3A_2490 : vector<16xi32>
      %gather3A_2492 = arith.constant 0 : i32
      %gather3A_2493 = arith.constant 0 : i32
      %gather3A_2494 = tpu.memref_slice %arg7[%scan3A_2322, %gather3A_2492, %gather3A_2493] : memref<3x192x128xf32, #tpu.memory_space<vmem>> -> memref<1x192x128xf32, #tpu.memory_space<vmem>>
      %gather3A_2495 = tpu.memref_squeeze %gather3A_2494 : memref<1x192x128xf32, #tpu.memory_space<vmem>> -> memref<192x128xf32, #tpu.memory_space<vmem>>
      %gather3A_2496 = tpu.vector_load_idx %gather3A_2495[%broadcast_in_dim3A_7, %add3A_2491] : memref<192x128xf32, #tpu.memory_space<vmem>>[vector<16xi32>, vector<16xi32>], vector<16xf32>,
      %add3A_2497 = vector.broadcast %mul3A_2455 : i32 to vector<16xi32>
      %add3A_2498 = arith.addi %add3A_226, %add3A_2497 : vector<16xi32>
      %gather3A_2499 = arith.constant 0 : i32
      %gather3A_2500 = arith.constant 0 : i32
      %gather3A_2501 = tpu.memref_slice %arg7[%scan3A_2322, %gather3A_2499, %gather3A_2500] : memref<3x192x128xf32, #tpu.memory_space<vmem>> -> memref<1x192x128xf32, #tpu.memory_space<vmem>>
      %gather3A_2502 = tpu.memref_squeeze %gather3A_2501 : memref<1x192x128xf32, #tpu.memory_space<vmem>> -> memref<192x128xf32, #tpu.memory_space<vmem>>
      %gather3A_2503 = tpu.vector_load_idx %gather3A_2502[%broadcast_in_dim3A_7, %add3A_2498] : memref<192x128xf32, #tpu.memory_space<vmem>>[vector<16xi32>, vector<16xi32>], vector<16xf32>,
      %add3A_2504 = vector.broadcast %mul3A_2455 : i32 to vector<16xi32>
      %add3A_2505 = arith.addi %add3A_230, %add3A_2504 : vector<16xi32>
      %gather3A_2506 = arith.constant 0 : i32
      %gather3A_2507 = arith.constant 0 : i32
      %gather3A_2508 = tpu.memref_slice %arg7[%scan3A_2322, %gather3A_2506, %gather3A_2507] : memref<3x192x128xf32, #tpu.memory_space<vmem>> -> memref<1x192x128xf32, #tpu.memory_space<vmem>>
      %gather3A_2509 = tpu.memref_squeeze %gather3A_2508 : memref<1x192x128xf32, #tpu.memory_space<vmem>> -> memref<192x128xf32, #tpu.memory_space<vmem>>
      %gather3A_2510 = tpu.vector_load_idx %gather3A_2509[%broadcast_in_dim3A_7, %add3A_2505] : memref<192x128xf32, #tpu.memory_space<vmem>>[vector<16xi32>, vector<16xi32>], vector<16xf32>,
      %add3A_2511 = vector.broadcast %mul3A_2455 : i32 to vector<16xi32>
      %add3A_2512 = arith.addi %add3A_234, %add3A_2511 : vector<16xi32>
      %gather3A_2513 = arith.constant 0 : i32
      %gather3A_2514 = arith.constant 0 : i32
      %gather3A_2515 = tpu.memref_slice %arg7[%scan3A_2322, %gather3A_2513, %gather3A_2514] : memref<3x192x128xf32, #tpu.memory_space<vmem>> -> memref<1x192x128xf32, #tpu.memory_space<vmem>>
      %gather3A_2516 = tpu.memref_squeeze %gather3A_2515 : memref<1x192x128xf32, #tpu.memory_space<vmem>> -> memref<192x128xf32, #tpu.memory_space<vmem>>
      %gather3A_2517 = tpu.vector_load_idx %gather3A_2516[%broadcast_in_dim3A_7, %add3A_2512] : memref<192x128xf32, #tpu.memory_space<vmem>>[vector<16xi32>, vector<16xi32>], vector<16xf32>,
      %add3A_2518 = vector.broadcast %mul3A_2455 : i32 to vector<16xi32>
      %add3A_2519 = arith.addi %add3A_238, %add3A_2518 : vector<16xi32>
      %gather3A_2520 = arith.constant 0 : i32
      %gather3A_2521 = arith.constant 0 : i32
      %gather3A_2522 = tpu.memref_slice %arg7[%scan3A_2322, %gather3A_2520, %gather3A_2521] : memref<3x192x128xf32, #tpu.memory_space<vmem>> -> memref<1x192x128xf32, #tpu.memory_space<vmem>>
      %gather3A_2523 = tpu.memref_squeeze %gather3A_2522 : memref<1x192x128xf32, #tpu.memory_space<vmem>> -> memref<192x128xf32, #tpu.memory_space<vmem>>
      %gather3A_2524 = tpu.vector_load_idx %gather3A_2523[%broadcast_in_dim3A_7, %add3A_2519] : memref<192x128xf32, #tpu.memory_space<vmem>>[vector<16xi32>, vector<16xi32>], vector<16xf32>,
      %add3A_2525 = vector.broadcast %mul3A_2455 : i32 to vector<16xi32>
      %add3A_2526 = arith.addi %add3A_242, %add3A_2525 : vector<16xi32>
      %gather3A_2527 = arith.constant 0 : i32
      %gather3A_2528 = arith.constant 0 : i32
      %gather3A_2529 = tpu.memref_slice %arg7[%scan3A_2322, %gather3A_2527, %gather3A_2528] : memref<3x192x128xf32, #tpu.memory_space<vmem>> -> memref<1x192x128xf32, #tpu.memory_space<vmem>>
      %gather3A_2530 = tpu.memref_squeeze %gather3A_2529 : memref<1x192x128xf32, #tpu.memory_space<vmem>> -> memref<192x128xf32, #tpu.memory_space<vmem>>
      %gather3A_2531 = tpu.vector_load_idx %gather3A_2530[%broadcast_in_dim3A_7, %add3A_2526] : memref<192x128xf32, #tpu.memory_space<vmem>>[vector<16xi32>, vector<16xi32>], vector<16xf32>,
      %add3A_2532 = vector.broadcast %mul3A_2455 : i32 to vector<16xi32>
      %add3A_2533 = arith.addi %add3A_246, %add3A_2532 : vector<16xi32>
      %gather3A_2534 = arith.constant 0 : i32
      %gather3A_2535 = arith.constant 0 : i32
      %gather3A_2536 = tpu.memref_slice %arg7[%scan3A_2322, %gather3A_2534, %gather3A_2535] : memref<3x192x128xf32, #tpu.memory_space<vmem>> -> memref<1x192x128xf32, #tpu.memory_space<vmem>>
      %gather3A_2537 = tpu.memref_squeeze %gather3A_2536 : memref<1x192x128xf32, #tpu.memory_space<vmem>> -> memref<192x128xf32, #tpu.memory_space<vmem>>
      %gather3A_2538 = tpu.vector_load_idx %gather3A_2537[%broadcast_in_dim3A_7, %add3A_2533] : memref<192x128xf32, #tpu.memory_space<vmem>>[vector<16xi32>, vector<16xi32>], vector<16xf32>,
      %add3A_2539 = vector.broadcast %mul3A_2455 : i32 to vector<16xi32>
      %add3A_2540 = arith.addi %add3A_250, %add3A_2539 : vector<16xi32>
      %gather3A_2541 = arith.constant 0 : i32
      %gather3A_2542 = arith.constant 0 : i32
      %gather3A_2543 = tpu.memref_slice %arg7[%scan3A_2322, %gather3A_2541, %gather3A_2542] : memref<3x192x128xf32, #tpu.memory_space<vmem>> -> memref<1x192x128xf32, #tpu.memory_space<vmem>>
      %gather3A_2544 = tpu.memref_squeeze %gather3A_2543 : memref<1x192x128xf32, #tpu.memory_space<vmem>> -> memref<192x128xf32, #tpu.memory_space<vmem>>
      %gather3A_2545 = tpu.vector_load_idx %gather3A_2544[%broadcast_in_dim3A_7, %add3A_2540] : memref<192x128xf32, #tpu.memory_space<vmem>>[vector<16xi32>, vector<16xi32>], vector<16xf32>,
      %add3A_2546 = vector.broadcast %mul3A_2455 : i32 to vector<16xi32>
      %add3A_2547 = arith.addi %add3A_254, %add3A_2546 : vector<16xi32>
      %gather3A_2548 = arith.constant 0 : i32
      %gather3A_2549 = arith.constant 0 : i32
      %gather3A_2550 = tpu.memref_slice %arg7[%scan3A_2322, %gather3A_2548, %gather3A_2549] : memref<3x192x128xf32, #tpu.memory_space<vmem>> -> memref<1x192x128xf32, #tpu.memory_space<vmem>>
      %gather3A_2551 = tpu.memref_squeeze %gather3A_2550 : memref<1x192x128xf32, #tpu.memory_space<vmem>> -> memref<192x128xf32, #tpu.memory_space<vmem>>
      %gather3A_2552 = tpu.vector_load_idx %gather3A_2551[%broadcast_in_dim3A_7, %add3A_2547] : memref<192x128xf32, #tpu.memory_space<vmem>>[vector<16xi32>, vector<16xi32>], vector<16xf32>,
      %add3A_2553 = vector.broadcast %mul3A_2455 : i32 to vector<16xi32>
      %add3A_2554 = arith.addi %add3A_258, %add3A_2553 : vector<16xi32>
      %gather3A_2555 = arith.constant 0 : i32
      %gather3A_2556 = arith.constant 0 : i32
      %gather3A_2557 = tpu.memref_slice %arg7[%scan3A_2322, %gather3A_2555, %gather3A_2556] : memref<3x192x128xf32, #tpu.memory_space<vmem>> -> memref<1x192x128xf32, #tpu.memory_space<vmem>>
      %gather3A_2558 = tpu.memref_squeeze %gather3A_2557 : memref<1x192x128xf32, #tpu.memory_space<vmem>> -> memref<192x128xf32, #tpu.memory_space<vmem>>
      %gather3A_2559 = tpu.vector_load_idx %gather3A_2558[%broadcast_in_dim3A_7, %add3A_2554] : memref<192x128xf32, #tpu.memory_space<vmem>>[vector<16xi32>, vector<16xi32>], vector<16xf32>,
      %add3A_2560 = vector.broadcast %mul3A_2455 : i32 to vector<16xi32>
      %add3A_2561 = arith.addi %add3A_262, %add3A_2560 : vector<16xi32>
      %gather3A_2562 = arith.constant 0 : i32
      %gather3A_2563 = arith.constant 0 : i32
      %gather3A_2564 = tpu.memref_slice %arg7[%scan3A_2322, %gather3A_2562, %gather3A_2563] : memref<3x192x128xf32, #tpu.memory_space<vmem>> -> memref<1x192x128xf32, #tpu.memory_space<vmem>>
      %gather3A_2565 = tpu.memref_squeeze %gather3A_2564 : memref<1x192x128xf32, #tpu.memory_space<vmem>> -> memref<192x128xf32, #tpu.memory_space<vmem>>
      %gather3A_2566 = tpu.vector_load_idx %gather3A_2565[%broadcast_in_dim3A_7, %add3A_2561] : memref<192x128xf32, #tpu.memory_space<vmem>>[vector<16xi32>, vector<16xi32>], vector<16xf32>,
      %swap3A_2567 = arith.constant 0 : i32
      %swap3A_2568 = arith.constant 0 : i32
      %swap3A_2569 = tpu.memref_slice %arg8[%scan3A_2323, %swap3A_2567, %swap3A_2568] : memref<2x64x256xf32, #tpu.memory_space<vmem>> -> memref<1x64x256xf32, #tpu.memory_space<vmem>>
      %swap3A_2570 = tpu.memref_squeeze %swap3A_2569 : memref<1x64x256xf32, #tpu.memory_space<vmem>> -> memref<64x256xf32, #tpu.memory_space<vmem>>
      %swap3A_2571 = arith.index_cast %scan3A_2452 : i32 to index
      %swap3A_2572 = arith.constant 0 : index
      %swap3A_2573 = tpu.vector_load %swap3A_2570[%swap3A_2571, %swap3A_2572] {strides = array<i32>} : memref<64x256xf32, #tpu.memory_space<vmem>>, vector<16xf32>,
      tpu.vector_store %swap3A_2570[%swap3A_2571, %swap3A_2572], %gather3A_2461 {strides = array<i32>} : memref<64x256xf32, #tpu.memory_space<vmem>>, vector<16xf32>,
      %swap3A_2574 = arith.constant 0 : i32
      %swap3A_2575 = arith.constant 0 : i32
      %swap3A_2576 = tpu.memref_slice %arg8[%scan3A_2323, %swap3A_2574, %swap3A_2575] : memref<2x64x256xf32, #tpu.memory_space<vmem>> -> memref<1x64x256xf32, #tpu.memory_space<vmem>>
      %swap3A_2577 = tpu.memref_squeeze %swap3A_2576 : memref<1x64x256xf32, #tpu.memory_space<vmem>> -> memref<64x256xf32, #tpu.memory_space<vmem>>
      %swap3A_2578 = arith.index_cast %scan3A_2452 : i32 to index
      %swap3A_2579 = arith.constant 16 : index
      %swap3A_2580 = tpu.vector_load %swap3A_2577[%swap3A_2578, %swap3A_2579] {strides = array<i32>} : memref<64x256xf32, #tpu.memory_space<vmem>>, vector<16xf32>,
      tpu.vector_store %swap3A_2577[%swap3A_2578, %swap3A_2579], %gather3A_2468 {strides = array<i32>} : memref<64x256xf32, #tpu.memory_space<vmem>>, vector<16xf32>,
      %swap3A_2581 = arith.constant 0 : i32
      %swap3A_2582 = arith.constant 0 : i32
      %swap3A_2583 = tpu.memref_slice %arg8[%scan3A_2323, %swap3A_2581, %swap3A_2582] : memref<2x64x256xf32, #tpu.memory_space<vmem>> -> memref<1x64x256xf32, #tpu.memory_space<vmem>>
      %swap3A_2584 = tpu.memref_squeeze %swap3A_2583 : memref<1x64x256xf32, #tpu.memory_space<vmem>> -> memref<64x256xf32, #tpu.memory_space<vmem>>
      %swap3A_2585 = arith.index_cast %scan3A_2452 : i32 to index
      %swap3A_2586 = arith.constant 32 : index
      %swap3A_2587 = tpu.vector_load %swap3A_2584[%swap3A_2585, %swap3A_2586] {strides = array<i32>} : memref<64x256xf32, #tpu.memory_space<vmem>>, vector<16xf32>,
      tpu.vector_store %swap3A_2584[%swap3A_2585, %swap3A_2586], %gather3A_2475 {strides = array<i32>} : memref<64x256xf32, #tpu.memory_space<vmem>>, vector<16xf32>,
      %swap3A_2588 = arith.constant 0 : i32
      %swap3A_2589 = arith.constant 0 : i32
      %swap3A_2590 = tpu.memref_slice %arg8[%scan3A_2323, %swap3A_2588, %swap3A_2589] : memref<2x64x256xf32, #tpu.memory_space<vmem>> -> memref<1x64x256xf32, #tpu.memory_space<vmem>>
      %swap3A_2591 = tpu.memref_squeeze %swap3A_2590 : memref<1x64x256xf32, #tpu.memory_space<vmem>> -> memref<64x256xf32, #tpu.memory_space<vmem>>
      %swap3A_2592 = arith.index_cast %scan3A_2452 : i32 to index
      %swap3A_2593 = arith.constant 48 : index
      %swap3A_2594 = tpu.vector_load %swap3A_2591[%swap3A_2592, %swap3A_2593] {strides = array<i32>} : memref<64x256xf32, #tpu.memory_space<vmem>>, vector<16xf32>,
      tpu.vector_store %swap3A_2591[%swap3A_2592, %swap3A_2593], %gather3A_2482 {strides = array<i32>} : memref<64x256xf32, #tpu.memory_space<vmem>>, vector<16xf32>,
      %swap3A_2595 = arith.constant 0 : i32
      %swap3A_2596 = arith.constant 0 : i32
      %swap3A_2597 = tpu.memref_slice %arg8[%scan3A_2323, %swap3A_2595, %swap3A_2596] : memref<2x64x256xf32, #tpu.memory_space<vmem>> -> memref<1x64x256xf32, #tpu.memory_space<vmem>>
      %swap3A_2598 = tpu.memref_squeeze %swap3A_2597 : memref<1x64x256xf32, #tpu.memory_space<vmem>> -> memref<64x256xf32, #tpu.memory_space<vmem>>
      %swap3A_2599 = arith.index_cast %scan3A_2452 : i32 to index
      %swap3A_2600 = arith.constant 64 : index
      %swap3A_2601 = tpu.vector_load %swap3A_2598[%swap3A_2599, %swap3A_2600] {strides = array<i32>} : memref<64x256xf32, #tpu.memory_space<vmem>>, vector<16xf32>,
      tpu.vector_store %swap3A_2598[%swap3A_2599, %swap3A_2600], %gather3A_2489 {strides = array<i32>} : memref<64x256xf32, #tpu.memory_space<vmem>>, vector<16xf32>,
      %swap3A_2602 = arith.constant 0 : i32
      %swap3A_2603 = arith.constant 0 : i32
      %swap3A_2604 = tpu.memref_slice %arg8[%scan3A_2323, %swap3A_2602, %swap3A_2603] : memref<2x64x256xf32, #tpu.memory_space<vmem>> -> memref<1x64x256xf32, #tpu.memory_space<vmem>>
      %swap3A_2605 = tpu.memref_squeeze %swap3A_2604 : memref<1x64x256xf32, #tpu.memory_space<vmem>> -> memref<64x256xf32, #tpu.memory_space<vmem>>
      %swap3A_2606 = arith.index_cast %scan3A_2452 : i32 to index
      %swap3A_2607 = arith.constant 80 : index
      %swap3A_2608 = tpu.vector_load %swap3A_2605[%swap3A_2606, %swap3A_2607] {strides = array<i32>} : memref<64x256xf32, #tpu.memory_space<vmem>>, vector<16xf32>,
      tpu.vector_store %swap3A_2605[%swap3A_2606, %swap3A_2607], %gather3A_2496 {strides = array<i32>} : memref<64x256xf32, #tpu.memory_space<vmem>>, vector<16xf32>,
      %swap3A_2609 = arith.constant 0 : i32
      %swap3A_2610 = arith.constant 0 : i32
      %swap3A_2611 = tpu.memref_slice %arg8[%scan3A_2323, %swap3A_2609, %swap3A_2610] : memref<2x64x256xf32, #tpu.memory_space<vmem>> -> memref<1x64x256xf32, #tpu.memory_space<vmem>>
      %swap3A_2612 = tpu.memref_squeeze %swap3A_2611 : memref<1x64x256xf32, #tpu.memory_space<vmem>> -> memref<64x256xf32, #tpu.memory_space<vmem>>
      %swap3A_2613 = arith.index_cast %scan3A_2452 : i32 to index
      %swap3A_2614 = arith.constant 96 : index
      %swap3A_2615 = tpu.vector_load %swap3A_2612[%swap3A_2613, %swap3A_2614] {strides = array<i32>} : memref<64x256xf32, #tpu.memory_space<vmem>>, vector<16xf32>,
      tpu.vector_store %swap3A_2612[%swap3A_2613, %swap3A_2614], %gather3A_2503 {strides = array<i32>} : memref<64x256xf32, #tpu.memory_space<vmem>>, vector<16xf32>,
      %swap3A_2616 = arith.constant 0 : i32
      %swap3A_2617 = arith.constant 0 : i32
      %swap3A_2618 = tpu.memref_slice %arg8[%scan3A_2323, %swap3A_2616, %swap3A_2617] : memref<2x64x256xf32, #tpu.memory_space<vmem>> -> memref<1x64x256xf32, #tpu.memory_space<vmem>>
      %swap3A_2619 = tpu.memref_squeeze %swap3A_2618 : memref<1x64x256xf32, #tpu.memory_space<vmem>> -> memref<64x256xf32, #tpu.memory_space<vmem>>
      %swap3A_2620 = arith.index_cast %scan3A_2452 : i32 to index
      %swap3A_2621 = arith.constant 112 : index
      %swap3A_2622 = tpu.vector_load %swap3A_2619[%swap3A_2620, %swap3A_2621] {strides = array<i32>} : memref<64x256xf32, #tpu.memory_space<vmem>>, vector<16xf32>,
      tpu.vector_store %swap3A_2619[%swap3A_2620, %swap3A_2621], %gather3A_2510 {strides = array<i32>} : memref<64x256xf32, #tpu.memory_space<vmem>>, vector<16xf32>,
      %swap3A_2623 = arith.constant 0 : i32
      %swap3A_2624 = arith.constant 0 : i32
      %swap3A_2625 = tpu.memref_slice %arg8[%scan3A_2323, %swap3A_2623, %swap3A_2624] : memref<2x64x256xf32, #tpu.memory_space<vmem>> -> memref<1x64x256xf32, #tpu.memory_space<vmem>>
      %swap3A_2626 = tpu.memref_squeeze %swap3A_2625 : memref<1x64x256xf32, #tpu.memory_space<vmem>> -> memref<64x256xf32, #tpu.memory_space<vmem>>
      %swap3A_2627 = arith.index_cast %scan3A_2452 : i32 to index
      %swap3A_2628 = arith.constant 128 : index
      %swap3A_2629 = tpu.vector_load %swap3A_2626[%swap3A_2627, %swap3A_2628] {strides = array<i32>} : memref<64x256xf32, #tpu.memory_space<vmem>>, vector<16xf32>,
      tpu.vector_store %swap3A_2626[%swap3A_2627, %swap3A_2628], %gather3A_2517 {strides = array<i32>} : memref<64x256xf32, #tpu.memory_space<vmem>>, vector<16xf32>,
      %swap3A_2630 = arith.constant 0 : i32
      %swap3A_2631 = arith.constant 0 : i32
      %swap3A_2632 = tpu.memref_slice %arg8[%scan3A_2323, %swap3A_2630, %swap3A_2631] : memref<2x64x256xf32, #tpu.memory_space<vmem>> -> memref<1x64x256xf32, #tpu.memory_space<vmem>>
      %swap3A_2633 = tpu.memref_squeeze %swap3A_2632 : memref<1x64x256xf32, #tpu.memory_space<vmem>> -> memref<64x256xf32, #tpu.memory_space<vmem>>
      %swap3A_2634 = arith.index_cast %scan3A_2452 : i32 to index
      %swap3A_2635 = arith.constant 144 : index
      %swap3A_2636 = tpu.vector_load %swap3A_2633[%swap3A_2634, %swap3A_2635] {strides = array<i32>} : memref<64x256xf32, #tpu.memory_space<vmem>>, vector<16xf32>,
      tpu.vector_store %swap3A_2633[%swap3A_2634, %swap3A_2635], %gather3A_2524 {strides = array<i32>} : memref<64x256xf32, #tpu.memory_space<vmem>>, vector<16xf32>,
      %swap3A_2637 = arith.constant 0 : i32
      %swap3A_2638 = arith.constant 0 : i32
      %swap3A_2639 = tpu.memref_slice %arg8[%scan3A_2323, %swap3A_2637, %swap3A_2638] : memref<2x64x256xf32, #tpu.memory_space<vmem>> -> memref<1x64x256xf32, #tpu.memory_space<vmem>>
      %swap3A_2640 = tpu.memref_squeeze %swap3A_2639 : memref<1x64x256xf32, #tpu.memory_space<vmem>> -> memref<64x256xf32, #tpu.memory_space<vmem>>
      %swap3A_2641 = arith.index_cast %scan3A_2452 : i32 to index
      %swap3A_2642 = arith.constant 160 : index
      %swap3A_2643 = tpu.vector_load %swap3A_2640[%swap3A_2641, %swap3A_2642] {strides = array<i32>} : memref<64x256xf32, #tpu.memory_space<vmem>>, vector<16xf32>,
      tpu.vector_store %swap3A_2640[%swap3A_2641, %swap3A_2642], %gather3A_2531 {strides = array<i32>} : memref<64x256xf32, #tpu.memory_space<vmem>>, vector<16xf32>,
      %swap3A_2644 = arith.constant 0 : i32
      %swap3A_2645 = arith.constant 0 : i32
      %swap3A_2646 = tpu.memref_slice %arg8[%scan3A_2323, %swap3A_2644, %swap3A_2645] : memref<2x64x256xf32, #tpu.memory_space<vmem>> -> memref<1x64x256xf32, #tpu.memory_space<vmem>>
      %swap3A_2647 = tpu.memref_squeeze %swap3A_2646 : memref<1x64x256xf32, #tpu.memory_space<vmem>> -> memref<64x256xf32, #tpu.memory_space<vmem>>
      %swap3A_2648 = arith.index_cast %scan3A_2452 : i32 to index
      %swap3A_2649 = arith.constant 176 : index
      %swap3A_2650 = tpu.vector_load %swap3A_2647[%swap3A_2648, %swap3A_2649] {strides = array<i32>} : memref<64x256xf32, #tpu.memory_space<vmem>>, vector<16xf32>,
      tpu.vector_store %swap3A_2647[%swap3A_2648, %swap3A_2649], %gather3A_2538 {strides = array<i32>} : memref<64x256xf32, #tpu.memory_space<vmem>>, vector<16xf32>,
      %swap3A_2651 = arith.constant 0 : i32
      %swap3A_2652 = arith.constant 0 : i32
      %swap3A_2653 = tpu.memref_slice %arg8[%scan3A_2323, %swap3A_2651, %swap3A_2652] : memref<2x64x256xf32, #tpu.memory_space<vmem>> -> memref<1x64x256xf32, #tpu.memory_space<vmem>>
      %swap3A_2654 = tpu.memref_squeeze %swap3A_2653 : memref<1x64x256xf32, #tpu.memory_space<vmem>> -> memref<64x256xf32, #tpu.memory_space<vmem>>
      %swap3A_2655 = arith.index_cast %scan3A_2452 : i32 to index
      %swap3A_2656 = arith.constant 192 : index
      %swap3A_2657 = tpu.vector_load %swap3A_2654[%swap3A_2655, %swap3A_2656] {strides = array<i32>} : memref<64x256xf32, #tpu.memory_space<vmem>>, vector<16xf32>,
      tpu.vector_store %swap3A_2654[%swap3A_2655, %swap3A_2656], %gather3A_2545 {strides = array<i32>} : memref<64x256xf32, #tpu.memory_space<vmem>>, vector<16xf32>,
      %swap3A_2658 = arith.constant 0 : i32
      %swap3A_2659 = arith.constant 0 : i32
      %swap3A_2660 = tpu.memref_slice %arg8[%scan3A_2323, %swap3A_2658, %swap3A_2659] : memref<2x64x256xf32, #tpu.memory_space<vmem>> -> memref<1x64x256xf32, #tpu.memory_space<vmem>>
      %swap3A_2661 = tpu.memref_squeeze %swap3A_2660 : memref<1x64x256xf32, #tpu.memory_space<vmem>> -> memref<64x256xf32, #tpu.memory_space<vmem>>
      %swap3A_2662 = arith.index_cast %scan3A_2452 : i32 to index
      %swap3A_2663 = arith.constant 208 : index
      %swap3A_2664 = tpu.vector_load %swap3A_2661[%swap3A_2662, %swap3A_2663] {strides = array<i32>} : memref<64x256xf32, #tpu.memory_space<vmem>>, vector<16xf32>,
      tpu.vector_store %swap3A_2661[%swap3A_2662, %swap3A_2663], %gather3A_2552 {strides = array<i32>} : memref<64x256xf32, #tpu.memory_space<vmem>>, vector<16xf32>,
      %swap3A_2665 = arith.constant 0 : i32
      %swap3A_2666 = arith.constant 0 : i32
      %swap3A_2667 = tpu.memref_slice %arg8[%scan3A_2323, %swap3A_2665, %swap3A_2666] : memref<2x64x256xf32, #tpu.memory_space<vmem>> -> memref<1x64x256xf32, #tpu.memory_space<vmem>>
      %swap3A_2668 = tpu.memref_squeeze %swap3A_2667 : memref<1x64x256xf32, #tpu.memory_space<vmem>> -> memref<64x256xf32, #tpu.memory_space<vmem>>
      %swap3A_2669 = arith.index_cast %scan3A_2452 : i32 to index
      %swap3A_2670 = arith.constant 224 : index
      %swap3A_2671 = tpu.vector_load %swap3A_2668[%swap3A_2669, %swap3A_2670] {strides = array<i32>} : memref<64x256xf32, #tpu.memory_space<vmem>>, vector<16xf32>,
      tpu.vector_store %swap3A_2668[%swap3A_2669, %swap3A_2670], %gather3A_2559 {strides = array<i32>} : memref<64x256xf32, #tpu.memory_space<vmem>>, vector<16xf32>,
      %swap3A_2672 = arith.constant 0 : i32
      %swap3A_2673 = arith.constant 0 : i32
      %swap3A_2674 = tpu.memref_slice %arg8[%scan3A_2323, %swap3A_2672, %swap3A_2673] : memref<2x64x256xf32, #tpu.memory_space<vmem>> -> memref<1x64x256xf32, #tpu.memory_space<vmem>>
      %swap3A_2675 = tpu.memref_squeeze %swap3A_2674 : memref<1x64x256xf32, #tpu.memory_space<vmem>> -> memref<64x256xf32, #tpu.memory_space<vmem>>
      %swap3A_2676 = arith.index_cast %scan3A_2452 : i32 to index
      %swap3A_2677 = arith.constant 240 : index
      %swap3A_2678 = tpu.vector_load %swap3A_2675[%swap3A_2676, %swap3A_2677] {strides = array<i32>} : memref<64x256xf32, #tpu.memory_space<vmem>>, vector<16xf32>,
      tpu.vector_store %swap3A_2675[%swap3A_2676, %swap3A_2677], %gather3A_2566 {strides = array<i32>} : memref<64x256xf32, #tpu.memory_space<vmem>>, vector<16xf32>,
      %scan3A_2679 = arith.constant 0 : i32
      scf.yield %scan3A_2679 : i32
    }
    %scan3A_2330 = arith.constant 64 : i32
    %mul3A_2331 = arith.constant 256 : i32
    %mul3A_2332 = arith.muli %add3A, %mul3A_2331 : i32
    %add3A_2333 = arith.constant 128 : i32
    %add3A_2334 = arith.addi %mul3A_2332, %add3A_2333 : i32
    %dma_start3A_2335 = arith.constant 0 : i32
    %dma_start3A_2336 = arith.constant 0 : i32
    %dma_start3A_2337 = arith.constant 0 : i32
    %dma_start3A_2338 = tpu.memref_slice %arg8[%dma_start3A_2335, %dma_start3A_2336, %dma_start3A_2337] : memref<2x64x256xf32, #tpu.memory_space<vmem>> -> memref<1x64x256xf32, #tpu.memory_space<vmem>>
    %dma_start3A_2339 = tpu.memref_squeeze %dma_start3A_2338 : memref<1x64x256xf32, #tpu.memory_space<vmem>> -> memref<64x256xf32, #tpu.memory_space<vmem>>
    %dma_start3A_2340 = arith.constant 0 : i32
    %dma_start3A_2341 = tpu.memref_slice %arg4[%add3A_2334, %dma_start3A_2340] : memref<8192x256xf32, #tpu.memory_space<hbm>> -> memref<64x256xf32, #tpu.memory_space<hbm>>
    %dma_start3A_2342 = arith.constant 0 : i32
    %dma_start3A_2343 = tpu.memref_slice %arg4[%add3A_2334, %dma_start3A_2342] : memref<8192x256xf32, #tpu.memory_space<hbm>> -> memref<64x256xf32, #tpu.memory_space<hbm>>
    %dma_start3A_2344 = arith.constant 0 : i32
    %dma_start3A_2345 = arith.constant 0 : i32
    %dma_start3A_2346 = tpu.memref_slice %arg8[%dma_start3A_2335, %dma_start3A_2344, %dma_start3A_2345] : memref<2x64x256xf32, #tpu.memory_space<vmem>> -> memref<1x64x256xf32, #tpu.memory_space<vmem>>
    %dma_start3A_2347 = tpu.memref_squeeze %dma_start3A_2346 : memref<1x64x256xf32, #tpu.memory_space<vmem>> -> memref<64x256xf32, #tpu.memory_space<vmem>>
    tpu.enqueue_dma source(%dma_start3A_2347 : memref<64x256xf32, #tpu.memory_space<vmem>>) target(%dma_start3A_2343 : memref<64x256xf32, #tpu.memory_space<hbm>>) target_semaphore(%arg12 : memref<!tpu.dma_semaphore, #tpu.memory_space<semaphore_mem>>)
    %dma_wait3A_2348 = arith.constant 0 : i32
    %dma_wait3A_2349 = arith.constant 0 : i32
    %dma_wait3A_2350 = arith.constant 0 : i32
    %dma_wait3A_2351 = tpu.memref_slice %arg7[%dma_wait3A_2348, %dma_wait3A_2349, %dma_wait3A_2350] : memref<3x192x128xf32, #tpu.memory_space<vmem>> -> memref<1x192x128xf32, #tpu.memory_space<vmem>>
    %dma_wait3A_2352 = tpu.memref_squeeze %dma_wait3A_2351 : memref<1x192x128xf32, #tpu.memory_space<vmem>> -> memref<192x128xf32, #tpu.memory_space<vmem>>
    %dma_wait3A_2353 = arith.constant 0 : i32
    %dma_wait3A_2354 = arith.constant 0 : i32
    %dma_wait3A_2355 = tpu.memref_slice %dma_wait3A_2352[%dma_wait3A_2353, %dma_wait3A_2354] : memref<192x128xf32, #tpu.memory_space<vmem>> -> memref<64x128xf32, #tpu.memory_space<vmem>>
    %dma_wait3A_2356 = arith.constant 576 : i32
    %dma_wait3A_2357 = tpu.memref_slice %arg6[%dma_wait3A_2356] : memref<768xi32, #tpu.memory_space<vmem>> -> memref<64xi32, #tpu.memory_space<vmem>>
    %dma_wait3A_2358 = arith.constant 0 : i32
    %dma_wait3A_2359 = arith.constant 0 : i32
    %dma_wait3A_2360 = tpu.memref_slice %arg2[%dma_wait3A_2358, %dma_wait3A_2359] : memref<262144x128xf32, #tpu.memory_space<hbm>> -> memref<262144x128xf32, #tpu.memory_space<hbm>>
    tpu.wait_indirect_dma semaphore(%arg9 : memref<!tpu.dma_semaphore, #tpu.memory_space<semaphore_mem>>) src(%dma_wait3A_2360 : memref<262144x128xf32, #tpu.memory_space<hbm>>) dst(%dma_wait3A_2355 : memref<64x128xf32, #tpu.memory_space<vmem>>)
    %dma_wait3A_2361 = arith.constant 0 : i32
    %dma_wait3A_2362 = arith.constant 0 : i32
    %dma_wait3A_2363 = arith.constant 0 : i32
    %dma_wait3A_2364 = tpu.memref_slice %arg7[%dma_wait3A_2361, %dma_wait3A_2362, %dma_wait3A_2363] : memref<3x192x128xf32, #tpu.memory_space<vmem>> -> memref<1x192x128xf32, #tpu.memory_space<vmem>>
    %dma_wait3A_2365 = tpu.memref_squeeze %dma_wait3A_2364 : memref<1x192x128xf32, #tpu.memory_space<vmem>> -> memref<192x128xf32, #tpu.memory_space<vmem>>
    %dma_wait3A_2366 = arith.constant 64 : i32
    %dma_wait3A_2367 = arith.constant 0 : i32
    %dma_wait3A_2368 = tpu.memref_slice %dma_wait3A_2365[%dma_wait3A_2366, %dma_wait3A_2367] : memref<192x128xf32, #tpu.memory_space<vmem>> -> memref<64x128xf32, #tpu.memory_space<vmem>>
    %dma_wait3A_2369 = arith.constant 640 : i32
    %dma_wait3A_2370 = tpu.memref_slice %arg6[%dma_wait3A_2369] : memref<768xi32, #tpu.memory_space<vmem>> -> memref<64xi32, #tpu.memory_space<vmem>>
    %dma_wait3A_2371 = arith.constant 0 : i32
    %dma_wait3A_2372 = arith.constant 0 : i32
    %dma_wait3A_2373 = tpu.memref_slice %arg2[%dma_wait3A_2371, %dma_wait3A_2372] : memref<262144x128xf32, #tpu.memory_space<hbm>> -> memref<262144x128xf32, #tpu.memory_space<hbm>>
    tpu.wait_indirect_dma semaphore(%arg9 : memref<!tpu.dma_semaphore, #tpu.memory_space<semaphore_mem>>) src(%dma_wait3A_2373 : memref<262144x128xf32, #tpu.memory_space<hbm>>) dst(%dma_wait3A_2368 : memref<64x128xf32, #tpu.memory_space<vmem>>)
    %dma_wait3A_2374 = arith.constant 0 : i32
    %dma_wait3A_2375 = arith.constant 0 : i32
    %dma_wait3A_2376 = arith.constant 0 : i32
    %dma_wait3A_2377 = tpu.memref_slice %arg7[%dma_wait3A_2374, %dma_wait3A_2375, %dma_wait3A_2376] : memref<3x192x128xf32, #tpu.memory_space<vmem>> -> memref<1x192x128xf32, #tpu.memory_space<vmem>>
    %dma_wait3A_2378 = tpu.memref_squeeze %dma_wait3A_2377 : memref<1x192x128xf32, #tpu.memory_space<vmem>> -> memref<192x128xf32, #tpu.memory_space<vmem>>
    %dma_wait3A_2379 = arith.constant 128 : i32
    %dma_wait3A_2380 = arith.constant 0 : i32
    %dma_wait3A_2381 = tpu.memref_slice %dma_wait3A_2378[%dma_wait3A_2379, %dma_wait3A_2380] : memref<192x128xf32, #tpu.memory_space<vmem>> -> memref<64x128xf32, #tpu.memory_space<vmem>>
    %dma_wait3A_2382 = arith.constant 704 : i32
    %dma_wait3A_2383 = tpu.memref_slice %arg6[%dma_wait3A_2382] : memref<768xi32, #tpu.memory_space<vmem>> -> memref<64xi32, #tpu.memory_space<vmem>>
    %dma_wait3A_2384 = arith.constant 0 : i32
    %dma_wait3A_2385 = arith.constant 0 : i32
    %dma_wait3A_2386 = tpu.memref_slice %arg2[%dma_wait3A_2384, %dma_wait3A_2385] : memref<262144x128xf32, #tpu.memory_space<hbm>> -> memref<262144x128xf32, #tpu.memory_space<hbm>>
    tpu.wait_indirect_dma semaphore(%arg9 : memref<!tpu.dma_semaphore, #tpu.memory_space<semaphore_mem>>) src(%dma_wait3A_2386 : memref<262144x128xf32, #tpu.memory_space<hbm>>) dst(%dma_wait3A_2381 : memref<64x128xf32, #tpu.memory_space<vmem>>)
    %dma_wait3A_2387 = arith.constant 1 : i32
    %dma_wait3A_2388 = arith.constant 0 : i32
    %dma_wait3A_2389 = arith.constant 0 : i32
    %dma_wait3A_2390 = tpu.memref_slice %arg8[%dma_wait3A_2387, %dma_wait3A_2388, %dma_wait3A_2389] : memref<2x64x256xf32, #tpu.memory_space<vmem>> -> memref<1x64x256xf32, #tpu.memory_space<vmem>>
    %dma_wait3A_2391 = tpu.memref_squeeze %dma_wait3A_2390 : memref<1x64x256xf32, #tpu.memory_space<vmem>> -> memref<64x256xf32, #tpu.memory_space<vmem>>
    %dma_wait3A_2392 = arith.constant 0 : i32
    %dma_wait3A_2393 = tpu.memref_slice %arg4[%add3A_2256, %dma_wait3A_2392] : memref<8192x256xf32, #tpu.memory_space<hbm>> -> memref<64x256xf32, #tpu.memory_space<hbm>>
    %dma_wait3A_2394 = arith.constant 0 : i32
    %dma_wait3A_2395 = tpu.memref_slice %arg4[%add3A_2256, %dma_wait3A_2394] : memref<8192x256xf32, #tpu.memory_space<hbm>> -> memref<64x256xf32, #tpu.memory_space<hbm>>
    %dma_wait3A_2396 = arith.constant 0 : i32
    %dma_wait3A_2397 = arith.constant 0 : i32
    %dma_wait3A_2398 = tpu.memref_slice %arg8[%dma_wait3A_2387, %dma_wait3A_2396, %dma_wait3A_2397] : memref<2x64x256xf32, #tpu.memory_space<vmem>> -> memref<1x64x256xf32, #tpu.memory_space<vmem>>
    %dma_wait3A_2399 = tpu.memref_squeeze %dma_wait3A_2398 : memref<1x64x256xf32, #tpu.memory_space<vmem>> -> memref<64x256xf32, #tpu.memory_space<vmem>>
    tpu.wait_dma2 semaphore(%arg13 : memref<!tpu.dma_semaphore, #tpu.memory_space<semaphore_mem>>) src(%dma_wait3A_2399 : memref<64x256xf32, #tpu.memory_space<vmem>>) dst(%dma_wait3A_2395 : memref<64x256xf32, #tpu.memory_space<hbm>>)
    %scan3A_2400 = arith.constant 0 : i32
    %scan3A_2401 = arith.constant 1 : i32
    %scan3A_2402 = arith.constant 0 : i32
    %scan3A_2403 = arith.constant 0 : i32
    %scan3A_2404 = arith.constant 64 : i32
    %scan3A_2405 = arith.addi %scan3A_2403, %scan3A_2404 : i32
    %scan3A_2406 = arith.constant 1 : i32
    %scan3A_2407 = scf.for %scan3A_2452 = %scan3A_2403 to %scan3A_2405 step %scan3A_2406 iter_args(%scan3A_2453 = %scan3A_2402) -> (i32)  : i32 {
      %mul3A_2454 = arith.constant 128 : i32
      %mul3A_2455 = arith.muli %scan3A_2452, %mul3A_2454 : i32
      %add3A_2456 = vector.broadcast %mul3A_2455 : i32 to vector<16xi32>
      %add3A_2457 = arith.addi %add3A_202, %add3A_2456 : vector<16xi32>
      %gather3A = arith.constant 0 : i32
      %gather3A_2458 = arith.constant 0 : i32
      %gather3A_2459 = tpu.memref_slice %arg7[%scan3A_2400, %gather3A, %gather3A_2458] : memref<3x192x128xf32, #tpu.memory_space<vmem>> -> memref<1x192x128xf32, #tpu.memory_space<vmem>>
      %gather3A_2460 = tpu.memref_squeeze %gather3A_2459 : memref<1x192x128xf32, #tpu.memory_space<vmem>> -> memref<192x128xf32, #tpu.memory_space<vmem>>
      %gather3A_2461 = tpu.vector_load_idx %gather3A_2460[%broadcast_in_dim3A_7, %add3A_2457] : memref<192x128xf32, #tpu.memory_space<vmem>>[vector<16xi32>, vector<16xi32>], vector<16xf32>,
      %add3A_2462 = vector.broadcast %mul3A_2455 : i32 to vector<16xi32>
      %add3A_2463 = arith.addi %add3A_206, %add3A_2462 : vector<16xi32>
      %gather3A_2464 = arith.constant 0 : i32
      %gather3A_2465 = arith.constant 0 : i32
      %gather3A_2466 = tpu.memref_slice %arg7[%scan3A_2400, %gather3A_2464, %gather3A_2465] : memref<3x192x128xf32, #tpu.memory_space<vmem>> -> memref<1x192x128xf32, #tpu.memory_space<vmem>>
      %gather3A_2467 = tpu.memref_squeeze %gather3A_2466 : memref<1x192x128xf32, #tpu.memory_space<vmem>> -> memref<192x128xf32, #tpu.memory_space<vmem>>
      %gather3A_2468 = tpu.vector_load_idx %gather3A_2467[%broadcast_in_dim3A_7, %add3A_2463] : memref<192x128xf32, #tpu.memory_space<vmem>>[vector<16xi32>, vector<16xi32>], vector<16xf32>,
      %add3A_2469 = vector.broadcast %mul3A_2455 : i32 to vector<16xi32>
      %add3A_2470 = arith.addi %add3A_210, %add3A_2469 : vector<16xi32>
      %gather3A_2471 = arith.constant 0 : i32
      %gather3A_2472 = arith.constant 0 : i32
      %gather3A_2473 = tpu.memref_slice %arg7[%scan3A_2400, %gather3A_2471, %gather3A_2472] : memref<3x192x128xf32, #tpu.memory_space<vmem>> -> memref<1x192x128xf32, #tpu.memory_space<vmem>>
      %gather3A_2474 = tpu.memref_squeeze %gather3A_2473 : memref<1x192x128xf32, #tpu.memory_space<vmem>> -> memref<192x128xf32, #tpu.memory_space<vmem>>
      %gather3A_2475 = tpu.vector_load_idx %gather3A_2474[%broadcast_in_dim3A_7, %add3A_2470] : memref<192x128xf32, #tpu.memory_space<vmem>>[vector<16xi32>, vector<16xi32>], vector<16xf32>,
      %add3A_2476 = vector.broadcast %mul3A_2455 : i32 to vector<16xi32>
      %add3A_2477 = arith.addi %add3A_214, %add3A_2476 : vector<16xi32>
      %gather3A_2478 = arith.constant 0 : i32
      %gather3A_2479 = arith.constant 0 : i32
      %gather3A_2480 = tpu.memref_slice %arg7[%scan3A_2400, %gather3A_2478, %gather3A_2479] : memref<3x192x128xf32, #tpu.memory_space<vmem>> -> memref<1x192x128xf32, #tpu.memory_space<vmem>>
      %gather3A_2481 = tpu.memref_squeeze %gather3A_2480 : memref<1x192x128xf32, #tpu.memory_space<vmem>> -> memref<192x128xf32, #tpu.memory_space<vmem>>
      %gather3A_2482 = tpu.vector_load_idx %gather3A_2481[%broadcast_in_dim3A_7, %add3A_2477] : memref<192x128xf32, #tpu.memory_space<vmem>>[vector<16xi32>, vector<16xi32>], vector<16xf32>,
      %add3A_2483 = vector.broadcast %mul3A_2455 : i32 to vector<16xi32>
      %add3A_2484 = arith.addi %add3A_218, %add3A_2483 : vector<16xi32>
      %gather3A_2485 = arith.constant 0 : i32
      %gather3A_2486 = arith.constant 0 : i32
      %gather3A_2487 = tpu.memref_slice %arg7[%scan3A_2400, %gather3A_2485, %gather3A_2486] : memref<3x192x128xf32, #tpu.memory_space<vmem>> -> memref<1x192x128xf32, #tpu.memory_space<vmem>>
      %gather3A_2488 = tpu.memref_squeeze %gather3A_2487 : memref<1x192x128xf32, #tpu.memory_space<vmem>> -> memref<192x128xf32, #tpu.memory_space<vmem>>
      %gather3A_2489 = tpu.vector_load_idx %gather3A_2488[%broadcast_in_dim3A_7, %add3A_2484] : memref<192x128xf32, #tpu.memory_space<vmem>>[vector<16xi32>, vector<16xi32>], vector<16xf32>,
      %add3A_2490 = vector.broadcast %mul3A_2455 : i32 to vector<16xi32>
      %add3A_2491 = arith.addi %add3A_222, %add3A_2490 : vector<16xi32>
      %gather3A_2492 = arith.constant 0 : i32
      %gather3A_2493 = arith.constant 0 : i32
      %gather3A_2494 = tpu.memref_slice %arg7[%scan3A_2400, %gather3A_2492, %gather3A_2493] : memref<3x192x128xf32, #tpu.memory_space<vmem>> -> memref<1x192x128xf32, #tpu.memory_space<vmem>>
      %gather3A_2495 = tpu.memref_squeeze %gather3A_2494 : memref<1x192x128xf32, #tpu.memory_space<vmem>> -> memref<192x128xf32, #tpu.memory_space<vmem>>
      %gather3A_2496 = tpu.vector_load_idx %gather3A_2495[%broadcast_in_dim3A_7, %add3A_2491] : memref<192x128xf32, #tpu.memory_space<vmem>>[vector<16xi32>, vector<16xi32>], vector<16xf32>,
      %add3A_2497 = vector.broadcast %mul3A_2455 : i32 to vector<16xi32>
      %add3A_2498 = arith.addi %add3A_226, %add3A_2497 : vector<16xi32>
      %gather3A_2499 = arith.constant 0 : i32
      %gather3A_2500 = arith.constant 0 : i32
      %gather3A_2501 = tpu.memref_slice %arg7[%scan3A_2400, %gather3A_2499, %gather3A_2500] : memref<3x192x128xf32, #tpu.memory_space<vmem>> -> memref<1x192x128xf32, #tpu.memory_space<vmem>>
      %gather3A_2502 = tpu.memref_squeeze %gather3A_2501 : memref<1x192x128xf32, #tpu.memory_space<vmem>> -> memref<192x128xf32, #tpu.memory_space<vmem>>
      %gather3A_2503 = tpu.vector_load_idx %gather3A_2502[%broadcast_in_dim3A_7, %add3A_2498] : memref<192x128xf32, #tpu.memory_space<vmem>>[vector<16xi32>, vector<16xi32>], vector<16xf32>,
      %add3A_2504 = vector.broadcast %mul3A_2455 : i32 to vector<16xi32>
      %add3A_2505 = arith.addi %add3A_230, %add3A_2504 : vector<16xi32>
      %gather3A_2506 = arith.constant 0 : i32
      %gather3A_2507 = arith.constant 0 : i32
      %gather3A_2508 = tpu.memref_slice %arg7[%scan3A_2400, %gather3A_2506, %gather3A_2507] : memref<3x192x128xf32, #tpu.memory_space<vmem>> -> memref<1x192x128xf32, #tpu.memory_space<vmem>>
      %gather3A_2509 = tpu.memref_squeeze %gather3A_2508 : memref<1x192x128xf32, #tpu.memory_space<vmem>> -> memref<192x128xf32, #tpu.memory_space<vmem>>
      %gather3A_2510 = tpu.vector_load_idx %gather3A_2509[%broadcast_in_dim3A_7, %add3A_2505] : memref<192x128xf32, #tpu.memory_space<vmem>>[vector<16xi32>, vector<16xi32>], vector<16xf32>,
      %add3A_2511 = vector.broadcast %mul3A_2455 : i32 to vector<16xi32>
      %add3A_2512 = arith.addi %add3A_234, %add3A_2511 : vector<16xi32>
      %gather3A_2513 = arith.constant 0 : i32
      %gather3A_2514 = arith.constant 0 : i32
      %gather3A_2515 = tpu.memref_slice %arg7[%scan3A_2400, %gather3A_2513, %gather3A_2514] : memref<3x192x128xf32, #tpu.memory_space<vmem>> -> memref<1x192x128xf32, #tpu.memory_space<vmem>>
      %gather3A_2516 = tpu.memref_squeeze %gather3A_2515 : memref<1x192x128xf32, #tpu.memory_space<vmem>> -> memref<192x128xf32, #tpu.memory_space<vmem>>
      %gather3A_2517 = tpu.vector_load_idx %gather3A_2516[%broadcast_in_dim3A_7, %add3A_2512] : memref<192x128xf32, #tpu.memory_space<vmem>>[vector<16xi32>, vector<16xi32>], vector<16xf32>,
      %add3A_2518 = vector.broadcast %mul3A_2455 : i32 to vector<16xi32>
      %add3A_2519 = arith.addi %add3A_238, %add3A_2518 : vector<16xi32>
      %gather3A_2520 = arith.constant 0 : i32
      %gather3A_2521 = arith.constant 0 : i32
      %gather3A_2522 = tpu.memref_slice %arg7[%scan3A_2400, %gather3A_2520, %gather3A_2521] : memref<3x192x128xf32, #tpu.memory_space<vmem>> -> memref<1x192x128xf32, #tpu.memory_space<vmem>>
      %gather3A_2523 = tpu.memref_squeeze %gather3A_2522 : memref<1x192x128xf32, #tpu.memory_space<vmem>> -> memref<192x128xf32, #tpu.memory_space<vmem>>
      %gather3A_2524 = tpu.vector_load_idx %gather3A_2523[%broadcast_in_dim3A_7, %add3A_2519] : memref<192x128xf32, #tpu.memory_space<vmem>>[vector<16xi32>, vector<16xi32>], vector<16xf32>,
      %add3A_2525 = vector.broadcast %mul3A_2455 : i32 to vector<16xi32>
      %add3A_2526 = arith.addi %add3A_242, %add3A_2525 : vector<16xi32>
      %gather3A_2527 = arith.constant 0 : i32
      %gather3A_2528 = arith.constant 0 : i32
      %gather3A_2529 = tpu.memref_slice %arg7[%scan3A_2400, %gather3A_2527, %gather3A_2528] : memref<3x192x128xf32, #tpu.memory_space<vmem>> -> memref<1x192x128xf32, #tpu.memory_space<vmem>>
      %gather3A_2530 = tpu.memref_squeeze %gather3A_2529 : memref<1x192x128xf32, #tpu.memory_space<vmem>> -> memref<192x128xf32, #tpu.memory_space<vmem>>
      %gather3A_2531 = tpu.vector_load_idx %gather3A_2530[%broadcast_in_dim3A_7, %add3A_2526] : memref<192x128xf32, #tpu.memory_space<vmem>>[vector<16xi32>, vector<16xi32>], vector<16xf32>,
      %add3A_2532 = vector.broadcast %mul3A_2455 : i32 to vector<16xi32>
      %add3A_2533 = arith.addi %add3A_246, %add3A_2532 : vector<16xi32>
      %gather3A_2534 = arith.constant 0 : i32
      %gather3A_2535 = arith.constant 0 : i32
      %gather3A_2536 = tpu.memref_slice %arg7[%scan3A_2400, %gather3A_2534, %gather3A_2535] : memref<3x192x128xf32, #tpu.memory_space<vmem>> -> memref<1x192x128xf32, #tpu.memory_space<vmem>>
      %gather3A_2537 = tpu.memref_squeeze %gather3A_2536 : memref<1x192x128xf32, #tpu.memory_space<vmem>> -> memref<192x128xf32, #tpu.memory_space<vmem>>
      %gather3A_2538 = tpu.vector_load_idx %gather3A_2537[%broadcast_in_dim3A_7, %add3A_2533] : memref<192x128xf32, #tpu.memory_space<vmem>>[vector<16xi32>, vector<16xi32>], vector<16xf32>,
      %add3A_2539 = vector.broadcast %mul3A_2455 : i32 to vector<16xi32>
      %add3A_2540 = arith.addi %add3A_250, %add3A_2539 : vector<16xi32>
      %gather3A_2541 = arith.constant 0 : i32
      %gather3A_2542 = arith.constant 0 : i32
      %gather3A_2543 = tpu.memref_slice %arg7[%scan3A_2400, %gather3A_2541, %gather3A_2542] : memref<3x192x128xf32, #tpu.memory_space<vmem>> -> memref<1x192x128xf32, #tpu.memory_space<vmem>>
      %gather3A_2544 = tpu.memref_squeeze %gather3A_2543 : memref<1x192x128xf32, #tpu.memory_space<vmem>> -> memref<192x128xf32, #tpu.memory_space<vmem>>
      %gather3A_2545 = tpu.vector_load_idx %gather3A_2544[%broadcast_in_dim3A_7, %add3A_2540] : memref<192x128xf32, #tpu.memory_space<vmem>>[vector<16xi32>, vector<16xi32>], vector<16xf32>,
      %add3A_2546 = vector.broadcast %mul3A_2455 : i32 to vector<16xi32>
      %add3A_2547 = arith.addi %add3A_254, %add3A_2546 : vector<16xi32>
      %gather3A_2548 = arith.constant 0 : i32
      %gather3A_2549 = arith.constant 0 : i32
      %gather3A_2550 = tpu.memref_slice %arg7[%scan3A_2400, %gather3A_2548, %gather3A_2549] : memref<3x192x128xf32, #tpu.memory_space<vmem>> -> memref<1x192x128xf32, #tpu.memory_space<vmem>>
      %gather3A_2551 = tpu.memref_squeeze %gather3A_2550 : memref<1x192x128xf32, #tpu.memory_space<vmem>> -> memref<192x128xf32, #tpu.memory_space<vmem>>
      %gather3A_2552 = tpu.vector_load_idx %gather3A_2551[%broadcast_in_dim3A_7, %add3A_2547] : memref<192x128xf32, #tpu.memory_space<vmem>>[vector<16xi32>, vector<16xi32>], vector<16xf32>,
      %add3A_2553 = vector.broadcast %mul3A_2455 : i32 to vector<16xi32>
      %add3A_2554 = arith.addi %add3A_258, %add3A_2553 : vector<16xi32>
      %gather3A_2555 = arith.constant 0 : i32
      %gather3A_2556 = arith.constant 0 : i32
      %gather3A_2557 = tpu.memref_slice %arg7[%scan3A_2400, %gather3A_2555, %gather3A_2556] : memref<3x192x128xf32, #tpu.memory_space<vmem>> -> memref<1x192x128xf32, #tpu.memory_space<vmem>>
      %gather3A_2558 = tpu.memref_squeeze %gather3A_2557 : memref<1x192x128xf32, #tpu.memory_space<vmem>> -> memref<192x128xf32, #tpu.memory_space<vmem>>
      %gather3A_2559 = tpu.vector_load_idx %gather3A_2558[%broadcast_in_dim3A_7, %add3A_2554] : memref<192x128xf32, #tpu.memory_space<vmem>>[vector<16xi32>, vector<16xi32>], vector<16xf32>,
      %add3A_2560 = vector.broadcast %mul3A_2455 : i32 to vector<16xi32>
      %add3A_2561 = arith.addi %add3A_262, %add3A_2560 : vector<16xi32>
      %gather3A_2562 = arith.constant 0 : i32
      %gather3A_2563 = arith.constant 0 : i32
      %gather3A_2564 = tpu.memref_slice %arg7[%scan3A_2400, %gather3A_2562, %gather3A_2563] : memref<3x192x128xf32, #tpu.memory_space<vmem>> -> memref<1x192x128xf32, #tpu.memory_space<vmem>>
      %gather3A_2565 = tpu.memref_squeeze %gather3A_2564 : memref<1x192x128xf32, #tpu.memory_space<vmem>> -> memref<192x128xf32, #tpu.memory_space<vmem>>
      %gather3A_2566 = tpu.vector_load_idx %gather3A_2565[%broadcast_in_dim3A_7, %add3A_2561] : memref<192x128xf32, #tpu.memory_space<vmem>>[vector<16xi32>, vector<16xi32>], vector<16xf32>,
      %swap3A_2567 = arith.constant 0 : i32
      %swap3A_2568 = arith.constant 0 : i32
      %swap3A_2569 = tpu.memref_slice %arg8[%scan3A_2401, %swap3A_2567, %swap3A_2568] : memref<2x64x256xf32, #tpu.memory_space<vmem>> -> memref<1x64x256xf32, #tpu.memory_space<vmem>>
      %swap3A_2570 = tpu.memref_squeeze %swap3A_2569 : memref<1x64x256xf32, #tpu.memory_space<vmem>> -> memref<64x256xf32, #tpu.memory_space<vmem>>
      %swap3A_2571 = arith.index_cast %scan3A_2452 : i32 to index
      %swap3A_2572 = arith.constant 0 : index
      %swap3A_2573 = tpu.vector_load %swap3A_2570[%swap3A_2571, %swap3A_2572] {strides = array<i32>} : memref<64x256xf32, #tpu.memory_space<vmem>>, vector<16xf32>,
      tpu.vector_store %swap3A_2570[%swap3A_2571, %swap3A_2572], %gather3A_2461 {strides = array<i32>} : memref<64x256xf32, #tpu.memory_space<vmem>>, vector<16xf32>,
      %swap3A_2574 = arith.constant 0 : i32
      %swap3A_2575 = arith.constant 0 : i32
      %swap3A_2576 = tpu.memref_slice %arg8[%scan3A_2401, %swap3A_2574, %swap3A_2575] : memref<2x64x256xf32, #tpu.memory_space<vmem>> -> memref<1x64x256xf32, #tpu.memory_space<vmem>>
      %swap3A_2577 = tpu.memref_squeeze %swap3A_2576 : memref<1x64x256xf32, #tpu.memory_space<vmem>> -> memref<64x256xf32, #tpu.memory_space<vmem>>
      %swap3A_2578 = arith.index_cast %scan3A_2452 : i32 to index
      %swap3A_2579 = arith.constant 16 : index
      %swap3A_2580 = tpu.vector_load %swap3A_2577[%swap3A_2578, %swap3A_2579] {strides = array<i32>} : memref<64x256xf32, #tpu.memory_space<vmem>>, vector<16xf32>,
      tpu.vector_store %swap3A_2577[%swap3A_2578, %swap3A_2579], %gather3A_2468 {strides = array<i32>} : memref<64x256xf32, #tpu.memory_space<vmem>>, vector<16xf32>,
      %swap3A_2581 = arith.constant 0 : i32
      %swap3A_2582 = arith.constant 0 : i32
      %swap3A_2583 = tpu.memref_slice %arg8[%scan3A_2401, %swap3A_2581, %swap3A_2582] : memref<2x64x256xf32, #tpu.memory_space<vmem>> -> memref<1x64x256xf32, #tpu.memory_space<vmem>>
      %swap3A_2584 = tpu.memref_squeeze %swap3A_2583 : memref<1x64x256xf32, #tpu.memory_space<vmem>> -> memref<64x256xf32, #tpu.memory_space<vmem>>
      %swap3A_2585 = arith.index_cast %scan3A_2452 : i32 to index
      %swap3A_2586 = arith.constant 32 : index
      %swap3A_2587 = tpu.vector_load %swap3A_2584[%swap3A_2585, %swap3A_2586] {strides = array<i32>} : memref<64x256xf32, #tpu.memory_space<vmem>>, vector<16xf32>,
      tpu.vector_store %swap3A_2584[%swap3A_2585, %swap3A_2586], %gather3A_2475 {strides = array<i32>} : memref<64x256xf32, #tpu.memory_space<vmem>>, vector<16xf32>,
      %swap3A_2588 = arith.constant 0 : i32
      %swap3A_2589 = arith.constant 0 : i32
      %swap3A_2590 = tpu.memref_slice %arg8[%scan3A_2401, %swap3A_2588, %swap3A_2589] : memref<2x64x256xf32, #tpu.memory_space<vmem>> -> memref<1x64x256xf32, #tpu.memory_space<vmem>>
      %swap3A_2591 = tpu.memref_squeeze %swap3A_2590 : memref<1x64x256xf32, #tpu.memory_space<vmem>> -> memref<64x256xf32, #tpu.memory_space<vmem>>
      %swap3A_2592 = arith.index_cast %scan3A_2452 : i32 to index
      %swap3A_2593 = arith.constant 48 : index
      %swap3A_2594 = tpu.vector_load %swap3A_2591[%swap3A_2592, %swap3A_2593] {strides = array<i32>} : memref<64x256xf32, #tpu.memory_space<vmem>>, vector<16xf32>,
      tpu.vector_store %swap3A_2591[%swap3A_2592, %swap3A_2593], %gather3A_2482 {strides = array<i32>} : memref<64x256xf32, #tpu.memory_space<vmem>>, vector<16xf32>,
      %swap3A_2595 = arith.constant 0 : i32
      %swap3A_2596 = arith.constant 0 : i32
      %swap3A_2597 = tpu.memref_slice %arg8[%scan3A_2401, %swap3A_2595, %swap3A_2596] : memref<2x64x256xf32, #tpu.memory_space<vmem>> -> memref<1x64x256xf32, #tpu.memory_space<vmem>>
      %swap3A_2598 = tpu.memref_squeeze %swap3A_2597 : memref<1x64x256xf32, #tpu.memory_space<vmem>> -> memref<64x256xf32, #tpu.memory_space<vmem>>
      %swap3A_2599 = arith.index_cast %scan3A_2452 : i32 to index
      %swap3A_2600 = arith.constant 64 : index
      %swap3A_2601 = tpu.vector_load %swap3A_2598[%swap3A_2599, %swap3A_2600] {strides = array<i32>} : memref<64x256xf32, #tpu.memory_space<vmem>>, vector<16xf32>,
      tpu.vector_store %swap3A_2598[%swap3A_2599, %swap3A_2600], %gather3A_2489 {strides = array<i32>} : memref<64x256xf32, #tpu.memory_space<vmem>>, vector<16xf32>,
      %swap3A_2602 = arith.constant 0 : i32
      %swap3A_2603 = arith.constant 0 : i32
      %swap3A_2604 = tpu.memref_slice %arg8[%scan3A_2401, %swap3A_2602, %swap3A_2603] : memref<2x64x256xf32, #tpu.memory_space<vmem>> -> memref<1x64x256xf32, #tpu.memory_space<vmem>>
      %swap3A_2605 = tpu.memref_squeeze %swap3A_2604 : memref<1x64x256xf32, #tpu.memory_space<vmem>> -> memref<64x256xf32, #tpu.memory_space<vmem>>
      %swap3A_2606 = arith.index_cast %scan3A_2452 : i32 to index
      %swap3A_2607 = arith.constant 80 : index
      %swap3A_2608 = tpu.vector_load %swap3A_2605[%swap3A_2606, %swap3A_2607] {strides = array<i32>} : memref<64x256xf32, #tpu.memory_space<vmem>>, vector<16xf32>,
      tpu.vector_store %swap3A_2605[%swap3A_2606, %swap3A_2607], %gather3A_2496 {strides = array<i32>} : memref<64x256xf32, #tpu.memory_space<vmem>>, vector<16xf32>,
      %swap3A_2609 = arith.constant 0 : i32
      %swap3A_2610 = arith.constant 0 : i32
      %swap3A_2611 = tpu.memref_slice %arg8[%scan3A_2401, %swap3A_2609, %swap3A_2610] : memref<2x64x256xf32, #tpu.memory_space<vmem>> -> memref<1x64x256xf32, #tpu.memory_space<vmem>>
      %swap3A_2612 = tpu.memref_squeeze %swap3A_2611 : memref<1x64x256xf32, #tpu.memory_space<vmem>> -> memref<64x256xf32, #tpu.memory_space<vmem>>
      %swap3A_2613 = arith.index_cast %scan3A_2452 : i32 to index
      %swap3A_2614 = arith.constant 96 : index
      %swap3A_2615 = tpu.vector_load %swap3A_2612[%swap3A_2613, %swap3A_2614] {strides = array<i32>} : memref<64x256xf32, #tpu.memory_space<vmem>>, vector<16xf32>,
      tpu.vector_store %swap3A_2612[%swap3A_2613, %swap3A_2614], %gather3A_2503 {strides = array<i32>} : memref<64x256xf32, #tpu.memory_space<vmem>>, vector<16xf32>,
      %swap3A_2616 = arith.constant 0 : i32
      %swap3A_2617 = arith.constant 0 : i32
      %swap3A_2618 = tpu.memref_slice %arg8[%scan3A_2401, %swap3A_2616, %swap3A_2617] : memref<2x64x256xf32, #tpu.memory_space<vmem>> -> memref<1x64x256xf32, #tpu.memory_space<vmem>>
      %swap3A_2619 = tpu.memref_squeeze %swap3A_2618 : memref<1x64x256xf32, #tpu.memory_space<vmem>> -> memref<64x256xf32, #tpu.memory_space<vmem>>
      %swap3A_2620 = arith.index_cast %scan3A_2452 : i32 to index
      %swap3A_2621 = arith.constant 112 : index
      %swap3A_2622 = tpu.vector_load %swap3A_2619[%swap3A_2620, %swap3A_2621] {strides = array<i32>} : memref<64x256xf32, #tpu.memory_space<vmem>>, vector<16xf32>,
      tpu.vector_store %swap3A_2619[%swap3A_2620, %swap3A_2621], %gather3A_2510 {strides = array<i32>} : memref<64x256xf32, #tpu.memory_space<vmem>>, vector<16xf32>,
      %swap3A_2623 = arith.constant 0 : i32
      %swap3A_2624 = arith.constant 0 : i32
      %swap3A_2625 = tpu.memref_slice %arg8[%scan3A_2401, %swap3A_2623, %swap3A_2624] : memref<2x64x256xf32, #tpu.memory_space<vmem>> -> memref<1x64x256xf32, #tpu.memory_space<vmem>>
      %swap3A_2626 = tpu.memref_squeeze %swap3A_2625 : memref<1x64x256xf32, #tpu.memory_space<vmem>> -> memref<64x256xf32, #tpu.memory_space<vmem>>
      %swap3A_2627 = arith.index_cast %scan3A_2452 : i32 to index
      %swap3A_2628 = arith.constant 128 : index
      %swap3A_2629 = tpu.vector_load %swap3A_2626[%swap3A_2627, %swap3A_2628] {strides = array<i32>} : memref<64x256xf32, #tpu.memory_space<vmem>>, vector<16xf32>,
      tpu.vector_store %swap3A_2626[%swap3A_2627, %swap3A_2628], %gather3A_2517 {strides = array<i32>} : memref<64x256xf32, #tpu.memory_space<vmem>>, vector<16xf32>,
      %swap3A_2630 = arith.constant 0 : i32
      %swap3A_2631 = arith.constant 0 : i32
      %swap3A_2632 = tpu.memref_slice %arg8[%scan3A_2401, %swap3A_2630, %swap3A_2631] : memref<2x64x256xf32, #tpu.memory_space<vmem>> -> memref<1x64x256xf32, #tpu.memory_space<vmem>>
      %swap3A_2633 = tpu.memref_squeeze %swap3A_2632 : memref<1x64x256xf32, #tpu.memory_space<vmem>> -> memref<64x256xf32, #tpu.memory_space<vmem>>
      %swap3A_2634 = arith.index_cast %scan3A_2452 : i32 to index
      %swap3A_2635 = arith.constant 144 : index
      %swap3A_2636 = tpu.vector_load %swap3A_2633[%swap3A_2634, %swap3A_2635] {strides = array<i32>} : memref<64x256xf32, #tpu.memory_space<vmem>>, vector<16xf32>,
      tpu.vector_store %swap3A_2633[%swap3A_2634, %swap3A_2635], %gather3A_2524 {strides = array<i32>} : memref<64x256xf32, #tpu.memory_space<vmem>>, vector<16xf32>,
      %swap3A_2637 = arith.constant 0 : i32
      %swap3A_2638 = arith.constant 0 : i32
      %swap3A_2639 = tpu.memref_slice %arg8[%scan3A_2401, %swap3A_2637, %swap3A_2638] : memref<2x64x256xf32, #tpu.memory_space<vmem>> -> memref<1x64x256xf32, #tpu.memory_space<vmem>>
      %swap3A_2640 = tpu.memref_squeeze %swap3A_2639 : memref<1x64x256xf32, #tpu.memory_space<vmem>> -> memref<64x256xf32, #tpu.memory_space<vmem>>
      %swap3A_2641 = arith.index_cast %scan3A_2452 : i32 to index
      %swap3A_2642 = arith.constant 160 : index
      %swap3A_2643 = tpu.vector_load %swap3A_2640[%swap3A_2641, %swap3A_2642] {strides = array<i32>} : memref<64x256xf32, #tpu.memory_space<vmem>>, vector<16xf32>,
      tpu.vector_store %swap3A_2640[%swap3A_2641, %swap3A_2642], %gather3A_2531 {strides = array<i32>} : memref<64x256xf32, #tpu.memory_space<vmem>>, vector<16xf32>,
      %swap3A_2644 = arith.constant 0 : i32
      %swap3A_2645 = arith.constant 0 : i32
      %swap3A_2646 = tpu.memref_slice %arg8[%scan3A_2401, %swap3A_2644, %swap3A_2645] : memref<2x64x256xf32, #tpu.memory_space<vmem>> -> memref<1x64x256xf32, #tpu.memory_space<vmem>>
      %swap3A_2647 = tpu.memref_squeeze %swap3A_2646 : memref<1x64x256xf32, #tpu.memory_space<vmem>> -> memref<64x256xf32, #tpu.memory_space<vmem>>
      %swap3A_2648 = arith.index_cast %scan3A_2452 : i32 to index
      %swap3A_2649 = arith.constant 176 : index
      %swap3A_2650 = tpu.vector_load %swap3A_2647[%swap3A_2648, %swap3A_2649] {strides = array<i32>} : memref<64x256xf32, #tpu.memory_space<vmem>>, vector<16xf32>,
      tpu.vector_store %swap3A_2647[%swap3A_2648, %swap3A_2649], %gather3A_2538 {strides = array<i32>} : memref<64x256xf32, #tpu.memory_space<vmem>>, vector<16xf32>,
      %swap3A_2651 = arith.constant 0 : i32
      %swap3A_2652 = arith.constant 0 : i32
      %swap3A_2653 = tpu.memref_slice %arg8[%scan3A_2401, %swap3A_2651, %swap3A_2652] : memref<2x64x256xf32, #tpu.memory_space<vmem>> -> memref<1x64x256xf32, #tpu.memory_space<vmem>>
      %swap3A_2654 = tpu.memref_squeeze %swap3A_2653 : memref<1x64x256xf32, #tpu.memory_space<vmem>> -> memref<64x256xf32, #tpu.memory_space<vmem>>
      %swap3A_2655 = arith.index_cast %scan3A_2452 : i32 to index
      %swap3A_2656 = arith.constant 192 : index
      %swap3A_2657 = tpu.vector_load %swap3A_2654[%swap3A_2655, %swap3A_2656] {strides = array<i32>} : memref<64x256xf32, #tpu.memory_space<vmem>>, vector<16xf32>,
      tpu.vector_store %swap3A_2654[%swap3A_2655, %swap3A_2656], %gather3A_2545 {strides = array<i32>} : memref<64x256xf32, #tpu.memory_space<vmem>>, vector<16xf32>,
      %swap3A_2658 = arith.constant 0 : i32
      %swap3A_2659 = arith.constant 0 : i32
      %swap3A_2660 = tpu.memref_slice %arg8[%scan3A_2401, %swap3A_2658, %swap3A_2659] : memref<2x64x256xf32, #tpu.memory_space<vmem>> -> memref<1x64x256xf32, #tpu.memory_space<vmem>>
      %swap3A_2661 = tpu.memref_squeeze %swap3A_2660 : memref<1x64x256xf32, #tpu.memory_space<vmem>> -> memref<64x256xf32, #tpu.memory_space<vmem>>
      %swap3A_2662 = arith.index_cast %scan3A_2452 : i32 to index
      %swap3A_2663 = arith.constant 208 : index
      %swap3A_2664 = tpu.vector_load %swap3A_2661[%swap3A_2662, %swap3A_2663] {strides = array<i32>} : memref<64x256xf32, #tpu.memory_space<vmem>>, vector<16xf32>,
      tpu.vector_store %swap3A_2661[%swap3A_2662, %swap3A_2663], %gather3A_2552 {strides = array<i32>} : memref<64x256xf32, #tpu.memory_space<vmem>>, vector<16xf32>,
      %swap3A_2665 = arith.constant 0 : i32
      %swap3A_2666 = arith.constant 0 : i32
      %swap3A_2667 = tpu.memref_slice %arg8[%scan3A_2401, %swap3A_2665, %swap3A_2666] : memref<2x64x256xf32, #tpu.memory_space<vmem>> -> memref<1x64x256xf32, #tpu.memory_space<vmem>>
      %swap3A_2668 = tpu.memref_squeeze %swap3A_2667 : memref<1x64x256xf32, #tpu.memory_space<vmem>> -> memref<64x256xf32, #tpu.memory_space<vmem>>
      %swap3A_2669 = arith.index_cast %scan3A_2452 : i32 to index
      %swap3A_2670 = arith.constant 224 : index
      %swap3A_2671 = tpu.vector_load %swap3A_2668[%swap3A_2669, %swap3A_2670] {strides = array<i32>} : memref<64x256xf32, #tpu.memory_space<vmem>>, vector<16xf32>,
      tpu.vector_store %swap3A_2668[%swap3A_2669, %swap3A_2670], %gather3A_2559 {strides = array<i32>} : memref<64x256xf32, #tpu.memory_space<vmem>>, vector<16xf32>,
      %swap3A_2672 = arith.constant 0 : i32
      %swap3A_2673 = arith.constant 0 : i32
      %swap3A_2674 = tpu.memref_slice %arg8[%scan3A_2401, %swap3A_2672, %swap3A_2673] : memref<2x64x256xf32, #tpu.memory_space<vmem>> -> memref<1x64x256xf32, #tpu.memory_space<vmem>>
      %swap3A_2675 = tpu.memref_squeeze %swap3A_2674 : memref<1x64x256xf32, #tpu.memory_space<vmem>> -> memref<64x256xf32, #tpu.memory_space<vmem>>
      %swap3A_2676 = arith.index_cast %scan3A_2452 : i32 to index
      %swap3A_2677 = arith.constant 240 : index
      %swap3A_2678 = tpu.vector_load %swap3A_2675[%swap3A_2676, %swap3A_2677] {strides = array<i32>} : memref<64x256xf32, #tpu.memory_space<vmem>>, vector<16xf32>,
      tpu.vector_store %swap3A_2675[%swap3A_2676, %swap3A_2677], %gather3A_2566 {strides = array<i32>} : memref<64x256xf32, #tpu.memory_space<vmem>>, vector<16xf32>,
      %scan3A_2679 = arith.constant 0 : i32
      scf.yield %scan3A_2679 : i32
    }
    %scan3A_2408 = arith.constant 64 : i32
    %mul3A_2409 = arith.constant 256 : i32
    %mul3A_2410 = arith.muli %add3A, %mul3A_2409 : i32
    %add3A_2411 = arith.constant 192 : i32
    %add3A_2412 = arith.addi %mul3A_2410, %add3A_2411 : i32
    %dma_start3A_2413 = arith.constant 1 : i32
    %dma_start3A_2414 = arith.constant 0 : i32
    %dma_start3A_2415 = arith.constant 0 : i32
    %dma_start3A_2416 = tpu.memref_slice %arg8[%dma_start3A_2413, %dma_start3A_2414, %dma_start3A_2415] : memref<2x64x256xf32, #tpu.memory_space<vmem>> -> memref<1x64x256xf32, #tpu.memory_space<vmem>>
    %dma_start3A_2417 = tpu.memref_squeeze %dma_start3A_2416 : memref<1x64x256xf32, #tpu.memory_space<vmem>> -> memref<64x256xf32, #tpu.memory_space<vmem>>
    %dma_start3A_2418 = arith.constant 0 : i32
    %dma_start3A_2419 = tpu.memref_slice %arg4[%add3A_2412, %dma_start3A_2418] : memref<8192x256xf32, #tpu.memory_space<hbm>> -> memref<64x256xf32, #tpu.memory_space<hbm>>
    %dma_start3A_2420 = arith.constant 0 : i32
    %dma_start3A_2421 = tpu.memref_slice %arg4[%add3A_2412, %dma_start3A_2420] : memref<8192x256xf32, #tpu.memory_space<hbm>> -> memref<64x256xf32, #tpu.memory_space<hbm>>
    %dma_start3A_2422 = arith.constant 0 : i32
    %dma_start3A_2423 = arith.constant 0 : i32
    %dma_start3A_2424 = tpu.memref_slice %arg8[%dma_start3A_2413, %dma_start3A_2422, %dma_start3A_2423] : memref<2x64x256xf32, #tpu.memory_space<vmem>> -> memref<1x64x256xf32, #tpu.memory_space<vmem>>
    %dma_start3A_2425 = tpu.memref_squeeze %dma_start3A_2424 : memref<1x64x256xf32, #tpu.memory_space<vmem>> -> memref<64x256xf32, #tpu.memory_space<vmem>>
    tpu.enqueue_dma source(%dma_start3A_2425 : memref<64x256xf32, #tpu.memory_space<vmem>>) target(%dma_start3A_2421 : memref<64x256xf32, #tpu.memory_space<hbm>>) target_semaphore(%arg13 : memref<!tpu.dma_semaphore, #tpu.memory_space<semaphore_mem>>)
    %dma_wait3A_2426 = arith.constant 0 : i32
    %dma_wait3A_2427 = arith.constant 0 : i32
    %dma_wait3A_2428 = arith.constant 0 : i32
    %dma_wait3A_2429 = tpu.memref_slice %arg8[%dma_wait3A_2426, %dma_wait3A_2427, %dma_wait3A_2428] : memref<2x64x256xf32, #tpu.memory_space<vmem>> -> memref<1x64x256xf32, #tpu.memory_space<vmem>>
    %dma_wait3A_2430 = tpu.memref_squeeze %dma_wait3A_2429 : memref<1x64x256xf32, #tpu.memory_space<vmem>> -> memref<64x256xf32, #tpu.memory_space<vmem>>
    %dma_wait3A_2431 = arith.constant 0 : i32
    %dma_wait3A_2432 = tpu.memref_slice %arg4[%add3A_2334, %dma_wait3A_2431] : memref<8192x256xf32, #tpu.memory_space<hbm>> -> memref<64x256xf32, #tpu.memory_space<hbm>>
    %dma_wait3A_2433 = arith.constant 0 : i32
    %dma_wait3A_2434 = tpu.memref_slice %arg4[%add3A_2334, %dma_wait3A_2433] : memref<8192x256xf32, #tpu.memory_space<hbm>> -> memref<64x256xf32, #tpu.memory_space<hbm>>
    %dma_wait3A_2435 = arith.constant 0 : i32
    %dma_wait3A_2436 = arith.constant 0 : i32
    %dma_wait3A_2437 = tpu.memref_slice %arg8[%dma_wait3A_2426, %dma_wait3A_2435, %dma_wait3A_2436] : memref<2x64x256xf32, #tpu.memory_space<vmem>> -> memref<1x64x256xf32, #tpu.memory_space<vmem>>
    %dma_wait3A_2438 = tpu.memref_squeeze %dma_wait3A_2437 : memref<1x64x256xf32, #tpu.memory_space<vmem>> -> memref<64x256xf32, #tpu.memory_space<vmem>>
    tpu.wait_dma2 semaphore(%arg12 : memref<!tpu.dma_semaphore, #tpu.memory_space<semaphore_mem>>) src(%dma_wait3A_2438 : memref<64x256xf32, #tpu.memory_space<vmem>>) dst(%dma_wait3A_2434 : memref<64x256xf32, #tpu.memory_space<hbm>>)
    %dma_wait3A_2439 = arith.constant 1 : i32
    %dma_wait3A_2440 = arith.constant 0 : i32
    %dma_wait3A_2441 = arith.constant 0 : i32
    %dma_wait3A_2442 = tpu.memref_slice %arg8[%dma_wait3A_2439, %dma_wait3A_2440, %dma_wait3A_2441] : memref<2x64x256xf32, #tpu.memory_space<vmem>> -> memref<1x64x256xf32, #tpu.memory_space<vmem>>
    %dma_wait3A_2443 = tpu.memref_squeeze %dma_wait3A_2442 : memref<1x64x256xf32, #tpu.memory_space<vmem>> -> memref<64x256xf32, #tpu.memory_space<vmem>>
    %dma_wait3A_2444 = arith.constant 0 : i32
    %dma_wait3A_2445 = tpu.memref_slice %arg4[%add3A_2412, %dma_wait3A_2444] : memref<8192x256xf32, #tpu.memory_space<hbm>> -> memref<64x256xf32, #tpu.memory_space<hbm>>
    %dma_wait3A_2446 = arith.constant 0 : i32
    %dma_wait3A_2447 = tpu.memref_slice %arg4[%add3A_2412, %dma_wait3A_2446] : memref<8192x256xf32, #tpu.memory_space<hbm>> -> memref<64x256xf32, #tpu.memory_space<hbm>>
    %dma_wait3A_2448 = arith.constant 0 : i32
    %dma_wait3A_2449 = arith.constant 0 : i32
    %dma_wait3A_2450 = tpu.memref_slice %arg8[%dma_wait3A_2439, %dma_wait3A_2448, %dma_wait3A_2449] : memref<2x64x256xf32, #tpu.memory_space<vmem>> -> memref<1x64x256xf32, #tpu.memory_space<vmem>>
    %dma_wait3A_2451 = tpu.memref_squeeze %dma_wait3A_2450 : memref<1x64x256xf32, #tpu.memory_space<vmem>> -> memref<64x256xf32, #tpu.memory_space<vmem>>
    tpu.wait_dma2 semaphore(%arg13 : memref<!tpu.dma_semaphore, #tpu.memory_space<semaphore_mem>>) src(%dma_wait3A_2451 : memref<64x256xf32, #tpu.memory_space<vmem>>) dst(%dma_wait3A_2447 : memref<64x256xf32, #tpu.memory_space<hbm>>)
    return
  }
}

</mosaic_0001>

<sc_bundles>
// kernel: kernel.3.cloned.1.call-start
scs
__scs_entry_jumppad:
0x0: {  	(pc) =	sbr.rel $0x88, $3  }
0x1: {  	(tag) =	ssettag $0x0;
	lr =	simm.s32 $0x1  }
0x2: {  	[smem:$0x3F9F] =	sst lr;
	_ =	strace $0xD0000000  }
0x3: {  	_ = 	snop  }
0x4: {  	_ = 	snop  }
0x5: {  	_ = 	snop  }
0x6: {  	_ = 	snop  }
0x7: {  	_ = 	snop  }
__scs_overlays_trampoline_lowered:
0x8: {  	[smem:$0x3FAE] =	sst s0  }
0x9: {  	[smem:$0x3FAF] =	sst s1  }
0xa: {  	[smem:$0x3FB0] =	sst s2  }
0xb: {  	[smem:$0x3FB1] =	sst s3  }
0xc: {  	[smem:$0x3FB2] =	sst s4  }
0xd: {  	[smem:$0x3FB3] =	sst s5  }
0xe: {  	[smem:$0x3FB4] =	sst s6  }
0xf: {  	[smem:$0x3FB5] =	sst s7  }
0x10: {  	[smem:$0x3FB6] =	sst s8  }
0x11: {  	[smem:$0x3FB7] =	sst s9;
	s0 =	simm.s32 @!p0 $0x0  }
0x12: {  	s1 =	sld [smem:$0x3F9D];
	s0 =	simm.s32 @p0 $0x1  }
0x13: {  	[smem:$0x3FB8] =	sst s0;
	s0 =	simm.s32 @!p1 $0x0  }
0x14: {  	s2 =	sld [smem:$0x3F9C];
	s0 =	simm.s32 @p1 $0x1  }
0x15: {  	[smem:$0x3FB9] =	sst s0;
	s0 =	simm.s32 @!p2 $0x0  }
0x16: {  	s3 =	sld [smem:$0x3FDB];
	s0 =	simm.s32 @p2 $0x1  }
0x17: {  	s4 =	simm.s32 $0x1BF5;
	[smem:$0x3FBB] =	sst s0  }
0x18: {  	s0 =	sld [smem:$0x3F9E];
	_ =	swait.ge [sflag:s4], $0x0  }
0x19: {  	s7 =	sld [smem:$0x3F9F]  }
0x1a: {  	s8 =	sadd.s32 $0xFFFFE003, lr  }
0x1b: {  	s9 =	sadd.s32 $0xFFFFFEF7, lr;
	s5 =	simm.s32 $0xFFFFFFFF;
	p2 =	slt.u32 s8, $0xFFFFF086  }
0x1c: {  	p1 =	slt.u32 s9, $0xF7A;
	s5 =	simm.s32 @!p2 $0x0  }
0x1d: {  	s5 =	simm.s32 @p1 $0x1;
	p0 =	seq.s32 s7, s2  }
0x1e: {  	s7 =	smul.u32 @!p0 $0xF7A, s2;
	p2 =	seq.s32 @!p0 s5, $0x0  }
0x1f: {  	s9 =	smul.u32 $0xF7A, s1;
	s8 =	simm.s32 @!p0 $0x1BF5;
	p2 =	por !p2, p0  }
0x20: {  	[sflag:s8] =	ssyncset.s32 @!p0 $0xFFFFF086;
	s6 =	sadd.s32 @!p0 s3, s7;
	s7 =	simm.s32 @!p0 $0x108  }
0x21: {  	s3 =	sadd.s32 s3, s9;
	s6 =	sadd.s32 @!p0 $0x88, s6;
	s7 =	simm.s32 @p2 $0x1082  }
0x22: {  	[simem:s7], [sflag:s8] =	dma.local @!p0 [hbm:s6], $0xF7A  }
0x23: {  	s9 =	sor.u32 $0xD0000000, s2;
	s6 =	simm.s32 $0x108;
	_ =	swait.ge @!p0 [sflag:s8], $0x0  }
0x24: {  	s3 =	sadd.s32 $0x88, s3;
	s6 =	simm.s32 @!p1 $0x1082;
	[sflag:s4] =	ssyncset.s32 $0xFFFFF086  }
0x25: {  	[simem:s6], [sflag:s4] =	dma.local [hbm:s3], $0xF7A  }
0x26: {  	[smem:$0x3F9F] =	sst s1;
	(tag) =	ssettag s2;
	_ =	strace s9  }
0x27: {  	s1 =	sld [smem:$0x3FAF]  }
0x28: {  	s2 =	sld [smem:$0x3FB0]  }
0x29: {  	s4 =	sld [smem:$0x3FB2]  }
0x2a: {  	p0 =	seq.s32 s5, $0x0;
	s5 =	sld [smem:$0x3FB3]  }
0x2b: {  	s6 =	sld [smem:$0x3FB4]  }
0x2c: {  	s7 =	sld [smem:$0x3FB5]  }
0x2d: {  	s3 =	simm.s32 $0x108;
	s8 =	sld [smem:$0x3FB6]  }
0x2e: {  	s3 =	simm.s32 @!p0 $0x1082;
	s9 =	sld [smem:$0x3FB7]  }
0x2f: {  	lr =	sadd.s32 s0, s3;
	s0 =	sld [smem:$0x3FAE]  }
0x30: {  	s3 =	sld [smem:$0x3FB1]  }
0x31: {  	[smem:$0x3FBA] =	sst s10  }
0x32: {  	s10 =	sld [smem:$0x3FB8];
	_ =	sdelay $0x3  }
0x33: {  	p0 =	seq.s32 s10, $0x1;
	s10 =	sld [smem:$0x3FBA];
	_ =	sdelay $0x3  }
0x34: {  	[smem:$0x3FBA] =	sst s10  }
0x35: {  	s10 =	sld [smem:$0x3FB9];
	_ =	sdelay $0x3  }
0x36: {  	p1 =	seq.s32 s10, $0x1;
	s10 =	sld [smem:$0x3FBA];
	_ =	sdelay $0x3  }
0x37: {  	[smem:$0x3FBA] =	sst s10  }
0x38: {  	s10 =	sld [smem:$0x3FBB]  }
0x39: {  	_ = 	snop;
	(pc) =	sbr.ind lr, $3  }
0x3a: {  	_ = 	snop  }
0x3b: {  	_ = 	snop  }
0x3c: {  	p2 =	seq.s32 s10, $0x1;
	s10 =	sld [smem:$0x3FBA]  }
0x3d: {  	_ =	shalt  }
0x3e: {  	_ =	shalt  }
0x3f: {  	_ =	shalt  }
0x40: {  	_ =	shalt  }
0x41: {  	_ =	shalt  }
0x42: {  	_ =	shalt  }
0x43: {  	_ =	shalt  }
0x44: {  	_ =	shalt  }
0x45: {  	_ =	shalt  }
0x46: {  	_ =	shalt  }
0x47: {  	_ =	shalt  }
0x48: {  	_ =	shalt  }
0x49: {  	_ =	shalt  }
0x4a: {  	_ =	shalt  }
0x4b: {  	_ =	shalt  }
0x4c: {  	_ =	shalt  }
0x4d: {  	_ =	shalt  }
0x4e: {  	_ =	shalt  }
0x4f: {  	_ =	shalt  }
0x50: {  	_ =	shalt  }
0x51: {  	_ =	shalt  }
0x52: {  	_ =	shalt  }
0x53: {  	_ =	shalt  }
0x54: {  	_ =	shalt  }
0x55: {  	_ =	shalt  }
0x56: {  	_ =	shalt  }
0x57: {  	_ =	shalt  }
0x58: {  	_ =	shalt  }
0x59: {  	_ =	shalt  }
0x5a: {  	_ =	shalt  }
0x5b: {  	_ =	shalt  }
0x5c: {  	_ =	shalt  }
0x5d: {  	_ =	shalt  }
0x5e: {  	_ =	shalt  }
0x5f: {  	_ =	shalt  }
0x60: {  	_ =	shalt  }
0x61: {  	_ =	shalt  }
0x62: {  	_ =	shalt  }
0x63: {  	_ =	shalt  }
0x64: {  	_ =	shalt  }
0x65: {  	_ =	shalt  }
0x66: {  	_ =	shalt  }
0x67: {  	_ =	shalt  }
0x68: {  	_ =	shalt  }
0x69: {  	_ =	shalt  }
0x6a: {  	_ =	shalt  }
0x6b: {  	_ =	shalt  }
0x6c: {  	_ =	shalt  }
0x6d: {  	_ =	shalt  }
0x6e: {  	_ =	shalt  }
0x6f: {  	_ =	shalt  }
0x70: {  	_ =	shalt  }
0x71: {  	_ =	shalt  }
0x72: {  	_ =	shalt  }
0x73: {  	_ =	shalt  }
0x74: {  	_ =	shalt  }
0x75: {  	_ =	shalt  }
0x76: {  	_ =	shalt  }
0x77: {  	_ =	shalt  }
0x78: {  	_ =	shalt  }
0x79: {  	_ =	shalt  }
0x7a: {  	_ =	shalt  }
0x7b: {  	_ =	shalt  }
0x7c: {  	_ =	shalt  }
0x7d: {  	_ =	shalt  }
0x7e: {  	_ =	shalt  }
0x7f: {  	_ =	shalt  }
0x80: {  	_ =	shalt  }
0x81: {  	_ =	shalt  }
0x82: {  	_ =	shalt  }
0x83: {  	_ =	shalt  }
0x84: {  	_ =	shalt  }
0x85: {  	_ =	shalt  }
0x86: {  	_ =	shalt  }
0x87: {  	_ =	shalt  }
.Lfunc_end0:
.L_simem_size_0:
called_computation_lowered:
.L_overlay_start_0:
0x88: {  	s2 =	sld [smem:$0x3FD9]  }
0x89: {  	s3 =	sld [smem:$0x3FFE];
	_ =	sdelay $0x1  }
0x8a: {  	s1 =	srdreg.scid  }
0x8b: {  	s0 =	sand.u32 $0x1, s1  }
0x8c: {  	s14 =	sshll.u32 s0, $0xA;
	s2 =	sadd.s32 s3, s2  }
0x8d: {  	s2 =	sadd.s32 s2, s14  }
0x8e: {  	[smem:$0x3FC6] =	sst s2  }
0x8f: {  	_ = 	snop  }
0x90: {  	s2 =	sld [smem:$0x3FD0];
	_ =	sdelay $0x2  }
0x91: {  	s4 =	simm.s32 $0xA;
	s5 =	simm.s32 $0x10;
	s15 =	sld [smem:$0x3FC9]  }
0x92: {  	[smem:s5], [sflag:s4] =	dma.local [hbm:s2], $0x1  }
0x93: {  	_ =	swait.eq [sflag:s4], $0x1  }
0x94: {  	[sflag:s4] =	ssyncset.done $0x0  }
0x95: {  	[sflag:s4] =	ssyncadd.s32 $0xFFFFFFFF  }
0x96: {  	s16 =	sld [smem:$0x10];
	(tm) =	ssettm $0x1  }
0x97: {  	s17 =	sld [smem:$0x3FFB];
	_ =	sdelay $0x3  }
0x98: {  	_ =	strace s17  }
0x99: {  	s4 =	sld [smem:$0x3FFC];
	_ =	sdelay $0x3  }
0x9a: {  	_ =	strace s4  }
0x9b: {  	s4 =	sld [smem:$0x3FFD];
	_ =	sdelay $0x3  }
0x9c: {  	_ =	strace s4  }
0x9d: {  	_ =	strace $0x8FFFFFFF  }
0x9e: {  	s18 =	sld [smem:$0x3FDB];
	_ =	sdelay $0x1  }
0x9f: {  	s19 =	simm.s32 $_scs_section_size  }
0xa0: {  	s6 =	simm.s32 $_size__tile_overlayer_lowered;
	s7 =	simm.s32 $_tile_overlayer_lowered  }
0xa1: {  	s22 =	simm.s32 $0x1BFF;
	s21 =	sshll.u32 s7, $0x1;
	s4 =	sadd.s32 s19, s18  }
0xa2: {  	s8 =	simm.s32 $0x0;
	s20 =	sshll.u32 s6, $0x1;
	s6 =	sadd.s32 s21, s4  }
0xa3: {  	[timem:s8], [sflag:s22] =	dma.local [hbm:s6], s20  }
0xa4: {  	_ =	swait.ge [sflag:s22], s20  }
0xa5: {  	s5 =	ssub.s32 $0x0, s20;
	[sflag:s22] =	ssyncset.done $0x0  }
0xa6: {  	[sflag:s22] =	ssyncadd.s32 s5;
	_ =	sdelay $0x1  }
0xa7: {  	s23 =	simm.s32 $0x1B8B  }
0xa8: {  	_ =	swait.ge [sflag:s23], $0x1  }
0xa9: {  	[sflag:s23] =	ssyncset.done $0x0  }
0xaa: {  	s25 =	simm.s32 $0x1B8E;
	s24 =	sld [smem:$0x3FFE];
	[sflag:s23] =	ssyncadd.s32 $0xFFFFFFFF  }
0xab: {  	s26 =	simm.s32 $execute0_lowered;
	[smem:$0x3FD2] =	sst s25  }
0xac: {  	s6 =	sshll.u32 s26, $0x1;
	_ =	strace $0x80000046;
	[dreg:$0x1] =	wrdreg $0xFFFFFFFF  }
0xad: {  	s28 =	simm.s32 $_size_execute0_lowered;
	s4 =	sadd.s32 s4, s6;
	[dreg:$0x0] =	wrdreg $0x0  }
0xae: {  	s6 =	sshll.u32 s28, $0x1;
	[dreg:$0x2] =	wrdreg s4  }
0xaf: {  	[dreg:$0x3] =	wrdreg s6  }
0xb0: {  	[dreg:$0x4] =	wrdreg $0xC0  }
0xb1: {  	_ =	task [dreg:s8], $0x5FFFF  }
0xb2: {  	[dreg:$0x1] =	wrdreg $0xFFFFFFFF  }
0xb3: {  	[dreg:$0x0] =	wrdreg $0x60  }
0xb4: {  	[dreg:$0x2] =	wrdreg s15  }
0xb5: {  	[dreg:$0x3] =	wrdreg s24  }
0xb6: {  	[dreg:$0x4] =	wrdreg s16  }
0xb7: {  	[dreg:$0x5] =	wrdreg $0x9  }
0xb8: {  	_ =	task.clear_ibuf [dreg:s8], $0x6FFFF;
	_ =	strace $0x90000046  }
0xb9: {  	s29 =	simm.s32 $0x9;
	_ =	strace $0x80000048  }
0xba: {  	_ =	swait.ge [sflag:s29], $0x1  }
0xbb: {  	[sflag:s29] =	ssyncadd.s32 $0xFFFFFFFF  }
0xbc: {  	_ =	strace $0x90000048  }
0xbd: {  	_ =	sfence  }
0xbe: {  	s30 =	sld [smem:$0x0];
	_ =	sdelay $0x2  }
0xbf: {  	s31 =	sshll.u32 s1, $0xD;
	s1 =	sshrl.u32 s1, $0x2  }
0xc0: {  	s3 =	sand.u32 $0x4000, s31;
	s1 =	sadd.s32 s1, s30  }
0xc1: {  	s0 =	sor.u32 s3, s0;
	s1 =	sshll.u32 s1, $0x11  }
0xc2: {  	s0 =	sor.u32 s1, s0  }
0xc3: {  	s0 =	sadd.s32 $0x8F2B, s0  }
0xc4: {  	[sflag:s0] =	ssyncadd.remote.s32 $0x1  }
0xc5: {  	_ =	sfence.sel $0xFFFF  }
0xc6: {  	[dreg:$0x0] =	wrdreg $0xFFFFFFFF;
	(pc) =	sbr.abs _section_cstart, $3  }
0xc7: {  	[dreg:$0x1] =	wrdreg $0xFFFFFFFF  }
0xc8: {  	_ =	task.clear_ibuf [dreg:s8], $0x2FFFF;
	_ =	strace $0x9FFFFFFF  }
0xc9: {  	(tm) =	ssettm $0x7FFFFFFF  }
tec
execute0_lowered:
.L_overlay_start_1:
0x0: {  	(tag) =	ssettag $0x1  }
0x1: {  	v0 =	vlaneseq.u32  }
0x2: {  	v1 =	vor.u32 $0x10, v0  }
0x3: {  	v26 =	vor.u32 $0x20, v0;
	[tilespmem:$0x1FD80] =	vst v1  }
0x4: {  	v27 =	vor.u32 $0x30, v0;
	[tilespmem:$0x1FD90] =	vst v26  }
0x5: {  	v28 =	vor.u32 $0x40, v0;
	[tilespmem:$0x1FDA0] =	vst v27  }
0x6: {  	v29 =	vor.u32 $0x50, v0;
	[tilespmem:$0x1FDB0] =	vst v28  }
0x7: {  	v30 =	vor.u32 $0x60, v0;
	[tilespmem:$0x1FDC0] =	vst v29  }
0x8: {  	v31 =	vor.u32 $0x70, v0;
	[tilespmem:$0x1FDD0] =	vst v30  }
0x9: {  	v32 =	vor.u32 $0x80, v0;
	[tilespmem:$0x1FDE0] =	vst v31  }
0xa: {  	v33 =	vor.u32 $0x90, v0;
	[tilespmem:$0x1FDF0] =	vst v32  }
0xb: {  	v34 =	vor.u32 $0xA0, v0;
	[tilespmem:$0x1FE00] =	vst v33  }
0xc: {  	v35 =	vor.u32 $0xB0, v0;
	[tilespmem:$0x1FE10] =	vst v34  }
0xd: {  	v36 =	vor.u32 $0xC0, v0;
	[tilespmem:$0x1FE20] =	vst v35  }
0xe: {  	v37 =	vor.u32 $0xD0, v0;
	[tilespmem:$0x1FE30] =	vst v36  }
0xf: {  	v12 =	vmul.u32 $0x8, v0;
	v38 =	vor.u32 $0xE0, v0;
	[tilespmem:$0x1FE40] =	vst v37  }
0x10: {  	v0 =	vor.u32 $0xF0, v0;
	[tilespmem:$0x1FE50] =	vst v38  }
0x11: {  	s0 =	rddreg [dreg:$0x0];
	[tilespmem:$0x1FE60] =	vst v0;
	v39 =	vor.u32 $0xFFFC0000, v12  }
0x12: {  	s1 =	rddreg [dreg:$0x1];
	s3 =	simm.s32 $0x0;
	v40 =	vor.u32 $0x80, v12;
	[tilespmem:$0x1FE70] =	vst v39  }
0x13: {  	[smem:$0x7FF] =	sst s3;
	v41 =	vor.u32 $0xFFFC0080, v12;
	[tilespmem:$0x1FE80] =	vst v40  }
0x14: {  	s2 =	rddreg [dreg:$0x2];
	v42 =	vor.u32 $0x100, v12;
	_ =	strace $0x80000047;
	[tilespmem:$0x1FE90] =	vst v41  }
0x15: {  	v43 =	vor.u32 $0xFFFC0100, v12;
	[tilespmem:$0x1FEA0] =	vst v42  }
0x16: {  	v44 =	vor.u32 $0x180, v12;
	[tilespmem:$0x1FEB0] =	vst v43  }
0x17: {  	v45 =	vor.u32 $0xFFFC0180, v12;
	[tilespmem:$0x1FEC0] =	vst v44  }
0x18: {  	v46 =	vor.u32 $0x1, v12;
	[tilespmem:$0x1FED0] =	vst v45  }
0x19: {  	v47 =	vor.u32 $0xFFFC0001, v12;
	[tilespmem:$0x1FEE0] =	vst v46  }
0x1a: {  	v48 =	vor.u32 $0x81, v12;
	[tilespmem:$0x1FEF0] =	vst v47  }
0x1b: {  	v49 =	vor.u32 $0xFFFC0081, v12;
	[tilespmem:$0x1FF00] =	vst v48  }
0x1c: {  	v50 =	vor.u32 $0x101, v12;
	[tilespmem:$0x1FF10] =	vst v49  }
0x1d: {  	v51 =	vor.u32 $0xFFFC0101, v12;
	[tilespmem:$0x1FF20] =	vst v50  }
0x1e: {  	v52 =	vor.u32 $0x181, v12;
	[tilespmem:$0x1FF30] =	vst v51  }
0x1f: {  	s4 =	srdreg.scid;
	s5 =	stileid.u32;
	v53 =	vor.u32 $0xFFFC0181, v12;
	[tilespmem:$0x1FF40] =	vst v52  }
0x20: {  	s10 =	simm.s32 $0x6;
	s13 =	simm.s32 $0x380;
	s15 =	simm.s32 $0x2380;
	v54 =	vor.u32 $0x2, v12;
	v55 =	vor.u32 $0xFFFC0002, v12;
	[tilespmem:$0x1FF50] =	vst v53  }
0x21: {  	s11 =	simm.s32 $0x40;
	s17 =	simm.s32 $0x4380;
	s19 =	simm.s32 $0x6380;
	v56 =	vor.u32 $0x82, v12;
	v57 =	vor.u32 $0xFFFC0082, v12;
	v58 =	vor.u32 $0x102, v12;
	[tilespmem:$0x1FF60] =	vst v54  }
0x22: {  	s25 =	simm.s32 $0xC380;
	s31 =	simm.s32 $0x1;
	s12 =	simm.s32 $0x300;
	v59 =	vor.u32 $0xFFFC0102, v12;
	v60 =	vor.u32 $0x182, v12;
	v61 =	vor.u32 $0xFFFC0182, v12;
	[tilespmem:$0x1FF70] =	vst v55  }
0x23: {  	s14 =	simm.s32 $0x340;
	s16 =	simm.s32 $0x2;
	s18 =	simm.s32 $0x16380;
	v62 =	vor.u32 $0x200, v12;
	v63 =	vor.u32 $0xFFFC0200, v12;
	[tilespmem:$0x1FF80] =	vst v56;
	v42 =	vor.u32 $0x280, v12  }
0x24: {  	s20 =	simm.s32 $0x3;
	s4 =	sand.u32 $0x1, s4;
	s5 =	sshll.u32 s5, $0x1;
	[tilespmem:$0x1FF90] =	vst v57;
	v43 =	vor.u32 $0xFFFC0280, v12;
	v44 =	vor.u32 $0x300, v12;
	v45 =	vor.u32 $0xFFFC0300, v12  }
0x25: {  	s21 =	simm.s32 $0x4;
	s5 =	sor.u32 s4, s5;
	s4 =	ssub.s32 $0x2, s4;
	[tilespmem:$0x1FFA0] =	vst v58;
	v46 =	vor.u32 $0x380, v12;
	v47 =	vor.u32 $0xFFFC0380, v12;
	v48 =	vor.u32 $0x201, v12  }
0x26: {  	s22 =	simm.s32 $0x5;
	s6 =	sshll.u32 s5, $0x4;
	s7 =	sshrl.u32 s4, $0x1;
	[tilespmem:$0x1FFB0] =	vst v59;
	v49 =	vor.u32 $0xFFFC0201, v12;
	v50 =	vor.u32 $0x281, v12;
	v51 =	vor.u32 $0xFFFC0281, v12  }
0x27: {  	s5 =	sshll.u32 s5, $0xD;
	s1 =	sadd.s32 s6, s1;
	s9 =	ssub.s32 s4, s7;
	[tilespmem:$0x1FFC0] =	vst v60;
	v52 =	vor.u32 $0x301, v12;
	v53 =	vor.u32 $0xFFFC0301, v12;
	v54 =	vor.u32 $0x381, v12  }
0x28: {  	s4 =	sadd.s32 s2, s5;
	s2 =	simm.s32 $0x2C0;
	s5 =	sadd.s32 $0x600, s1;
	[tilespmem:$0x1FFD0] =	vst v61;
	v55 =	vor.u32 $0xFFFC0381, v12;
	v56 =	vor.u32 $0x202, v12;
	v57 =	vor.u32 $0xFFFC0202, v12  }
0x29: {  	s23 =	simm.s32 $0x0;
	s6 =	sadd.s32 $0x800, s4;
	s7 =	sadd.s32 $0x1000, s4;
	[tilespmem:$0x1FFE0] =	vst v62;
	v58 =	vor.u32 $0x282, v12;
	v59 =	vor.u32 $0xFFFC0282, v12;
	v60 =	vor.u32 $0x302, v12  }
0x2a: {  	s8 =	sadd.s32 $0x1800, s4;
	s9 =	smax.u32 s9, $0x1;
	[tilespmem:$0x1FFF0] =	vst v63;
	s1 =	simm.s32 $0x12380;
	v61 =	vor.u32 $0xFFFC0302, v12;
	v62 =	vor.u32 $0x382, v12;
	v63 =	vor.u32 $0xFFFC0382, v12  }
.LBB2_1:
0x2b: {  	[tilespmem:s3], [sflag:$0x6] =	stream.linear.gather [hbm4b:s5+s3], $0x80, $0x38;
	[tilespmem:$0x1A380] =	vst v63  }
0x2c: {  	_ =	swait.ge [sflag:s10], $0x80  }
0x2d: {  	[sflag:s10] =	ssyncset.done $0x0  }
0x2e: {  	[sflag:s10] =	ssyncadd.s32 $0xFFFFFF80  }
0x2f: {  	v1 =	vld [tilespmem:$0x0];
	_ =	sdelay $0x1  }
0x30: {  	v3 =	vld [tilespmem:$0x1FD90];
	_ =	sdelay $0x2  }
0x31: {  	v13 =	vld [tilespmem:$0x1FE80];
	v0 =	vshra.s32 v1, $0x7;
	v9 =	vand.u32 $0x7F, v1;
	v1 =	vlaneseq.u32  }
0x32: {  	v2 =	vadd.s32 v1, v9;
	v1 =	vld [tilespmem:$0x1FD80]  }
0x33: {  	v4 =	vadd.s32 v3, v9;
	v3 =	vld [tilespmem:$0x1FE70]  }
0x34: {  	v14 =	vld [tilespmem:$0x1FE90]  }
0x35: {  	v15 =	vld [tilespmem:$0x1FEA0];
	_ =	sdelay $0x1  }
0x36: {  	v7 =	vadd.s32 v1, v9;
	v1 =	vadd.s32 v12, v0  }
0x37: {  	v16 =	vld [tilespmem:$0x1FEB0];
	v3 =	vadd.s32 v3, v0;
	vm0 =	vgt.s32 v1, $0x3FFFF  }
0x38: {  	v13 =	vadd.s32 v13, v0;
	v14 =	vadd.s32 v14, v0;
	v8 =	vsel vm0, v3, v1  }
0x39: {  	v15 =	vadd.s32 v15, v0;
	vm5 =	vgt.s32 v13, $0x3FFFF;
	v10 =	vshll.u32 v8, $0x3  }
0x3a: {  	v11 =	vand.u32 $0xFFFFFFC0, v8;
	v8 =	vshrl.u32 v8, $0x3;
	v10 =	vand.u32 $0x38, v10  }
0x3b: {  	v13 =	vsel vm5, v14, v13;
	v10 =	vor.u32 v11, v10;
	v11 =	vand.u32 $0x7, v8  }
0x3c: {  	v17 =	vld [tilespmem:$0x1FED0];
	v16 =	vadd.s32 v16, v0;
	v10 =	vor.u32 v11, v10;
	v11 =	vshll.u32 v13, $0x3  }
0x3d: {  	v18 =	vld [tilespmem:$0x1FEE0];
	vm6 =	vgt.s32 v15, $0x3FFFF;
	v14 =	vand.u32 $0xFFFFFFC0, v13;
	v11 =	vand.u32 $0x38, v11  }
0x3e: {  	v11 =	vor.u32 v14, v11;
	v14 =	vsel vm6, v16, v15;
	v15 =	vld [tilespmem:$0x1FEC0];
	_ =	sdelay $0x2  }
0x3f: {  	v19 =	vld [tilespmem:$0x1FEF0]  }
0x40: {  	v17 =	vadd.s32 v17, v0;
	v13 =	vshrl.u32 v13, $0x3  }
0x41: {  	v18 =	vadd.s32 v18, v0;
	v13 =	vand.u32 $0x7, v13;
	v15 =	vadd.s32 v15, v0  }
0x42: {  	v11 =	vor.u32 v13, v11;
	v16 =	vshll.u32 v14, $0x3;
	vm7 =	vgt.s32 v15, $0x3FFFF  }
0x43: {  	v13 =	vand.u32 $0xFFFFFFC0, v14;
	v16 =	vand.u32 $0x38, v16;
	v15 =	vsel vm7, v17, v15  }
0x44: {  	v19 =	vadd.s32 v19, v0;
	v13 =	vor.u32 v13, v16;
	v16 =	vshll.u32 v15, $0x3  }
0x45: {  	vm8 =	vgt.s32 v18, $0x3FFFF;
	v17 =	vand.u32 $0xFFFFFFC0, v15;
	v16 =	vand.u32 $0x38, v16  }
0x46: {  	v16 =	vor.u32 v17, v16;
	v17 =	vsel vm8, v19, v18;
	v18 =	vld [tilespmem:$0x1FF00]  }
0x47: {  	v19 =	vld [tilespmem:$0x1FF10]  }
0x48: {  	v14 =	vshrl.u32 v14, $0x3;
	v15 =	vshrl.u32 v15, $0x3  }
0x49: {  	v14 =	vand.u32 $0x7, v14;
	v15 =	vand.u32 $0x7, v15  }
0x4a: {  	v14 =	vor.u32 v14, v13;
	v13 =	vor.u32 v15, v16;
	v15 =	vshll.u32 v17, $0x3  }
0x4b: {  	v20 =	vld [tilespmem:$0x1FF30];
	v16 =	vand.u32 $0xFFFFFFC0, v17;
	v17 =	vshrl.u32 v17, $0x3;
	v18 =	vadd.s32 v18, v0  }
0x4c: {  	v21 =	vld [tilespmem:$0x1FF40];
	v15 =	vand.u32 $0x38, v15;
	v19 =	vadd.s32 v19, v0;
	vm9 =	vgt.s32 v18, $0x3FFFF  }
0x4d: {  	v15 =	vor.u32 v16, v15;
	v16 =	vand.u32 $0x7, v17;
	v17 =	vsel vm9, v19, v18;
	v18 =	vld [tilespmem:$0x1FF20];
	_ =	sdelay $0x2  }
0x4e: {  	v22 =	vld [tilespmem:$0x1FF50];
	_ =	sdelay $0x1  }
0x4f: {  	v20 =	vadd.s32 v20, v0;
	v21 =	vadd.s32 v21, v0;
	v18 =	vadd.s32 v18, v0  }
0x50: {  	v15 =	vor.u32 v16, v15;
	v19 =	vshll.u32 v17, $0x3;
	vm10 =	vgt.s32 v18, $0x3FFFF  }
0x51: {  	v16 =	vand.u32 $0xFFFFFFC0, v17;
	v19 =	vand.u32 $0x38, v19;
	v18 =	vsel vm10, v20, v18  }
0x52: {  	v22 =	vadd.s32 v22, v0;
	v16 =	vor.u32 v16, v19;
	v19 =	vshll.u32 v18, $0x3  }
0x53: {  	vm11 =	vgt.s32 v21, $0x3FFFF;
	v20 =	vand.u32 $0xFFFFFFC0, v18;
	v19 =	vand.u32 $0x38, v19  }
0x54: {  	v19 =	vor.u32 v20, v19;
	v20 =	vsel vm11, v22, v21;
	v21 =	vld [tilespmem:$0x1FF60]  }
0x55: {  	v22 =	vld [tilespmem:$0x1FF70]  }
0x56: {  	v17 =	vshrl.u32 v17, $0x3;
	v18 =	vshrl.u32 v18, $0x3  }
0x57: {  	v23 =	vld [tilespmem:$0x1FF90];
	v17 =	vand.u32 $0x7, v17;
	v18 =	vand.u32 $0x7, v18  }
0x58: {  	v24 =	vld [tilespmem:$0x1FFA0];
	v17 =	vor.u32 v17, v16;
	v16 =	vor.u32 v18, v19;
	v18 =	vshll.u32 v20, $0x3  }
0x59: {  	v25 =	vld [tilespmem:$0x1FFB0];
	v19 =	vand.u32 $0xFFFFFFC0, v20;
	v20 =	vshrl.u32 v20, $0x3;
	v21 =	vadd.s32 v21, v0  }
0x5a: {  	v26 =	vld [tilespmem:$0x1FFF0];
	v18 =	vand.u32 $0x38, v18;
	v22 =	vadd.s32 v22, v0;
	vm12 =	vgt.s32 v21, $0x3FFFF  }
0x5b: {  	v18 =	vor.u32 v19, v18;
	v19 =	vand.u32 $0x7, v20;
	v20 =	vsel vm12, v22, v21;
	v21 =	vld [tilespmem:$0x1FF80];
	_ =	sdelay $0x2  }
0x5c: {  	v23 =	vadd.s32 v23, v0;
	v24 =	vadd.s32 v24, v0  }
0x5d: {  	v25 =	vadd.s32 v25, v0;
	v26 =	vadd.s32 v26, v0;
	vm14 =	vgt.s32 v24, $0x3FFFF  }
0x5e: {  	v27 =	vadd.s32 v42, v0;
	v24 =	vsel vm14, v25, v24;
	v21 =	vadd.s32 v21, v0  }
0x5f: {  	v18 =	vor.u32 v19, v18;
	v22 =	vshll.u32 v20, $0x3;
	vm13 =	vgt.s32 v21, $0x3FFFF  }
0x60: {  	v19 =	vand.u32 $0xFFFFFFC0, v20;
	v22 =	vand.u32 $0x38, v22;
	v21 =	vsel vm13, v23, v21  }
0x61: {  	v20 =	vshrl.u32 v20, $0x3;
	v19 =	vor.u32 v19, v22;
	v22 =	vshll.u32 v21, $0x3  }
0x62: {  	v23 =	vand.u32 $0xFFFFFFC0, v21;
	v21 =	vshrl.u32 v21, $0x3;
	v22 =	vand.u32 $0x38, v22  }
0x63: {  	v25 =	vld [tilespmem:$0x1FFD0];
	v20 =	vand.u32 $0x7, v20;
	v22 =	vor.u32 v23, v22;
	v23 =	vand.u32 $0x7, v21  }
0x64: {  	v28 =	vadd.s32 v43, v0;
	v21 =	vor.u32 v20, v19;
	v20 =	vor.u32 v23, v22;
	v23 =	vld [tilespmem:$0x1FFC0]  }
0x65: {  	v29 =	vadd.s32 v47, v0;
	v30 =	vadd.s32 v48, v0;
	v31 =	vadd.s32 v49, v0  }
0x66: {  	v39 =	vadd.s32 v51, v0;
	v32 =	vadd.s32 v53, v0;
	v33 =	vadd.s32 v54, v0  }
0x67: {  	v34 =	vadd.s32 v55, v0;
	v36 =	vadd.s32 v56, v0;
	v37 =	vadd.s32 v57, v0  }
0x68: {  	v1 =	vld [tilespmem:$0x1FDC0];
	v25 =	vadd.s32 v25, v0;
	v19 =	vshll.u32 v24, $0x3;
	v22 =	vand.u32 $0xFFFFFFC0, v24  }
0x69: {  	v19 =	vand.u32 $0x38, v19;
	v24 =	vshrl.u32 v24, $0x3;
	v23 =	vadd.s32 v23, v0  }
0x6a: {  	v19 =	vor.u32 v22, v19;
	v22 =	vand.u32 $0x7, v24;
	vm15 =	vgt.s32 v23, $0x3FFFF  }
0x6b: {  	vm5 =	vgt.s32 v27, $0x3FFFF;
	v24 =	vsel vm15, v25, v23;
	v23 =	vor.u32 v22, v19;
	v22 =	vld [tilespmem:$0x1FFE0]  }
0x6c: {  	v35 =	vadd.s32 v59, v0;
	v27 =	vsel vm5, v28, v27;
	vm8 =	vgt.s32 v30, $0x3FFFF  }
0x6d: {  	v28 =	vadd.s32 v45, v0;
	v3 =	vadd.s32 v1, v9;
	v30 =	vsel vm8, v31, v30;
	[tilespmem:$0xD0] =	vst v17  }
0x6e: {  	v17 =	vor.u32 $0x481, v12;
	vm11 =	vgt.s32 v33, $0x3FFFF;
	[tilespmem:$0xE0] =	vst v16;
	v16 =	vor.u32 $0xFFFC0401, v12  }
0x6f: {  	v33 =	vsel vm11, v34, v33;
	v16 =	vadd.s32 v16, v0;
	vm12 =	vgt.s32 v36, $0x3FFFF  }
0x70: {  	[tilespmem:$0xF0] =	vst v18;
	v18 =	vor.u32 $0x501, v12;
	v38 =	vsel vm12, v37, v36;
	v22 =	vadd.s32 v22, v0  }
0x71: {  	v19 =	vand.u32 $0xFFFFFFC0, v24;
	v25 =	vshll.u32 v24, $0x3;
	vm4 =	vgt.s32 v22, $0x3FFFF  }
0x72: {  	v24 =	vshrl.u32 v24, $0x3;
	v25 =	vand.u32 $0x38, v25;
	v22 =	vsel vm4, v26, v22  }
0x73: {  	v24 =	vand.u32 $0x7, v24;
	v19 =	vor.u32 v19, v25;
	v25 =	vshll.u32 v22, $0x3  }
0x74: {  	v26 =	vand.u32 $0xFFFFFFC0, v22;
	v22 =	vshrl.u32 v22, $0x3;
	v25 =	vand.u32 $0x38, v25  }
0x75: {  	v22 =	vand.u32 $0x7, v22;
	v25 =	vor.u32 v26, v25;
	v26 =	vor.u32 v24, v19  }
0x76: {  	v19 =	vshll.u32 v27, $0x3;
	v24 =	vand.u32 $0xFFFFFFC0, v27;
	v27 =	vshrl.u32 v27, $0x3  }
0x77: {  	v22 =	vor.u32 v22, v25;
	v19 =	vand.u32 $0x38, v19;
	v25 =	vadd.s32 v44, v0  }
0x78: {  	vm6 =	vgt.s32 v25, $0x3FFFF;
	v19 =	vor.u32 v24, v19;
	v24 =	vand.u32 $0x7, v27  }
0x79: {  	v27 =	vsel vm6, v28, v25;
	v25 =	vor.u32 v24, v19;
	v24 =	vadd.s32 v46, v0  }
0x7a: {  	v19 =	vand.u32 $0xFFFFFFC0, v27;
	v28 =	vshll.u32 v27, $0x3;
	vm7 =	vgt.s32 v24, $0x3FFFF  }
0x7b: {  	v27 =	vshrl.u32 v27, $0x3;
	v28 =	vand.u32 $0x38, v28;
	v24 =	vsel vm7, v29, v24  }
0x7c: {  	v27 =	vand.u32 $0x7, v27;
	v19 =	vor.u32 v19, v28;
	v28 =	vshll.u32 v24, $0x3  }
0x7d: {  	v29 =	vand.u32 $0xFFFFFFC0, v24;
	v24 =	vshrl.u32 v24, $0x3;
	v28 =	vand.u32 $0x38, v28  }
0x7e: {  	v24 =	vand.u32 $0x7, v24;
	v29 =	vor.u32 v29, v28;
	v28 =	vor.u32 v27, v19  }
0x7f: {  	v19 =	vshll.u32 v30, $0x3;
	v27 =	vor.u32 v24, v29;
	v24 =	vand.u32 $0xFFFFFFC0, v30  }
0x80: {  	v19 =	vand.u32 $0x38, v19;
	v29 =	vadd.s32 v50, v0;
	v30 =	vshrl.u32 v30, $0x3  }
0x81: {  	vm9 =	vgt.s32 v29, $0x3FFFF;
	v19 =	vor.u32 v24, v19;
	v24 =	vand.u32 $0x7, v30  }
0x82: {  	v40 =	vsel vm9, v39, v29;
	v29 =	vor.u32 v24, v19;
	v24 =	vadd.s32 v52, v0  }
0x83: {  	v36 =	vadd.s32 v61, v0;
	v31 =	vshll.u32 v40, $0x3;
	vm10 =	vgt.s32 v24, $0x3FFFF  }
0x84: {  	v19 =	vand.u32 $0xFFFFFFC0, v40;
	v31 =	vand.u32 $0x38, v31;
	v24 =	vsel vm10, v32, v24  }
0x85: {  	v30 =	vshrl.u32 v40, $0x3;
	v19 =	vor.u32 v19, v31;
	v41 =	vshll.u32 v24, $0x3  }
0x86: {  	v32 =	vand.u32 $0xFFFFFFC0, v24;
	v24 =	vshrl.u32 v24, $0x3;
	v31 =	vand.u32 $0x38, v41  }
0x87: {  	v30 =	vand.u32 $0x7, v30;
	v24 =	vand.u32 $0x7, v24;
	v32 =	vor.u32 v32, v31  }
0x88: {  	v31 =	vor.u32 v30, v19;
	v19 =	vshll.u32 v33, $0x3;
	v30 =	vor.u32 v24, v32  }
0x89: {  	v24 =	vand.u32 $0xFFFFFFC0, v33;
	v19 =	vand.u32 $0x38, v19;
	v33 =	vshrl.u32 v33, $0x3  }
0x8a: {  	v34 =	vshll.u32 v38, $0x3;
	v19 =	vor.u32 v24, v19;
	v24 =	vand.u32 $0x7, v33  }
0x8b: {  	v34 =	vand.u32 $0x38, v34;
	v32 =	vor.u32 v24, v19;
	v24 =	vadd.s32 v58, v0  }
0x8c: {  	v33 =	vshrl.u32 v38, $0x3;
	v19 =	vand.u32 $0xFFFFFFC0, v38;
	vm13 =	vgt.s32 v24, $0x3FFFF  }
0x8d: {  	v33 =	vand.u32 $0x7, v33;
	v19 =	vor.u32 v19, v34;
	v24 =	vsel vm13, v35, v24  }
0x8e: {  	v40 =	vadd.s32 v60, v0;
	v33 =	vor.u32 v33, v19;
	v39 =	vshll.u32 v24, $0x3  }
0x8f: {  	v19 =	vand.u32 $0xFFFFFFC0, v24;
	v24 =	vshrl.u32 v24, $0x3;
	v34 =	vand.u32 $0x38, v39  }
0x90: {  	vm14 =	vgt.s32 v40, $0x3FFFF;
	v24 =	vand.u32 $0x7, v24;
	v19 =	vor.u32 v19, v34  }
0x91: {  	v41 =	vadd.s32 v63, v0;
	v34 =	vor.u32 v24, v19;
	v19 =	vsel vm14, v36, v40  }
0x92: {  	v38 =	vor.u32 $0x480, v12;
	v24 =	vadd.s32 v62, v0;
	v35 =	vshll.u32 v19, $0x3  }
0x93: {  	vm15 =	vgt.s32 v24, $0x3FFFF;
	v37 =	vand.u32 $0xFFFFFFC0, v19;
	v19 =	vshrl.u32 v19, $0x3  }
0x94: {  	v35 =	vand.u32 $0x38, v35;
	v24 =	vsel vm15, v41, v24;
	v19 =	vand.u32 $0x7, v19  }
0x95: {  	v41 =	vor.u32 $0x400, v12;
	v35 =	vor.u32 v37, v35;
	v36 =	vshll.u32 v24, $0x3  }
0x96: {  	v40 =	vand.u32 $0xFFFFFFC0, v24;
	v36 =	vand.u32 $0x38, v36;
	v35 =	vor.u32 v19, v35  }
0x97: {  	v19 =	vor.u32 v40, v36;
	v36 =	vadd.s32 v41, v0;
	v40 =	vor.u32 $0xFFFC0400, v12  }
0x98: {  	v39 =	vor.u32 $0x500, v12;
	vm4 =	vgt.s32 v36, $0x3FFFF;
	v37 =	vadd.s32 v40, v0  }
0x99: {  	v41 =	vor.u32 $0xFFFC0480, v12;
	v36 =	vsel vm4, v37, v36;
	v37 =	vadd.s32 v38, v0  }
0x9a: {  	v24 =	vshrl.u32 v24, $0x3;
	v38 =	vadd.s32 v41, v0;
	vm5 =	vgt.s32 v37, $0x3FFFF  }
0x9b: {  	v37 =	vsel vm5, v38, v37;
	v38 =	vadd.s32 v39, v0;
	v39 =	vor.u32 $0xFFFC0500, v12  }
0x9c: {  	v40 =	vor.u32 $0x580, v12;
	vm6 =	vgt.s32 v38, $0x3FFFF;
	v39 =	vadd.s32 v39, v0  }
0x9d: {  	v24 =	vand.u32 $0x7, v24;
	v38 =	vsel vm6, v39, v38;
	v39 =	vadd.s32 v40, v0  }
0x9e: {  	[tilespmem:$0xA0] =	vst v14;
	v41 =	vor.u32 v24, v19;
	v40 =	vor.u32 $0xFFFC0580, v12;
	vm7 =	vgt.s32 v39, $0x3FFFF  }
0x9f: {  	[tilespmem:$0xB0] =	vst v13;
	v40 =	vadd.s32 v40, v0;
	v14 =	vshll.u32 v38, $0x3;
	v13 =	vand.u32 $0xFFFFFFC0, v38  }
0xa0: {  	v38 =	vshrl.u32 v38, $0x3;
	v39 =	vsel vm7, v40, v39;
	v14 =	vand.u32 $0x38, v14  }
0xa1: {  	[tilespmem:$0xC0] =	vst v15;
	v13 =	vor.u32 v13, v14;
	v14 =	vand.u32 $0x7, v38;
	v15 =	vshll.u32 v39, $0x3  }
0xa2: {  	v38 =	vor.u32 v14, v13;
	v14 =	vand.u32 $0x38, v15;
	v15 =	vor.u32 $0x401, v12  }
0xa3: {  	[tilespmem:$0x80] =	vst v10;
	v19 =	vshll.u32 v36, $0x3;
	v13 =	vand.u32 $0xFFFFFFC0, v39;
	v15 =	vadd.s32 v15, v0  }
0xa4: {  	[tilespmem:$0x90] =	vst v11;
	v13 =	vor.u32 v13, v14;
	v14 =	vshrl.u32 v39, $0x3;
	vm8 =	vgt.s32 v15, $0x3FFFF  }
0xa5: {  	[tilespmem:$0x100] =	vst v21;
	v14 =	vand.u32 $0x7, v14;
	v15 =	vsel vm8, v16, v15;
	v16 =	vadd.s32 v17, v0  }
0xa6: {  	[tilespmem:$0x110] =	vst v20;
	v17 =	vor.u32 $0xFFFC0481, v12;
	v21 =	vor.u32 v14, v13;
	v13 =	vadd.s32 v18, v0  }
0xa7: {  	[tilespmem:$0x120] =	vst v23;
	v18 =	vor.u32 $0xFFFC0581, v12;
	vm9 =	vgt.s32 v16, $0x3FFFF;
	v17 =	vadd.s32 v17, v0  }
0xa8: {  	s24 =	simm.s32 $0x80;
	[tilespmem:$0x130] =	vst v26;
	v14 =	vsel vm9, v17, v16;
	v16 =	vor.u32 $0xFFFC0501, v12;
	v17 =	vor.u32 $0x581, v12  }
0xa9: {  	[tilespmem:s13], [sflag:$0x1] =	stream.indirect.gather [hbm4b:s0+s11], $0x80, s24, s11, $0xb8;
	vm10 =	vgt.s32 v13, $0x3FFFF;
	v16 =	vadd.s32 v16, v0;
	v17 =	vadd.s32 v17, v0;
	[tilespmem:$0x1A380] =	vst v63  }
0xaa: {  	s26 =	simm.s32 $0xC0;
	v5 =	vld [tilespmem:$0x1FDA0];
	v20 =	vsel vm10, v16, v13;
	vm11 =	vgt.s32 v17, $0x3FFFF;
	v16 =	vadd.s32 v18, v0  }
0xab: {  	v6 =	vld [tilespmem:$0x1FDB0];
	[tilespmem:s15], [sflag:$0x1] =	stream.indirect.gather [hbm4b:s0+s11], $0x80, s26, s11, $0xb8;
	v24 =	vand.u32 $0xFFFFFFC0, v36;
	v18 =	vsel vm11, v16, v17;
	v16 =	vshll.u32 v15, $0x3  }
0xac: {  	s30 =	simm.s32 $0x100;
	v8 =	vld [tilespmem:$0x1FDE0];
	v17 =	vand.u32 $0xFFFFFFC0, v15;
	v15 =	vshrl.u32 v15, $0x3;
	v16 =	vand.u32 $0x38, v16  }
0xad: {  	v1 =	vld [tilespmem:$0x1FDD0];
	[tilespmem:s17], [sflag:$0x1] =	stream.indirect.gather [hbm4b:s0+s11], $0x80, s30, s11, $0xb8;
	v36 =	vshrl.u32 v36, $0x3;
	v15 =	vand.u32 $0x7, v15;
	v16 =	vor.u32 v17, v16  }
0xae: {  	v11 =	vld [tilespmem:$0x1FE20];
	[tilespmem:$0x140] =	vst v22;
	v40 =	vand.u32 $0x38, v19;
	v17 =	vshll.u32 v14, $0x3;
	v22 =	vor.u32 v15, v16  }
0xaf: {  	v15 =	vand.u32 $0xFFFFFFC0, v14;
	v16 =	vand.u32 $0x38, v17;
	v17 =	vshrl.u32 v14, $0x3;
	v14 =	vld [tilespmem:$0x1FE50]  }
0xb0: {  	v36 =	vand.u32 $0x7, v36;
	v40 =	vor.u32 v24, v40;
	v23 =	vor.u32 v15, v16;
	v15 =	vld [tilespmem:$0x1FE40]  }
0xb1: {  	v19 =	vld [tilespmem:$0x1FDF0];
	v36 =	vor.u32 v36, v40;
	v40 =	vshll.u32 v37, $0x3  }
0xb2: {  	v10 =	vand.u32 $0xFFFFFFC0, v37;
	v24 =	vld [tilespmem:$0x1FE00];
	v40 =	vand.u32 $0x38, v40  }
0xb3: {  	v40 =	vor.u32 v10, v40;
	v10 =	vld [tilespmem:$0x1FE10]  }
0xb4: {  	v13 =	vld [tilespmem:$0x1FE30]  }
0xb5: {  	v16 =	vadd.s32 v15, v9;
	v15 =	vadd.s32 v14, v9;
	v14 =	vld [tilespmem:$0x1FE60]  }
0xb6: {  	v5 =	vadd.s32 v5, v9;
	v6 =	vadd.s32 v6, v9;
	v8 =	vadd.s32 v8, v9  }
0xb7: {  	v1 =	vadd.s32 v1, v9;
	v11 =	vadd.s32 v11, v9;
	[tilespmem:$0x160] =	vst v28;
	v37 =	vshrl.u32 v37, $0x3  }
0xb8: {  	v28 =	vor.u32 $0x482, v12;
	[tilespmem:$0x1D0] =	vst v34;
	v34 =	vshll.u32 v2, $0x6;
	v37 =	vand.u32 $0x7, v37  }
0xb9: {  	v19 =	vadd.s32 v19, v9;
	v24 =	vadd.s32 v24, v9;
	v10 =	vadd.s32 v10, v9  }
0xba: {  	[tilespmem:$0x150] =	vst v25;
	v13 =	vadd.s32 v13, v9;
	v14 =	vadd.s32 v14, v9;
	v9 =	vand.u32 $0x7, v17  }
0xbb: {  	[tilespmem:$0x170] =	vst v27;
	v39 =	vor.u32 $0xFFFC0502, v12;
	v23 =	vor.u32 v9, v23;
	v9 =	vshll.u32 v20, $0x3  }
0xbc: {  	[tilespmem:$0x180] =	vst v29;
	v25 =	vand.u32 $0xFFFFFFC0, v20;
	v26 =	vshrl.u32 v20, $0x3;
	v9 =	vand.u32 $0x38, v9  }
0xbd: {  	[tilespmem:$0x1A0] =	vst v30;
	v30 =	vadd.s32 v39, v0;
	v26 =	vand.u32 $0x7, v26;
	v25 =	vor.u32 v25, v9  }
0xbe: {  	[tilespmem:$0x190] =	vst v31;
	v37 =	vor.u32 v37, v40;
	v25 =	vor.u32 v26, v25;
	v26 =	vshll.u32 v18, $0x3  }
0xbf: {  	[tilespmem:$0x1B0] =	vst v32;
	v27 =	vand.u32 $0xFFFFFFC0, v18;
	v18 =	vshrl.u32 v18, $0x3;
	v26 =	vand.u32 $0x38, v26  }
0xc0: {  	[tilespmem:$0x1C0] =	vst v33;
	v18 =	vand.u32 $0x7, v18;
	v26 =	vor.u32 v27, v26;
	v27 =	vor.u32 $0x402, v12  }
0xc1: {  	[tilespmem:$0x1E0] =	vst v35;
	v18 =	vor.u32 v18, v26;
	v26 =	vadd.s32 v27, v0;
	v27 =	vor.u32 $0xFFFC0402, v12  }
0xc2: {  	s26 =	simm.s32 $0x140;
	[tilespmem:$0x1F0] =	vst v41;
	v31 =	vand.u32 $0x7F, v16;
	vm12 =	vgt.s32 v26, $0x3FFFF;
	v27 =	vadd.s32 v27, v0  }
0xc3: {  	[tilespmem:s19], [sflag:$0x2] =	stream.indirect.gather [hbm4b:s0+s11], $0x80, s26, s11, $0xb8;
	v26 =	vsel vm12, v27, v26;
	v27 =	vadd.s32 v28, v0;
	v28 =	vor.u32 $0xFFFC0482, v12;
	[tilespmem:$0x1A380] =	vst v63  }
0xc4: {  	s30 =	simm.s32 $0x180;
	s26 =	simm.s32 $0x8380;
	v29 =	vshll.u32 v26, $0x3;
	vm13 =	vgt.s32 v27, $0x3FFFF;
	v28 =	vadd.s32 v28, v0  }
0xc5: {  	[tilespmem:s26], [sflag:$0x2] =	stream.indirect.gather [hbm4b:s0+s11], $0x80, s30, s11, $0xb8;
	v27 =	vsel vm13, v28, v27;
	v28 =	vand.u32 $0xFFFFFFC0, v26;
	v29 =	vand.u32 $0x38, v29;
	[tilespmem:$0x1A380] =	vst v63  }
0xc6: {  	s26 =	simm.s32 $0x1C0;
	s30 =	simm.s32 $0xA380;
	v32 =	vand.u32 $0x7F, v15;
	v26 =	vshrl.u32 v26, $0x3;
	v28 =	vor.u32 v28, v29  }
0xc7: {  	[tilespmem:s30], [sflag:$0x2] =	stream.indirect.gather [hbm4b:s0+s11], $0x80, s26, s11, $0xb8;
	v29 =	vshll.u32 v27, $0x3;
	v26 =	vand.u32 $0x7, v26;
	v35 =	vand.u32 $0xFFFFFFC0, v27;
	[tilespmem:$0x1A380] =	vst v63  }
0xc8: {  	[tilespmem:$0x200] =	vst v36;
	v27 =	vshrl.u32 v27, $0x3;
	v29 =	vand.u32 $0x38, v29;
	v26 =	vor.u32 v26, v28  }
0xc9: {  	[tilespmem:$0x220] =	vst v38;
	v27 =	vand.u32 $0x7, v27;
	v28 =	vor.u32 v35, v29;
	v29 =	vor.u32 $0x502, v12  }
0xca: {  	[tilespmem:$0x230] =	vst v21;
	v29 =	vadd.s32 v29, v0;
	v21 =	vor.u32 v27, v28;
	v28 =	vor.u32 $0x582, v12  }
0xcb: {  	[tilespmem:$0x210] =	vst v37;
	v16 =	vshll.u32 v16, $0x6;
	vm14 =	vgt.s32 v29, $0x3FFFF;
	v28 =	vadd.s32 v28, v0  }
0xcc: {  	[tilespmem:$0x240] =	vst v22;
	v27 =	vsel vm14, v30, v29;
	v29 =	vor.u32 $0xFFFC0582, v12;
	vm15 =	vgt.s32 v28, $0x3FFFF  }
0xcd: {  	[tilespmem:$0x250] =	vst v23;
	v22 =	vand.u32 $0xFFFFFFC0, v27;
	v23 =	vshll.u32 v27, $0x3;
	v29 =	vadd.s32 v29, v0  }
0xce: {  	[tilespmem:$0x260] =	vst v25;
	v25 =	vshrl.u32 v27, $0x3;
	v23 =	vand.u32 $0x38, v23;
	v27 =	vsel vm15, v29, v28  }
0xcf: {  	[tilespmem:$0x270] =	vst v18;
	v18 =	vor.u32 v22, v23;
	v22 =	vand.u32 $0x7, v25;
	v23 =	vshll.u32 v27, $0x3  }
0xd0: {  	[tilespmem:$0x280] =	vst v26;
	v25 =	vand.u32 $0xFFFFFFC0, v27;
	v26 =	vshrl.u32 v27, $0x3;
	v23 =	vand.u32 $0x38, v23  }
0xd1: {  	[tilespmem:$0x290] =	vst v21;
	v18 =	vor.u32 v22, v18;
	v22 =	vand.u32 $0x7, v26;
	v21 =	vor.u32 v25, v23  }
0xd2: {  	v16 =	vand.u32 $0x6000, v16;
	v17 =	vand.u32 $0x7F, v2;
	[tilespmem:$0x2A0] =	vst v18;
	v18 =	vor.u32 v22, v21  }
0xd3: {  	s30 =	simm.s32 $0x200;
	v2 =	vshll.u32 v4, $0x6;
	v20 =	vand.u32 $0x7F, v7;
	v33 =	vand.u32 $0x7F, v14;
	[tilespmem:$0x2B0] =	vst v18  }
0xd4: {  	v7 =	vshll.u32 v7, $0x6;
	v40 =	vand.u32 $0x2000, v2;
	v2 =	vshll.u32 v5, $0x6;
	[tilespmem:s25], [sflag:$0x3] =	stream.indirect.gather [hbm4b:s0+s11], $0x80, s30, s11, $0xb8;
	[tilespmem:$0x1A380] =	vst v63  }
0xd5: {  	s26 =	simm.s32 $0x240;
	v41 =	vand.u32 $0x2000, v2;
	v9 =	vand.u32 $0x7F, v4;
	v4 =	vshll.u32 v6, $0x6;
	s30 =	simm.s32 $0xE380  }
0xd6: {  	v2 =	vshll.u32 v3, $0x6;
	v35 =	vand.u32 $0x2000, v7;
	v7 =	vand.u32 $0x2000, v4;
	[tilespmem:s30], [sflag:$0x3] =	stream.indirect.gather [hbm4b:s0+s11], $0x80, s26, s11, $0xb8;
	[tilespmem:$0x1A380] =	vst v63  }
0xd7: {  	v4 =	vshll.u32 v1, $0x6;
	v28 =	vand.u32 $0x7F, v10;
	v29 =	vand.u32 $0x7F, v11;
	s26 =	simm.s32 $0x280;
	s30 =	simm.s32 $0x10380  }
0xd8: {  	v27 =	vand.u32 $0x7F, v19;
	v26 =	vand.u32 $0x7F, v8;
	v23 =	vand.u32 $0x7F, v5;
	[tilespmem:s30], [sflag:$0x3] =	stream.indirect.gather [hbm4b:s0+s11], $0x80, s26, s11, $0xb8;
	[tilespmem:$0x1A380] =	vst v63  }
0xd9: {  	v25 =	vand.u32 $0x7F, v6;
	v6 =	vand.u32 $0x2000, v2;
	v2 =	vshll.u32 v10, $0x6;
	_ =	swait.ge [sflag:s31], $0x2000  }
0xda: {  	v5 =	vshll.u32 v24, $0x6;
	v22 =	vand.u32 $0x7F, v1;
	v1 =	vshll.u32 v11, $0x6;
	[sflag:s31] =	ssyncset.done $0x0  }
0xdb: {  	v21 =	vand.u32 $0x7F, v3;
	v3 =	vshll.u32 v8, $0x6;
	v1 =	vand.u32 $0x6000, v1;
	[sflag:s31] =	ssyncadd.s32 $0xFFFFE000  }
0xdc: {  	v2 =	vand.u32 $0x6000, v2;
	v5 =	vand.u32 $0x6000, v5;
	v1 =	vor.u32 v29, v1;
	_ =	swait.ge [sflag:s31], $0x2000  }
0xdd: {  	v18 =	vand.u32 $0x7F, v24;
	v2 =	vor.u32 v28, v2;
	v8 =	vor.u32 s3, v1;
	[sflag:s31] =	ssyncset.done $0x0  }
0xde: {  	v10 =	vand.u32 $0x2000, v3;
	v3 =	vor.u32 v18, v5;
	v11 =	vor.u32 s3, v2;
	[sflag:s31] =	ssyncadd.s32 $0xFFFFE000  }
0xdf: {  	v5 =	vand.u32 $0x2000, v4;
	v4 =	vor.u32 v26, v10;
	v10 =	vor.u32 s3, v3;
	_ =	swait.ge [sflag:s31], $0x2000  }
0xe0: {  	v18 =	vshll.u32 v19, $0x6;
	v5 =	vor.u32 v22, v5;
	v19 =	vor.u32 s3, v4;
	[sflag:s31] =	ssyncset.done $0x0  }
0xe1: {  	v9 =	vor.u32 v9, v40;
	v6 =	vor.u32 v21, v6;
	v21 =	vor.u32 s3, v5;
	[sflag:s31] =	ssyncadd.s32 $0xFFFFE000  }
0xe2: {  	v40 =	vor.u32 s3, v9;
	v7 =	vor.u32 v25, v7;
	v26 =	vor.u32 s3, v6;
	v29 =	vld.idx.msk [tilespmem:v8+s13+$0x0], $0xffff  }
0xe3: {  	v30 =	vand.u32 $0x7F, v13;
	v28 =	vshll.u32 v13, $0x6;
	v37 =	vor.u32 s3, v7;
	v22 =	vld.idx.msk [tilespmem:v11+s13+$0x0], $0xffff  }
0xe4: {  	v13 =	vshll.u32 v15, $0x6;
	v24 =	vand.u32 $0x6000, v18;
	v8 =	vor.u32 v23, v41;
	v18 =	vld.idx.msk [tilespmem:v10+s13+$0x0], $0xffff  }
0xe5: {  	v11 =	vshll.u32 v14, $0x6;
	v10 =	vor.u32 v20, v35;
	v23 =	vld.idx.msk [tilespmem:v19+s13+$0x0], $0xffff;
	v36 =	vor.u32 s3, v8  }
0xe6: {  	v25 =	vld.idx.msk [tilespmem:v21+s13+$0x0], $0xffff;
	v14 =	vand.u32 $0x6000, v11;
	v11 =	vor.u32 v27, v24;
	v27 =	vor.u32 s3, v10  }
0xe7: {  	v15 =	vand.u32 $0x6000, v13;
	v24 =	vld.idx.msk [tilespmem:v26+s13+$0x0], $0xffff;
	v13 =	vor.u32 v33, v14;
	v41 =	vor.u32 s3, v11  }
0xe8: {  	v19 =	vand.u32 $0x6000, v28;
	v26 =	vld.idx.msk [tilespmem:v37+s13+$0x0], $0xffff;
	v14 =	vor.u32 v32, v15;
	v38 =	vor.u32 s3, v13  }
0xe9: {  	v15 =	vor.u32 v31, v16;
	v16 =	vor.u32 v30, v19;
	v19 =	vld.idx.msk [tilespmem:v40+s13+$0x0], $0xffff;
	v28 =	vor.u32 s3, v14  }
0xea: {  	v21 =	vand.u32 $0x2000, v34;
	v39 =	vor.u32 s3, v15;
	v20 =	vld.idx.msk [tilespmem:v36+s13+$0x0], $0xffff  }
0xeb: {  	v17 =	vor.u32 v17, v21;
	v21 =	vld.idx.msk [tilespmem:v27+s13+$0x0], $0xffff;
	v27 =	vor.u32 s3, v16  }
0xec: {  	v40 =	vor.u32 s3, v17;
	v33 =	vld.idx.msk [tilespmem:v41+s13+$0x0], $0xffff  }
0xed: {  	v32 =	vld.idx.msk [tilespmem:v38+s13+$0x0], $0xffff  }
0xee: {  	s26 =	sand.u32 $0x3800, s3;
	s30 =	sand.u32 $0x380, s3;
	v28 =	vld.idx.msk [tilespmem:v28+s13+$0x0], $0xffff  }
0xef: {  	s26 =	sor.u32 s30, s26;
	v30 =	vld.idx.msk [tilespmem:v39+s13+$0x0], $0xffff  }
0xf0: {  	s24 =	sadd.s32 $0x12380, s26;
	v41 =	vld.idx.msk [tilespmem:v27+s13+$0x0], $0xffff  }
0xf1: {  	v27 =	vld.idx.msk [tilespmem:v40+s13+$0x0], $0xffff;
	[tilespmem:s24+$0x430] =	vst v29  }
0xf2: {  	[tilespmem:s24+$0x400] =	vst v33  }
0xf3: {  	[tilespmem:s24+$0x470] =	vst v32  }
0xf4: {  	[tilespmem:s24+$0x460] =	vst v28  }
0xf5: {  	[tilespmem:s24+$0x450] =	vst v30  }
0xf6: {  	s28 =	simm.s32 $0x80;
	s29 =	simm.s32 $0x0;
	[tilespmem:s24+$0x440] =	vst v41  }
.LBB2_2:
0xf7: {  	p0 =	sne.s32 s28, $0x1F80  }
0xf8: {  	[tilespmem:s24+$0x420] =	vst v22;
	s29 =	sadd.s32 $0x100, s29;
	s30 =	smov.u32 s28;
	s28 =	sadd.s32 $0x80, s28  }
0xf9: {  	[tilespmem:s24+$0x70] =	vst v23  }
0xfa: {  	[tilespmem:s24+$0x60] =	vst v25  }
0xfb: {  	[tilespmem:s24+$0x50] =	vst v24  }
0xfc: {  	[tilespmem:s24+$0x40] =	vst v26  }
0xfd: {  	v22 =	vor.u32 s30, v1;
	[tilespmem:s26+$0x12380] =	vst v27  }
0xfe: {  	v23 =	vor.u32 s30, v2;
	[tilespmem:s24+$0x410] =	vst v18  }
0xff: {  	v18 =	vor.u32 s30, v3;
	[tilespmem:s24+$0x30] =	vst v20  }
0x100: {  	v20 =	vor.u32 s30, v4;
	[tilespmem:s24+$0x10] =	vst v21  }
0x101: {  	v21 =	vor.u32 s30, v5;
	[tilespmem:s24+$0x20] =	vst v19  }
0x102: {  	v19 =	vor.u32 s30, v6;
	v28 =	vld.idx.msk [tilespmem:v22+s13+$0x0], $0xffff  }
0x103: {  	v26 =	vor.u32 s30, v7;
	v22 =	vld.idx.msk [tilespmem:v23+s13+$0x0], $0xffff  }
0x104: {  	v27 =	vor.u32 s30, v8;
	v18 =	vld.idx.msk [tilespmem:v18+s13+$0x0], $0xffff  }
0x105: {  	v29 =	vor.u32 s30, v9;
	v23 =	vld.idx.msk [tilespmem:v20+s13+$0x0], $0xffff  }
0x106: {  	v30 =	vor.u32 s30, v10;
	v25 =	vld.idx.msk [tilespmem:v21+s13+$0x0], $0xffff  }
0x107: {  	v31 =	vor.u32 s30, v11;
	v24 =	vld.idx.msk [tilespmem:v19+s13+$0x0], $0xffff  }
0x108: {  	v32 =	vor.u32 s30, v13;
	v26 =	vld.idx.msk [tilespmem:v26+s13+$0x0], $0xffff  }
0x109: {  	v20 =	vld.idx.msk [tilespmem:v27+s13+$0x0], $0xffff;
	v27 =	vor.u32 s30, v14  }
0x10a: {  	v19 =	vld.idx.msk [tilespmem:v29+s13+$0x0], $0xffff;
	v29 =	vor.u32 s30, v15  }
0x10b: {  	v21 =	vld.idx.msk [tilespmem:v30+s13+$0x0], $0xffff;
	v30 =	vor.u32 s30, v16  }
0x10c: {  	v33 =	vor.u32 s30, v17;
	v31 =	vld.idx.msk [tilespmem:v31+s13+$0x0], $0xffff  }
0x10d: {  	v32 =	vld.idx.msk [tilespmem:v32+s13+$0x0], $0xffff  }
0x10e: {  	v34 =	vld.idx.msk [tilespmem:v27+s13+$0x0], $0xffff  }
0x10f: {  	s26 =	sand.u32 $0x380, s30;
	s24 =	sand.u32 $0x3800, s29;
	v29 =	vld.idx.msk [tilespmem:v29+s13+$0x0], $0xffff  }
0x110: {  	s26 =	sor.u32 s26, s24;
	v30 =	vld.idx.msk [tilespmem:v30+s13+$0x0], $0xffff  }
0x111: {  	s24 =	sadd.s32 $0x12380, s26;
	v27 =	vld.idx.msk [tilespmem:v33+s13+$0x0], $0xffff  }
0x112: {  	[tilespmem:s24+$0x400] =	vst v31  }
.Ltmp0:
0x113: {  	[tilespmem:s24+$0x470] =	vst v32;
	(pc) =	sbr.rel @p0 .LBB2_2-.Ltmp0, $4  }
0x114: {  	[tilespmem:s24+$0x460] =	vst v34  }
0x115: {  	[tilespmem:s24+$0x450] =	vst v29  }
0x116: {  	[tilespmem:s24+$0x440] =	vst v30  }
0x117: {  	[tilespmem:s24+$0x430] =	vst v28  }
0x118: {  	v28 =	vor.u32 $0x600, v12;
	v29 =	vor.u32 $0xFFFC0600, v12  }
0x119: {  	v30 =	vor.u32 $0x680, v12;
	v39 =	vor.u32 $0xFFFC0680, v12;
	v37 =	vor.u32 $0x700, v12  }
0x11a: {  	v33 =	vor.u32 $0xFFFC0700, v12;
	v34 =	vor.u32 $0xFFFC0780, v12;
	v35 =	vor.u32 $0x601, v12  }
0x11b: {  	[tilespmem:s24+$0x40] =	vst v26;
	v26 =	vor.u32 $0x682, v12;
	v28 =	vadd.s32 v28, v0;
	v29 =	vadd.s32 v29, v0  }
0x11c: {  	v38 =	vadd.s32 v30, v0;
	v30 =	vadd.s32 v39, v0;
	v33 =	vadd.s32 v33, v0  }
0x11d: {  	v34 =	vadd.s32 v34, v0;
	v35 =	vadd.s32 v35, v0;
	vm0 =	vgt.s32 v28, $0x3FFFF  }
0x11e: {  	vm5 =	vgt.s32 v38, $0x3FFFF;
	vm8 =	vgt.s32 v35, $0x3FFFF;
	v28 =	vsel vm0, v29, v28  }
0x11f: {  	v29 =	vsel vm5, v30, v38;
	v31 =	vshll.u32 v28, $0x3;
	v32 =	vand.u32 $0xFFFFFFC0, v28  }
0x120: {  	v41 =	vshll.u32 v29, $0x3;
	v28 =	vshrl.u32 v28, $0x3;
	v36 =	vand.u32 $0xFFFFFFC0, v29  }
0x121: {  	v29 =	vshrl.u32 v29, $0x3;
	v31 =	vand.u32 $0x38, v31;
	v28 =	vand.u32 $0x7, v28  }
0x122: {  	v40 =	vor.u32 v32, v31;
	v31 =	vand.u32 $0x38, v41;
	v32 =	vadd.s32 v37, v0  }
0x123: {  	v29 =	vand.u32 $0x7, v29;
	v31 =	vor.u32 v36, v31;
	vm6 =	vgt.s32 v32, $0x3FFFF  }
0x124: {  	v28 =	vor.u32 v28, v40;
	v40 =	vor.u32 $0x780, v12;
	v36 =	vor.u32 $0xFFFC0601, v12  }
0x125: {  	v29 =	vor.u32 v29, v31;
	v38 =	vsel vm6, v33, v32;
	v33 =	vadd.s32 v40, v0  }
0x126: {  	v36 =	vadd.s32 v36, v0;
	v39 =	vand.u32 $0xFFFFFFC0, v38;
	v32 =	vshll.u32 v38, $0x3  }
0x127: {  	v30 =	vshrl.u32 v38, $0x3;
	vm7 =	vgt.s32 v33, $0x3FFFF;
	v38 =	vsel vm8, v36, v35  }
0x128: {  	v36 =	vor.u32 $0x681, v12;
	v32 =	vand.u32 $0x38, v32;
	v30 =	vand.u32 $0x7, v30  }
0x129: {  	v41 =	vsel vm7, v34, v33;
	v40 =	vand.u32 $0xFFFFFFC0, v38;
	v37 =	vadd.s32 v36, v0  }
0x12a: {  	v31 =	vor.u32 v39, v32;
	v33 =	vand.u32 $0xFFFFFFC0, v41;
	v34 =	vshll.u32 v41, $0x3  }
0x12b: {  	v32 =	vshrl.u32 v41, $0x3;
	v39 =	vshll.u32 v38, $0x3;
	vm9 =	vgt.s32 v37, $0x3FFFF  }
0x12c: {  	v34 =	vand.u32 $0x38, v34;
	v32 =	vand.u32 $0x7, v32;
	v30 =	vor.u32 v30, v31  }
0x12d: {  	v33 =	vor.u32 v33, v34;
	v34 =	vshrl.u32 v38, $0x3;
	v38 =	vor.u32 $0xFFFC0681, v12  }
0x12e: {  	v31 =	vor.u32 v32, v33;
	v32 =	vand.u32 $0x38, v39;
	v41 =	vand.u32 $0x7, v34  }
0x12f: {  	v34 =	vadd.s32 v38, v0;
	v39 =	vor.u32 $0x701, v12;
	v32 =	vor.u32 v40, v32  }
0x130: {  	v33 =	vsel vm9, v34, v37;
	v34 =	vadd.s32 v39, v0;
	v40 =	vor.u32 $0xFFFC0701, v12  }
0x131: {  	v38 =	vor.u32 $0x781, v12;
	vm10 =	vgt.s32 v34, $0x3FFFF;
	v35 =	vadd.s32 v40, v0  }
0x132: {  	v32 =	vor.u32 v41, v32;
	v41 =	vshll.u32 v33, $0x3;
	v34 =	vsel vm10, v35, v34  }
0x133: {  	v37 =	vand.u32 $0xFFFFFFC0, v33;
	v36 =	vand.u32 $0x38, v41;
	v40 =	vshll.u32 v34, $0x3  }
0x134: {  	v35 =	vor.u32 v37, v36;
	v41 =	vand.u32 $0xFFFFFFC0, v34;
	v36 =	vand.u32 $0x38, v40  }
0x135: {  	v40 =	vadd.s32 v38, v0;
	v36 =	vor.u32 v41, v36;
	v41 =	vor.u32 $0xFFFC0781, v12  }
0x136: {  	v34 =	vshrl.u32 v34, $0x3;
	vm11 =	vgt.s32 v40, $0x3FFFF;
	v38 =	vadd.s32 v41, v0  }
0x137: {  	[tilespmem:s24+$0x420] =	vst v22;
	v33 =	vshrl.u32 v33, $0x3;
	v34 =	vand.u32 $0x7, v34;
	v22 =	vsel vm11, v38, v40  }
0x138: {  	v33 =	vand.u32 $0x7, v33;
	v40 =	vor.u32 v34, v36;
	v41 =	vshll.u32 v22, $0x3  }
0x139: {  	[tilespmem:s24+$0x60] =	vst v25;
	v25 =	vand.u32 $0xFFFFFFC0, v22;
	v22 =	vshrl.u32 v22, $0x3;
	v34 =	vand.u32 $0x38, v41  }
0x13a: {  	[tilespmem:s24+$0x50] =	vst v24;
	v22 =	vand.u32 $0x7, v22;
	v24 =	vor.u32 v25, v34;
	v25 =	vor.u32 $0x602, v12  }
0x13b: {  	[tilespmem:s24+$0x70] =	vst v23;
	v22 =	vor.u32 v22, v24;
	v24 =	vadd.s32 v25, v0;
	v25 =	vor.u32 $0xFFFC0602, v12  }
0x13c: {  	[tilespmem:s26+$0x12380] =	vst v27;
	v23 =	vor.u32 v33, v35;
	vm12 =	vgt.s32 v24, $0x3FFFF;
	v25 =	vadd.s32 v25, v0  }
0x13d: {  	[tilespmem:s24+$0x410] =	vst v18;
	v18 =	vsel vm12, v25, v24;
	v24 =	vadd.s32 v26, v0;
	v25 =	vor.u32 $0xFFFC0682, v12  }
0x13e: {  	[tilespmem:s24+$0x30] =	vst v20;
	v20 =	vshll.u32 v18, $0x3;
	vm13 =	vgt.s32 v24, $0x3FFFF;
	v25 =	vadd.s32 v25, v0  }
0x13f: {  	[tilespmem:s24+$0x10] =	vst v21;
	v21 =	vand.u32 $0xFFFFFFC0, v18;
	v20 =	vand.u32 $0x38, v20;
	v24 =	vsel vm13, v25, v24  }
0x140: {  	[tilespmem:s24+$0x20] =	vst v19;
	s24 =	simm.s32 $0x0;
	v18 =	vshrl.u32 v18, $0x3;
	v19 =	vor.u32 v21, v20;
	v20 =	vshll.u32 v24, $0x3  }
0x141: {  	[hbm4b:s4+s24] =	stream.linear.scatter [tilespmem:s1], [sflag:$0x4], $0x4000, $0x38;
	v18 =	vand.u32 $0x7, v18;
	v21 =	vand.u32 $0xFFFFFFC0, v24;
	v20 =	vand.u32 $0x38, v20;
	[tilespmem:$0x1A380] =	vst v63  }
0x142: {  	[tilespmem:$0x2C0] =	vst v28;
	v25 =	vor.u32 $0xFFFC0782, v12;
	v18 =	vor.u32 v18, v19;
	v19 =	vor.u32 v21, v20  }
0x143: {  	[tilespmem:$0x2D0] =	vst v29;
	v20 =	vor.u32 $0x702, v12;
	v21 =	vshrl.u32 v24, $0x3;
	v24 =	vor.u32 $0xFFFC0702, v12  }
0x144: {  	[tilespmem:$0x2E0] =	vst v30;
	v20 =	vadd.s32 v20, v0;
	v21 =	vand.u32 $0x7, v21;
	v24 =	vadd.s32 v24, v0  }
0x145: {  	[tilespmem:$0x2F0] =	vst v31;
	vm14 =	vgt.s32 v20, $0x3FFFF;
	v19 =	vor.u32 v21, v19;
	v21 =	vor.u32 $0x782, v12  }
0x146: {  	[tilespmem:$0x300] =	vst v32;
	v20 =	vsel vm14, v24, v20;
	v21 =	vadd.s32 v21, v0;
	v0 =	vadd.s32 v25, v0  }
0x147: {  	[tilespmem:$0x310] =	vst v23;
	v24 =	vand.u32 $0xFFFFFFC0, v20;
	v23 =	vshll.u32 v20, $0x3;
	vm15 =	vgt.s32 v21, $0x3FFFF  }
0x148: {  	[tilespmem:$0x320] =	vst v40;
	v20 =	vshrl.u32 v20, $0x3;
	v23 =	vand.u32 $0x38, v23;
	v0 =	vsel vm15, v0, v21  }
0x149: {  	[tilespmem:$0x330] =	vst v22;
	v20 =	vand.u32 $0x7, v20;
	v21 =	vor.u32 v24, v23;
	v22 =	vshll.u32 v0, $0x3  }
0x14a: {  	[tilespmem:$0x340] =	vst v18;
	v18 =	vand.u32 $0xFFFFFFC0, v0;
	v0 =	vshrl.u32 v0, $0x3;
	v22 =	vand.u32 $0x38, v22  }
0x14b: {  	[tilespmem:$0x350] =	vst v19;
	v19 =	vor.u32 v20, v21;
	v0 =	vand.u32 $0x7, v0;
	v18 =	vor.u32 v18, v22  }
0x14c: {  	[tilespmem:$0x360] =	vst v19;
	v0 =	vor.u32 v0, v18  }
0x14d: {  	[tilespmem:$0x370] =	vst v0  }
0x14e: {  	[tilespmem:s13], [sflag:$0x1] =	stream.indirect.gather [hbm4b:s0+s11], $0x80, s2, s11, $0xb8;
	[tilespmem:$0x1A380] =	vst v63  }
0x14f: {  	_ = 	snop  }
0x150: {  	[tilespmem:s15], [sflag:$0x1] =	stream.indirect.gather [hbm4b:s0+s11], $0x80, s12, s11, $0xb8;
	[tilespmem:$0x1A380] =	vst v63  }
0x151: {  	_ = 	snop  }
0x152: {  	[tilespmem:s17], [sflag:$0x1] =	stream.indirect.gather [hbm4b:s0+s11], $0x80, s14, s11, $0xb8;
	[tilespmem:$0x1A380] =	vst v63  }
0x153: {  	_ =	swait.ge [sflag:s16], $0x2000  }
0x154: {  	[sflag:s16] =	ssyncset.done $0x0  }
0x155: {  	[sflag:s16] =	ssyncadd.s32 $0xFFFFE000  }
0x156: {  	_ =	swait.ge [sflag:s16], $0x2000  }
0x157: {  	v0 =	vor.u32 s24, v1;
	[sflag:s16] =	ssyncset.done $0x0  }
0x158: {  	v18 =	vor.u32 s24, v2;
	[sflag:s16] =	ssyncadd.s32 $0xFFFFE000  }
0x159: {  	v20 =	vor.u32 s24, v3;
	_ =	swait.ge [sflag:s16], $0x2000  }
0x15a: {  	v21 =	vor.u32 s24, v4;
	[sflag:s16] =	ssyncset.done $0x0  }
0x15b: {  	v22 =	vor.u32 s24, v5;
	[sflag:s16] =	ssyncadd.s32 $0xFFFFE000  }
0x15c: {  	v23 =	vor.u32 s24, v6;
	v27 =	vld.idx.msk [tilespmem:v0+s19+$0x0], $0xffff  }
0x15d: {  	v24 =	vor.u32 s24, v7;
	v19 =	vld.idx.msk [tilespmem:v18+s19+$0x0], $0xffff  }
0x15e: {  	v35 =	vor.u32 s24, v10;
	v0 =	vld.idx.msk [tilespmem:v20+s19+$0x0], $0xffff  }
0x15f: {  	v18 =	vor.u32 s24, v8;
	v21 =	vld.idx.msk [tilespmem:v21+s19+$0x0], $0xffff  }
0x160: {  	v26 =	vor.u32 s24, v9;
	v22 =	vld.idx.msk [tilespmem:v22+s19+$0x0], $0xffff  }
0x161: {  	v36 =	vor.u32 s24, v11;
	v23 =	vld.idx.msk [tilespmem:v23+s19+$0x0], $0xffff  }
0x162: {  	v37 =	vor.u32 s24, v13;
	v25 =	vld.idx.msk [tilespmem:v24+s19+$0x0], $0xffff  }
0x163: {  	v38 =	vor.u32 s24, v14;
	v24 =	vld.idx.msk [tilespmem:v35+s19+$0x0], $0xffff  }
0x164: {  	v39 =	vor.u32 s24, v16;
	v20 =	vld.idx.msk [tilespmem:v18+s19+$0x0], $0xffff  }
0x165: {  	v18 =	vld.idx.msk [tilespmem:v26+s19+$0x0], $0xffff;
	v26 =	vor.u32 s24, v15  }
0x166: {  	v40 =	vor.u32 s24, v17;
	v29 =	vld.idx.msk [tilespmem:v36+s19+$0x0], $0xffff  }
0x167: {  	v30 =	vld.idx.msk [tilespmem:v37+s19+$0x0], $0xffff  }
0x168: {  	s26 =	sand.u32 $0x3800, s24;
	s28 =	sand.u32 $0x380, s24;
	v31 =	vld.idx.msk [tilespmem:v38+s19+$0x0], $0xffff  }
0x169: {  	s30 =	sor.u32 s28, s26;
	v28 =	vld.idx.msk [tilespmem:v39+s19+$0x0], $0xffff  }
0x16a: {  	s29 =	sadd.s32 $0x16380, s30;
	v41 =	vld.idx.msk [tilespmem:v26+s19+$0x0], $0xffff  }
0x16b: {  	v26 =	vld.idx.msk [tilespmem:v40+s19+$0x0], $0xffff;
	[tilespmem:s29+$0x400] =	vst v29  }
0x16c: {  	[tilespmem:s29+$0x470] =	vst v30  }
0x16d: {  	[tilespmem:s29+$0x460] =	vst v31  }
0x16e: {  	[tilespmem:s29+$0x440] =	vst v28  }
0x16f: {  	[tilespmem:s29+$0x430] =	vst v27  }
0x170: {  	s26 =	simm.s32 $0x80;
	[tilespmem:s29+$0x450] =	vst v41  }
.LBB2_4:
0x171: {  	p0 =	sne.s32 s26, $0x1F80  }
0x172: {  	[tilespmem:s29+$0x420] =	vst v19;
	s24 =	sadd.s32 $0x100, s24;
	s28 =	smov.u32 s26;
	s26 =	sadd.s32 $0x80, s26  }
0x173: {  	[tilespmem:s29+$0x70] =	vst v21  }
0x174: {  	[tilespmem:s29+$0x60] =	vst v22  }
0x175: {  	[tilespmem:s29+$0x50] =	vst v23  }
0x176: {  	[tilespmem:s29+$0x40] =	vst v25  }
0x177: {  	v19 =	vor.u32 s28, v1;
	[tilespmem:s30+$0x16380] =	vst v26  }
0x178: {  	v21 =	vor.u32 s28, v2;
	[tilespmem:s29+$0x410] =	vst v0  }
0x179: {  	v0 =	vor.u32 s28, v3;
	[tilespmem:s29+$0x30] =	vst v20  }
0x17a: {  	v20 =	vor.u32 s28, v4;
	[tilespmem:s29+$0x10] =	vst v24  }
0x17b: {  	v22 =	vor.u32 s28, v5;
	[tilespmem:s29+$0x20] =	vst v18  }
0x17c: {  	v18 =	vor.u32 s28, v6;
	v27 =	vld.idx.msk [tilespmem:v19+s19+$0x0], $0xffff  }
0x17d: {  	v24 =	vor.u32 s28, v7;
	v19 =	vld.idx.msk [tilespmem:v21+s19+$0x0], $0xffff  }
0x17e: {  	v26 =	vor.u32 s28, v8;
	v0 =	vld.idx.msk [tilespmem:v0+s19+$0x0], $0xffff  }
0x17f: {  	v28 =	vor.u32 s28, v9;
	v21 =	vld.idx.msk [tilespmem:v20+s19+$0x0], $0xffff  }
0x180: {  	v29 =	vor.u32 s28, v10;
	v22 =	vld.idx.msk [tilespmem:v22+s19+$0x0], $0xffff  }
0x181: {  	v30 =	vor.u32 s28, v11;
	v23 =	vld.idx.msk [tilespmem:v18+s19+$0x0], $0xffff  }
0x182: {  	v31 =	vor.u32 s28, v13;
	v25 =	vld.idx.msk [tilespmem:v24+s19+$0x0], $0xffff  }
0x183: {  	v20 =	vld.idx.msk [tilespmem:v26+s19+$0x0], $0xffff;
	v26 =	vor.u32 s28, v14  }
0x184: {  	v18 =	vld.idx.msk [tilespmem:v28+s19+$0x0], $0xffff;
	v28 =	vor.u32 s28, v15  }
0x185: {  	v24 =	vld.idx.msk [tilespmem:v29+s19+$0x0], $0xffff;
	v29 =	vor.u32 s28, v16  }
0x186: {  	v32 =	vor.u32 s28, v17;
	v30 =	vld.idx.msk [tilespmem:v30+s19+$0x0], $0xffff  }
0x187: {  	v31 =	vld.idx.msk [tilespmem:v31+s19+$0x0], $0xffff  }
0x188: {  	v33 =	vld.idx.msk [tilespmem:v26+s19+$0x0], $0xffff  }
0x189: {  	s29 =	sand.u32 $0x3800, s24;
	s28 =	sand.u32 $0x380, s28;
	v28 =	vld.idx.msk [tilespmem:v28+s19+$0x0], $0xffff  }
0x18a: {  	s30 =	sor.u32 s28, s29;
	v29 =	vld.idx.msk [tilespmem:v29+s19+$0x0], $0xffff  }
0x18b: {  	s29 =	sadd.s32 $0x16380, s30;
	v26 =	vld.idx.msk [tilespmem:v32+s19+$0x0], $0xffff  }
0x18c: {  	[tilespmem:s29+$0x400] =	vst v30  }
.Ltmp1:
0x18d: {  	[tilespmem:s29+$0x470] =	vst v31;
	(pc) =	sbr.rel @p0 .LBB2_4-.Ltmp1, $4  }
0x18e: {  	[tilespmem:s29+$0x460] =	vst v33  }
0x18f: {  	[tilespmem:s29+$0x450] =	vst v28  }
0x190: {  	[tilespmem:s29+$0x440] =	vst v29  }
0x191: {  	[tilespmem:s29+$0x430] =	vst v27  }
0x192: {  	[tilespmem:s29+$0x420] =	vst v19  }
0x193: {  	[tilespmem:s29+$0x70] =	vst v21  }
0x194: {  	[tilespmem:s29+$0x60] =	vst v22  }
0x195: {  	[tilespmem:s29+$0x50] =	vst v23  }
0x196: {  	[tilespmem:s29+$0x40] =	vst v25  }
0x197: {  	[tilespmem:s30+$0x16380] =	vst v26  }
0x198: {  	[tilespmem:s29+$0x410] =	vst v0  }
0x199: {  	[tilespmem:s29+$0x30] =	vst v20  }
0x19a: {  	[tilespmem:s29+$0x10] =	vst v24  }
0x19b: {  	s24 =	simm.s32 $0x0;
	[tilespmem:s29+$0x20] =	vst v18  }
0x19c: {  	[hbm4b:s6+s24] =	stream.linear.scatter [tilespmem:s18], [sflag:$0x5], $0x4000, $0x38;
	[tilespmem:$0x1A380] =	vst v63  }
0x19d: {  	_ =	swait.ge [sflag:s20], $0x2000  }
0x19e: {  	[sflag:s20] =	ssyncset.done $0x0  }
0x19f: {  	[sflag:s20] =	ssyncadd.s32 $0xFFFFE000  }
0x1a0: {  	_ =	swait.ge [sflag:s20], $0x2000  }
0x1a1: {  	[sflag:s20] =	ssyncset.done $0x0  }
0x1a2: {  	[sflag:s20] =	ssyncadd.s32 $0xFFFFE000  }
0x1a3: {  	_ =	swait.ge [sflag:s20], $0x2000  }
0x1a4: {  	v0 =	vor.u32 s24, v1;
	[sflag:s20] =	ssyncset.done $0x0  }
0x1a5: {  	v18 =	vor.u32 s24, v2;
	[sflag:s20] =	ssyncadd.s32 $0xFFFFE000  }
0x1a6: {  	v20 =	vor.u32 s24, v3;
	_ =	swait.ge [sflag:s21], $0x4000  }
0x1a7: {  	v21 =	vor.u32 s24, v4;
	[sflag:s21] =	ssyncset.done $0x0  }
0x1a8: {  	v22 =	vor.u32 s24, v5;
	[sflag:s21] =	ssyncadd.s32 $0xFFFFC000  }
0x1a9: {  	v23 =	vor.u32 s24, v6;
	v27 =	vld.idx.msk [tilespmem:v0+s25+$0x0], $0xffff  }
0x1aa: {  	v24 =	vor.u32 s24, v7;
	v19 =	vld.idx.msk [tilespmem:v18+s25+$0x0], $0xffff  }
0x1ab: {  	v28 =	vor.u32 s24, v10;
	v0 =	vld.idx.msk [tilespmem:v20+s25+$0x0], $0xffff  }
0x1ac: {  	v18 =	vor.u32 s24, v8;
	v21 =	vld.idx.msk [tilespmem:v21+s25+$0x0], $0xffff  }
0x1ad: {  	v26 =	vor.u32 s24, v9;
	v22 =	vld.idx.msk [tilespmem:v22+s25+$0x0], $0xffff  }
0x1ae: {  	v29 =	vor.u32 s24, v11;
	v23 =	vld.idx.msk [tilespmem:v23+s25+$0x0], $0xffff  }
0x1af: {  	v30 =	vor.u32 s24, v13;
	v25 =	vld.idx.msk [tilespmem:v24+s25+$0x0], $0xffff  }
0x1b0: {  	v31 =	vor.u32 s24, v14;
	v24 =	vld.idx.msk [tilespmem:v28+s25+$0x0], $0xffff  }
0x1b1: {  	v41 =	vor.u32 s24, v16;
	v20 =	vld.idx.msk [tilespmem:v18+s25+$0x0], $0xffff  }
0x1b2: {  	v18 =	vld.idx.msk [tilespmem:v26+s25+$0x0], $0xffff;
	v26 =	vor.u32 s24, v15  }
0x1b3: {  	v32 =	vor.u32 s24, v17;
	v29 =	vld.idx.msk [tilespmem:v29+s25+$0x0], $0xffff  }
0x1b4: {  	v30 =	vld.idx.msk [tilespmem:v30+s25+$0x0], $0xffff  }
0x1b5: {  	s26 =	sand.u32 $0x3800, s24;
	s28 =	sand.u32 $0x380, s24;
	v31 =	vld.idx.msk [tilespmem:v31+s25+$0x0], $0xffff  }
0x1b6: {  	s30 =	sor.u32 s28, s26;
	v28 =	vld.idx.msk [tilespmem:v41+s25+$0x0], $0xffff  }
0x1b7: {  	s29 =	sadd.s32 $0x12380, s30;
	v33 =	vld.idx.msk [tilespmem:v26+s25+$0x0], $0xffff  }
0x1b8: {  	v26 =	vld.idx.msk [tilespmem:v32+s25+$0x0], $0xffff;
	[tilespmem:s29+$0x400] =	vst v29  }
0x1b9: {  	[tilespmem:s29+$0x470] =	vst v30  }
0x1ba: {  	[tilespmem:s29+$0x460] =	vst v31  }
0x1bb: {  	[tilespmem:s29+$0x440] =	vst v28  }
0x1bc: {  	[tilespmem:s29+$0x430] =	vst v27  }
0x1bd: {  	s26 =	simm.s32 $0x80;
	[tilespmem:s29+$0x450] =	vst v33  }
.LBB2_6:
0x1be: {  	p0 =	sne.s32 s26, $0x1F80  }
0x1bf: {  	[tilespmem:s29+$0x420] =	vst v19;
	s24 =	sadd.s32 $0x100, s24;
	s28 =	smov.u32 s26;
	s26 =	sadd.s32 $0x80, s26  }
0x1c0: {  	[tilespmem:s29+$0x70] =	vst v21  }
0x1c1: {  	[tilespmem:s29+$0x60] =	vst v22  }
0x1c2: {  	[tilespmem:s29+$0x50] =	vst v23  }
0x1c3: {  	[tilespmem:s29+$0x40] =	vst v25  }
0x1c4: {  	v19 =	vor.u32 s28, v1;
	[tilespmem:s30+$0x12380] =	vst v26  }
0x1c5: {  	v21 =	vor.u32 s28, v2;
	[tilespmem:s29+$0x410] =	vst v0  }
0x1c6: {  	v0 =	vor.u32 s28, v3;
	[tilespmem:s29+$0x30] =	vst v20  }
0x1c7: {  	v20 =	vor.u32 s28, v4;
	[tilespmem:s29+$0x10] =	vst v24  }
0x1c8: {  	v22 =	vor.u32 s28, v5;
	[tilespmem:s29+$0x20] =	vst v18  }
0x1c9: {  	v18 =	vor.u32 s28, v6;
	v27 =	vld.idx.msk [tilespmem:v19+s25+$0x0], $0xffff  }
0x1ca: {  	v24 =	vor.u32 s28, v7;
	v19 =	vld.idx.msk [tilespmem:v21+s25+$0x0], $0xffff  }
0x1cb: {  	v26 =	vor.u32 s28, v8;
	v0 =	vld.idx.msk [tilespmem:v0+s25+$0x0], $0xffff  }
0x1cc: {  	v28 =	vor.u32 s28, v9;
	v21 =	vld.idx.msk [tilespmem:v20+s25+$0x0], $0xffff  }
0x1cd: {  	v29 =	vor.u32 s28, v10;
	v22 =	vld.idx.msk [tilespmem:v22+s25+$0x0], $0xffff  }
0x1ce: {  	v30 =	vor.u32 s28, v11;
	v23 =	vld.idx.msk [tilespmem:v18+s25+$0x0], $0xffff  }
0x1cf: {  	v31 =	vor.u32 s28, v13;
	v25 =	vld.idx.msk [tilespmem:v24+s25+$0x0], $0xffff  }
0x1d0: {  	v20 =	vld.idx.msk [tilespmem:v26+s25+$0x0], $0xffff;
	v26 =	vor.u32 s28, v14  }
0x1d1: {  	v18 =	vld.idx.msk [tilespmem:v28+s25+$0x0], $0xffff;
	v28 =	vor.u32 s28, v15  }
0x1d2: {  	v24 =	vld.idx.msk [tilespmem:v29+s25+$0x0], $0xffff;
	v29 =	vor.u32 s28, v16  }
0x1d3: {  	v32 =	vor.u32 s28, v17;
	v30 =	vld.idx.msk [tilespmem:v30+s25+$0x0], $0xffff  }
0x1d4: {  	v31 =	vld.idx.msk [tilespmem:v31+s25+$0x0], $0xffff  }
0x1d5: {  	v33 =	vld.idx.msk [tilespmem:v26+s25+$0x0], $0xffff  }
0x1d6: {  	s29 =	sand.u32 $0x3800, s24;
	s28 =	sand.u32 $0x380, s28;
	v28 =	vld.idx.msk [tilespmem:v28+s25+$0x0], $0xffff  }
0x1d7: {  	s30 =	sor.u32 s28, s29;
	v29 =	vld.idx.msk [tilespmem:v29+s25+$0x0], $0xffff  }
0x1d8: {  	s29 =	sadd.s32 $0x12380, s30;
	v26 =	vld.idx.msk [tilespmem:v32+s25+$0x0], $0xffff  }
0x1d9: {  	[tilespmem:s29+$0x400] =	vst v30  }
.Ltmp2:
0x1da: {  	[tilespmem:s29+$0x470] =	vst v31;
	(pc) =	sbr.rel @p0 .LBB2_6-.Ltmp2, $4  }
0x1db: {  	[tilespmem:s29+$0x460] =	vst v33  }
0x1dc: {  	[tilespmem:s29+$0x450] =	vst v28  }
0x1dd: {  	[tilespmem:s29+$0x440] =	vst v29  }
0x1de: {  	[tilespmem:s29+$0x430] =	vst v27  }
0x1df: {  	[tilespmem:s29+$0x420] =	vst v19  }
0x1e0: {  	[tilespmem:s29+$0x70] =	vst v21  }
0x1e1: {  	[tilespmem:s29+$0x60] =	vst v22  }
0x1e2: {  	[tilespmem:s29+$0x50] =	vst v23  }
0x1e3: {  	[tilespmem:s29+$0x40] =	vst v25  }
0x1e4: {  	[tilespmem:s30+$0x12380] =	vst v26  }
0x1e5: {  	[tilespmem:s29+$0x410] =	vst v0  }
0x1e6: {  	[tilespmem:s29+$0x30] =	vst v20  }
0x1e7: {  	[tilespmem:s29+$0x10] =	vst v24  }
0x1e8: {  	s24 =	simm.s32 $0x0;
	[tilespmem:s29+$0x20] =	vst v18  }
0x1e9: {  	[hbm4b:s7+s24] =	stream.linear.scatter [tilespmem:s1], [sflag:$0x4], $0x4000, $0x38;
	[tilespmem:$0x1A380] =	vst v63  }
0x1ea: {  	_ =	swait.ge [sflag:s31], $0x2000  }
0x1eb: {  	[sflag:s31] =	ssyncset.done $0x0  }
0x1ec: {  	[sflag:s31] =	ssyncadd.s32 $0xFFFFE000  }
0x1ed: {  	_ =	swait.ge [sflag:s31], $0x2000  }
0x1ee: {  	[sflag:s31] =	ssyncset.done $0x0  }
0x1ef: {  	[sflag:s31] =	ssyncadd.s32 $0xFFFFE000  }
0x1f0: {  	_ =	swait.ge [sflag:s31], $0x2000  }
0x1f1: {  	v0 =	vor.u32 s24, v1;
	[sflag:s31] =	ssyncset.done $0x0  }
0x1f2: {  	v18 =	vor.u32 s24, v2;
	[sflag:s31] =	ssyncadd.s32 $0xFFFFE000  }
0x1f3: {  	v20 =	vor.u32 s24, v3;
	_ =	swait.ge [sflag:s22], $0x4000  }
0x1f4: {  	v21 =	vor.u32 s24, v4;
	[sflag:s22] =	ssyncset.done $0x0  }
0x1f5: {  	v22 =	vor.u32 s24, v5;
	[sflag:s22] =	ssyncadd.s32 $0xFFFFC000  }
0x1f6: {  	v23 =	vor.u32 s24, v6;
	v27 =	vld.idx.msk [tilespmem:v0+s13+$0x0], $0xffff  }
0x1f7: {  	v24 =	vor.u32 s24, v7;
	v19 =	vld.idx.msk [tilespmem:v18+s13+$0x0], $0xffff  }
0x1f8: {  	v28 =	vor.u32 s24, v10;
	v0 =	vld.idx.msk [tilespmem:v20+s13+$0x0], $0xffff  }
0x1f9: {  	v18 =	vor.u32 s24, v8;
	v21 =	vld.idx.msk [tilespmem:v21+s13+$0x0], $0xffff  }
0x1fa: {  	v26 =	vor.u32 s24, v9;
	v22 =	vld.idx.msk [tilespmem:v22+s13+$0x0], $0xffff  }
0x1fb: {  	v29 =	vor.u32 s24, v11;
	v23 =	vld.idx.msk [tilespmem:v23+s13+$0x0], $0xffff  }
0x1fc: {  	v30 =	vor.u32 s24, v13;
	v25 =	vld.idx.msk [tilespmem:v24+s13+$0x0], $0xffff  }
0x1fd: {  	v31 =	vor.u32 s24, v14;
	v24 =	vld.idx.msk [tilespmem:v28+s13+$0x0], $0xffff  }
0x1fe: {  	v41 =	vor.u32 s24, v16;
	v20 =	vld.idx.msk [tilespmem:v18+s13+$0x0], $0xffff  }
0x1ff: {  	v18 =	vld.idx.msk [tilespmem:v26+s13+$0x0], $0xffff;
	v26 =	vor.u32 s24, v15  }
0x200: {  	v32 =	vor.u32 s24, v17;
	v29 =	vld.idx.msk [tilespmem:v29+s13+$0x0], $0xffff  }
0x201: {  	v30 =	vld.idx.msk [tilespmem:v30+s13+$0x0], $0xffff  }
0x202: {  	s26 =	sand.u32 $0x3800, s24;
	s28 =	sand.u32 $0x380, s24;
	v31 =	vld.idx.msk [tilespmem:v31+s13+$0x0], $0xffff  }
0x203: {  	s30 =	sor.u32 s28, s26;
	v28 =	vld.idx.msk [tilespmem:v41+s13+$0x0], $0xffff  }
0x204: {  	s29 =	sadd.s32 $0x16380, s30;
	v33 =	vld.idx.msk [tilespmem:v26+s13+$0x0], $0xffff  }
0x205: {  	v26 =	vld.idx.msk [tilespmem:v32+s13+$0x0], $0xffff;
	[tilespmem:s29+$0x400] =	vst v29  }
0x206: {  	[tilespmem:s29+$0x470] =	vst v30  }
0x207: {  	[tilespmem:s29+$0x460] =	vst v31  }
0x208: {  	[tilespmem:s29+$0x440] =	vst v28  }
0x209: {  	[tilespmem:s29+$0x430] =	vst v27  }
0x20a: {  	s26 =	simm.s32 $0x80;
	[tilespmem:s29+$0x450] =	vst v33  }
.LBB2_8:
0x20b: {  	p0 =	sne.s32 s26, $0x1F80  }
0x20c: {  	[tilespmem:s29+$0x420] =	vst v19;
	s24 =	sadd.s32 $0x100, s24;
	s28 =	smov.u32 s26;
	s26 =	sadd.s32 $0x80, s26  }
0x20d: {  	[tilespmem:s29+$0x70] =	vst v21  }
0x20e: {  	[tilespmem:s29+$0x60] =	vst v22  }
0x20f: {  	[tilespmem:s29+$0x50] =	vst v23  }
0x210: {  	[tilespmem:s29+$0x40] =	vst v25  }
0x211: {  	v19 =	vor.u32 s28, v1;
	[tilespmem:s30+$0x16380] =	vst v26  }
0x212: {  	v21 =	vor.u32 s28, v2;
	[tilespmem:s29+$0x410] =	vst v0  }
0x213: {  	v0 =	vor.u32 s28, v3;
	[tilespmem:s29+$0x30] =	vst v20  }
0x214: {  	v20 =	vor.u32 s28, v4;
	[tilespmem:s29+$0x10] =	vst v24  }
0x215: {  	v22 =	vor.u32 s28, v5;
	[tilespmem:s29+$0x20] =	vst v18  }
0x216: {  	v18 =	vor.u32 s28, v6;
	v27 =	vld.idx.msk [tilespmem:v19+s13+$0x0], $0xffff  }
0x217: {  	v24 =	vor.u32 s28, v7;
	v19 =	vld.idx.msk [tilespmem:v21+s13+$0x0], $0xffff  }
0x218: {  	v26 =	vor.u32 s28, v8;
	v0 =	vld.idx.msk [tilespmem:v0+s13+$0x0], $0xffff  }
0x219: {  	v28 =	vor.u32 s28, v9;
	v21 =	vld.idx.msk [tilespmem:v20+s13+$0x0], $0xffff  }
0x21a: {  	v29 =	vor.u32 s28, v10;
	v22 =	vld.idx.msk [tilespmem:v22+s13+$0x0], $0xffff  }
0x21b: {  	v30 =	vor.u32 s28, v11;
	v23 =	vld.idx.msk [tilespmem:v18+s13+$0x0], $0xffff  }
0x21c: {  	v31 =	vor.u32 s28, v13;
	v25 =	vld.idx.msk [tilespmem:v24+s13+$0x0], $0xffff  }
0x21d: {  	v20 =	vld.idx.msk [tilespmem:v26+s13+$0x0], $0xffff;
	v26 =	vor.u32 s28, v14  }
0x21e: {  	v18 =	vld.idx.msk [tilespmem:v28+s13+$0x0], $0xffff;
	v28 =	vor.u32 s28, v15  }
0x21f: {  	v24 =	vld.idx.msk [tilespmem:v29+s13+$0x0], $0xffff;
	v29 =	vor.u32 s28, v16  }
0x220: {  	v32 =	vor.u32 s28, v17;
	v30 =	vld.idx.msk [tilespmem:v30+s13+$0x0], $0xffff  }
0x221: {  	v31 =	vld.idx.msk [tilespmem:v31+s13+$0x0], $0xffff  }
0x222: {  	v33 =	vld.idx.msk [tilespmem:v26+s13+$0x0], $0xffff  }
0x223: {  	s29 =	sand.u32 $0x3800, s24;
	s28 =	sand.u32 $0x380, s28;
	v28 =	vld.idx.msk [tilespmem:v28+s13+$0x0], $0xffff  }
0x224: {  	s30 =	sor.u32 s28, s29;
	v29 =	vld.idx.msk [tilespmem:v29+s13+$0x0], $0xffff  }
0x225: {  	s29 =	sadd.s32 $0x16380, s30;
	v26 =	vld.idx.msk [tilespmem:v32+s13+$0x0], $0xffff  }
0x226: {  	[tilespmem:s29+$0x400] =	vst v30  }
.Ltmp3:
0x227: {  	[tilespmem:s29+$0x470] =	vst v31;
	(pc) =	sbr.rel @p0 .LBB2_8-.Ltmp3, $4  }
0x228: {  	[tilespmem:s29+$0x460] =	vst v33  }
0x229: {  	[tilespmem:s29+$0x450] =	vst v28  }
0x22a: {  	[tilespmem:s29+$0x440] =	vst v29  }
0x22b: {  	[tilespmem:s29+$0x430] =	vst v27  }
0x22c: {  	[tilespmem:s29+$0x420] =	vst v19  }
0x22d: {  	[tilespmem:s29+$0x70] =	vst v21  }
0x22e: {  	[tilespmem:s29+$0x60] =	vst v22  }
0x22f: {  	[tilespmem:s29+$0x50] =	vst v23  }
0x230: {  	[tilespmem:s29+$0x40] =	vst v25  }
0x231: {  	[tilespmem:s30+$0x16380] =	vst v26  }
0x232: {  	[tilespmem:s29+$0x410] =	vst v0  }
0x233: {  	[tilespmem:s29+$0x30] =	vst v20  }
0x234: {  	[tilespmem:s29+$0x10] =	vst v24  }
0x235: {  	s23 =	sadd.s32 $0x1, s23;
	[tilespmem:s29+$0x20] =	vst v18  }
0x236: {  	[hbm4b:s8+s3] =	stream.linear.scatter [tilespmem:s18], [sflag:$0x5], $0x4000, $0x38;
	[tilespmem:$0x1A380] =	vst v63  }
0x237: {  	p0 =	sne.s32 s23, s9;
	_ =	swait.ge [sflag:s21], $0x4000  }
.Ltmp4:
0x238: {  	[sflag:s21] =	ssyncset.done $0x0;
	(pc) =	sbr.rel @p0 .LBB2_1-.Ltmp4, $4  }
0x239: {  	[sflag:s21] =	ssyncadd.s32 $0xFFFFC000  }
0x23a: {  	_ =	swait.ge [sflag:s22], $0x4000  }
0x23b: {  	[sflag:s22] =	ssyncset.done $0x0  }
0x23c: {  	[sflag:s22] =	ssyncadd.s32 $0xFFFFC000  }
0x23d: {  	_ =	sfence.sel $0x180000  }
0x23e: {  	[bflag:$0x0] =	sbarrier.arrive $0xFFFF  }
0x23f: {  	_ =	strace $0x90000047  }
0x240: {  	s0 =	stileid.u32;
	[bflag:$0x2] =	sbarrier.arrive $0xFFFF  }
0x241: {  	p0 =	sne.s32 s0, $0x0;
	s0 =	rddreg [dreg:$0x3]  }
0x242: {  	s0 =	sadd.s32 @!p0 $0x100000, s0  }
0x243: {  	[sflag:s0] =	ssyncadd.tile.s32 @!p0 $0x1;
	_ =	shalt  }
.Lfunc_end2:
_tile_overlayer_lowered:
.L_overlay_start_2:
0x244: {  	(tag) =	ssettag $0x2  }
0x245: {  	s0 =	rddreg [dreg:$0x0];
	s2 =	stileid.u32  }
0x246: {  	s1 =	rddreg [dreg:$0x1];
	p0 =	sne.s32 s2, $0x0  }
0x247: {  	s3 =	rddreg [dreg:$0x2];
	[bflag:$0x3] =	sbarrier.arrive $0xFFFF;
	s2 =	simm.s32 @!p0 $0x1C06  }
0x248: {  	[timem:s3], [sflag:s2] =	dma.local @!p0 [hbm:s0], s1  }
0x249: {  	s0 =	simm.s32 @!p0 $0x6  }
0x24a: {  	_ =	swait.ge @!p0 [sflag:s0], s1  }
0x24b: {  	s1 =	ssub.s32 @!p0 $0x0, s1;
	[sflag:s0] =	ssyncset.done @!p0 $0x0  }
0x24c: {  	[sflag:s0] =	ssyncadd.s32 @!p0 s1  }
0x24d: {  	[bflag:$0x3] =	sbarrier.arrive $0xFFFF  }
0x24e: {  	_ =	shalt  }

</sc_bundles>
